<compile_context>
chip_gen: v7x
topology: tpu7x:2x2x1
jax: 0.10.2.dev20260603
libtpu: 0.0.44.dev20260713+nightly
codegen_flags: <defaults>
</compile_context>

<pallas_src>
import jax
import jax.numpy as jnp
from jax import lax
from jax.experimental import pallas as pl
from jax.experimental.pallas import tpu as pltpu
from jax.experimental.pallas import tpu_sc as plsc

N = 10000
N_PAD = 10112
ROWS_PER_TILE = N_PAD // 16
E = 320000
NT = 32
CHUNK = 128
NROWS = E // CHUNK
NCHUNK = NROWS // NT
NEXTRA = NROWS - NCHUNK * NT
K = 3
NG = NCHUNK // K

_MESH = plsc.VectorSubcoreMesh(core_axis_name="c", subcore_axis_name="s")
_SC_PARAMS = pltpu.CompilerParams(use_tc_tiling_on_sc=False)


def _norm_col(deg_pair, col):
    deg = deg_pair[0] + deg_pair[1]
    nrm = jnp.where(deg > 0, lax.rsqrt(jnp.maximum(deg, 1.0)), 0.0)
    return nrm[:, col:col + 1]


def _load_indices(ei_hbm, idx_s, idx_d, wid):
    pltpu.sync_copy(ei_hbm.at[pl.ds(NCHUNK * wid, NCHUNK), 0],
                    idx_s.at[pl.ds(0, NCHUNK)])
    pltpu.sync_copy(ei_hbm.at[pl.ds(NCHUNK * wid, NCHUNK), 1],
                    idx_d.at[pl.ds(0, NCHUNK)])

    @pl.when(wid < NEXTRA)
    def _():
        pltpu.sync_copy(ei_hbm.at[NCHUNK * NT + wid, 0], idx_s.at[NCHUNK])
        pltpu.sync_copy(ei_hbm.at[NCHUNK * NT + wid, 1], idx_d.at[NCHUNK])



def _deg_body(ei_hbm, ones_hbm, zeros_hbm, out_hbm,
              idx_s, idx_d, ones_v, acc, dsem):
    c = lax.axis_index("c")
    s = lax.axis_index("s")
    wid = c * 16 + s
    r0 = s * ROWS_PER_TILE
    pltpu.sync_copy(zeros_hbm.at[pl.ds(r0, ROWS_PER_TILE)],
                    acc.at[pl.ds(r0, ROWS_PER_TILE)])
    _load_indices(ei_hbm, idx_s, idx_d, wid)
    pltpu.sync_copy(ones_hbm, ones_v)
    plsc.subcore_barrier()

    def body(j, carry):
        slot = lax.rem(j, 4)

        @pl.when(j >= 4)
        def _():
            pltpu.make_async_copy(ones_v.at[0], acc.at[idx_s.at[j - 4]],
                                  dsem.at[slot, 0]).wait()
            pltpu.make_async_copy(ones_v.at[1], acc.at[idx_d.at[j - 4]],
                                  dsem.at[slot, 1]).wait()

        pltpu.async_copy(ones_v.at[0], acc.at[idx_s.at[j]],
                         dsem.at[slot, 0], add=True)
        pltpu.async_copy(ones_v.at[1], acc.at[idx_d.at[j]],
                         dsem.at[slot, 1], add=True)
        return carry

    lax.fori_loop(0, NCHUNK, body, 0)

    def drain(j, carry):
        slot = lax.rem(j, 4)
        pltpu.make_async_copy(ones_v.at[0], acc.at[idx_s.at[j]],
                              dsem.at[slot, 0]).wait()
        pltpu.make_async_copy(ones_v.at[1], acc.at[idx_d.at[j]],
                              dsem.at[slot, 1]).wait()
        return carry

    lax.fori_loop(NCHUNK - 4, NCHUNK, drain, 0)

    @pl.when(wid < NEXTRA)
    def _():
        pltpu.sync_copy(ones_v.at[0], acc.at[idx_s.at[NCHUNK]], add=True)
        pltpu.sync_copy(ones_v.at[1], acc.at[idx_d.at[NCHUNK]], add=True)

    plsc.subcore_barrier()
    pltpu.sync_copy(acc.at[pl.ds(r0, ROWS_PER_TILE)],
                    out_hbm.at[c, pl.ds(r0, ROWS_PER_TILE)])


_deg_kernel = pl.kernel(
    _deg_body,
    out_type=jax.ShapeDtypeStruct((2, N_PAD, 8), jnp.float32),
    mesh=_MESH,
    compiler_params=_SC_PARAMS,
    scratch_types=[
        pltpu.VMEM((NCHUNK + 1, CHUNK), jnp.int32),
        pltpu.VMEM((NCHUNK + 1, CHUNK), jnp.int32),
        pltpu.VMEM((2, CHUNK, 8), jnp.float32),
        pltpu.VMEM_SHARED((N_PAD, 8), jnp.float32),
        pltpu.SemaphoreType.DMA((4, 2)),
    ],
)


def _agg_pass(h_sp, acc, idx_s, idx_d, rows, gsem, ssem, wid):

    def fire_gathers(g, bank):
        for k in range(K):
            pltpu.async_copy(h_sp.at[idx_s.at[g * K + k]],
                             rows.at[bank, k], gsem.at[bank, k])

    def drain_scatters(g, bank):
        for k in range(K):
            pltpu.make_async_copy(rows.at[bank, k],
                                  acc.at[idx_d.at[g * K + k]],
                                  ssem.at[bank, k]).wait()

    fire_gathers(0, 0)

    def body(g, carry):
        bank = lax.rem(g, 3)
        nb = lax.rem(g + 1, 3)

        @pl.when(g < NG - 1)
        def _():
            @pl.when(g >= 2)
            def _():
                drain_scatters(g - 2, nb)

            fire_gathers(g + 1, nb)

        for k in range(K):
            pltpu.make_async_copy(h_sp.at[idx_s.at[g * K + k]],
                                  rows.at[bank, k],
                                  gsem.at[bank, k]).wait()
            pltpu.async_copy(rows.at[bank, k],
                             acc.at[idx_d.at[g * K + k]],
                             ssem.at[bank, k], add=True)
        return carry

    lax.fori_loop(0, NG, body, 0)
    drain_scatters(NG - 2, (NG - 2) % 3)
    drain_scatters(NG - 1, (NG - 1) % 3)

    @pl.when(wid < NEXTRA)
    def _():
        pltpu.sync_copy(h_sp.at[idx_s.at[NCHUNK]], rows.at[0, 0])
        pltpu.sync_copy(rows.at[0, 0], acc.at[idx_d.at[NCHUNK]], add=True)


def _make_agg_body(feat):
    def _agg_body(h_hbm, ei_hbm, zeros_hbm, out_hbm,
                  idx_s, idx_d, rows, h_sp, acc, gsem, ssem):
        c = lax.axis_index("c")
        s = lax.axis_index("s")
        wid = c * 16 + s
        r0 = s * ROWS_PER_TILE
        pltpu.sync_copy(h_hbm.at[pl.ds(r0, ROWS_PER_TILE)],
                        h_sp.at[pl.ds(r0, ROWS_PER_TILE)])
        pltpu.sync_copy(zeros_hbm.at[pl.ds(r0, ROWS_PER_TILE)],
                        acc.at[pl.ds(r0, ROWS_PER_TILE)])
        _load_indices(ei_hbm, idx_s, idx_d, wid)
        plsc.subcore_barrier()
        _agg_pass(h_sp, acc, idx_s, idx_d, rows, gsem, ssem, wid)
        plsc.subcore_barrier()
        pltpu.sync_copy(acc.at[pl.ds(r0, ROWS_PER_TILE)],
                        out_hbm.at[c, pl.ds(r0, ROWS_PER_TILE)])

    return _agg_body


def _l1_body(ha_hbm, hb_hbm, ei_hbm, zeros_hbm, outa_hbm, outb_hbm,
             idx_s, idx_d, rows, h_spa, h_spb, acc, gsem, ssem):
    c = lax.axis_index("c")
    s = lax.axis_index("s")
    wid = c * 16 + s
    r0 = s * ROWS_PER_TILE
    pltpu.sync_copy(ha_hbm.at[pl.ds(r0, ROWS_PER_TILE)],
                    h_spa.at[pl.ds(r0, ROWS_PER_TILE)])
    pltpu.sync_copy(hb_hbm.at[pl.ds(r0, ROWS_PER_TILE)],
                    h_spb.at[pl.ds(r0, ROWS_PER_TILE)])
    pltpu.sync_copy(zeros_hbm.at[pl.ds(r0, ROWS_PER_TILE)],
                    acc.at[pl.ds(r0, ROWS_PER_TILE)])
    _load_indices(ei_hbm, idx_s, idx_d, wid)
    plsc.subcore_barrier()
    _agg_pass(h_spa, acc, idx_s, idx_d, rows, gsem, ssem, wid)
    plsc.subcore_barrier()
    pltpu.sync_copy(acc.at[pl.ds(r0, ROWS_PER_TILE)],
                    outa_hbm.at[c, pl.ds(r0, ROWS_PER_TILE)])
    pltpu.sync_copy(zeros_hbm.at[pl.ds(r0, ROWS_PER_TILE)],
                    acc.at[pl.ds(r0, ROWS_PER_TILE)])
    plsc.subcore_barrier()
    _agg_pass(h_spb, acc, idx_s, idx_d, rows, gsem, ssem, wid)
    plsc.subcore_barrier()
    pltpu.sync_copy(acc.at[pl.ds(r0, ROWS_PER_TILE)],
                    outb_hbm.at[c, pl.ds(r0, ROWS_PER_TILE)])


_l1_kernel = pl.kernel(
    _l1_body,
    out_type=(jax.ShapeDtypeStruct((2, N_PAD, 32), jnp.float32),
              jax.ShapeDtypeStruct((2, N_PAD, 32), jnp.float32)),
    mesh=_MESH,
    compiler_params=_SC_PARAMS,
    scratch_types=[
        pltpu.VMEM((NCHUNK + 1, CHUNK), jnp.int32),
        pltpu.VMEM((NCHUNK + 1, CHUNK), jnp.int32),
        pltpu.VMEM((3, K, CHUNK, 32), jnp.float32),
        pltpu.VMEM_SHARED((N_PAD, 32), jnp.float32),
        pltpu.VMEM_SHARED((N_PAD, 32), jnp.float32),
        pltpu.VMEM_SHARED((N_PAD, 32), jnp.float32),
        pltpu.SemaphoreType.DMA((3, K)),
        pltpu.SemaphoreType.DMA((3, K)),
    ],
)


def _make_agg(feat):
    return pl.kernel(
        _make_agg_body(feat),
        out_type=jax.ShapeDtypeStruct((2, N_PAD, feat), jnp.float32),
        mesh=_MESH,
        compiler_params=_SC_PARAMS,
        scratch_types=[
            pltpu.VMEM((NCHUNK + 1, CHUNK), jnp.int32),
            pltpu.VMEM((NCHUNK + 1, CHUNK), jnp.int32),
            pltpu.VMEM((3, K, CHUNK, feat), jnp.float32),
            pltpu.VMEM_SHARED((N_PAD, feat), jnp.float32),
            pltpu.VMEM_SHARED((N_PAD, feat), jnp.float32),
            pltpu.SemaphoreType.DMA((3, K)),
            pltpu.SemaphoreType.DMA((3, K)),
        ],
    )


_agg32 = _make_agg(32)
_agg16 = _make_agg(16)



_ZPAD = N_PAD - N


def _tc_first_body(x_ref, deg_ref, w_ref, outa_ref, outb_ref):
    norm_s = _norm_col(deg_ref[...], 0)[:N]
    h = jnp.dot(x_ref[...], w_ref[...], preferred_element_type=jnp.float32)
    h = h * norm_s
    zp = jnp.zeros((_ZPAD, 32), jnp.float32)
    outa_ref[...] = jnp.concatenate([h[:, :32], zp], axis=0)
    outb_ref[...] = jnp.concatenate([h[:, 32:], zp], axis=0)


def _tc_mid2_body(pa_ref, pb_ref, deg_ref, b_ref, w_ref, out_ref):
    norm_d = _norm_col(deg_ref[...], 4)
    norm_s = _norm_col(deg_ref[...], 0)
    za = jnp.maximum((pa_ref[0] + pa_ref[1]) * norm_d + b_ref[:, :32], 0.0)
    zb = jnp.maximum((pb_ref[0] + pb_ref[1]) * norm_d + b_ref[:, 32:], 0.0)
    h = (jnp.dot(za, w_ref[:32], preferred_element_type=jnp.float32)
         + jnp.dot(zb, w_ref[32:], preferred_element_type=jnp.float32))
    out_ref[...] = h * norm_s


def _tc_mid_body(p_ref, deg_ref, b_ref, w_ref, out_ref):
    norm_d = _norm_col(deg_ref[...], 4)
    norm_s = _norm_col(deg_ref[...], 0)
    agg = p_ref[0] + p_ref[1]
    z = jnp.maximum(agg * norm_d + b_ref[...], 0.0)
    out_ref[...] = jnp.dot(z, w_ref[...],
                           preferred_element_type=jnp.float32) * norm_s


def _tc_out_body(p_ref, deg_ref, b_ref, out_ref):
    norm_d = _norm_col(deg_ref[...], 4)[:N]
    agg = (p_ref[0] + p_ref[1])[:N]
    z = jnp.maximum(agg * norm_d + b_ref[...], 0.0)
    m = jnp.max(z, axis=1, keepdims=True)
    e = jnp.exp(z - m)
    out_ref[...] = e / jnp.sum(e, axis=1, keepdims=True)


def _tc_first(x, deg, w):
    return pl.pallas_call(
        _tc_first_body,
        out_shape=(jax.ShapeDtypeStruct((N_PAD, 32), jnp.float32),
                   jax.ShapeDtypeStruct((N_PAD, 32), jnp.float32)),
    )(x, deg, w)


_GB = 8
_BR = N_PAD // _GB


def _pspec(feat):
    return pl.BlockSpec((2, _BR, feat), lambda i: (0, i, 0))


def _fullspec(shape):
    nd = len(shape)
    return pl.BlockSpec(shape, lambda i: (0,) * nd)


def _tc_mid2(pa, pb, deg, b, w):
    return pl.pallas_call(
        _tc_mid2_body,
        grid=(_GB,),
        in_specs=[_pspec(32), _pspec(32), _pspec(8),
                  _fullspec(b.shape), _fullspec(w.shape)],
        out_specs=pl.BlockSpec((_BR, w.shape[1]), lambda i: (i, 0)),
        out_shape=jax.ShapeDtypeStruct((N_PAD, w.shape[1]), jnp.float32),
    )(pa, pb, deg, b, w)


def _tc_mid(p, deg, b, w):
    return pl.pallas_call(
        _tc_mid_body,
        grid=(_GB,),
        in_specs=[_pspec(p.shape[2]), _pspec(8),
                  _fullspec(b.shape), _fullspec(w.shape)],
        out_specs=pl.BlockSpec((_BR, w.shape[1]), lambda i: (i, 0)),
        out_shape=jax.ShapeDtypeStruct((N_PAD, w.shape[1]), jnp.float32),
    )(p, deg, b, w)


def _tc_out(p, deg, b):
    return pl.pallas_call(
        _tc_out_body,
        out_shape=jax.ShapeDtypeStruct((N, b.shape[1]), jnp.float32),
    )(p, deg, b)



def kernel(x, edge_index, W1, b1, s1, W2, b2, s2, W3, b3, s3):
    ei = jnp.transpose(edge_index.reshape(2, NROWS, CHUNK), (1, 0, 2))

    eye = jnp.zeros((2, 1, 8), jnp.float32).at[0, 0, 0].set(1.0)
    eye = eye.at[1, 0, 4].set(1.0)
    ones2 = jnp.broadcast_to(eye, (2, CHUNK, 8))
    z8 = jnp.zeros((N_PAD, 8), jnp.float32)
    z16 = jnp.zeros((N_PAD, 16), jnp.float32)
    z32 = jnp.zeros((N_PAD, 32), jnp.float32)

    deg = _deg_kernel(ei, ones2, z8)

    h1a, h1b = _tc_first(x, deg, W1)
    p1a, p1b = _l1_kernel(h1a, h1b, ei, z32)
    h2 = _tc_mid2(p1a, p1b, deg, (b1 + s1).reshape(1, 64), W2)
    p2 = _agg32(h2, ei, z32)
    h3 = _tc_mid(p2, deg, (b2 + s2).reshape(1, 32), W3)
    p3 = _agg16(h3, ei, z16)
    return _tc_out(p3, deg, (b3 + s3).reshape(1, 16))

# --- scband reference (transcript-rebuilt; emitter-appended) ---
"""Pipeline reference for scband-gcn-10316511445242 (READ-ONLY COPY).

The authoritative reference and input builder live on the scoring server;
editing this copy changes nothing except your own understanding.
"""

import jax, jax.numpy as jnp
import numpy as np

N_NODES = 10000
N_EDGES = 320000


def graph_conv(x, W, b, src, dst, n_nodes):
    # DGL GraphConv with norm='both': D_dst^{-1/2} * A^T * (D_src^{-1/2} * x) * W + b
    ones = jnp.ones((src.shape[0],), dtype=x.dtype)
    deg_out = jax.ops.segment_sum(ones, src, num_segments=n_nodes)
    deg_in = jax.ops.segment_sum(ones, dst, num_segments=n_nodes)
    norm_src = jnp.where(deg_out > 0, 1.0 / jnp.sqrt(jnp.maximum(deg_out, 1.0)), 0.0)
    norm_dst = jnp.where(deg_in > 0, 1.0 / jnp.sqrt(jnp.maximum(deg_in, 1.0)), 0.0)
    h = x * norm_src[:, None]
    # in_feats > out_feats so weight is applied before aggregation (DGL mult-W-first path)
    h = h @ W
    msg = jnp.take(h, src, axis=0)
    agg = jax.ops.segment_sum(msg, dst, num_segments=n_nodes)
    agg = agg * norm_dst[:, None]
    return agg + b


def setup_inputs(seed: int = 0) -> dict:
    key = jax.random.key(seed)
    ks = jax.random.split(key, 8)
    x = jax.random.normal(ks[0], (N_NODES, 128), dtype=jnp.float32)
    edge_index = jax.random.randint(ks[1], (2, N_EDGES), 0, N_NODES, dtype=jnp.int32)
    # GraphConv weights/biases for dims 128 -> 64 -> 32 -> 16
    W1 = jax.random.normal(ks[2], (128, 64), dtype=jnp.float32) * 0.05
    b1 = jnp.zeros((64,), dtype=jnp.float32)
    W2 = jax.random.normal(ks[3], (64, 32), dtype=jnp.float32) * 0.05
    b2 = jnp.zeros((32,), dtype=jnp.float32)
    W3 = jax.random.normal(ks[4], (32, 16), dtype=jnp.float32) * 0.05
    b3 = jnp.zeros((16,), dtype=jnp.float32)
    # per-layer scalar biases from the GCN module (nn.Parameter(torch.zeros(1)))
    s1 = jnp.zeros((1,), dtype=jnp.float32)
    s2 = jnp.zeros((1,), dtype=jnp.float32)
    s3 = jnp.zeros((1,), dtype=jnp.float32)
    return {"x": x, "edge_index": edge_index, "W1": W1, "b1": b1, "s1": s1,
            "W2": W2, "b2": b2, "s2": s2, "W3": W3, "b3": b3, "s3": s3}


def reference(x, edge_index, W1, b1, s1, W2, b2, s2, W3, b3, s3):
    src = edge_index[0]
    dst = edge_index[1]
    h = x
    for (W, b, s) in ((W1, b1, s1), (W2, b2, s2), (W3, b3, s3)):
        h = graph_conv(h, W, b, src, dst, N_NODES)
        h = jax.nn.relu(h + s)
    return jax.nn.softmax(h, axis=1)

if __name__ == "__main__":
    import jax
    _d = setup_inputs()
    print(jax.jit(kernel)(*tuple(_d.values())))

</pallas_src>

<mosaic_0001>
#map = affine_map<(d0, d1) -> (0, 0, 0)>
#map1 = affine_map<(d0, d1) -> (0, 0)>
module attributes {stable_mosaic.version = 14 : i64} {
  func.func @_deg_body(%arg0: i32, %arg1: i32, %arg2: memref<2500x2x128xi32, #tpu.memory_space<hbm>>, %arg3: memref<2x128x8xf32, #tpu.memory_space<hbm>>, %arg4: memref<10112x8xf32, #tpu.memory_space<hbm>>, %arg5: memref<2x10112x8xf32, #tpu.memory_space<hbm>>, %arg6: memref<79x128xi32, #tpu.memory_space<vmem>>, %arg7: memref<79x128xi32, #tpu.memory_space<vmem>>, %arg8: memref<2x128x8xf32, #tpu.memory_space<vmem>>, %arg9: memref<10112x8xf32, #tpu.memory_space<vmem_shared>>, %arg10: memref<4x2x!tpu.dma_semaphore, #tpu.memory_space<semaphore_mem>>) attributes {dimension_semantics = [#tpu.dimension_semantics<core_parallel>, #tpu.dimension_semantics<subcore_parallel>], iteration_bounds = array<i64: 2, 16>, scalar_prefetch = 0 : i64, scratch_operands = 5 : i64, tpu.core_type = #tpu.core_type<sc_vector_subcore>, window_params = [{transform_indices = #map}, {transform_indices = #map}, {transform_indices = #map1}, {transform_indices = #map}]} {
    %mul3A = arith.constant 16 : i32
    %mul3A_0 = arith.muli %arg0, %mul3A : i32
    %add3A = arith.addi %mul3A_0, %arg1 : i32
    %mul3A_1 = arith.constant 632 : i32
    %mul3A_2 = arith.muli %arg1, %mul3A_1 : i32
    "tpu.region"() ({
      %run_scoped3A_27 = tpu.sem_alloc : memref<!tpu.dma_semaphore, #tpu.memory_space<semaphore_mem>>
      %dma_start3A = arith.constant 0 : i32
      %dma_start3A_28 = tpu.memref_slice %arg9[%mul3A_2, %dma_start3A] : memref<10112x8xf32, #tpu.memory_space<vmem_shared>> -> memref<632x8xf32, #tpu.memory_space<vmem_shared>>
      %dma_start3A_29 = arith.constant 0 : i32
      %dma_start3A_30 = tpu.memref_slice %arg4[%mul3A_2, %dma_start3A_29] : memref<10112x8xf32, #tpu.memory_space<hbm>> -> memref<632x8xf32, #tpu.memory_space<hbm>>
      tpu.enqueue_dma source(%dma_start3A_30 : memref<632x8xf32, #tpu.memory_space<hbm>>) target(%dma_start3A_28 : memref<632x8xf32, #tpu.memory_space<vmem_shared>>) target_semaphore(%run_scoped3A_27 : memref<!tpu.dma_semaphore, #tpu.memory_space<semaphore_mem>>)
      %dma_wait3A = arith.constant 0 : i32
      %dma_wait3A_31 = tpu.memref_slice %arg9[%mul3A_2, %dma_wait3A] : memref<10112x8xf32, #tpu.memory_space<vmem_shared>> -> memref<632x8xf32, #tpu.memory_space<vmem_shared>>
      %dma_wait3A_32 = arith.constant 0 : i32
      %dma_wait3A_33 = tpu.memref_slice %arg4[%mul3A_2, %dma_wait3A_32] : memref<10112x8xf32, #tpu.memory_space<hbm>> -> memref<632x8xf32, #tpu.memory_space<hbm>>
      tpu.wait_dma2 semaphore(%run_scoped3A_27 : memref<!tpu.dma_semaphore, #tpu.memory_space<semaphore_mem>>) src(%dma_wait3A_33 : memref<632x8xf32, #tpu.memory_space<hbm>>) dst(%dma_wait3A_31 : memref<632x8xf32, #tpu.memory_space<vmem_shared>>)
      tpu.yield
    }) : () -> ()
    %mul3A_3 = arith.constant 78 : i32
    %mul3A_4 = arith.muli %mul3A_3, %add3A : i32
    %run_scoped3A = arith.constant 0 : i32
    "tpu.region"() ({
      %run_scoped3A_27 = tpu.sem_alloc : memref<!tpu.dma_semaphore, #tpu.memory_space<semaphore_mem>>
      %dma_start3A = arith.constant 0 : i32
      %dma_start3A_28 = arith.constant 0 : i32
      %dma_start3A_29 = tpu.memref_slice %arg6[%dma_start3A, %dma_start3A_28] : memref<79x128xi32, #tpu.memory_space<vmem>> -> memref<78x128xi32, #tpu.memory_space<vmem>>
      %dma_start3A_30 = arith.constant 0 : i32
      %dma_start3A_31 = tpu.memref_slice %arg2[%mul3A_4, %run_scoped3A, %dma_start3A_30] : memref<2500x2x128xi32, #tpu.memory_space<hbm>> -> memref<78x1x128xi32, #tpu.memory_space<hbm>>
      %dma_start3A_32 = tpu.memref_squeeze %dma_start3A_31 : memref<78x1x128xi32, #tpu.memory_space<hbm>> -> memref<78x128xi32, #tpu.memory_space<hbm>>
      %dma_start3A_33 = arith.constant 0 : i32
      %dma_start3A_34 = arith.constant 0 : i32
      %dma_start3A_35 = tpu.memref_slice %arg6[%dma_start3A_33, %dma_start3A_34] : memref<79x128xi32, #tpu.memory_space<vmem>> -> memref<78x128xi32, #tpu.memory_space<vmem>>
      %dma_start3A_36 = arith.constant 0 : i32
      %dma_start3A_37 = tpu.memref_slice %arg2[%mul3A_4, %run_scoped3A, %dma_start3A_36] : memref<2500x2x128xi32, #tpu.memory_space<hbm>> -> memref<78x1x128xi32, #tpu.memory_space<hbm>>
      %dma_start3A_38 = tpu.memref_squeeze %dma_start3A_37 : memref<78x1x128xi32, #tpu.memory_space<hbm>> -> memref<78x128xi32, #tpu.memory_space<hbm>>
      tpu.enqueue_dma source(%dma_start3A_38 : memref<78x128xi32, #tpu.memory_space<hbm>>) target(%dma_start3A_35 : memref<78x128xi32, #tpu.memory_space<vmem>>) target_semaphore(%run_scoped3A_27 : memref<!tpu.dma_semaphore, #tpu.memory_space<semaphore_mem>>)
      %dma_wait3A = arith.constant 0 : i32
      %dma_wait3A_39 = arith.constant 0 : i32
      %dma_wait3A_40 = tpu.memref_slice %arg6[%dma_wait3A, %dma_wait3A_39] : memref<79x128xi32, #tpu.memory_space<vmem>> -> memref<78x128xi32, #tpu.memory_space<vmem>>
      %dma_wait3A_41 = arith.constant 0 : i32
      %dma_wait3A_42 = tpu.memref_slice %arg2[%mul3A_4, %run_scoped3A, %dma_wait3A_41] : memref<2500x2x128xi32, #tpu.memory_space<hbm>> -> memref<78x1x128xi32, #tpu.memory_space<hbm>>
      %dma_wait3A_43 = tpu.memref_squeeze %dma_wait3A_42 : memref<78x1x128xi32, #tpu.memory_space<hbm>> -> memref<78x128xi32, #tpu.memory_space<hbm>>
      %dma_wait3A_44 = arith.constant 0 : i32
      %dma_wait3A_45 = arith.constant 0 : i32
      %dma_wait3A_46 = tpu.memref_slice %arg6[%dma_wait3A_44, %dma_wait3A_45] : memref<79x128xi32, #tpu.memory_space<vmem>> -> memref<78x128xi32, #tpu.memory_space<vmem>>
      %dma_wait3A_47 = arith.constant 0 : i32
      %dma_wait3A_48 = tpu.memref_slice %arg2[%mul3A_4, %run_scoped3A, %dma_wait3A_47] : memref<2500x2x128xi32, #tpu.memory_space<hbm>> -> memref<78x1x128xi32, #tpu.memory_space<hbm>>
      %dma_wait3A_49 = tpu.memref_squeeze %dma_wait3A_48 : memref<78x1x128xi32, #tpu.memory_space<hbm>> -> memref<78x128xi32, #tpu.memory_space<hbm>>
      tpu.wait_dma2 semaphore(%run_scoped3A_27 : memref<!tpu.dma_semaphore, #tpu.memory_space<semaphore_mem>>) src(%dma_wait3A_49 : memref<78x128xi32, #tpu.memory_space<hbm>>) dst(%dma_wait3A_46 : memref<78x128xi32, #tpu.memory_space<vmem>>)
      tpu.yield
    }) : () -> ()
    %mul3A_5 = arith.constant 78 : i32
    %mul3A_6 = arith.muli %mul3A_5, %add3A : i32
    %run_scoped3A_7 = arith.constant 1 : i32
    "tpu.region"() ({
      %run_scoped3A_27 = tpu.sem_alloc : memref<!tpu.dma_semaphore, #tpu.memory_space<semaphore_mem>>
      %dma_start3A = arith.constant 0 : i32
      %dma_start3A_28 = arith.constant 0 : i32
      %dma_start3A_29 = tpu.memref_slice %arg7[%dma_start3A, %dma_start3A_28] : memref<79x128xi32, #tpu.memory_space<vmem>> -> memref<78x128xi32, #tpu.memory_space<vmem>>
      %dma_start3A_30 = arith.constant 0 : i32
      %dma_start3A_31 = tpu.memref_slice %arg2[%mul3A_6, %run_scoped3A_7, %dma_start3A_30] : memref<2500x2x128xi32, #tpu.memory_space<hbm>> -> memref<78x1x128xi32, #tpu.memory_space<hbm>>
      %dma_start3A_32 = tpu.memref_squeeze %dma_start3A_31 : memref<78x1x128xi32, #tpu.memory_space<hbm>> -> memref<78x128xi32, #tpu.memory_space<hbm>>
      %dma_start3A_33 = arith.constant 0 : i32
      %dma_start3A_34 = arith.constant 0 : i32
      %dma_start3A_35 = tpu.memref_slice %arg7[%dma_start3A_33, %dma_start3A_34] : memref<79x128xi32, #tpu.memory_space<vmem>> -> memref<78x128xi32, #tpu.memory_space<vmem>>
      %dma_start3A_36 = arith.constant 0 : i32
      %dma_start3A_37 = tpu.memref_slice %arg2[%mul3A_6, %run_scoped3A_7, %dma_start3A_36] : memref<2500x2x128xi32, #tpu.memory_space<hbm>> -> memref<78x1x128xi32, #tpu.memory_space<hbm>>
      %dma_start3A_38 = tpu.memref_squeeze %dma_start3A_37 : memref<78x1x128xi32, #tpu.memory_space<hbm>> -> memref<78x128xi32, #tpu.memory_space<hbm>>
      tpu.enqueue_dma source(%dma_start3A_38 : memref<78x128xi32, #tpu.memory_space<hbm>>) target(%dma_start3A_35 : memref<78x128xi32, #tpu.memory_space<vmem>>) target_semaphore(%run_scoped3A_27 : memref<!tpu.dma_semaphore, #tpu.memory_space<semaphore_mem>>)
      %dma_wait3A = arith.constant 0 : i32
      %dma_wait3A_39 = arith.constant 0 : i32
      %dma_wait3A_40 = tpu.memref_slice %arg7[%dma_wait3A, %dma_wait3A_39] : memref<79x128xi32, #tpu.memory_space<vmem>> -> memref<78x128xi32, #tpu.memory_space<vmem>>
      %dma_wait3A_41 = arith.constant 0 : i32
      %dma_wait3A_42 = tpu.memref_slice %arg2[%mul3A_6, %run_scoped3A_7, %dma_wait3A_41] : memref<2500x2x128xi32, #tpu.memory_space<hbm>> -> memref<78x1x128xi32, #tpu.memory_space<hbm>>
      %dma_wait3A_43 = tpu.memref_squeeze %dma_wait3A_42 : memref<78x1x128xi32, #tpu.memory_space<hbm>> -> memref<78x128xi32, #tpu.memory_space<hbm>>
      %dma_wait3A_44 = arith.constant 0 : i32
      %dma_wait3A_45 = arith.constant 0 : i32
      %dma_wait3A_46 = tpu.memref_slice %arg7[%dma_wait3A_44, %dma_wait3A_45] : memref<79x128xi32, #tpu.memory_space<vmem>> -> memref<78x128xi32, #tpu.memory_space<vmem>>
      %dma_wait3A_47 = arith.constant 0 : i32
      %dma_wait3A_48 = tpu.memref_slice %arg2[%mul3A_6, %run_scoped3A_7, %dma_wait3A_47] : memref<2500x2x128xi32, #tpu.memory_space<hbm>> -> memref<78x1x128xi32, #tpu.memory_space<hbm>>
      %dma_wait3A_49 = tpu.memref_squeeze %dma_wait3A_48 : memref<78x1x128xi32, #tpu.memory_space<hbm>> -> memref<78x128xi32, #tpu.memory_space<hbm>>
      tpu.wait_dma2 semaphore(%run_scoped3A_27 : memref<!tpu.dma_semaphore, #tpu.memory_space<semaphore_mem>>) src(%dma_wait3A_49 : memref<78x128xi32, #tpu.memory_space<hbm>>) dst(%dma_wait3A_46 : memref<78x128xi32, #tpu.memory_space<vmem>>)
      tpu.yield
    }) : () -> ()
    %lt3A = arith.constant 4 : i32
    %lt3A_8 = arith.cmpi slt, %add3A, %lt3A : i32
    %convert_element_type3A = arith.extui %lt3A_8 : i1 to i32
    %cond3A = arith.constant 0 : i32
    %cond3A_9 = arith.cmpi ne, %convert_element_type3A, %cond3A : i32
    scf.if %cond3A_9 {
      %add3A_27 = arith.constant 2496 : i32
      %add3A_28 = arith.addi %add3A_27, %add3A : i32
      %run_scoped3A_29 = arith.constant 0 : i32
      %run_scoped3A_30 = arith.constant 78 : i32
      "tpu.region"() ({
        %run_scoped3A_35 = tpu.sem_alloc : memref<!tpu.dma_semaphore, #tpu.memory_space<semaphore_mem>>
        %dma_start3A = arith.constant 0 : i32
        %dma_start3A_36 = tpu.memref_slice %arg6[%run_scoped3A_30, %dma_start3A] : memref<79x128xi32, #tpu.memory_space<vmem>> -> memref<1x128xi32, #tpu.memory_space<vmem>>
        %dma_start3A_37 = tpu.memref_squeeze %dma_start3A_36 : memref<1x128xi32, #tpu.memory_space<vmem>> -> memref<128xi32, #tpu.memory_space<vmem>>
        %dma_start3A_38 = arith.constant 0 : i32
        %dma_start3A_39 = tpu.memref_slice %arg2[%add3A_28, %run_scoped3A_29, %dma_start3A_38] : memref<2500x2x128xi32, #tpu.memory_space<hbm>> -> memref<1x1x128xi32, #tpu.memory_space<hbm>>
        %dma_start3A_40 = tpu.memref_squeeze %dma_start3A_39 : memref<1x1x128xi32, #tpu.memory_space<hbm>> -> memref<128xi32, #tpu.memory_space<hbm>>
        %dma_start3A_41 = arith.constant 0 : i32
        %dma_start3A_42 = tpu.memref_slice %arg6[%run_scoped3A_30, %dma_start3A_41] : memref<79x128xi32, #tpu.memory_space<vmem>> -> memref<1x128xi32, #tpu.memory_space<vmem>>
        %dma_start3A_43 = tpu.memref_squeeze %dma_start3A_42 : memref<1x128xi32, #tpu.memory_space<vmem>> -> memref<128xi32, #tpu.memory_space<vmem>>
        %dma_start3A_44 = arith.constant 0 : i32
        %dma_start3A_45 = tpu.memref_slice %arg2[%add3A_28, %run_scoped3A_29, %dma_start3A_44] : memref<2500x2x128xi32, #tpu.memory_space<hbm>> -> memref<1x1x128xi32, #tpu.memory_space<hbm>>
        %dma_start3A_46 = tpu.memref_squeeze %dma_start3A_45 : memref<1x1x128xi32, #tpu.memory_space<hbm>> -> memref<128xi32, #tpu.memory_space<hbm>>
        tpu.enqueue_dma source(%dma_start3A_46 : memref<128xi32, #tpu.memory_space<hbm>>) target(%dma_start3A_43 : memref<128xi32, #tpu.memory_space<vmem>>) target_semaphore(%run_scoped3A_35 : memref<!tpu.dma_semaphore, #tpu.memory_space<semaphore_mem>>)
        %dma_wait3A = arith.constant 0 : i32
        %dma_wait3A_47 = tpu.memref_slice %arg6[%run_scoped3A_30, %dma_wait3A] : memref<79x128xi32, #tpu.memory_space<vmem>> -> memref<1x128xi32, #tpu.memory_space<vmem>>
        %dma_wait3A_48 = tpu.memref_squeeze %dma_wait3A_47 : memref<1x128xi32, #tpu.memory_space<vmem>> -> memref<128xi32, #tpu.memory_space<vmem>>
        %dma_wait3A_49 = arith.constant 0 : i32
        %dma_wait3A_50 = tpu.memref_slice %arg2[%add3A_28, %run_scoped3A_29, %dma_wait3A_49] : memref<2500x2x128xi32, #tpu.memory_space<hbm>> -> memref<1x1x128xi32, #tpu.memory_space<hbm>>
        %dma_wait3A_51 = tpu.memref_squeeze %dma_wait3A_50 : memref<1x1x128xi32, #tpu.memory_space<hbm>> -> memref<128xi32, #tpu.memory_space<hbm>>
        %dma_wait3A_52 = arith.constant 0 : i32
        %dma_wait3A_53 = tpu.memref_slice %arg6[%run_scoped3A_30, %dma_wait3A_52] : memref<79x128xi32, #tpu.memory_space<vmem>> -> memref<1x128xi32, #tpu.memory_space<vmem>>
        %dma_wait3A_54 = tpu.memref_squeeze %dma_wait3A_53 : memref<1x128xi32, #tpu.memory_space<vmem>> -> memref<128xi32, #tpu.memory_space<vmem>>
        %dma_wait3A_55 = arith.constant 0 : i32
        %dma_wait3A_56 = tpu.memref_slice %arg2[%add3A_28, %run_scoped3A_29, %dma_wait3A_55] : memref<2500x2x128xi32, #tpu.memory_space<hbm>> -> memref<1x1x128xi32, #tpu.memory_space<hbm>>
        %dma_wait3A_57 = tpu.memref_squeeze %dma_wait3A_56 : memref<1x1x128xi32, #tpu.memory_space<hbm>> -> memref<128xi32, #tpu.memory_space<hbm>>
        tpu.wait_dma2 semaphore(%run_scoped3A_35 : memref<!tpu.dma_semaphore, #tpu.memory_space<semaphore_mem>>) src(%dma_wait3A_57 : memref<128xi32, #tpu.memory_space<hbm>>) dst(%dma_wait3A_54 : memref<128xi32, #tpu.memory_space<vmem>>)
        tpu.yield
      }) : () -> ()
      %add3A_31 = arith.constant 2496 : i32
      %add3A_32 = arith.addi %add3A_31, %add3A : i32
      %run_scoped3A_33 = arith.constant 1 : i32
      %run_scoped3A_34 = arith.constant 78 : i32
      "tpu.region"() ({
        %run_scoped3A_35 = tpu.sem_alloc : memref<!tpu.dma_semaphore, #tpu.memory_space<semaphore_mem>>
        %dma_start3A = arith.constant 0 : i32
        %dma_start3A_36 = tpu.memref_slice %arg7[%run_scoped3A_34, %dma_start3A] : memref<79x128xi32, #tpu.memory_space<vmem>> -> memref<1x128xi32, #tpu.memory_space<vmem>>
        %dma_start3A_37 = tpu.memref_squeeze %dma_start3A_36 : memref<1x128xi32, #tpu.memory_space<vmem>> -> memref<128xi32, #tpu.memory_space<vmem>>
        %dma_start3A_38 = arith.constant 0 : i32
        %dma_start3A_39 = tpu.memref_slice %arg2[%add3A_32, %run_scoped3A_33, %dma_start3A_38] : memref<2500x2x128xi32, #tpu.memory_space<hbm>> -> memref<1x1x128xi32, #tpu.memory_space<hbm>>
        %dma_start3A_40 = tpu.memref_squeeze %dma_start3A_39 : memref<1x1x128xi32, #tpu.memory_space<hbm>> -> memref<128xi32, #tpu.memory_space<hbm>>
        %dma_start3A_41 = arith.constant 0 : i32
        %dma_start3A_42 = tpu.memref_slice %arg7[%run_scoped3A_34, %dma_start3A_41] : memref<79x128xi32, #tpu.memory_space<vmem>> -> memref<1x128xi32, #tpu.memory_space<vmem>>
        %dma_start3A_43 = tpu.memref_squeeze %dma_start3A_42 : memref<1x128xi32, #tpu.memory_space<vmem>> -> memref<128xi32, #tpu.memory_space<vmem>>
        %dma_start3A_44 = arith.constant 0 : i32
        %dma_start3A_45 = tpu.memref_slice %arg2[%add3A_32, %run_scoped3A_33, %dma_start3A_44] : memref<2500x2x128xi32, #tpu.memory_space<hbm>> -> memref<1x1x128xi32, #tpu.memory_space<hbm>>
        %dma_start3A_46 = tpu.memref_squeeze %dma_start3A_45 : memref<1x1x128xi32, #tpu.memory_space<hbm>> -> memref<128xi32, #tpu.memory_space<hbm>>
        tpu.enqueue_dma source(%dma_start3A_46 : memref<128xi32, #tpu.memory_space<hbm>>) target(%dma_start3A_43 : memref<128xi32, #tpu.memory_space<vmem>>) target_semaphore(%run_scoped3A_35 : memref<!tpu.dma_semaphore, #tpu.memory_space<semaphore_mem>>)
        %dma_wait3A = arith.constant 0 : i32
        %dma_wait3A_47 = tpu.memref_slice %arg7[%run_scoped3A_34, %dma_wait3A] : memref<79x128xi32, #tpu.memory_space<vmem>> -> memref<1x128xi32, #tpu.memory_space<vmem>>
        %dma_wait3A_48 = tpu.memref_squeeze %dma_wait3A_47 : memref<1x128xi32, #tpu.memory_space<vmem>> -> memref<128xi32, #tpu.memory_space<vmem>>
        %dma_wait3A_49 = arith.constant 0 : i32
        %dma_wait3A_50 = tpu.memref_slice %arg2[%add3A_32, %run_scoped3A_33, %dma_wait3A_49] : memref<2500x2x128xi32, #tpu.memory_space<hbm>> -> memref<1x1x128xi32, #tpu.memory_space<hbm>>
        %dma_wait3A_51 = tpu.memref_squeeze %dma_wait3A_50 : memref<1x1x128xi32, #tpu.memory_space<hbm>> -> memref<128xi32, #tpu.memory_space<hbm>>
        %dma_wait3A_52 = arith.constant 0 : i32
        %dma_wait3A_53 = tpu.memref_slice %arg7[%run_scoped3A_34, %dma_wait3A_52] : memref<79x128xi32, #tpu.memory_space<vmem>> -> memref<1x128xi32, #tpu.memory_space<vmem>>
        %dma_wait3A_54 = tpu.memref_squeeze %dma_wait3A_53 : memref<1x128xi32, #tpu.memory_space<vmem>> -> memref<128xi32, #tpu.memory_space<vmem>>
        %dma_wait3A_55 = arith.constant 0 : i32
        %dma_wait3A_56 = tpu.memref_slice %arg2[%add3A_32, %run_scoped3A_33, %dma_wait3A_55] : memref<2500x2x128xi32, #tpu.memory_space<hbm>> -> memref<1x1x128xi32, #tpu.memory_space<hbm>>
        %dma_wait3A_57 = tpu.memref_squeeze %dma_wait3A_56 : memref<1x1x128xi32, #tpu.memory_space<hbm>> -> memref<128xi32, #tpu.memory_space<hbm>>
        tpu.wait_dma2 semaphore(%run_scoped3A_35 : memref<!tpu.dma_semaphore, #tpu.memory_space<semaphore_mem>>) src(%dma_wait3A_57 : memref<128xi32, #tpu.memory_space<hbm>>) dst(%dma_wait3A_54 : memref<128xi32, #tpu.memory_space<vmem>>)
        tpu.yield
      }) : () -> ()
    } else {
    }
    "tpu.region"() ({
      %run_scoped3A_27 = tpu.sem_alloc : memref<!tpu.dma_semaphore, #tpu.memory_space<semaphore_mem>>
      tpu.enqueue_dma source(%arg3 : memref<2x128x8xf32, #tpu.memory_space<hbm>>) target(%arg8 : memref<2x128x8xf32, #tpu.memory_space<vmem>>) target_semaphore(%run_scoped3A_27 : memref<!tpu.dma_semaphore, #tpu.memory_space<semaphore_mem>>)
      tpu.wait_dma2 semaphore(%run_scoped3A_27 : memref<!tpu.dma_semaphore, #tpu.memory_space<semaphore_mem>>) src(%arg3 : memref<2x128x8xf32, #tpu.memory_space<hbm>>) dst(%arg8 : memref<2x128x8xf32, #tpu.memory_space<vmem>>)
      tpu.yield
    }) : () -> ()
    %barrier3A = arith.constant 0 : index
    tpu.barrier barrier_id(%barrier3A)
    %scan3A = arith.constant 0 : i32
    %scan3A_10 = arith.constant 0 : i32
    %scan3A_11 = arith.constant 78 : i32
    %scan3A_12 = arith.addi %scan3A_10, %scan3A_11 : i32
    %scan3A_13 = arith.constant 1 : i32
    scf.for %scan3A_27 = %scan3A_10 to %scan3A_12 step %scan3A_13  : i32 {
      %rem3A = arith.constant 4 : i32
      %rem3A_28 = arith.remsi %scan3A_27, %rem3A : i32
      %ge3A = arith.constant 4 : i32
      %ge3A_29 = arith.cmpi sge, %scan3A_27, %ge3A : i32
      %convert_element_type3A_30 = arith.extui %ge3A_29 : i1 to i32
      %cond3A_31 = arith.constant 0 : i32
      %cond3A_32 = arith.cmpi ne, %convert_element_type3A_30, %cond3A_31 : i32
      scf.if %cond3A_32 {
        %sub3A = arith.constant 4 : i32
        %sub3A_60 = arith.subi %scan3A_27, %sub3A : i32
        %dma_wait3A = arith.constant 0 : i32
        %dma_wait3A_61 = arith.constant 0 : i32
        %dma_wait3A_62 = arith.constant 0 : i32
        %dma_wait3A_63 = arith.constant 0 : i32
        %dma_wait3A_64 = tpu.memref_slice %arg8[%dma_wait3A, %dma_wait3A_62, %dma_wait3A_63] : memref<2x128x8xf32, #tpu.memory_space<vmem>> -> memref<1x128x8xf32, #tpu.memory_space<vmem>>
        %dma_wait3A_65 = tpu.memref_squeeze %dma_wait3A_64 : memref<1x128x8xf32, #tpu.memory_space<vmem>> -> memref<128x8xf32, #tpu.memory_space<vmem>>
        %dma_wait3A_66 = arith.constant 0 : i32
        %dma_wait3A_67 = tpu.memref_slice %arg6[%sub3A_60, %dma_wait3A_66] : memref<79x128xi32, #tpu.memory_space<vmem>> -> memref<1x128xi32, #tpu.memory_space<vmem>>
        %dma_wait3A_68 = tpu.memref_squeeze %dma_wait3A_67 : memref<1x128xi32, #tpu.memory_space<vmem>> -> memref<128xi32, #tpu.memory_space<vmem>>
        %dma_wait3A_69 = arith.constant 0 : i32
        %dma_wait3A_70 = arith.constant 0 : i32
        %dma_wait3A_71 = tpu.memref_slice %arg9[%dma_wait3A_69, %dma_wait3A_70] : memref<10112x8xf32, #tpu.memory_space<vmem_shared>> -> memref<10112x8xf32, #tpu.memory_space<vmem_shared>>
        %dma_wait3A_72 = tpu.memref_slice %arg10[%rem3A_28, %dma_wait3A_61] : memref<4x2x!tpu.dma_semaphore, #tpu.memory_space<semaphore_mem>> -> memref<1x1x!tpu.dma_semaphore, #tpu.memory_space<semaphore_mem>>
        %dma_wait3A_73 = tpu.memref_squeeze %dma_wait3A_72 : memref<1x1x!tpu.dma_semaphore, #tpu.memory_space<semaphore_mem>> -> memref<!tpu.dma_semaphore, #tpu.memory_space<semaphore_mem>>
        tpu.wait_indirect_dma semaphore(%dma_wait3A_73 : memref<!tpu.dma_semaphore, #tpu.memory_space<semaphore_mem>>) src(%dma_wait3A_65 : memref<128x8xf32, #tpu.memory_space<vmem>>) dst(%dma_wait3A_71 : memref<10112x8xf32, #tpu.memory_space<vmem_shared>>)
        %sub3A_74 = arith.constant 4 : i32
        %sub3A_75 = arith.subi %scan3A_27, %sub3A_74 : i32
        %dma_wait3A_76 = arith.constant 1 : i32
        %dma_wait3A_77 = arith.constant 1 : i32
        %dma_wait3A_78 = arith.constant 0 : i32
        %dma_wait3A_79 = arith.constant 0 : i32
        %dma_wait3A_80 = tpu.memref_slice %arg8[%dma_wait3A_76, %dma_wait3A_78, %dma_wait3A_79] : memref<2x128x8xf32, #tpu.memory_space<vmem>> -> memref<1x128x8xf32, #tpu.memory_space<vmem>>
        %dma_wait3A_81 = tpu.memref_squeeze %dma_wait3A_80 : memref<1x128x8xf32, #tpu.memory_space<vmem>> -> memref<128x8xf32, #tpu.memory_space<vmem>>
        %dma_wait3A_82 = arith.constant 0 : i32
        %dma_wait3A_83 = tpu.memref_slice %arg7[%sub3A_75, %dma_wait3A_82] : memref<79x128xi32, #tpu.memory_space<vmem>> -> memref<1x128xi32, #tpu.memory_space<vmem>>
        %dma_wait3A_84 = tpu.memref_squeeze %dma_wait3A_83 : memref<1x128xi32, #tpu.memory_space<vmem>> -> memref<128xi32, #tpu.memory_space<vmem>>
        %dma_wait3A_85 = arith.constant 0 : i32
        %dma_wait3A_86 = arith.constant 0 : i32
        %dma_wait3A_87 = tpu.memref_slice %arg9[%dma_wait3A_85, %dma_wait3A_86] : memref<10112x8xf32, #tpu.memory_space<vmem_shared>> -> memref<10112x8xf32, #tpu.memory_space<vmem_shared>>
        %dma_wait3A_88 = tpu.memref_slice %arg10[%rem3A_28, %dma_wait3A_77] : memref<4x2x!tpu.dma_semaphore, #tpu.memory_space<semaphore_mem>> -> memref<1x1x!tpu.dma_semaphore, #tpu.memory_space<semaphore_mem>>
        %dma_wait3A_89 = tpu.memref_squeeze %dma_wait3A_88 : memref<1x1x!tpu.dma_semaphore, #tpu.memory_space<semaphore_mem>> -> memref<!tpu.dma_semaphore, #tpu.memory_space<semaphore_mem>>
        tpu.wait_indirect_dma semaphore(%dma_wait3A_89 : memref<!tpu.dma_semaphore, #tpu.memory_space<semaphore_mem>>) src(%dma_wait3A_81 : memref<128x8xf32, #tpu.memory_space<vmem>>) dst(%dma_wait3A_87 : memref<10112x8xf32, #tpu.memory_space<vmem_shared>>)
      } else {
      }
      %dma_start3A = arith.constant 0 : i32
      %dma_start3A_33 = arith.constant 0 : i32
      %dma_start3A_34 = arith.constant 0 : i32
      %dma_start3A_35 = arith.constant 0 : i32
      %dma_start3A_36 = tpu.memref_slice %arg8[%dma_start3A, %dma_start3A_34, %dma_start3A_35] : memref<2x128x8xf32, #tpu.memory_space<vmem>> -> memref<1x128x8xf32, #tpu.memory_space<vmem>>
      %dma_start3A_37 = tpu.memref_squeeze %dma_start3A_36 : memref<1x128x8xf32, #tpu.memory_space<vmem>> -> memref<128x8xf32, #tpu.memory_space<vmem>>
      %dma_start3A_38 = arith.constant 0 : i32
      %dma_start3A_39 = tpu.memref_slice %arg6[%scan3A_27, %dma_start3A_38] : memref<79x128xi32, #tpu.memory_space<vmem>> -> memref<1x128xi32, #tpu.memory_space<vmem>>
      %dma_start3A_40 = tpu.memref_squeeze %dma_start3A_39 : memref<1x128xi32, #tpu.memory_space<vmem>> -> memref<128xi32, #tpu.memory_space<vmem>>
      %dma_start3A_41 = arith.constant 0 : i32
      %dma_start3A_42 = arith.constant 0 : i32
      %dma_start3A_43 = tpu.memref_slice %arg9[%dma_start3A_41, %dma_start3A_42] : memref<10112x8xf32, #tpu.memory_space<vmem_shared>> -> memref<10112x8xf32, #tpu.memory_space<vmem_shared>>
      %dma_start3A_44 = tpu.memref_slice %arg10[%rem3A_28, %dma_start3A_33] : memref<4x2x!tpu.dma_semaphore, #tpu.memory_space<semaphore_mem>> -> memref<1x1x!tpu.dma_semaphore, #tpu.memory_space<semaphore_mem>>
      %dma_start3A_45 = tpu.memref_squeeze %dma_start3A_44 : memref<1x1x!tpu.dma_semaphore, #tpu.memory_space<semaphore_mem>> -> memref<!tpu.dma_semaphore, #tpu.memory_space<semaphore_mem>>
      tpu.enqueue_indirect_dma source(%dma_start3A_37 : memref<128x8xf32, #tpu.memory_space<vmem>>) target(%dma_start3A_43 : memref<10112x8xf32, #tpu.memory_space<vmem_shared>>) offsets(%dma_start3A_40 : memref<128xi32, #tpu.memory_space<vmem>>) semaphore(%dma_start3A_45 : memref<!tpu.dma_semaphore, #tpu.memory_space<semaphore_mem>>) {add = true}
      %dma_start3A_46 = arith.constant 1 : i32
      %dma_start3A_47 = arith.constant 1 : i32
      %dma_start3A_48 = arith.constant 0 : i32
      %dma_start3A_49 = arith.constant 0 : i32
      %dma_start3A_50 = tpu.memref_slice %arg8[%dma_start3A_46, %dma_start3A_48, %dma_start3A_49] : memref<2x128x8xf32, #tpu.memory_space<vmem>> -> memref<1x128x8xf32, #tpu.memory_space<vmem>>
      %dma_start3A_51 = tpu.memref_squeeze %dma_start3A_50 : memref<1x128x8xf32, #tpu.memory_space<vmem>> -> memref<128x8xf32, #tpu.memory_space<vmem>>
      %dma_start3A_52 = arith.constant 0 : i32
      %dma_start3A_53 = tpu.memref_slice %arg7[%scan3A_27, %dma_start3A_52] : memref<79x128xi32, #tpu.memory_space<vmem>> -> memref<1x128xi32, #tpu.memory_space<vmem>>
      %dma_start3A_54 = tpu.memref_squeeze %dma_start3A_53 : memref<1x128xi32, #tpu.memory_space<vmem>> -> memref<128xi32, #tpu.memory_space<vmem>>
      %dma_start3A_55 = arith.constant 0 : i32
      %dma_start3A_56 = arith.constant 0 : i32
      %dma_start3A_57 = tpu.memref_slice %arg9[%dma_start3A_55, %dma_start3A_56] : memref<10112x8xf32, #tpu.memory_space<vmem_shared>> -> memref<10112x8xf32, #tpu.memory_space<vmem_shared>>
      %dma_start3A_58 = tpu.memref_slice %arg10[%rem3A_28, %dma_start3A_47] : memref<4x2x!tpu.dma_semaphore, #tpu.memory_space<semaphore_mem>> -> memref<1x1x!tpu.dma_semaphore, #tpu.memory_space<semaphore_mem>>
      %dma_start3A_59 = tpu.memref_squeeze %dma_start3A_58 : memref<1x1x!tpu.dma_semaphore, #tpu.memory_space<semaphore_mem>> -> memref<!tpu.dma_semaphore, #tpu.memory_space<semaphore_mem>>
      tpu.enqueue_indirect_dma source(%dma_start3A_51 : memref<128x8xf32, #tpu.memory_space<vmem>>) target(%dma_start3A_57 : memref<10112x8xf32, #tpu.memory_space<vmem_shared>>) offsets(%dma_start3A_54 : memref<128xi32, #tpu.memory_space<vmem>>) semaphore(%dma_start3A_59 : memref<!tpu.dma_semaphore, #tpu.memory_space<semaphore_mem>>) {add = true}
    }
    %scan3A_14 = arith.constant 78 : i32
    %scan3A_15 = arith.constant 0 : i32
    %scan3A_16 = arith.constant 74 : i32
    %scan3A_17 = arith.constant 4 : i32
    %scan3A_18 = arith.addi %scan3A_16, %scan3A_17 : i32
    %scan3A_19 = arith.constant 1 : i32
    scf.for %scan3A_27 = %scan3A_16 to %scan3A_18 step %scan3A_19  : i32 {
      %rem3A = arith.constant 4 : i32
      %rem3A_28 = arith.remsi %scan3A_27, %rem3A : i32
      %dma_wait3A = arith.constant 0 : i32
      %dma_wait3A_29 = arith.constant 0 : i32
      %dma_wait3A_30 = arith.constant 0 : i32
      %dma_wait3A_31 = arith.constant 0 : i32
      %dma_wait3A_32 = tpu.memref_slice %arg8[%dma_wait3A, %dma_wait3A_30, %dma_wait3A_31] : memref<2x128x8xf32, #tpu.memory_space<vmem>> -> memref<1x128x8xf32, #tpu.memory_space<vmem>>
      %dma_wait3A_33 = tpu.memref_squeeze %dma_wait3A_32 : memref<1x128x8xf32, #tpu.memory_space<vmem>> -> memref<128x8xf32, #tpu.memory_space<vmem>>
      %dma_wait3A_34 = arith.constant 0 : i32
      %dma_wait3A_35 = tpu.memref_slice %arg6[%scan3A_27, %dma_wait3A_34] : memref<79x128xi32, #tpu.memory_space<vmem>> -> memref<1x128xi32, #tpu.memory_space<vmem>>
      %dma_wait3A_36 = tpu.memref_squeeze %dma_wait3A_35 : memref<1x128xi32, #tpu.memory_space<vmem>> -> memref<128xi32, #tpu.memory_space<vmem>>
      %dma_wait3A_37 = arith.constant 0 : i32
      %dma_wait3A_38 = arith.constant 0 : i32
      %dma_wait3A_39 = tpu.memref_slice %arg9[%dma_wait3A_37, %dma_wait3A_38] : memref<10112x8xf32, #tpu.memory_space<vmem_shared>> -> memref<10112x8xf32, #tpu.memory_space<vmem_shared>>
      %dma_wait3A_40 = tpu.memref_slice %arg10[%rem3A_28, %dma_wait3A_29] : memref<4x2x!tpu.dma_semaphore, #tpu.memory_space<semaphore_mem>> -> memref<1x1x!tpu.dma_semaphore, #tpu.memory_space<semaphore_mem>>
      %dma_wait3A_41 = tpu.memref_squeeze %dma_wait3A_40 : memref<1x1x!tpu.dma_semaphore, #tpu.memory_space<semaphore_mem>> -> memref<!tpu.dma_semaphore, #tpu.memory_space<semaphore_mem>>
      tpu.wait_indirect_dma semaphore(%dma_wait3A_41 : memref<!tpu.dma_semaphore, #tpu.memory_space<semaphore_mem>>) src(%dma_wait3A_33 : memref<128x8xf32, #tpu.memory_space<vmem>>) dst(%dma_wait3A_39 : memref<10112x8xf32, #tpu.memory_space<vmem_shared>>)
      %dma_wait3A_42 = arith.constant 1 : i32
      %dma_wait3A_43 = arith.constant 1 : i32
      %dma_wait3A_44 = arith.constant 0 : i32
      %dma_wait3A_45 = arith.constant 0 : i32
      %dma_wait3A_46 = tpu.memref_slice %arg8[%dma_wait3A_42, %dma_wait3A_44, %dma_wait3A_45] : memref<2x128x8xf32, #tpu.memory_space<vmem>> -> memref<1x128x8xf32, #tpu.memory_space<vmem>>
      %dma_wait3A_47 = tpu.memref_squeeze %dma_wait3A_46 : memref<1x128x8xf32, #tpu.memory_space<vmem>> -> memref<128x8xf32, #tpu.memory_space<vmem>>
      %dma_wait3A_48 = arith.constant 0 : i32
      %dma_wait3A_49 = tpu.memref_slice %arg7[%scan3A_27, %dma_wait3A_48] : memref<79x128xi32, #tpu.memory_space<vmem>> -> memref<1x128xi32, #tpu.memory_space<vmem>>
      %dma_wait3A_50 = tpu.memref_squeeze %dma_wait3A_49 : memref<1x128xi32, #tpu.memory_space<vmem>> -> memref<128xi32, #tpu.memory_space<vmem>>
      %dma_wait3A_51 = arith.constant 0 : i32
      %dma_wait3A_52 = arith.constant 0 : i32
      %dma_wait3A_53 = tpu.memref_slice %arg9[%dma_wait3A_51, %dma_wait3A_52] : memref<10112x8xf32, #tpu.memory_space<vmem_shared>> -> memref<10112x8xf32, #tpu.memory_space<vmem_shared>>
      %dma_wait3A_54 = tpu.memref_slice %arg10[%rem3A_28, %dma_wait3A_43] : memref<4x2x!tpu.dma_semaphore, #tpu.memory_space<semaphore_mem>> -> memref<1x1x!tpu.dma_semaphore, #tpu.memory_space<semaphore_mem>>
      %dma_wait3A_55 = tpu.memref_squeeze %dma_wait3A_54 : memref<1x1x!tpu.dma_semaphore, #tpu.memory_space<semaphore_mem>> -> memref<!tpu.dma_semaphore, #tpu.memory_space<semaphore_mem>>
      tpu.wait_indirect_dma semaphore(%dma_wait3A_55 : memref<!tpu.dma_semaphore, #tpu.memory_space<semaphore_mem>>) src(%dma_wait3A_47 : memref<128x8xf32, #tpu.memory_space<vmem>>) dst(%dma_wait3A_53 : memref<10112x8xf32, #tpu.memory_space<vmem_shared>>)
    }
    %scan3A_20 = arith.constant 4 : i32
    %lt3A_21 = arith.constant 4 : i32
    %lt3A_22 = arith.cmpi slt, %add3A, %lt3A_21 : i32
    %convert_element_type3A_23 = arith.extui %lt3A_22 : i1 to i32
    %cond3A_24 = arith.constant 0 : i32
    %cond3A_25 = arith.cmpi ne, %convert_element_type3A_23, %cond3A_24 : i32
    scf.if %cond3A_25 {
      %run_scoped3A_27 = arith.constant 0 : i32
      %run_scoped3A_28 = arith.constant 78 : i32
      "tpu.region"() ({
        %run_scoped3A_31 = tpu.sem_alloc : memref<!tpu.dma_semaphore, #tpu.memory_space<semaphore_mem>>
        %dma_start3A = arith.constant 0 : i32
        %dma_start3A_32 = arith.constant 0 : i32
        %dma_start3A_33 = tpu.memref_slice %arg8[%run_scoped3A_27, %dma_start3A, %dma_start3A_32] : memref<2x128x8xf32, #tpu.memory_space<vmem>> -> memref<1x128x8xf32, #tpu.memory_space<vmem>>
        %dma_start3A_34 = tpu.memref_squeeze %dma_start3A_33 : memref<1x128x8xf32, #tpu.memory_space<vmem>> -> memref<128x8xf32, #tpu.memory_space<vmem>>
        %dma_start3A_35 = arith.constant 0 : i32
        %dma_start3A_36 = tpu.memref_slice %arg6[%run_scoped3A_28, %dma_start3A_35] : memref<79x128xi32, #tpu.memory_space<vmem>> -> memref<1x128xi32, #tpu.memory_space<vmem>>
        %dma_start3A_37 = tpu.memref_squeeze %dma_start3A_36 : memref<1x128xi32, #tpu.memory_space<vmem>> -> memref<128xi32, #tpu.memory_space<vmem>>
        %dma_start3A_38 = arith.constant 0 : i32
        %dma_start3A_39 = arith.constant 0 : i32
        %dma_start3A_40 = tpu.memref_slice %arg9[%dma_start3A_38, %dma_start3A_39] : memref<10112x8xf32, #tpu.memory_space<vmem_shared>> -> memref<10112x8xf32, #tpu.memory_space<vmem_shared>>
        tpu.enqueue_indirect_dma source(%dma_start3A_34 : memref<128x8xf32, #tpu.memory_space<vmem>>) target(%dma_start3A_40 : memref<10112x8xf32, #tpu.memory_space<vmem_shared>>) offsets(%dma_start3A_37 : memref<128xi32, #tpu.memory_space<vmem>>) semaphore(%run_scoped3A_31 : memref<!tpu.dma_semaphore, #tpu.memory_space<semaphore_mem>>) {add = true}
        %dma_wait3A = arith.constant 0 : i32
        %dma_wait3A_41 = arith.constant 0 : i32
        %dma_wait3A_42 = tpu.memref_slice %arg8[%run_scoped3A_27, %dma_wait3A, %dma_wait3A_41] : memref<2x128x8xf32, #tpu.memory_space<vmem>> -> memref<1x128x8xf32, #tpu.memory_space<vmem>>
        %dma_wait3A_43 = tpu.memref_squeeze %dma_wait3A_42 : memref<1x128x8xf32, #tpu.memory_space<vmem>> -> memref<128x8xf32, #tpu.memory_space<vmem>>
        %dma_wait3A_44 = arith.constant 0 : i32
        %dma_wait3A_45 = tpu.memref_slice %arg6[%run_scoped3A_28, %dma_wait3A_44] : memref<79x128xi32, #tpu.memory_space<vmem>> -> memref<1x128xi32, #tpu.memory_space<vmem>>
        %dma_wait3A_46 = tpu.memref_squeeze %dma_wait3A_45 : memref<1x128xi32, #tpu.memory_space<vmem>> -> memref<128xi32, #tpu.memory_space<vmem>>
        %dma_wait3A_47 = arith.constant 0 : i32
        %dma_wait3A_48 = arith.constant 0 : i32
        %dma_wait3A_49 = tpu.memref_slice %arg9[%dma_wait3A_47, %dma_wait3A_48] : memref<10112x8xf32, #tpu.memory_space<vmem_shared>> -> memref<10112x8xf32, #tpu.memory_space<vmem_shared>>
        tpu.wait_indirect_dma semaphore(%run_scoped3A_31 : memref<!tpu.dma_semaphore, #tpu.memory_space<semaphore_mem>>) src(%dma_wait3A_43 : memref<128x8xf32, #tpu.memory_space<vmem>>) dst(%dma_wait3A_49 : memref<10112x8xf32, #tpu.memory_space<vmem_shared>>)
        tpu.yield
      }) : () -> ()
      %run_scoped3A_29 = arith.constant 1 : i32
      %run_scoped3A_30 = arith.constant 78 : i32
      "tpu.region"() ({
        %run_scoped3A_31 = tpu.sem_alloc : memref<!tpu.dma_semaphore, #tpu.memory_space<semaphore_mem>>
        %dma_start3A = arith.constant 0 : i32
        %dma_start3A_32 = arith.constant 0 : i32
        %dma_start3A_33 = tpu.memref_slice %arg8[%run_scoped3A_29, %dma_start3A, %dma_start3A_32] : memref<2x128x8xf32, #tpu.memory_space<vmem>> -> memref<1x128x8xf32, #tpu.memory_space<vmem>>
        %dma_start3A_34 = tpu.memref_squeeze %dma_start3A_33 : memref<1x128x8xf32, #tpu.memory_space<vmem>> -> memref<128x8xf32, #tpu.memory_space<vmem>>
        %dma_start3A_35 = arith.constant 0 : i32
        %dma_start3A_36 = tpu.memref_slice %arg7[%run_scoped3A_30, %dma_start3A_35] : memref<79x128xi32, #tpu.memory_space<vmem>> -> memref<1x128xi32, #tpu.memory_space<vmem>>
        %dma_start3A_37 = tpu.memref_squeeze %dma_start3A_36 : memref<1x128xi32, #tpu.memory_space<vmem>> -> memref<128xi32, #tpu.memory_space<vmem>>
        %dma_start3A_38 = arith.constant 0 : i32
        %dma_start3A_39 = arith.constant 0 : i32
        %dma_start3A_40 = tpu.memref_slice %arg9[%dma_start3A_38, %dma_start3A_39] : memref<10112x8xf32, #tpu.memory_space<vmem_shared>> -> memref<10112x8xf32, #tpu.memory_space<vmem_shared>>
        tpu.enqueue_indirect_dma source(%dma_start3A_34 : memref<128x8xf32, #tpu.memory_space<vmem>>) target(%dma_start3A_40 : memref<10112x8xf32, #tpu.memory_space<vmem_shared>>) offsets(%dma_start3A_37 : memref<128xi32, #tpu.memory_space<vmem>>) semaphore(%run_scoped3A_31 : memref<!tpu.dma_semaphore, #tpu.memory_space<semaphore_mem>>) {add = true}
        %dma_wait3A = arith.constant 0 : i32
        %dma_wait3A_41 = arith.constant 0 : i32
        %dma_wait3A_42 = tpu.memref_slice %arg8[%run_scoped3A_29, %dma_wait3A, %dma_wait3A_41] : memref<2x128x8xf32, #tpu.memory_space<vmem>> -> memref<1x128x8xf32, #tpu.memory_space<vmem>>
        %dma_wait3A_43 = tpu.memref_squeeze %dma_wait3A_42 : memref<1x128x8xf32, #tpu.memory_space<vmem>> -> memref<128x8xf32, #tpu.memory_space<vmem>>
        %dma_wait3A_44 = arith.constant 0 : i32
        %dma_wait3A_45 = tpu.memref_slice %arg7[%run_scoped3A_30, %dma_wait3A_44] : memref<79x128xi32, #tpu.memory_space<vmem>> -> memref<1x128xi32, #tpu.memory_space<vmem>>
        %dma_wait3A_46 = tpu.memref_squeeze %dma_wait3A_45 : memref<1x128xi32, #tpu.memory_space<vmem>> -> memref<128xi32, #tpu.memory_space<vmem>>
        %dma_wait3A_47 = arith.constant 0 : i32
        %dma_wait3A_48 = arith.constant 0 : i32
        %dma_wait3A_49 = tpu.memref_slice %arg9[%dma_wait3A_47, %dma_wait3A_48] : memref<10112x8xf32, #tpu.memory_space<vmem_shared>> -> memref<10112x8xf32, #tpu.memory_space<vmem_shared>>
        tpu.wait_indirect_dma semaphore(%run_scoped3A_31 : memref<!tpu.dma_semaphore, #tpu.memory_space<semaphore_mem>>) src(%dma_wait3A_43 : memref<128x8xf32, #tpu.memory_space<vmem>>) dst(%dma_wait3A_49 : memref<10112x8xf32, #tpu.memory_space<vmem_shared>>)
        tpu.yield
      }) : () -> ()
    } else {
    }
    %barrier3A_26 = arith.constant 0 : index
    tpu.barrier barrier_id(%barrier3A_26)
    "tpu.region"() ({
      %run_scoped3A_27 = tpu.sem_alloc : memref<!tpu.dma_semaphore, #tpu.memory_space<semaphore_mem>>
      %dma_start3A = arith.constant 0 : i32
      %dma_start3A_28 = tpu.memref_slice %arg5[%arg0, %mul3A_2, %dma_start3A] : memref<2x10112x8xf32, #tpu.memory_space<hbm>> -> memref<1x632x8xf32, #tpu.memory_space<hbm>>
      %dma_start3A_29 = tpu.memref_squeeze %dma_start3A_28 : memref<1x632x8xf32, #tpu.memory_space<hbm>> -> memref<632x8xf32, #tpu.memory_space<hbm>>
      %dma_start3A_30 = arith.constant 0 : i32
      %dma_start3A_31 = tpu.memref_slice %arg9[%mul3A_2, %dma_start3A_30] : memref<10112x8xf32, #tpu.memory_space<vmem_shared>> -> memref<632x8xf32, #tpu.memory_space<vmem_shared>>
      tpu.enqueue_dma source(%dma_start3A_31 : memref<632x8xf32, #tpu.memory_space<vmem_shared>>) target(%dma_start3A_29 : memref<632x8xf32, #tpu.memory_space<hbm>>) target_semaphore(%run_scoped3A_27 : memref<!tpu.dma_semaphore, #tpu.memory_space<semaphore_mem>>)
      %dma_wait3A = arith.constant 0 : i32
      %dma_wait3A_32 = tpu.memref_slice %arg5[%arg0, %mul3A_2, %dma_wait3A] : memref<2x10112x8xf32, #tpu.memory_space<hbm>> -> memref<1x632x8xf32, #tpu.memory_space<hbm>>
      %dma_wait3A_33 = tpu.memref_squeeze %dma_wait3A_32 : memref<1x632x8xf32, #tpu.memory_space<hbm>> -> memref<632x8xf32, #tpu.memory_space<hbm>>
      %dma_wait3A_34 = arith.constant 0 : i32
      %dma_wait3A_35 = tpu.memref_slice %arg9[%mul3A_2, %dma_wait3A_34] : memref<10112x8xf32, #tpu.memory_space<vmem_shared>> -> memref<632x8xf32, #tpu.memory_space<vmem_shared>>
      tpu.wait_dma2 semaphore(%run_scoped3A_27 : memref<!tpu.dma_semaphore, #tpu.memory_space<semaphore_mem>>) src(%dma_wait3A_35 : memref<632x8xf32, #tpu.memory_space<vmem_shared>>) dst(%dma_wait3A_33 : memref<632x8xf32, #tpu.memory_space<hbm>>)
      tpu.yield
    }) : () -> ()
    return
  }
}

#map = affine_map<(d0, d1) -> (0, 0)>
#map1 = affine_map<(d0, d1) -> (0, 0, 0)>
module attributes {stable_mosaic.version = 14 : i64} {
  func.func @_agg_body(%arg0: i32, %arg1: i32, %arg2: memref<10112x32xf32, #tpu.memory_space<hbm>>, %arg3: memref<2500x2x128xi32, #tpu.memory_space<hbm>>, %arg4: memref<10112x32xf32, #tpu.memory_space<hbm>>, %arg5: memref<2x10112x32xf32, #tpu.memory_space<hbm>>, %arg6: memref<79x128xi32, #tpu.memory_space<vmem>>, %arg7: memref<79x128xi32, #tpu.memory_space<vmem>>, %arg8: memref<3x3x128x32xf32, #tpu.memory_space<vmem>>, %arg9: memref<10112x32xf32, #tpu.memory_space<vmem_shared>>, %arg10: memref<10112x32xf32, #tpu.memory_space<vmem_shared>>, %arg11: memref<3x3x!tpu.dma_semaphore, #tpu.memory_space<semaphore_mem>>, %arg12: memref<3x3x!tpu.dma_semaphore, #tpu.memory_space<semaphore_mem>>) attributes {dimension_semantics = [#tpu.dimension_semantics<core_parallel>, #tpu.dimension_semantics<subcore_parallel>], iteration_bounds = array<i64: 2, 16>, scalar_prefetch = 0 : i64, scratch_operands = 7 : i64, tpu.core_type = #tpu.core_type<sc_vector_subcore>, window_params = [{transform_indices = #map}, {transform_indices = #map1}, {transform_indices = #map}, {transform_indices = #map1}]} {
    %mul3A = arith.constant 16 : i32
    %mul3A_0 = arith.muli %arg0, %mul3A : i32
    %add3A = arith.addi %mul3A_0, %arg1 : i32
    %mul3A_1 = arith.constant 632 : i32
    %mul3A_2 = arith.muli %arg1, %mul3A_1 : i32
    "tpu.region"() ({
      %run_scoped3A_172 = tpu.sem_alloc : memref<!tpu.dma_semaphore, #tpu.memory_space<semaphore_mem>>
      %dma_start3A_173 = arith.constant 0 : i32
      %dma_start3A_174 = tpu.memref_slice %arg9[%mul3A_2, %dma_start3A_173] : memref<10112x32xf32, #tpu.memory_space<vmem_shared>> -> memref<632x32xf32, #tpu.memory_space<vmem_shared>>
      %dma_start3A_175 = arith.constant 0 : i32
      %dma_start3A_176 = tpu.memref_slice %arg2[%mul3A_2, %dma_start3A_175] : memref<10112x32xf32, #tpu.memory_space<hbm>> -> memref<632x32xf32, #tpu.memory_space<hbm>>
      tpu.enqueue_dma source(%dma_start3A_176 : memref<632x32xf32, #tpu.memory_space<hbm>>) target(%dma_start3A_174 : memref<632x32xf32, #tpu.memory_space<vmem_shared>>) target_semaphore(%run_scoped3A_172 : memref<!tpu.dma_semaphore, #tpu.memory_space<semaphore_mem>>)
      %dma_wait3A_177 = arith.constant 0 : i32
      %dma_wait3A_178 = tpu.memref_slice %arg9[%mul3A_2, %dma_wait3A_177] : memref<10112x32xf32, #tpu.memory_space<vmem_shared>> -> memref<632x32xf32, #tpu.memory_space<vmem_shared>>
      %dma_wait3A_179 = arith.constant 0 : i32
      %dma_wait3A_180 = tpu.memref_slice %arg2[%mul3A_2, %dma_wait3A_179] : memref<10112x32xf32, #tpu.memory_space<hbm>> -> memref<632x32xf32, #tpu.memory_space<hbm>>
      tpu.wait_dma2 semaphore(%run_scoped3A_172 : memref<!tpu.dma_semaphore, #tpu.memory_space<semaphore_mem>>) src(%dma_wait3A_180 : memref<632x32xf32, #tpu.memory_space<hbm>>) dst(%dma_wait3A_178 : memref<632x32xf32, #tpu.memory_space<vmem_shared>>)
      tpu.yield
    }) : () -> ()
    "tpu.region"() ({
      %run_scoped3A_172 = tpu.sem_alloc : memref<!tpu.dma_semaphore, #tpu.memory_space<semaphore_mem>>
      %dma_start3A_173 = arith.constant 0 : i32
      %dma_start3A_174 = tpu.memref_slice %arg10[%mul3A_2, %dma_start3A_173] : memref<10112x32xf32, #tpu.memory_space<vmem_shared>> -> memref<632x32xf32, #tpu.memory_space<vmem_shared>>
      %dma_start3A_175 = arith.constant 0 : i32
      %dma_start3A_176 = tpu.memref_slice %arg4[%mul3A_2, %dma_start3A_175] : memref<10112x32xf32, #tpu.memory_space<hbm>> -> memref<632x32xf32, #tpu.memory_space<hbm>>
      tpu.enqueue_dma source(%dma_start3A_176 : memref<632x32xf32, #tpu.memory_space<hbm>>) target(%dma_start3A_174 : memref<632x32xf32, #tpu.memory_space<vmem_shared>>) target_semaphore(%run_scoped3A_172 : memref<!tpu.dma_semaphore, #tpu.memory_space<semaphore_mem>>)
      %dma_wait3A_177 = arith.constant 0 : i32
      %dma_wait3A_178 = tpu.memref_slice %arg10[%mul3A_2, %dma_wait3A_177] : memref<10112x32xf32, #tpu.memory_space<vmem_shared>> -> memref<632x32xf32, #tpu.memory_space<vmem_shared>>
      %dma_wait3A_179 = arith.constant 0 : i32
      %dma_wait3A_180 = tpu.memref_slice %arg4[%mul3A_2, %dma_wait3A_179] : memref<10112x32xf32, #tpu.memory_space<hbm>> -> memref<632x32xf32, #tpu.memory_space<hbm>>
      tpu.wait_dma2 semaphore(%run_scoped3A_172 : memref<!tpu.dma_semaphore, #tpu.memory_space<semaphore_mem>>) src(%dma_wait3A_180 : memref<632x32xf32, #tpu.memory_space<hbm>>) dst(%dma_wait3A_178 : memref<632x32xf32, #tpu.memory_space<vmem_shared>>)
      tpu.yield
    }) : () -> ()
    %mul3A_3 = arith.constant 78 : i32
    %mul3A_4 = arith.muli %mul3A_3, %add3A : i32
    %run_scoped3A = arith.constant 0 : i32
    "tpu.region"() ({
      %run_scoped3A_172 = tpu.sem_alloc : memref<!tpu.dma_semaphore, #tpu.memory_space<semaphore_mem>>
      %dma_start3A_173 = arith.constant 0 : i32
      %dma_start3A_174 = arith.constant 0 : i32
      %dma_start3A_175 = tpu.memref_slice %arg6[%dma_start3A_173, %dma_start3A_174] : memref<79x128xi32, #tpu.memory_space<vmem>> -> memref<78x128xi32, #tpu.memory_space<vmem>>
      %dma_start3A_176 = arith.constant 0 : i32
      %dma_start3A_177 = tpu.memref_slice %arg3[%mul3A_4, %run_scoped3A, %dma_start3A_176] : memref<2500x2x128xi32, #tpu.memory_space<hbm>> -> memref<78x1x128xi32, #tpu.memory_space<hbm>>
      %dma_start3A_178 = tpu.memref_squeeze %dma_start3A_177 : memref<78x1x128xi32, #tpu.memory_space<hbm>> -> memref<78x128xi32, #tpu.memory_space<hbm>>
      %dma_start3A_179 = arith.constant 0 : i32
      %dma_start3A_180 = arith.constant 0 : i32
      %dma_start3A_181 = tpu.memref_slice %arg6[%dma_start3A_179, %dma_start3A_180] : memref<79x128xi32, #tpu.memory_space<vmem>> -> memref<78x128xi32, #tpu.memory_space<vmem>>
      %dma_start3A_182 = arith.constant 0 : i32
      %dma_start3A_183 = tpu.memref_slice %arg3[%mul3A_4, %run_scoped3A, %dma_start3A_182] : memref<2500x2x128xi32, #tpu.memory_space<hbm>> -> memref<78x1x128xi32, #tpu.memory_space<hbm>>
      %dma_start3A_184 = tpu.memref_squeeze %dma_start3A_183 : memref<78x1x128xi32, #tpu.memory_space<hbm>> -> memref<78x128xi32, #tpu.memory_space<hbm>>
      tpu.enqueue_dma source(%dma_start3A_184 : memref<78x128xi32, #tpu.memory_space<hbm>>) target(%dma_start3A_181 : memref<78x128xi32, #tpu.memory_space<vmem>>) target_semaphore(%run_scoped3A_172 : memref<!tpu.dma_semaphore, #tpu.memory_space<semaphore_mem>>)
      %dma_wait3A_185 = arith.constant 0 : i32
      %dma_wait3A_186 = arith.constant 0 : i32
      %dma_wait3A_187 = tpu.memref_slice %arg6[%dma_wait3A_185, %dma_wait3A_186] : memref<79x128xi32, #tpu.memory_space<vmem>> -> memref<78x128xi32, #tpu.memory_space<vmem>>
      %dma_wait3A_188 = arith.constant 0 : i32
      %dma_wait3A_189 = tpu.memref_slice %arg3[%mul3A_4, %run_scoped3A, %dma_wait3A_188] : memref<2500x2x128xi32, #tpu.memory_space<hbm>> -> memref<78x1x128xi32, #tpu.memory_space<hbm>>
      %dma_wait3A_190 = tpu.memref_squeeze %dma_wait3A_189 : memref<78x1x128xi32, #tpu.memory_space<hbm>> -> memref<78x128xi32, #tpu.memory_space<hbm>>
      %dma_wait3A_191 = arith.constant 0 : i32
      %dma_wait3A_192 = arith.constant 0 : i32
      %dma_wait3A_193 = tpu.memref_slice %arg6[%dma_wait3A_191, %dma_wait3A_192] : memref<79x128xi32, #tpu.memory_space<vmem>> -> memref<78x128xi32, #tpu.memory_space<vmem>>
      %dma_wait3A_194 = arith.constant 0 : i32
      %dma_wait3A_195 = tpu.memref_slice %arg3[%mul3A_4, %run_scoped3A, %dma_wait3A_194] : memref<2500x2x128xi32, #tpu.memory_space<hbm>> -> memref<78x1x128xi32, #tpu.memory_space<hbm>>
      %dma_wait3A_196 = tpu.memref_squeeze %dma_wait3A_195 : memref<78x1x128xi32, #tpu.memory_space<hbm>> -> memref<78x128xi32, #tpu.memory_space<hbm>>
      tpu.wait_dma2 semaphore(%run_scoped3A_172 : memref<!tpu.dma_semaphore, #tpu.memory_space<semaphore_mem>>) src(%dma_wait3A_196 : memref<78x128xi32, #tpu.memory_space<hbm>>) dst(%dma_wait3A_193 : memref<78x128xi32, #tpu.memory_space<vmem>>)
      tpu.yield
    }) : () -> ()
    %mul3A_5 = arith.constant 78 : i32
    %mul3A_6 = arith.muli %mul3A_5, %add3A : i32
    %run_scoped3A_7 = arith.constant 1 : i32
    "tpu.region"() ({
      %run_scoped3A_172 = tpu.sem_alloc : memref<!tpu.dma_semaphore, #tpu.memory_space<semaphore_mem>>
      %dma_start3A_173 = arith.constant 0 : i32
      %dma_start3A_174 = arith.constant 0 : i32
      %dma_start3A_175 = tpu.memref_slice %arg7[%dma_start3A_173, %dma_start3A_174] : memref<79x128xi32, #tpu.memory_space<vmem>> -> memref<78x128xi32, #tpu.memory_space<vmem>>
      %dma_start3A_176 = arith.constant 0 : i32
      %dma_start3A_177 = tpu.memref_slice %arg3[%mul3A_6, %run_scoped3A_7, %dma_start3A_176] : memref<2500x2x128xi32, #tpu.memory_space<hbm>> -> memref<78x1x128xi32, #tpu.memory_space<hbm>>
      %dma_start3A_178 = tpu.memref_squeeze %dma_start3A_177 : memref<78x1x128xi32, #tpu.memory_space<hbm>> -> memref<78x128xi32, #tpu.memory_space<hbm>>
      %dma_start3A_179 = arith.constant 0 : i32
      %dma_start3A_180 = arith.constant 0 : i32
      %dma_start3A_181 = tpu.memref_slice %arg7[%dma_start3A_179, %dma_start3A_180] : memref<79x128xi32, #tpu.memory_space<vmem>> -> memref<78x128xi32, #tpu.memory_space<vmem>>
      %dma_start3A_182 = arith.constant 0 : i32
      %dma_start3A_183 = tpu.memref_slice %arg3[%mul3A_6, %run_scoped3A_7, %dma_start3A_182] : memref<2500x2x128xi32, #tpu.memory_space<hbm>> -> memref<78x1x128xi32, #tpu.memory_space<hbm>>
      %dma_start3A_184 = tpu.memref_squeeze %dma_start3A_183 : memref<78x1x128xi32, #tpu.memory_space<hbm>> -> memref<78x128xi32, #tpu.memory_space<hbm>>
      tpu.enqueue_dma source(%dma_start3A_184 : memref<78x128xi32, #tpu.memory_space<hbm>>) target(%dma_start3A_181 : memref<78x128xi32, #tpu.memory_space<vmem>>) target_semaphore(%run_scoped3A_172 : memref<!tpu.dma_semaphore, #tpu.memory_space<semaphore_mem>>)
      %dma_wait3A_185 = arith.constant 0 : i32
      %dma_wait3A_186 = arith.constant 0 : i32
      %dma_wait3A_187 = tpu.memref_slice %arg7[%dma_wait3A_185, %dma_wait3A_186] : memref<79x128xi32, #tpu.memory_space<vmem>> -> memref<78x128xi32, #tpu.memory_space<vmem>>
      %dma_wait3A_188 = arith.constant 0 : i32
      %dma_wait3A_189 = tpu.memref_slice %arg3[%mul3A_6, %run_scoped3A_7, %dma_wait3A_188] : memref<2500x2x128xi32, #tpu.memory_space<hbm>> -> memref<78x1x128xi32, #tpu.memory_space<hbm>>
      %dma_wait3A_190 = tpu.memref_squeeze %dma_wait3A_189 : memref<78x1x128xi32, #tpu.memory_space<hbm>> -> memref<78x128xi32, #tpu.memory_space<hbm>>
      %dma_wait3A_191 = arith.constant 0 : i32
      %dma_wait3A_192 = arith.constant 0 : i32
      %dma_wait3A_193 = tpu.memref_slice %arg7[%dma_wait3A_191, %dma_wait3A_192] : memref<79x128xi32, #tpu.memory_space<vmem>> -> memref<78x128xi32, #tpu.memory_space<vmem>>
      %dma_wait3A_194 = arith.constant 0 : i32
      %dma_wait3A_195 = tpu.memref_slice %arg3[%mul3A_6, %run_scoped3A_7, %dma_wait3A_194] : memref<2500x2x128xi32, #tpu.memory_space<hbm>> -> memref<78x1x128xi32, #tpu.memory_space<hbm>>
      %dma_wait3A_196 = tpu.memref_squeeze %dma_wait3A_195 : memref<78x1x128xi32, #tpu.memory_space<hbm>> -> memref<78x128xi32, #tpu.memory_space<hbm>>
      tpu.wait_dma2 semaphore(%run_scoped3A_172 : memref<!tpu.dma_semaphore, #tpu.memory_space<semaphore_mem>>) src(%dma_wait3A_196 : memref<78x128xi32, #tpu.memory_space<hbm>>) dst(%dma_wait3A_193 : memref<78x128xi32, #tpu.memory_space<vmem>>)
      tpu.yield
    }) : () -> ()
    %lt3A = arith.constant 4 : i32
    %lt3A_8 = arith.cmpi slt, %add3A, %lt3A : i32
    %convert_element_type3A = arith.extui %lt3A_8 : i1 to i32
    %cond3A = arith.constant 0 : i32
    %cond3A_9 = arith.cmpi ne, %convert_element_type3A, %cond3A : i32
    scf.if %cond3A_9 {
      %add3A_172 = arith.constant 2496 : i32
      %add3A_173 = arith.addi %add3A_172, %add3A : i32
      %run_scoped3A_174 = arith.constant 0 : i32
      %run_scoped3A_175 = arith.constant 78 : i32
      "tpu.region"() ({
        %run_scoped3A_180 = tpu.sem_alloc : memref<!tpu.dma_semaphore, #tpu.memory_space<semaphore_mem>>
        %dma_start3A_181 = arith.constant 0 : i32
        %dma_start3A_182 = tpu.memref_slice %arg6[%run_scoped3A_175, %dma_start3A_181] : memref<79x128xi32, #tpu.memory_space<vmem>> -> memref<1x128xi32, #tpu.memory_space<vmem>>
        %dma_start3A_183 = tpu.memref_squeeze %dma_start3A_182 : memref<1x128xi32, #tpu.memory_space<vmem>> -> memref<128xi32, #tpu.memory_space<vmem>>
        %dma_start3A_184 = arith.constant 0 : i32
        %dma_start3A_185 = tpu.memref_slice %arg3[%add3A_173, %run_scoped3A_174, %dma_start3A_184] : memref<2500x2x128xi32, #tpu.memory_space<hbm>> -> memref<1x1x128xi32, #tpu.memory_space<hbm>>
        %dma_start3A_186 = tpu.memref_squeeze %dma_start3A_185 : memref<1x1x128xi32, #tpu.memory_space<hbm>> -> memref<128xi32, #tpu.memory_space<hbm>>
        %dma_start3A_187 = arith.constant 0 : i32
        %dma_start3A_188 = tpu.memref_slice %arg6[%run_scoped3A_175, %dma_start3A_187] : memref<79x128xi32, #tpu.memory_space<vmem>> -> memref<1x128xi32, #tpu.memory_space<vmem>>
        %dma_start3A_189 = tpu.memref_squeeze %dma_start3A_188 : memref<1x128xi32, #tpu.memory_space<vmem>> -> memref<128xi32, #tpu.memory_space<vmem>>
        %dma_start3A_190 = arith.constant 0 : i32
        %dma_start3A_191 = tpu.memref_slice %arg3[%add3A_173, %run_scoped3A_174, %dma_start3A_190] : memref<2500x2x128xi32, #tpu.memory_space<hbm>> -> memref<1x1x128xi32, #tpu.memory_space<hbm>>
        %dma_start3A_192 = tpu.memref_squeeze %dma_start3A_191 : memref<1x1x128xi32, #tpu.memory_space<hbm>> -> memref<128xi32, #tpu.memory_space<hbm>>
        tpu.enqueue_dma source(%dma_start3A_192 : memref<128xi32, #tpu.memory_space<hbm>>) target(%dma_start3A_189 : memref<128xi32, #tpu.memory_space<vmem>>) target_semaphore(%run_scoped3A_180 : memref<!tpu.dma_semaphore, #tpu.memory_space<semaphore_mem>>)
        %dma_wait3A_193 = arith.constant 0 : i32
        %dma_wait3A_194 = tpu.memref_slice %arg6[%run_scoped3A_175, %dma_wait3A_193] : memref<79x128xi32, #tpu.memory_space<vmem>> -> memref<1x128xi32, #tpu.memory_space<vmem>>
        %dma_wait3A_195 = tpu.memref_squeeze %dma_wait3A_194 : memref<1x128xi32, #tpu.memory_space<vmem>> -> memref<128xi32, #tpu.memory_space<vmem>>
        %dma_wait3A_196 = arith.constant 0 : i32
        %dma_wait3A_197 = tpu.memref_slice %arg3[%add3A_173, %run_scoped3A_174, %dma_wait3A_196] : memref<2500x2x128xi32, #tpu.memory_space<hbm>> -> memref<1x1x128xi32, #tpu.memory_space<hbm>>
        %dma_wait3A_198 = tpu.memref_squeeze %dma_wait3A_197 : memref<1x1x128xi32, #tpu.memory_space<hbm>> -> memref<128xi32, #tpu.memory_space<hbm>>
        %dma_wait3A_199 = arith.constant 0 : i32
        %dma_wait3A_200 = tpu.memref_slice %arg6[%run_scoped3A_175, %dma_wait3A_199] : memref<79x128xi32, #tpu.memory_space<vmem>> -> memref<1x128xi32, #tpu.memory_space<vmem>>
        %dma_wait3A_201 = tpu.memref_squeeze %dma_wait3A_200 : memref<1x128xi32, #tpu.memory_space<vmem>> -> memref<128xi32, #tpu.memory_space<vmem>>
        %dma_wait3A_202 = arith.constant 0 : i32
        %dma_wait3A_203 = tpu.memref_slice %arg3[%add3A_173, %run_scoped3A_174, %dma_wait3A_202] : memref<2500x2x128xi32, #tpu.memory_space<hbm>> -> memref<1x1x128xi32, #tpu.memory_space<hbm>>
        %dma_wait3A_204 = tpu.memref_squeeze %dma_wait3A_203 : memref<1x1x128xi32, #tpu.memory_space<hbm>> -> memref<128xi32, #tpu.memory_space<hbm>>
        tpu.wait_dma2 semaphore(%run_scoped3A_180 : memref<!tpu.dma_semaphore, #tpu.memory_space<semaphore_mem>>) src(%dma_wait3A_204 : memref<128xi32, #tpu.memory_space<hbm>>) dst(%dma_wait3A_201 : memref<128xi32, #tpu.memory_space<vmem>>)
        tpu.yield
      }) : () -> ()
      %add3A_176 = arith.constant 2496 : i32
      %add3A_177 = arith.addi %add3A_176, %add3A : i32
      %run_scoped3A_178 = arith.constant 1 : i32
      %run_scoped3A_179 = arith.constant 78 : i32
      "tpu.region"() ({
        %run_scoped3A_180 = tpu.sem_alloc : memref<!tpu.dma_semaphore, #tpu.memory_space<semaphore_mem>>
        %dma_start3A_181 = arith.constant 0 : i32
        %dma_start3A_182 = tpu.memref_slice %arg7[%run_scoped3A_179, %dma_start3A_181] : memref<79x128xi32, #tpu.memory_space<vmem>> -> memref<1x128xi32, #tpu.memory_space<vmem>>
        %dma_start3A_183 = tpu.memref_squeeze %dma_start3A_182 : memref<1x128xi32, #tpu.memory_space<vmem>> -> memref<128xi32, #tpu.memory_space<vmem>>
        %dma_start3A_184 = arith.constant 0 : i32
        %dma_start3A_185 = tpu.memref_slice %arg3[%add3A_177, %run_scoped3A_178, %dma_start3A_184] : memref<2500x2x128xi32, #tpu.memory_space<hbm>> -> memref<1x1x128xi32, #tpu.memory_space<hbm>>
        %dma_start3A_186 = tpu.memref_squeeze %dma_start3A_185 : memref<1x1x128xi32, #tpu.memory_space<hbm>> -> memref<128xi32, #tpu.memory_space<hbm>>
        %dma_start3A_187 = arith.constant 0 : i32
        %dma_start3A_188 = tpu.memref_slice %arg7[%run_scoped3A_179, %dma_start3A_187] : memref<79x128xi32, #tpu.memory_space<vmem>> -> memref<1x128xi32, #tpu.memory_space<vmem>>
        %dma_start3A_189 = tpu.memref_squeeze %dma_start3A_188 : memref<1x128xi32, #tpu.memory_space<vmem>> -> memref<128xi32, #tpu.memory_space<vmem>>
        %dma_start3A_190 = arith.constant 0 : i32
        %dma_start3A_191 = tpu.memref_slice %arg3[%add3A_177, %run_scoped3A_178, %dma_start3A_190] : memref<2500x2x128xi32, #tpu.memory_space<hbm>> -> memref<1x1x128xi32, #tpu.memory_space<hbm>>
        %dma_start3A_192 = tpu.memref_squeeze %dma_start3A_191 : memref<1x1x128xi32, #tpu.memory_space<hbm>> -> memref<128xi32, #tpu.memory_space<hbm>>
        tpu.enqueue_dma source(%dma_start3A_192 : memref<128xi32, #tpu.memory_space<hbm>>) target(%dma_start3A_189 : memref<128xi32, #tpu.memory_space<vmem>>) target_semaphore(%run_scoped3A_180 : memref<!tpu.dma_semaphore, #tpu.memory_space<semaphore_mem>>)
        %dma_wait3A_193 = arith.constant 0 : i32
        %dma_wait3A_194 = tpu.memref_slice %arg7[%run_scoped3A_179, %dma_wait3A_193] : memref<79x128xi32, #tpu.memory_space<vmem>> -> memref<1x128xi32, #tpu.memory_space<vmem>>
        %dma_wait3A_195 = tpu.memref_squeeze %dma_wait3A_194 : memref<1x128xi32, #tpu.memory_space<vmem>> -> memref<128xi32, #tpu.memory_space<vmem>>
        %dma_wait3A_196 = arith.constant 0 : i32
        %dma_wait3A_197 = tpu.memref_slice %arg3[%add3A_177, %run_scoped3A_178, %dma_wait3A_196] : memref<2500x2x128xi32, #tpu.memory_space<hbm>> -> memref<1x1x128xi32, #tpu.memory_space<hbm>>
        %dma_wait3A_198 = tpu.memref_squeeze %dma_wait3A_197 : memref<1x1x128xi32, #tpu.memory_space<hbm>> -> memref<128xi32, #tpu.memory_space<hbm>>
        %dma_wait3A_199 = arith.constant 0 : i32
        %dma_wait3A_200 = tpu.memref_slice %arg7[%run_scoped3A_179, %dma_wait3A_199] : memref<79x128xi32, #tpu.memory_space<vmem>> -> memref<1x128xi32, #tpu.memory_space<vmem>>
        %dma_wait3A_201 = tpu.memref_squeeze %dma_wait3A_200 : memref<1x128xi32, #tpu.memory_space<vmem>> -> memref<128xi32, #tpu.memory_space<vmem>>
        %dma_wait3A_202 = arith.constant 0 : i32
        %dma_wait3A_203 = tpu.memref_slice %arg3[%add3A_177, %run_scoped3A_178, %dma_wait3A_202] : memref<2500x2x128xi32, #tpu.memory_space<hbm>> -> memref<1x1x128xi32, #tpu.memory_space<hbm>>
        %dma_wait3A_204 = tpu.memref_squeeze %dma_wait3A_203 : memref<1x1x128xi32, #tpu.memory_space<hbm>> -> memref<128xi32, #tpu.memory_space<hbm>>
        tpu.wait_dma2 semaphore(%run_scoped3A_180 : memref<!tpu.dma_semaphore, #tpu.memory_space<semaphore_mem>>) src(%dma_wait3A_204 : memref<128xi32, #tpu.memory_space<hbm>>) dst(%dma_wait3A_201 : memref<128xi32, #tpu.memory_space<vmem>>)
        tpu.yield
      }) : () -> ()
    } else {
    }
    %barrier3A = arith.constant 0 : index
    tpu.barrier barrier_id(%barrier3A)
    %dma_start3A = arith.constant 0 : i32
    %dma_start3A_10 = arith.constant 0 : i32
    %dma_start3A_11 = arith.constant 0 : i32
    %dma_start3A_12 = arith.constant 0 : i32
    %dma_start3A_13 = arith.constant 0 : i32
    %dma_start3A_14 = arith.constant 0 : i32
    %dma_start3A_15 = arith.constant 0 : i32
    %dma_start3A_16 = tpu.memref_slice %arg8[%dma_start3A_10, %dma_start3A_11, %dma_start3A_14, %dma_start3A_15] : memref<3x3x128x32xf32, #tpu.memory_space<vmem>> -> memref<1x1x128x32xf32, #tpu.memory_space<vmem>>
    %dma_start3A_17 = tpu.memref_squeeze %dma_start3A_16 : memref<1x1x128x32xf32, #tpu.memory_space<vmem>> -> memref<128x32xf32, #tpu.memory_space<vmem>>
    %dma_start3A_18 = arith.constant 0 : i32
    %dma_start3A_19 = tpu.memref_slice %arg6[%dma_start3A, %dma_start3A_18] : memref<79x128xi32, #tpu.memory_space<vmem>> -> memref<1x128xi32, #tpu.memory_space<vmem>>
    %dma_start3A_20 = tpu.memref_squeeze %dma_start3A_19 : memref<1x128xi32, #tpu.memory_space<vmem>> -> memref<128xi32, #tpu.memory_space<vmem>>
    %dma_start3A_21 = arith.constant 0 : i32
    %dma_start3A_22 = arith.constant 0 : i32
    %dma_start3A_23 = tpu.memref_slice %arg9[%dma_start3A_21, %dma_start3A_22] : memref<10112x32xf32, #tpu.memory_space<vmem_shared>> -> memref<10112x32xf32, #tpu.memory_space<vmem_shared>>
    %dma_start3A_24 = tpu.memref_slice %arg11[%dma_start3A_12, %dma_start3A_13] : memref<3x3x!tpu.dma_semaphore, #tpu.memory_space<semaphore_mem>> -> memref<1x1x!tpu.dma_semaphore, #tpu.memory_space<semaphore_mem>>
    %dma_start3A_25 = tpu.memref_squeeze %dma_start3A_24 : memref<1x1x!tpu.dma_semaphore, #tpu.memory_space<semaphore_mem>> -> memref<!tpu.dma_semaphore, #tpu.memory_space<semaphore_mem>>
    tpu.enqueue_indirect_dma source(%dma_start3A_23 : memref<10112x32xf32, #tpu.memory_space<vmem_shared>>) target(%dma_start3A_17 : memref<128x32xf32, #tpu.memory_space<vmem>>) offsets(%dma_start3A_20 : memref<128xi32, #tpu.memory_space<vmem>>) semaphore(%dma_start3A_25 : memref<!tpu.dma_semaphore, #tpu.memory_space<semaphore_mem>>)
    %dma_start3A_26 = arith.constant 1 : i32
    %dma_start3A_27 = arith.constant 0 : i32
    %dma_start3A_28 = arith.constant 1 : i32
    %dma_start3A_29 = arith.constant 0 : i32
    %dma_start3A_30 = arith.constant 1 : i32
    %dma_start3A_31 = arith.constant 0 : i32
    %dma_start3A_32 = arith.constant 0 : i32
    %dma_start3A_33 = tpu.memref_slice %arg8[%dma_start3A_27, %dma_start3A_28, %dma_start3A_31, %dma_start3A_32] : memref<3x3x128x32xf32, #tpu.memory_space<vmem>> -> memref<1x1x128x32xf32, #tpu.memory_space<vmem>>
    %dma_start3A_34 = tpu.memref_squeeze %dma_start3A_33 : memref<1x1x128x32xf32, #tpu.memory_space<vmem>> -> memref<128x32xf32, #tpu.memory_space<vmem>>
    %dma_start3A_35 = arith.constant 0 : i32
    %dma_start3A_36 = tpu.memref_slice %arg6[%dma_start3A_26, %dma_start3A_35] : memref<79x128xi32, #tpu.memory_space<vmem>> -> memref<1x128xi32, #tpu.memory_space<vmem>>
    %dma_start3A_37 = tpu.memref_squeeze %dma_start3A_36 : memref<1x128xi32, #tpu.memory_space<vmem>> -> memref<128xi32, #tpu.memory_space<vmem>>
    %dma_start3A_38 = arith.constant 0 : i32
    %dma_start3A_39 = arith.constant 0 : i32
    %dma_start3A_40 = tpu.memref_slice %arg9[%dma_start3A_38, %dma_start3A_39] : memref<10112x32xf32, #tpu.memory_space<vmem_shared>> -> memref<10112x32xf32, #tpu.memory_space<vmem_shared>>
    %dma_start3A_41 = tpu.memref_slice %arg11[%dma_start3A_29, %dma_start3A_30] : memref<3x3x!tpu.dma_semaphore, #tpu.memory_space<semaphore_mem>> -> memref<1x1x!tpu.dma_semaphore, #tpu.memory_space<semaphore_mem>>
    %dma_start3A_42 = tpu.memref_squeeze %dma_start3A_41 : memref<1x1x!tpu.dma_semaphore, #tpu.memory_space<semaphore_mem>> -> memref<!tpu.dma_semaphore, #tpu.memory_space<semaphore_mem>>
    tpu.enqueue_indirect_dma source(%dma_start3A_40 : memref<10112x32xf32, #tpu.memory_space<vmem_shared>>) target(%dma_start3A_34 : memref<128x32xf32, #tpu.memory_space<vmem>>) offsets(%dma_start3A_37 : memref<128xi32, #tpu.memory_space<vmem>>) semaphore(%dma_start3A_42 : memref<!tpu.dma_semaphore, #tpu.memory_space<semaphore_mem>>)
    %dma_start3A_43 = arith.constant 2 : i32
    %dma_start3A_44 = arith.constant 0 : i32
    %dma_start3A_45 = arith.constant 2 : i32
    %dma_start3A_46 = arith.constant 0 : i32
    %dma_start3A_47 = arith.constant 2 : i32
    %dma_start3A_48 = arith.constant 0 : i32
    %dma_start3A_49 = arith.constant 0 : i32
    %dma_start3A_50 = tpu.memref_slice %arg8[%dma_start3A_44, %dma_start3A_45, %dma_start3A_48, %dma_start3A_49] : memref<3x3x128x32xf32, #tpu.memory_space<vmem>> -> memref<1x1x128x32xf32, #tpu.memory_space<vmem>>
    %dma_start3A_51 = tpu.memref_squeeze %dma_start3A_50 : memref<1x1x128x32xf32, #tpu.memory_space<vmem>> -> memref<128x32xf32, #tpu.memory_space<vmem>>
    %dma_start3A_52 = arith.constant 0 : i32
    %dma_start3A_53 = tpu.memref_slice %arg6[%dma_start3A_43, %dma_start3A_52] : memref<79x128xi32, #tpu.memory_space<vmem>> -> memref<1x128xi32, #tpu.memory_space<vmem>>
    %dma_start3A_54 = tpu.memref_squeeze %dma_start3A_53 : memref<1x128xi32, #tpu.memory_space<vmem>> -> memref<128xi32, #tpu.memory_space<vmem>>
    %dma_start3A_55 = arith.constant 0 : i32
    %dma_start3A_56 = arith.constant 0 : i32
    %dma_start3A_57 = tpu.memref_slice %arg9[%dma_start3A_55, %dma_start3A_56] : memref<10112x32xf32, #tpu.memory_space<vmem_shared>> -> memref<10112x32xf32, #tpu.memory_space<vmem_shared>>
    %dma_start3A_58 = tpu.memref_slice %arg11[%dma_start3A_46, %dma_start3A_47] : memref<3x3x!tpu.dma_semaphore, #tpu.memory_space<semaphore_mem>> -> memref<1x1x!tpu.dma_semaphore, #tpu.memory_space<semaphore_mem>>
    %dma_start3A_59 = tpu.memref_squeeze %dma_start3A_58 : memref<1x1x!tpu.dma_semaphore, #tpu.memory_space<semaphore_mem>> -> memref<!tpu.dma_semaphore, #tpu.memory_space<semaphore_mem>>
    tpu.enqueue_indirect_dma source(%dma_start3A_57 : memref<10112x32xf32, #tpu.memory_space<vmem_shared>>) target(%dma_start3A_51 : memref<128x32xf32, #tpu.memory_space<vmem>>) offsets(%dma_start3A_54 : memref<128xi32, #tpu.memory_space<vmem>>) semaphore(%dma_start3A_59 : memref<!tpu.dma_semaphore, #tpu.memory_space<semaphore_mem>>)
    %scan3A = arith.constant 0 : i32
    %scan3A_60 = arith.constant 0 : i32
    %scan3A_61 = arith.constant 26 : i32
    %scan3A_62 = arith.addi %scan3A_60, %scan3A_61 : i32
    %scan3A_63 = arith.constant 1 : i32
    scf.for %scan3A_172 = %scan3A_60 to %scan3A_62 step %scan3A_63  : i32 {
      %rem3A = arith.constant 3 : i32
      %rem3A_173 = arith.remsi %scan3A_172, %rem3A : i32
      %add3A_174 = arith.constant 1 : i32
      %add3A_175 = arith.addi %scan3A_172, %add3A_174 : i32
      %rem3A_176 = arith.constant 3 : i32
      %rem3A_177 = arith.remsi %add3A_175, %rem3A_176 : i32
      %lt3A_178 = arith.constant 25 : i32
      %lt3A_179 = arith.cmpi slt, %scan3A_172, %lt3A_178 : i32
      %convert_element_type3A_180 = arith.extui %lt3A_179 : i1 to i32
      %cond3A_181 = arith.constant 0 : i32
      %cond3A_182 = arith.cmpi ne, %convert_element_type3A_180, %cond3A_181 : i32
      scf.if %cond3A_182 {
        %ge3A = arith.constant 2 : i32
        %ge3A_291 = arith.cmpi sge, %scan3A_172, %ge3A : i32
        %convert_element_type3A_292 = arith.extui %ge3A_291 : i1 to i32
        %cond3A_293 = arith.constant 0 : i32
        %cond3A_294 = arith.cmpi ne, %convert_element_type3A_292, %cond3A_293 : i32
        scf.if %cond3A_294 {
          %sub3A = arith.constant 2 : i32
          %sub3A_351 = arith.subi %scan3A_172, %sub3A : i32
          %mul3A_352 = arith.constant 3 : i32
          %mul3A_353 = arith.muli %sub3A_351, %mul3A_352 : i32
          %add3A_354 = arith.constant 0 : i32
          %add3A_355 = arith.addi %mul3A_353, %add3A_354 : i32
          %dma_wait3A_356 = arith.constant 0 : i32
          %dma_wait3A_357 = arith.constant 0 : i32
          %dma_wait3A_358 = arith.constant 0 : i32
          %dma_wait3A_359 = arith.constant 0 : i32
          %dma_wait3A_360 = tpu.memref_slice %arg8[%rem3A_177, %dma_wait3A_356, %dma_wait3A_358, %dma_wait3A_359] : memref<3x3x128x32xf32, #tpu.memory_space<vmem>> -> memref<1x1x128x32xf32, #tpu.memory_space<vmem>>
          %dma_wait3A_361 = tpu.memref_squeeze %dma_wait3A_360 : memref<1x1x128x32xf32, #tpu.memory_space<vmem>> -> memref<128x32xf32, #tpu.memory_space<vmem>>
          %dma_wait3A_362 = arith.constant 0 : i32
          %dma_wait3A_363 = tpu.memref_slice %arg7[%add3A_355, %dma_wait3A_362] : memref<79x128xi32, #tpu.memory_space<vmem>> -> memref<1x128xi32, #tpu.memory_space<vmem>>
          %dma_wait3A_364 = tpu.memref_squeeze %dma_wait3A_363 : memref<1x128xi32, #tpu.memory_space<vmem>> -> memref<128xi32, #tpu.memory_space<vmem>>
          %dma_wait3A_365 = arith.constant 0 : i32
          %dma_wait3A_366 = arith.constant 0 : i32
          %dma_wait3A_367 = tpu.memref_slice %arg10[%dma_wait3A_365, %dma_wait3A_366] : memref<10112x32xf32, #tpu.memory_space<vmem_shared>> -> memref<10112x32xf32, #tpu.memory_space<vmem_shared>>
          %dma_wait3A_368 = tpu.memref_slice %arg12[%rem3A_177, %dma_wait3A_357] : memref<3x3x!tpu.dma_semaphore, #tpu.memory_space<semaphore_mem>> -> memref<1x1x!tpu.dma_semaphore, #tpu.memory_space<semaphore_mem>>
          %dma_wait3A_369 = tpu.memref_squeeze %dma_wait3A_368 : memref<1x1x!tpu.dma_semaphore, #tpu.memory_space<semaphore_mem>> -> memref<!tpu.dma_semaphore, #tpu.memory_space<semaphore_mem>>
          tpu.wait_indirect_dma semaphore(%dma_wait3A_369 : memref<!tpu.dma_semaphore, #tpu.memory_space<semaphore_mem>>) src(%dma_wait3A_361 : memref<128x32xf32, #tpu.memory_space<vmem>>) dst(%dma_wait3A_367 : memref<10112x32xf32, #tpu.memory_space<vmem_shared>>)
          %mul3A_370 = arith.constant 3 : i32
          %mul3A_371 = arith.muli %sub3A_351, %mul3A_370 : i32
          %add3A_372 = arith.constant 1 : i32
          %add3A_373 = arith.addi %mul3A_371, %add3A_372 : i32
          %dma_wait3A_374 = arith.constant 1 : i32
          %dma_wait3A_375 = arith.constant 1 : i32
          %dma_wait3A_376 = arith.constant 0 : i32
          %dma_wait3A_377 = arith.constant 0 : i32
          %dma_wait3A_378 = tpu.memref_slice %arg8[%rem3A_177, %dma_wait3A_374, %dma_wait3A_376, %dma_wait3A_377] : memref<3x3x128x32xf32, #tpu.memory_space<vmem>> -> memref<1x1x128x32xf32, #tpu.memory_space<vmem>>
          %dma_wait3A_379 = tpu.memref_squeeze %dma_wait3A_378 : memref<1x1x128x32xf32, #tpu.memory_space<vmem>> -> memref<128x32xf32, #tpu.memory_space<vmem>>
          %dma_wait3A_380 = arith.constant 0 : i32
          %dma_wait3A_381 = tpu.memref_slice %arg7[%add3A_373, %dma_wait3A_380] : memref<79x128xi32, #tpu.memory_space<vmem>> -> memref<1x128xi32, #tpu.memory_space<vmem>>
          %dma_wait3A_382 = tpu.memref_squeeze %dma_wait3A_381 : memref<1x128xi32, #tpu.memory_space<vmem>> -> memref<128xi32, #tpu.memory_space<vmem>>
          %dma_wait3A_383 = arith.constant 0 : i32
          %dma_wait3A_384 = arith.constant 0 : i32
          %dma_wait3A_385 = tpu.memref_slice %arg10[%dma_wait3A_383, %dma_wait3A_384] : memref<10112x32xf32, #tpu.memory_space<vmem_shared>> -> memref<10112x32xf32, #tpu.memory_space<vmem_shared>>
          %dma_wait3A_386 = tpu.memref_slice %arg12[%rem3A_177, %dma_wait3A_375] : memref<3x3x!tpu.dma_semaphore, #tpu.memory_space<semaphore_mem>> -> memref<1x1x!tpu.dma_semaphore, #tpu.memory_space<semaphore_mem>>
          %dma_wait3A_387 = tpu.memref_squeeze %dma_wait3A_386 : memref<1x1x!tpu.dma_semaphore, #tpu.memory_space<semaphore_mem>> -> memref<!tpu.dma_semaphore, #tpu.memory_space<semaphore_mem>>
          tpu.wait_indirect_dma semaphore(%dma_wait3A_387 : memref<!tpu.dma_semaphore, #tpu.memory_space<semaphore_mem>>) src(%dma_wait3A_379 : memref<128x32xf32, #tpu.memory_space<vmem>>) dst(%dma_wait3A_385 : memref<10112x32xf32, #tpu.memory_space<vmem_shared>>)
          %mul3A_388 = arith.constant 3 : i32
          %mul3A_389 = arith.muli %sub3A_351, %mul3A_388 : i32
          %add3A_390 = arith.constant 2 : i32
          %add3A_391 = arith.addi %mul3A_389, %add3A_390 : i32
          %dma_wait3A_392 = arith.constant 2 : i32
          %dma_wait3A_393 = arith.constant 2 : i32
          %dma_wait3A_394 = arith.constant 0 : i32
          %dma_wait3A_395 = arith.constant 0 : i32
          %dma_wait3A_396 = tpu.memref_slice %arg8[%rem3A_177, %dma_wait3A_392, %dma_wait3A_394, %dma_wait3A_395] : memref<3x3x128x32xf32, #tpu.memory_space<vmem>> -> memref<1x1x128x32xf32, #tpu.memory_space<vmem>>
          %dma_wait3A_397 = tpu.memref_squeeze %dma_wait3A_396 : memref<1x1x128x32xf32, #tpu.memory_space<vmem>> -> memref<128x32xf32, #tpu.memory_space<vmem>>
          %dma_wait3A_398 = arith.constant 0 : i32
          %dma_wait3A_399 = tpu.memref_slice %arg7[%add3A_391, %dma_wait3A_398] : memref<79x128xi32, #tpu.memory_space<vmem>> -> memref<1x128xi32, #tpu.memory_space<vmem>>
          %dma_wait3A_400 = tpu.memref_squeeze %dma_wait3A_399 : memref<1x128xi32, #tpu.memory_space<vmem>> -> memref<128xi32, #tpu.memory_space<vmem>>
          %dma_wait3A_401 = arith.constant 0 : i32
          %dma_wait3A_402 = arith.constant 0 : i32
          %dma_wait3A_403 = tpu.memref_slice %arg10[%dma_wait3A_401, %dma_wait3A_402] : memref<10112x32xf32, #tpu.memory_space<vmem_shared>> -> memref<10112x32xf32, #tpu.memory_space<vmem_shared>>
          %dma_wait3A_404 = tpu.memref_slice %arg12[%rem3A_177, %dma_wait3A_393] : memref<3x3x!tpu.dma_semaphore, #tpu.memory_space<semaphore_mem>> -> memref<1x1x!tpu.dma_semaphore, #tpu.memory_space<semaphore_mem>>
          %dma_wait3A_405 = tpu.memref_squeeze %dma_wait3A_404 : memref<1x1x!tpu.dma_semaphore, #tpu.memory_space<semaphore_mem>> -> memref<!tpu.dma_semaphore, #tpu.memory_space<semaphore_mem>>
          tpu.wait_indirect_dma semaphore(%dma_wait3A_405 : memref<!tpu.dma_semaphore, #tpu.memory_space<semaphore_mem>>) src(%dma_wait3A_397 : memref<128x32xf32, #tpu.memory_space<vmem>>) dst(%dma_wait3A_403 : memref<10112x32xf32, #tpu.memory_space<vmem_shared>>)
        } else {
        }
        %add3A_295 = arith.constant 1 : i32
        %add3A_296 = arith.addi %scan3A_172, %add3A_295 : i32
        %mul3A_297 = arith.constant 3 : i32
        %mul3A_298 = arith.muli %add3A_296, %mul3A_297 : i32
        %add3A_299 = arith.constant 0 : i32
        %add3A_300 = arith.addi %mul3A_298, %add3A_299 : i32
        %dma_start3A_301 = arith.constant 0 : i32
        %dma_start3A_302 = arith.constant 0 : i32
        %dma_start3A_303 = arith.constant 0 : i32
        %dma_start3A_304 = arith.constant 0 : i32
        %dma_start3A_305 = tpu.memref_slice %arg8[%rem3A_177, %dma_start3A_301, %dma_start3A_303, %dma_start3A_304] : memref<3x3x128x32xf32, #tpu.memory_space<vmem>> -> memref<1x1x128x32xf32, #tpu.memory_space<vmem>>
        %dma_start3A_306 = tpu.memref_squeeze %dma_start3A_305 : memref<1x1x128x32xf32, #tpu.memory_space<vmem>> -> memref<128x32xf32, #tpu.memory_space<vmem>>
        %dma_start3A_307 = arith.constant 0 : i32
        %dma_start3A_308 = tpu.memref_slice %arg6[%add3A_300, %dma_start3A_307] : memref<79x128xi32, #tpu.memory_space<vmem>> -> memref<1x128xi32, #tpu.memory_space<vmem>>
        %dma_start3A_309 = tpu.memref_squeeze %dma_start3A_308 : memref<1x128xi32, #tpu.memory_space<vmem>> -> memref<128xi32, #tpu.memory_space<vmem>>
        %dma_start3A_310 = arith.constant 0 : i32
        %dma_start3A_311 = arith.constant 0 : i32
        %dma_start3A_312 = tpu.memref_slice %arg9[%dma_start3A_310, %dma_start3A_311] : memref<10112x32xf32, #tpu.memory_space<vmem_shared>> -> memref<10112x32xf32, #tpu.memory_space<vmem_shared>>
        %dma_start3A_313 = tpu.memref_slice %arg11[%rem3A_177, %dma_start3A_302] : memref<3x3x!tpu.dma_semaphore, #tpu.memory_space<semaphore_mem>> -> memref<1x1x!tpu.dma_semaphore, #tpu.memory_space<semaphore_mem>>
        %dma_start3A_314 = tpu.memref_squeeze %dma_start3A_313 : memref<1x1x!tpu.dma_semaphore, #tpu.memory_space<semaphore_mem>> -> memref<!tpu.dma_semaphore, #tpu.memory_space<semaphore_mem>>
        tpu.enqueue_indirect_dma source(%dma_start3A_312 : memref<10112x32xf32, #tpu.memory_space<vmem_shared>>) target(%dma_start3A_306 : memref<128x32xf32, #tpu.memory_space<vmem>>) offsets(%dma_start3A_309 : memref<128xi32, #tpu.memory_space<vmem>>) semaphore(%dma_start3A_314 : memref<!tpu.dma_semaphore, #tpu.memory_space<semaphore_mem>>)
        %mul3A_315 = arith.constant 3 : i32
        %mul3A_316 = arith.muli %add3A_296, %mul3A_315 : i32
        %add3A_317 = arith.constant 1 : i32
        %add3A_318 = arith.addi %mul3A_316, %add3A_317 : i32
        %dma_start3A_319 = arith.constant 1 : i32
        %dma_start3A_320 = arith.constant 1 : i32
        %dma_start3A_321 = arith.constant 0 : i32
        %dma_start3A_322 = arith.constant 0 : i32
        %dma_start3A_323 = tpu.memref_slice %arg8[%rem3A_177, %dma_start3A_319, %dma_start3A_321, %dma_start3A_322] : memref<3x3x128x32xf32, #tpu.memory_space<vmem>> -> memref<1x1x128x32xf32, #tpu.memory_space<vmem>>
        %dma_start3A_324 = tpu.memref_squeeze %dma_start3A_323 : memref<1x1x128x32xf32, #tpu.memory_space<vmem>> -> memref<128x32xf32, #tpu.memory_space<vmem>>
        %dma_start3A_325 = arith.constant 0 : i32
        %dma_start3A_326 = tpu.memref_slice %arg6[%add3A_318, %dma_start3A_325] : memref<79x128xi32, #tpu.memory_space<vmem>> -> memref<1x128xi32, #tpu.memory_space<vmem>>
        %dma_start3A_327 = tpu.memref_squeeze %dma_start3A_326 : memref<1x128xi32, #tpu.memory_space<vmem>> -> memref<128xi32, #tpu.memory_space<vmem>>
        %dma_start3A_328 = arith.constant 0 : i32
        %dma_start3A_329 = arith.constant 0 : i32
        %dma_start3A_330 = tpu.memref_slice %arg9[%dma_start3A_328, %dma_start3A_329] : memref<10112x32xf32, #tpu.memory_space<vmem_shared>> -> memref<10112x32xf32, #tpu.memory_space<vmem_shared>>
        %dma_start3A_331 = tpu.memref_slice %arg11[%rem3A_177, %dma_start3A_320] : memref<3x3x!tpu.dma_semaphore, #tpu.memory_space<semaphore_mem>> -> memref<1x1x!tpu.dma_semaphore, #tpu.memory_space<semaphore_mem>>
        %dma_start3A_332 = tpu.memref_squeeze %dma_start3A_331 : memref<1x1x!tpu.dma_semaphore, #tpu.memory_space<semaphore_mem>> -> memref<!tpu.dma_semaphore, #tpu.memory_space<semaphore_mem>>
        tpu.enqueue_indirect_dma source(%dma_start3A_330 : memref<10112x32xf32, #tpu.memory_space<vmem_shared>>) target(%dma_start3A_324 : memref<128x32xf32, #tpu.memory_space<vmem>>) offsets(%dma_start3A_327 : memref<128xi32, #tpu.memory_space<vmem>>) semaphore(%dma_start3A_332 : memref<!tpu.dma_semaphore, #tpu.memory_space<semaphore_mem>>)
        %mul3A_333 = arith.constant 3 : i32
        %mul3A_334 = arith.muli %add3A_296, %mul3A_333 : i32
        %add3A_335 = arith.constant 2 : i32
        %add3A_336 = arith.addi %mul3A_334, %add3A_335 : i32
        %dma_start3A_337 = arith.constant 2 : i32
        %dma_start3A_338 = arith.constant 2 : i32
        %dma_start3A_339 = arith.constant 0 : i32
        %dma_start3A_340 = arith.constant 0 : i32
        %dma_start3A_341 = tpu.memref_slice %arg8[%rem3A_177, %dma_start3A_337, %dma_start3A_339, %dma_start3A_340] : memref<3x3x128x32xf32, #tpu.memory_space<vmem>> -> memref<1x1x128x32xf32, #tpu.memory_space<vmem>>
        %dma_start3A_342 = tpu.memref_squeeze %dma_start3A_341 : memref<1x1x128x32xf32, #tpu.memory_space<vmem>> -> memref<128x32xf32, #tpu.memory_space<vmem>>
        %dma_start3A_343 = arith.constant 0 : i32
        %dma_start3A_344 = tpu.memref_slice %arg6[%add3A_336, %dma_start3A_343] : memref<79x128xi32, #tpu.memory_space<vmem>> -> memref<1x128xi32, #tpu.memory_space<vmem>>
        %dma_start3A_345 = tpu.memref_squeeze %dma_start3A_344 : memref<1x128xi32, #tpu.memory_space<vmem>> -> memref<128xi32, #tpu.memory_space<vmem>>
        %dma_start3A_346 = arith.constant 0 : i32
        %dma_start3A_347 = arith.constant 0 : i32
        %dma_start3A_348 = tpu.memref_slice %arg9[%dma_start3A_346, %dma_start3A_347] : memref<10112x32xf32, #tpu.memory_space<vmem_shared>> -> memref<10112x32xf32, #tpu.memory_space<vmem_shared>>
        %dma_start3A_349 = tpu.memref_slice %arg11[%rem3A_177, %dma_start3A_338] : memref<3x3x!tpu.dma_semaphore, #tpu.memory_space<semaphore_mem>> -> memref<1x1x!tpu.dma_semaphore, #tpu.memory_space<semaphore_mem>>
        %dma_start3A_350 = tpu.memref_squeeze %dma_start3A_349 : memref<1x1x!tpu.dma_semaphore, #tpu.memory_space<semaphore_mem>> -> memref<!tpu.dma_semaphore, #tpu.memory_space<semaphore_mem>>
        tpu.enqueue_indirect_dma source(%dma_start3A_348 : memref<10112x32xf32, #tpu.memory_space<vmem_shared>>) target(%dma_start3A_342 : memref<128x32xf32, #tpu.memory_space<vmem>>) offsets(%dma_start3A_345 : memref<128xi32, #tpu.memory_space<vmem>>) semaphore(%dma_start3A_350 : memref<!tpu.dma_semaphore, #tpu.memory_space<semaphore_mem>>)
      } else {
      }
      %mul3A_183 = arith.constant 3 : i32
      %mul3A_184 = arith.muli %scan3A_172, %mul3A_183 : i32
      %add3A_185 = arith.constant 0 : i32
      %add3A_186 = arith.addi %mul3A_184, %add3A_185 : i32
      %dma_wait3A_187 = arith.constant 0 : i32
      %dma_wait3A_188 = arith.constant 0 : i32
      %dma_wait3A_189 = arith.constant 0 : i32
      %dma_wait3A_190 = arith.constant 0 : i32
      %dma_wait3A_191 = tpu.memref_slice %arg8[%rem3A_173, %dma_wait3A_187, %dma_wait3A_189, %dma_wait3A_190] : memref<3x3x128x32xf32, #tpu.memory_space<vmem>> -> memref<1x1x128x32xf32, #tpu.memory_space<vmem>>
      %dma_wait3A_192 = tpu.memref_squeeze %dma_wait3A_191 : memref<1x1x128x32xf32, #tpu.memory_space<vmem>> -> memref<128x32xf32, #tpu.memory_space<vmem>>
      %dma_wait3A_193 = arith.constant 0 : i32
      %dma_wait3A_194 = tpu.memref_slice %arg6[%add3A_186, %dma_wait3A_193] : memref<79x128xi32, #tpu.memory_space<vmem>> -> memref<1x128xi32, #tpu.memory_space<vmem>>
      %dma_wait3A_195 = tpu.memref_squeeze %dma_wait3A_194 : memref<1x128xi32, #tpu.memory_space<vmem>> -> memref<128xi32, #tpu.memory_space<vmem>>
      %dma_wait3A_196 = arith.constant 0 : i32
      %dma_wait3A_197 = arith.constant 0 : i32
      %dma_wait3A_198 = tpu.memref_slice %arg9[%dma_wait3A_196, %dma_wait3A_197] : memref<10112x32xf32, #tpu.memory_space<vmem_shared>> -> memref<10112x32xf32, #tpu.memory_space<vmem_shared>>
      %dma_wait3A_199 = tpu.memref_slice %arg11[%rem3A_173, %dma_wait3A_188] : memref<3x3x!tpu.dma_semaphore, #tpu.memory_space<semaphore_mem>> -> memref<1x1x!tpu.dma_semaphore, #tpu.memory_space<semaphore_mem>>
      %dma_wait3A_200 = tpu.memref_squeeze %dma_wait3A_199 : memref<1x1x!tpu.dma_semaphore, #tpu.memory_space<semaphore_mem>> -> memref<!tpu.dma_semaphore, #tpu.memory_space<semaphore_mem>>
      tpu.wait_indirect_dma semaphore(%dma_wait3A_200 : memref<!tpu.dma_semaphore, #tpu.memory_space<semaphore_mem>>) src(%dma_wait3A_198 : memref<10112x32xf32, #tpu.memory_space<vmem_shared>>) dst(%dma_wait3A_192 : memref<128x32xf32, #tpu.memory_space<vmem>>)
      %mul3A_201 = arith.constant 3 : i32
      %mul3A_202 = arith.muli %scan3A_172, %mul3A_201 : i32
      %add3A_203 = arith.constant 0 : i32
      %add3A_204 = arith.addi %mul3A_202, %add3A_203 : i32
      %dma_start3A_205 = arith.constant 0 : i32
      %dma_start3A_206 = arith.constant 0 : i32
      %dma_start3A_207 = arith.constant 0 : i32
      %dma_start3A_208 = arith.constant 0 : i32
      %dma_start3A_209 = tpu.memref_slice %arg8[%rem3A_173, %dma_start3A_205, %dma_start3A_207, %dma_start3A_208] : memref<3x3x128x32xf32, #tpu.memory_space<vmem>> -> memref<1x1x128x32xf32, #tpu.memory_space<vmem>>
      %dma_start3A_210 = tpu.memref_squeeze %dma_start3A_209 : memref<1x1x128x32xf32, #tpu.memory_space<vmem>> -> memref<128x32xf32, #tpu.memory_space<vmem>>
      %dma_start3A_211 = arith.constant 0 : i32
      %dma_start3A_212 = tpu.memref_slice %arg7[%add3A_204, %dma_start3A_211] : memref<79x128xi32, #tpu.memory_space<vmem>> -> memref<1x128xi32, #tpu.memory_space<vmem>>
      %dma_start3A_213 = tpu.memref_squeeze %dma_start3A_212 : memref<1x128xi32, #tpu.memory_space<vmem>> -> memref<128xi32, #tpu.memory_space<vmem>>
      %dma_start3A_214 = arith.constant 0 : i32
      %dma_start3A_215 = arith.constant 0 : i32
      %dma_start3A_216 = tpu.memref_slice %arg10[%dma_start3A_214, %dma_start3A_215] : memref<10112x32xf32, #tpu.memory_space<vmem_shared>> -> memref<10112x32xf32, #tpu.memory_space<vmem_shared>>
      %dma_start3A_217 = tpu.memref_slice %arg12[%rem3A_173, %dma_start3A_206] : memref<3x3x!tpu.dma_semaphore, #tpu.memory_space<semaphore_mem>> -> memref<1x1x!tpu.dma_semaphore, #tpu.memory_space<semaphore_mem>>
      %dma_start3A_218 = tpu.memref_squeeze %dma_start3A_217 : memref<1x1x!tpu.dma_semaphore, #tpu.memory_space<semaphore_mem>> -> memref<!tpu.dma_semaphore, #tpu.memory_space<semaphore_mem>>
      tpu.enqueue_indirect_dma source(%dma_start3A_210 : memref<128x32xf32, #tpu.memory_space<vmem>>) target(%dma_start3A_216 : memref<10112x32xf32, #tpu.memory_space<vmem_shared>>) offsets(%dma_start3A_213 : memref<128xi32, #tpu.memory_space<vmem>>) semaphore(%dma_start3A_218 : memref<!tpu.dma_semaphore, #tpu.memory_space<semaphore_mem>>) {add = true}
      %mul3A_219 = arith.constant 3 : i32
      %mul3A_220 = arith.muli %scan3A_172, %mul3A_219 : i32
      %add3A_221 = arith.constant 1 : i32
      %add3A_222 = arith.addi %mul3A_220, %add3A_221 : i32
      %dma_wait3A_223 = arith.constant 1 : i32
      %dma_wait3A_224 = arith.constant 1 : i32
      %dma_wait3A_225 = arith.constant 0 : i32
      %dma_wait3A_226 = arith.constant 0 : i32
      %dma_wait3A_227 = tpu.memref_slice %arg8[%rem3A_173, %dma_wait3A_223, %dma_wait3A_225, %dma_wait3A_226] : memref<3x3x128x32xf32, #tpu.memory_space<vmem>> -> memref<1x1x128x32xf32, #tpu.memory_space<vmem>>
      %dma_wait3A_228 = tpu.memref_squeeze %dma_wait3A_227 : memref<1x1x128x32xf32, #tpu.memory_space<vmem>> -> memref<128x32xf32, #tpu.memory_space<vmem>>
      %dma_wait3A_229 = arith.constant 0 : i32
      %dma_wait3A_230 = tpu.memref_slice %arg6[%add3A_222, %dma_wait3A_229] : memref<79x128xi32, #tpu.memory_space<vmem>> -> memref<1x128xi32, #tpu.memory_space<vmem>>
      %dma_wait3A_231 = tpu.memref_squeeze %dma_wait3A_230 : memref<1x128xi32, #tpu.memory_space<vmem>> -> memref<128xi32, #tpu.memory_space<vmem>>
      %dma_wait3A_232 = arith.constant 0 : i32
      %dma_wait3A_233 = arith.constant 0 : i32
      %dma_wait3A_234 = tpu.memref_slice %arg9[%dma_wait3A_232, %dma_wait3A_233] : memref<10112x32xf32, #tpu.memory_space<vmem_shared>> -> memref<10112x32xf32, #tpu.memory_space<vmem_shared>>
      %dma_wait3A_235 = tpu.memref_slice %arg11[%rem3A_173, %dma_wait3A_224] : memref<3x3x!tpu.dma_semaphore, #tpu.memory_space<semaphore_mem>> -> memref<1x1x!tpu.dma_semaphore, #tpu.memory_space<semaphore_mem>>
      %dma_wait3A_236 = tpu.memref_squeeze %dma_wait3A_235 : memref<1x1x!tpu.dma_semaphore, #tpu.memory_space<semaphore_mem>> -> memref<!tpu.dma_semaphore, #tpu.memory_space<semaphore_mem>>
      tpu.wait_indirect_dma semaphore(%dma_wait3A_236 : memref<!tpu.dma_semaphore, #tpu.memory_space<semaphore_mem>>) src(%dma_wait3A_234 : memref<10112x32xf32, #tpu.memory_space<vmem_shared>>) dst(%dma_wait3A_228 : memref<128x32xf32, #tpu.memory_space<vmem>>)
      %mul3A_237 = arith.constant 3 : i32
      %mul3A_238 = arith.muli %scan3A_172, %mul3A_237 : i32
      %add3A_239 = arith.constant 1 : i32
      %add3A_240 = arith.addi %mul3A_238, %add3A_239 : i32
      %dma_start3A_241 = arith.constant 1 : i32
      %dma_start3A_242 = arith.constant 1 : i32
      %dma_start3A_243 = arith.constant 0 : i32
      %dma_start3A_244 = arith.constant 0 : i32
      %dma_start3A_245 = tpu.memref_slice %arg8[%rem3A_173, %dma_start3A_241, %dma_start3A_243, %dma_start3A_244] : memref<3x3x128x32xf32, #tpu.memory_space<vmem>> -> memref<1x1x128x32xf32, #tpu.memory_space<vmem>>
      %dma_start3A_246 = tpu.memref_squeeze %dma_start3A_245 : memref<1x1x128x32xf32, #tpu.memory_space<vmem>> -> memref<128x32xf32, #tpu.memory_space<vmem>>
      %dma_start3A_247 = arith.constant 0 : i32
      %dma_start3A_248 = tpu.memref_slice %arg7[%add3A_240, %dma_start3A_247] : memref<79x128xi32, #tpu.memory_space<vmem>> -> memref<1x128xi32, #tpu.memory_space<vmem>>
      %dma_start3A_249 = tpu.memref_squeeze %dma_start3A_248 : memref<1x128xi32, #tpu.memory_space<vmem>> -> memref<128xi32, #tpu.memory_space<vmem>>
      %dma_start3A_250 = arith.constant 0 : i32
      %dma_start3A_251 = arith.constant 0 : i32
      %dma_start3A_252 = tpu.memref_slice %arg10[%dma_start3A_250, %dma_start3A_251] : memref<10112x32xf32, #tpu.memory_space<vmem_shared>> -> memref<10112x32xf32, #tpu.memory_space<vmem_shared>>
      %dma_start3A_253 = tpu.memref_slice %arg12[%rem3A_173, %dma_start3A_242] : memref<3x3x!tpu.dma_semaphore, #tpu.memory_space<semaphore_mem>> -> memref<1x1x!tpu.dma_semaphore, #tpu.memory_space<semaphore_mem>>
      %dma_start3A_254 = tpu.memref_squeeze %dma_start3A_253 : memref<1x1x!tpu.dma_semaphore, #tpu.memory_space<semaphore_mem>> -> memref<!tpu.dma_semaphore, #tpu.memory_space<semaphore_mem>>
      tpu.enqueue_indirect_dma source(%dma_start3A_246 : memref<128x32xf32, #tpu.memory_space<vmem>>) target(%dma_start3A_252 : memref<10112x32xf32, #tpu.memory_space<vmem_shared>>) offsets(%dma_start3A_249 : memref<128xi32, #tpu.memory_space<vmem>>) semaphore(%dma_start3A_254 : memref<!tpu.dma_semaphore, #tpu.memory_space<semaphore_mem>>) {add = true}
      %mul3A_255 = arith.constant 3 : i32
      %mul3A_256 = arith.muli %scan3A_172, %mul3A_255 : i32
      %add3A_257 = arith.constant 2 : i32
      %add3A_258 = arith.addi %mul3A_256, %add3A_257 : i32
      %dma_wait3A_259 = arith.constant 2 : i32
      %dma_wait3A_260 = arith.constant 2 : i32
      %dma_wait3A_261 = arith.constant 0 : i32
      %dma_wait3A_262 = arith.constant 0 : i32
      %dma_wait3A_263 = tpu.memref_slice %arg8[%rem3A_173, %dma_wait3A_259, %dma_wait3A_261, %dma_wait3A_262] : memref<3x3x128x32xf32, #tpu.memory_space<vmem>> -> memref<1x1x128x32xf32, #tpu.memory_space<vmem>>
      %dma_wait3A_264 = tpu.memref_squeeze %dma_wait3A_263 : memref<1x1x128x32xf32, #tpu.memory_space<vmem>> -> memref<128x32xf32, #tpu.memory_space<vmem>>
      %dma_wait3A_265 = arith.constant 0 : i32
      %dma_wait3A_266 = tpu.memref_slice %arg6[%add3A_258, %dma_wait3A_265] : memref<79x128xi32, #tpu.memory_space<vmem>> -> memref<1x128xi32, #tpu.memory_space<vmem>>
      %dma_wait3A_267 = tpu.memref_squeeze %dma_wait3A_266 : memref<1x128xi32, #tpu.memory_space<vmem>> -> memref<128xi32, #tpu.memory_space<vmem>>
      %dma_wait3A_268 = arith.constant 0 : i32
      %dma_wait3A_269 = arith.constant 0 : i32
      %dma_wait3A_270 = tpu.memref_slice %arg9[%dma_wait3A_268, %dma_wait3A_269] : memref<10112x32xf32, #tpu.memory_space<vmem_shared>> -> memref<10112x32xf32, #tpu.memory_space<vmem_shared>>
      %dma_wait3A_271 = tpu.memref_slice %arg11[%rem3A_173, %dma_wait3A_260] : memref<3x3x!tpu.dma_semaphore, #tpu.memory_space<semaphore_mem>> -> memref<1x1x!tpu.dma_semaphore, #tpu.memory_space<semaphore_mem>>
      %dma_wait3A_272 = tpu.memref_squeeze %dma_wait3A_271 : memref<1x1x!tpu.dma_semaphore, #tpu.memory_space<semaphore_mem>> -> memref<!tpu.dma_semaphore, #tpu.memory_space<semaphore_mem>>
      tpu.wait_indirect_dma semaphore(%dma_wait3A_272 : memref<!tpu.dma_semaphore, #tpu.memory_space<semaphore_mem>>) src(%dma_wait3A_270 : memref<10112x32xf32, #tpu.memory_space<vmem_shared>>) dst(%dma_wait3A_264 : memref<128x32xf32, #tpu.memory_space<vmem>>)
      %mul3A_273 = arith.constant 3 : i32
      %mul3A_274 = arith.muli %scan3A_172, %mul3A_273 : i32
      %add3A_275 = arith.constant 2 : i32
      %add3A_276 = arith.addi %mul3A_274, %add3A_275 : i32
      %dma_start3A_277 = arith.constant 2 : i32
      %dma_start3A_278 = arith.constant 2 : i32
      %dma_start3A_279 = arith.constant 0 : i32
      %dma_start3A_280 = arith.constant 0 : i32
      %dma_start3A_281 = tpu.memref_slice %arg8[%rem3A_173, %dma_start3A_277, %dma_start3A_279, %dma_start3A_280] : memref<3x3x128x32xf32, #tpu.memory_space<vmem>> -> memref<1x1x128x32xf32, #tpu.memory_space<vmem>>
      %dma_start3A_282 = tpu.memref_squeeze %dma_start3A_281 : memref<1x1x128x32xf32, #tpu.memory_space<vmem>> -> memref<128x32xf32, #tpu.memory_space<vmem>>
      %dma_start3A_283 = arith.constant 0 : i32
      %dma_start3A_284 = tpu.memref_slice %arg7[%add3A_276, %dma_start3A_283] : memref<79x128xi32, #tpu.memory_space<vmem>> -> memref<1x128xi32, #tpu.memory_space<vmem>>
      %dma_start3A_285 = tpu.memref_squeeze %dma_start3A_284 : memref<1x128xi32, #tpu.memory_space<vmem>> -> memref<128xi32, #tpu.memory_space<vmem>>
      %dma_start3A_286 = arith.constant 0 : i32
      %dma_start3A_287 = arith.constant 0 : i32
      %dma_start3A_288 = tpu.memref_slice %arg10[%dma_start3A_286, %dma_start3A_287] : memref<10112x32xf32, #tpu.memory_space<vmem_shared>> -> memref<10112x32xf32, #tpu.memory_space<vmem_shared>>
      %dma_start3A_289 = tpu.memref_slice %arg12[%rem3A_173, %dma_start3A_278] : memref<3x3x!tpu.dma_semaphore, #tpu.memory_space<semaphore_mem>> -> memref<1x1x!tpu.dma_semaphore, #tpu.memory_space<semaphore_mem>>
      %dma_start3A_290 = tpu.memref_squeeze %dma_start3A_289 : memref<1x1x!tpu.dma_semaphore, #tpu.memory_space<semaphore_mem>> -> memref<!tpu.dma_semaphore, #tpu.memory_space<semaphore_mem>>
      tpu.enqueue_indirect_dma source(%dma_start3A_282 : memref<128x32xf32, #tpu.memory_space<vmem>>) target(%dma_start3A_288 : memref<10112x32xf32, #tpu.memory_space<vmem_shared>>) offsets(%dma_start3A_285 : memref<128xi32, #tpu.memory_space<vmem>>) semaphore(%dma_start3A_290 : memref<!tpu.dma_semaphore, #tpu.memory_space<semaphore_mem>>) {add = true}
    }
    %scan3A_64 = arith.constant 26 : i32
    %dma_wait3A = arith.constant 0 : i32
    %dma_wait3A_65 = arith.constant 0 : i32
    %dma_wait3A_66 = arith.constant 72 : i32
    %dma_wait3A_67 = arith.constant 0 : i32
    %dma_wait3A_68 = arith.constant 0 : i32
    %dma_wait3A_69 = arith.constant 0 : i32
    %dma_wait3A_70 = arith.constant 0 : i32
    %dma_wait3A_71 = tpu.memref_slice %arg8[%dma_wait3A, %dma_wait3A_65, %dma_wait3A_69, %dma_wait3A_70] : memref<3x3x128x32xf32, #tpu.memory_space<vmem>> -> memref<1x1x128x32xf32, #tpu.memory_space<vmem>>
    %dma_wait3A_72 = tpu.memref_squeeze %dma_wait3A_71 : memref<1x1x128x32xf32, #tpu.memory_space<vmem>> -> memref<128x32xf32, #tpu.memory_space<vmem>>
    %dma_wait3A_73 = arith.constant 0 : i32
    %dma_wait3A_74 = tpu.memref_slice %arg7[%dma_wait3A_66, %dma_wait3A_73] : memref<79x128xi32, #tpu.memory_space<vmem>> -> memref<1x128xi32, #tpu.memory_space<vmem>>
    %dma_wait3A_75 = tpu.memref_squeeze %dma_wait3A_74 : memref<1x128xi32, #tpu.memory_space<vmem>> -> memref<128xi32, #tpu.memory_space<vmem>>
    %dma_wait3A_76 = arith.constant 0 : i32
    %dma_wait3A_77 = arith.constant 0 : i32
    %dma_wait3A_78 = tpu.memref_slice %arg10[%dma_wait3A_76, %dma_wait3A_77] : memref<10112x32xf32, #tpu.memory_space<vmem_shared>> -> memref<10112x32xf32, #tpu.memory_space<vmem_shared>>
    %dma_wait3A_79 = tpu.memref_slice %arg12[%dma_wait3A_67, %dma_wait3A_68] : memref<3x3x!tpu.dma_semaphore, #tpu.memory_space<semaphore_mem>> -> memref<1x1x!tpu.dma_semaphore, #tpu.memory_space<semaphore_mem>>
    %dma_wait3A_80 = tpu.memref_squeeze %dma_wait3A_79 : memref<1x1x!tpu.dma_semaphore, #tpu.memory_space<semaphore_mem>> -> memref<!tpu.dma_semaphore, #tpu.memory_space<semaphore_mem>>
    tpu.wait_indirect_dma semaphore(%dma_wait3A_80 : memref<!tpu.dma_semaphore, #tpu.memory_space<semaphore_mem>>) src(%dma_wait3A_72 : memref<128x32xf32, #tpu.memory_space<vmem>>) dst(%dma_wait3A_78 : memref<10112x32xf32, #tpu.memory_space<vmem_shared>>)
    %dma_wait3A_81 = arith.constant 0 : i32
    %dma_wait3A_82 = arith.constant 1 : i32
    %dma_wait3A_83 = arith.constant 73 : i32
    %dma_wait3A_84 = arith.constant 0 : i32
    %dma_wait3A_85 = arith.constant 1 : i32
    %dma_wait3A_86 = arith.constant 0 : i32
    %dma_wait3A_87 = arith.constant 0 : i32
    %dma_wait3A_88 = tpu.memref_slice %arg8[%dma_wait3A_81, %dma_wait3A_82, %dma_wait3A_86, %dma_wait3A_87] : memref<3x3x128x32xf32, #tpu.memory_space<vmem>> -> memref<1x1x128x32xf32, #tpu.memory_space<vmem>>
    %dma_wait3A_89 = tpu.memref_squeeze %dma_wait3A_88 : memref<1x1x128x32xf32, #tpu.memory_space<vmem>> -> memref<128x32xf32, #tpu.memory_space<vmem>>
    %dma_wait3A_90 = arith.constant 0 : i32
    %dma_wait3A_91 = tpu.memref_slice %arg7[%dma_wait3A_83, %dma_wait3A_90] : memref<79x128xi32, #tpu.memory_space<vmem>> -> memref<1x128xi32, #tpu.memory_space<vmem>>
    %dma_wait3A_92 = tpu.memref_squeeze %dma_wait3A_91 : memref<1x128xi32, #tpu.memory_space<vmem>> -> memref<128xi32, #tpu.memory_space<vmem>>
    %dma_wait3A_93 = arith.constant 0 : i32
    %dma_wait3A_94 = arith.constant 0 : i32
    %dma_wait3A_95 = tpu.memref_slice %arg10[%dma_wait3A_93, %dma_wait3A_94] : memref<10112x32xf32, #tpu.memory_space<vmem_shared>> -> memref<10112x32xf32, #tpu.memory_space<vmem_shared>>
    %dma_wait3A_96 = tpu.memref_slice %arg12[%dma_wait3A_84, %dma_wait3A_85] : memref<3x3x!tpu.dma_semaphore, #tpu.memory_space<semaphore_mem>> -> memref<1x1x!tpu.dma_semaphore, #tpu.memory_space<semaphore_mem>>
    %dma_wait3A_97 = tpu.memref_squeeze %dma_wait3A_96 : memref<1x1x!tpu.dma_semaphore, #tpu.memory_space<semaphore_mem>> -> memref<!tpu.dma_semaphore, #tpu.memory_space<semaphore_mem>>
    tpu.wait_indirect_dma semaphore(%dma_wait3A_97 : memref<!tpu.dma_semaphore, #tpu.memory_space<semaphore_mem>>) src(%dma_wait3A_89 : memref<128x32xf32, #tpu.memory_space<vmem>>) dst(%dma_wait3A_95 : memref<10112x32xf32, #tpu.memory_space<vmem_shared>>)
    %dma_wait3A_98 = arith.constant 0 : i32
    %dma_wait3A_99 = arith.constant 2 : i32
    %dma_wait3A_100 = arith.constant 74 : i32
    %dma_wait3A_101 = arith.constant 0 : i32
    %dma_wait3A_102 = arith.constant 2 : i32
    %dma_wait3A_103 = arith.constant 0 : i32
    %dma_wait3A_104 = arith.constant 0 : i32
    %dma_wait3A_105 = tpu.memref_slice %arg8[%dma_wait3A_98, %dma_wait3A_99, %dma_wait3A_103, %dma_wait3A_104] : memref<3x3x128x32xf32, #tpu.memory_space<vmem>> -> memref<1x1x128x32xf32, #tpu.memory_space<vmem>>
    %dma_wait3A_106 = tpu.memref_squeeze %dma_wait3A_105 : memref<1x1x128x32xf32, #tpu.memory_space<vmem>> -> memref<128x32xf32, #tpu.memory_space<vmem>>
    %dma_wait3A_107 = arith.constant 0 : i32
    %dma_wait3A_108 = tpu.memref_slice %arg7[%dma_wait3A_100, %dma_wait3A_107] : memref<79x128xi32, #tpu.memory_space<vmem>> -> memref<1x128xi32, #tpu.memory_space<vmem>>
    %dma_wait3A_109 = tpu.memref_squeeze %dma_wait3A_108 : memref<1x128xi32, #tpu.memory_space<vmem>> -> memref<128xi32, #tpu.memory_space<vmem>>
    %dma_wait3A_110 = arith.constant 0 : i32
    %dma_wait3A_111 = arith.constant 0 : i32
    %dma_wait3A_112 = tpu.memref_slice %arg10[%dma_wait3A_110, %dma_wait3A_111] : memref<10112x32xf32, #tpu.memory_space<vmem_shared>> -> memref<10112x32xf32, #tpu.memory_space<vmem_shared>>
    %dma_wait3A_113 = tpu.memref_slice %arg12[%dma_wait3A_101, %dma_wait3A_102] : memref<3x3x!tpu.dma_semaphore, #tpu.memory_space<semaphore_mem>> -> memref<1x1x!tpu.dma_semaphore, #tpu.memory_space<semaphore_mem>>
    %dma_wait3A_114 = tpu.memref_squeeze %dma_wait3A_113 : memref<1x1x!tpu.dma_semaphore, #tpu.memory_space<semaphore_mem>> -> memref<!tpu.dma_semaphore, #tpu.memory_space<semaphore_mem>>
    tpu.wait_indirect_dma semaphore(%dma_wait3A_114 : memref<!tpu.dma_semaphore, #tpu.memory_space<semaphore_mem>>) src(%dma_wait3A_106 : memref<128x32xf32, #tpu.memory_space<vmem>>) dst(%dma_wait3A_112 : memref<10112x32xf32, #tpu.memory_space<vmem_shared>>)
    %dma_wait3A_115 = arith.constant 1 : i32
    %dma_wait3A_116 = arith.constant 0 : i32
    %dma_wait3A_117 = arith.constant 75 : i32
    %dma_wait3A_118 = arith.constant 1 : i32
    %dma_wait3A_119 = arith.constant 0 : i32
    %dma_wait3A_120 = arith.constant 0 : i32
    %dma_wait3A_121 = arith.constant 0 : i32
    %dma_wait3A_122 = tpu.memref_slice %arg8[%dma_wait3A_115, %dma_wait3A_116, %dma_wait3A_120, %dma_wait3A_121] : memref<3x3x128x32xf32, #tpu.memory_space<vmem>> -> memref<1x1x128x32xf32, #tpu.memory_space<vmem>>
    %dma_wait3A_123 = tpu.memref_squeeze %dma_wait3A_122 : memref<1x1x128x32xf32, #tpu.memory_space<vmem>> -> memref<128x32xf32, #tpu.memory_space<vmem>>
    %dma_wait3A_124 = arith.constant 0 : i32
    %dma_wait3A_125 = tpu.memref_slice %arg7[%dma_wait3A_117, %dma_wait3A_124] : memref<79x128xi32, #tpu.memory_space<vmem>> -> memref<1x128xi32, #tpu.memory_space<vmem>>
    %dma_wait3A_126 = tpu.memref_squeeze %dma_wait3A_125 : memref<1x128xi32, #tpu.memory_space<vmem>> -> memref<128xi32, #tpu.memory_space<vmem>>
    %dma_wait3A_127 = arith.constant 0 : i32
    %dma_wait3A_128 = arith.constant 0 : i32
    %dma_wait3A_129 = tpu.memref_slice %arg10[%dma_wait3A_127, %dma_wait3A_128] : memref<10112x32xf32, #tpu.memory_space<vmem_shared>> -> memref<10112x32xf32, #tpu.memory_space<vmem_shared>>
    %dma_wait3A_130 = tpu.memref_slice %arg12[%dma_wait3A_118, %dma_wait3A_119] : memref<3x3x!tpu.dma_semaphore, #tpu.memory_space<semaphore_mem>> -> memref<1x1x!tpu.dma_semaphore, #tpu.memory_space<semaphore_mem>>
    %dma_wait3A_131 = tpu.memref_squeeze %dma_wait3A_130 : memref<1x1x!tpu.dma_semaphore, #tpu.memory_space<semaphore_mem>> -> memref<!tpu.dma_semaphore, #tpu.memory_space<semaphore_mem>>
    tpu.wait_indirect_dma semaphore(%dma_wait3A_131 : memref<!tpu.dma_semaphore, #tpu.memory_space<semaphore_mem>>) src(%dma_wait3A_123 : memref<128x32xf32, #tpu.memory_space<vmem>>) dst(%dma_wait3A_129 : memref<10112x32xf32, #tpu.memory_space<vmem_shared>>)
    %dma_wait3A_132 = arith.constant 1 : i32
    %dma_wait3A_133 = arith.constant 1 : i32
    %dma_wait3A_134 = arith.constant 76 : i32
    %dma_wait3A_135 = arith.constant 1 : i32
    %dma_wait3A_136 = arith.constant 1 : i32
    %dma_wait3A_137 = arith.constant 0 : i32
    %dma_wait3A_138 = arith.constant 0 : i32
    %dma_wait3A_139 = tpu.memref_slice %arg8[%dma_wait3A_132, %dma_wait3A_133, %dma_wait3A_137, %dma_wait3A_138] : memref<3x3x128x32xf32, #tpu.memory_space<vmem>> -> memref<1x1x128x32xf32, #tpu.memory_space<vmem>>
    %dma_wait3A_140 = tpu.memref_squeeze %dma_wait3A_139 : memref<1x1x128x32xf32, #tpu.memory_space<vmem>> -> memref<128x32xf32, #tpu.memory_space<vmem>>
    %dma_wait3A_141 = arith.constant 0 : i32
    %dma_wait3A_142 = tpu.memref_slice %arg7[%dma_wait3A_134, %dma_wait3A_141] : memref<79x128xi32, #tpu.memory_space<vmem>> -> memref<1x128xi32, #tpu.memory_space<vmem>>
    %dma_wait3A_143 = tpu.memref_squeeze %dma_wait3A_142 : memref<1x128xi32, #tpu.memory_space<vmem>> -> memref<128xi32, #tpu.memory_space<vmem>>
    %dma_wait3A_144 = arith.constant 0 : i32
    %dma_wait3A_145 = arith.constant 0 : i32
    %dma_wait3A_146 = tpu.memref_slice %arg10[%dma_wait3A_144, %dma_wait3A_145] : memref<10112x32xf32, #tpu.memory_space<vmem_shared>> -> memref<10112x32xf32, #tpu.memory_space<vmem_shared>>
    %dma_wait3A_147 = tpu.memref_slice %arg12[%dma_wait3A_135, %dma_wait3A_136] : memref<3x3x!tpu.dma_semaphore, #tpu.memory_space<semaphore_mem>> -> memref<1x1x!tpu.dma_semaphore, #tpu.memory_space<semaphore_mem>>
    %dma_wait3A_148 = tpu.memref_squeeze %dma_wait3A_147 : memref<1x1x!tpu.dma_semaphore, #tpu.memory_space<semaphore_mem>> -> memref<!tpu.dma_semaphore, #tpu.memory_space<semaphore_mem>>
    tpu.wait_indirect_dma semaphore(%dma_wait3A_148 : memref<!tpu.dma_semaphore, #tpu.memory_space<semaphore_mem>>) src(%dma_wait3A_140 : memref<128x32xf32, #tpu.memory_space<vmem>>) dst(%dma_wait3A_146 : memref<10112x32xf32, #tpu.memory_space<vmem_shared>>)
    %dma_wait3A_149 = arith.constant 1 : i32
    %dma_wait3A_150 = arith.constant 2 : i32
    %dma_wait3A_151 = arith.constant 77 : i32
    %dma_wait3A_152 = arith.constant 1 : i32
    %dma_wait3A_153 = arith.constant 2 : i32
    %dma_wait3A_154 = arith.constant 0 : i32
    %dma_wait3A_155 = arith.constant 0 : i32
    %dma_wait3A_156 = tpu.memref_slice %arg8[%dma_wait3A_149, %dma_wait3A_150, %dma_wait3A_154, %dma_wait3A_155] : memref<3x3x128x32xf32, #tpu.memory_space<vmem>> -> memref<1x1x128x32xf32, #tpu.memory_space<vmem>>
    %dma_wait3A_157 = tpu.memref_squeeze %dma_wait3A_156 : memref<1x1x128x32xf32, #tpu.memory_space<vmem>> -> memref<128x32xf32, #tpu.memory_space<vmem>>
    %dma_wait3A_158 = arith.constant 0 : i32
    %dma_wait3A_159 = tpu.memref_slice %arg7[%dma_wait3A_151, %dma_wait3A_158] : memref<79x128xi32, #tpu.memory_space<vmem>> -> memref<1x128xi32, #tpu.memory_space<vmem>>
    %dma_wait3A_160 = tpu.memref_squeeze %dma_wait3A_159 : memref<1x128xi32, #tpu.memory_space<vmem>> -> memref<128xi32, #tpu.memory_space<vmem>>
    %dma_wait3A_161 = arith.constant 0 : i32
    %dma_wait3A_162 = arith.constant 0 : i32
    %dma_wait3A_163 = tpu.memref_slice %arg10[%dma_wait3A_161, %dma_wait3A_162] : memref<10112x32xf32, #tpu.memory_space<vmem_shared>> -> memref<10112x32xf32, #tpu.memory_space<vmem_shared>>
    %dma_wait3A_164 = tpu.memref_slice %arg12[%dma_wait3A_152, %dma_wait3A_153] : memref<3x3x!tpu.dma_semaphore, #tpu.memory_space<semaphore_mem>> -> memref<1x1x!tpu.dma_semaphore, #tpu.memory_space<semaphore_mem>>
    %dma_wait3A_165 = tpu.memref_squeeze %dma_wait3A_164 : memref<1x1x!tpu.dma_semaphore, #tpu.memory_space<semaphore_mem>> -> memref<!tpu.dma_semaphore, #tpu.memory_space<semaphore_mem>>
    tpu.wait_indirect_dma semaphore(%dma_wait3A_165 : memref<!tpu.dma_semaphore, #tpu.memory_space<semaphore_mem>>) src(%dma_wait3A_157 : memref<128x32xf32, #tpu.memory_space<vmem>>) dst(%dma_wait3A_163 : memref<10112x32xf32, #tpu.memory_space<vmem_shared>>)
    %lt3A_166 = arith.constant 4 : i32
    %lt3A_167 = arith.cmpi slt, %add3A, %lt3A_166 : i32
    %convert_element_type3A_168 = arith.extui %lt3A_167 : i1 to i32
    %cond3A_169 = arith.constant 0 : i32
    %cond3A_170 = arith.cmpi ne, %convert_element_type3A_168, %cond3A_169 : i32
    scf.if %cond3A_170 {
      %run_scoped3A_172 = arith.constant 78 : i32
      %run_scoped3A_173 = arith.constant 0 : i32
      %run_scoped3A_174 = arith.constant 0 : i32
      "tpu.region"() ({
        %run_scoped3A_178 = tpu.sem_alloc : memref<!tpu.dma_semaphore, #tpu.memory_space<semaphore_mem>>
        %dma_start3A_179 = arith.constant 0 : i32
        %dma_start3A_180 = arith.constant 0 : i32
        %dma_start3A_181 = tpu.memref_slice %arg8[%run_scoped3A_173, %run_scoped3A_174, %dma_start3A_179, %dma_start3A_180] : memref<3x3x128x32xf32, #tpu.memory_space<vmem>> -> memref<1x1x128x32xf32, #tpu.memory_space<vmem>>
        %dma_start3A_182 = tpu.memref_squeeze %dma_start3A_181 : memref<1x1x128x32xf32, #tpu.memory_space<vmem>> -> memref<128x32xf32, #tpu.memory_space<vmem>>
        %dma_start3A_183 = arith.constant 0 : i32
        %dma_start3A_184 = tpu.memref_slice %arg6[%run_scoped3A_172, %dma_start3A_183] : memref<79x128xi32, #tpu.memory_space<vmem>> -> memref<1x128xi32, #tpu.memory_space<vmem>>
        %dma_start3A_185 = tpu.memref_squeeze %dma_start3A_184 : memref<1x128xi32, #tpu.memory_space<vmem>> -> memref<128xi32, #tpu.memory_space<vmem>>
        %dma_start3A_186 = arith.constant 0 : i32
        %dma_start3A_187 = arith.constant 0 : i32
        %dma_start3A_188 = tpu.memref_slice %arg9[%dma_start3A_186, %dma_start3A_187] : memref<10112x32xf32, #tpu.memory_space<vmem_shared>> -> memref<10112x32xf32, #tpu.memory_space<vmem_shared>>
        tpu.enqueue_indirect_dma source(%dma_start3A_188 : memref<10112x32xf32, #tpu.memory_space<vmem_shared>>) target(%dma_start3A_182 : memref<128x32xf32, #tpu.memory_space<vmem>>) offsets(%dma_start3A_185 : memref<128xi32, #tpu.memory_space<vmem>>) semaphore(%run_scoped3A_178 : memref<!tpu.dma_semaphore, #tpu.memory_space<semaphore_mem>>)
        %dma_wait3A_189 = arith.constant 0 : i32
        %dma_wait3A_190 = arith.constant 0 : i32
        %dma_wait3A_191 = tpu.memref_slice %arg8[%run_scoped3A_173, %run_scoped3A_174, %dma_wait3A_189, %dma_wait3A_190] : memref<3x3x128x32xf32, #tpu.memory_space<vmem>> -> memref<1x1x128x32xf32, #tpu.memory_space<vmem>>
        %dma_wait3A_192 = tpu.memref_squeeze %dma_wait3A_191 : memref<1x1x128x32xf32, #tpu.memory_space<vmem>> -> memref<128x32xf32, #tpu.memory_space<vmem>>
        %dma_wait3A_193 = arith.constant 0 : i32
        %dma_wait3A_194 = tpu.memref_slice %arg6[%run_scoped3A_172, %dma_wait3A_193] : memref<79x128xi32, #tpu.memory_space<vmem>> -> memref<1x128xi32, #tpu.memory_space<vmem>>
        %dma_wait3A_195 = tpu.memref_squeeze %dma_wait3A_194 : memref<1x128xi32, #tpu.memory_space<vmem>> -> memref<128xi32, #tpu.memory_space<vmem>>
        %dma_wait3A_196 = arith.constant 0 : i32
        %dma_wait3A_197 = arith.constant 0 : i32
        %dma_wait3A_198 = tpu.memref_slice %arg9[%dma_wait3A_196, %dma_wait3A_197] : memref<10112x32xf32, #tpu.memory_space<vmem_shared>> -> memref<10112x32xf32, #tpu.memory_space<vmem_shared>>
        tpu.wait_indirect_dma semaphore(%run_scoped3A_178 : memref<!tpu.dma_semaphore, #tpu.memory_space<semaphore_mem>>) src(%dma_wait3A_198 : memref<10112x32xf32, #tpu.memory_space<vmem_shared>>) dst(%dma_wait3A_192 : memref<128x32xf32, #tpu.memory_space<vmem>>)
        tpu.yield
      }) : () -> ()
      %run_scoped3A_175 = arith.constant 0 : i32
      %run_scoped3A_176 = arith.constant 0 : i32
      %run_scoped3A_177 = arith.constant 78 : i32
      "tpu.region"() ({
        %run_scoped3A_178 = tpu.sem_alloc : memref<!tpu.dma_semaphore, #tpu.memory_space<semaphore_mem>>
        %dma_start3A_179 = arith.constant 0 : i32
        %dma_start3A_180 = arith.constant 0 : i32
        %dma_start3A_181 = tpu.memref_slice %arg8[%run_scoped3A_175, %run_scoped3A_176, %dma_start3A_179, %dma_start3A_180] : memref<3x3x128x32xf32, #tpu.memory_space<vmem>> -> memref<1x1x128x32xf32, #tpu.memory_space<vmem>>
        %dma_start3A_182 = tpu.memref_squeeze %dma_start3A_181 : memref<1x1x128x32xf32, #tpu.memory_space<vmem>> -> memref<128x32xf32, #tpu.memory_space<vmem>>
        %dma_start3A_183 = arith.constant 0 : i32
        %dma_start3A_184 = tpu.memref_slice %arg7[%run_scoped3A_177, %dma_start3A_183] : memref<79x128xi32, #tpu.memory_space<vmem>> -> memref<1x128xi32, #tpu.memory_space<vmem>>
        %dma_start3A_185 = tpu.memref_squeeze %dma_start3A_184 : memref<1x128xi32, #tpu.memory_space<vmem>> -> memref<128xi32, #tpu.memory_space<vmem>>
        %dma_start3A_186 = arith.constant 0 : i32
        %dma_start3A_187 = arith.constant 0 : i32
        %dma_start3A_188 = tpu.memref_slice %arg10[%dma_start3A_186, %dma_start3A_187] : memref<10112x32xf32, #tpu.memory_space<vmem_shared>> -> memref<10112x32xf32, #tpu.memory_space<vmem_shared>>
        tpu.enqueue_indirect_dma source(%dma_start3A_182 : memref<128x32xf32, #tpu.memory_space<vmem>>) target(%dma_start3A_188 : memref<10112x32xf32, #tpu.memory_space<vmem_shared>>) offsets(%dma_start3A_185 : memref<128xi32, #tpu.memory_space<vmem>>) semaphore(%run_scoped3A_178 : memref<!tpu.dma_semaphore, #tpu.memory_space<semaphore_mem>>) {add = true}
        %dma_wait3A_189 = arith.constant 0 : i32
        %dma_wait3A_190 = arith.constant 0 : i32
        %dma_wait3A_191 = tpu.memref_slice %arg8[%run_scoped3A_175, %run_scoped3A_176, %dma_wait3A_189, %dma_wait3A_190] : memref<3x3x128x32xf32, #tpu.memory_space<vmem>> -> memref<1x1x128x32xf32, #tpu.memory_space<vmem>>
        %dma_wait3A_192 = tpu.memref_squeeze %dma_wait3A_191 : memref<1x1x128x32xf32, #tpu.memory_space<vmem>> -> memref<128x32xf32, #tpu.memory_space<vmem>>
        %dma_wait3A_193 = arith.constant 0 : i32
        %dma_wait3A_194 = tpu.memref_slice %arg7[%run_scoped3A_177, %dma_wait3A_193] : memref<79x128xi32, #tpu.memory_space<vmem>> -> memref<1x128xi32, #tpu.memory_space<vmem>>
        %dma_wait3A_195 = tpu.memref_squeeze %dma_wait3A_194 : memref<1x128xi32, #tpu.memory_space<vmem>> -> memref<128xi32, #tpu.memory_space<vmem>>
        %dma_wait3A_196 = arith.constant 0 : i32
        %dma_wait3A_197 = arith.constant 0 : i32
        %dma_wait3A_198 = tpu.memref_slice %arg10[%dma_wait3A_196, %dma_wait3A_197] : memref<10112x32xf32, #tpu.memory_space<vmem_shared>> -> memref<10112x32xf32, #tpu.memory_space<vmem_shared>>
        tpu.wait_indirect_dma semaphore(%run_scoped3A_178 : memref<!tpu.dma_semaphore, #tpu.memory_space<semaphore_mem>>) src(%dma_wait3A_192 : memref<128x32xf32, #tpu.memory_space<vmem>>) dst(%dma_wait3A_198 : memref<10112x32xf32, #tpu.memory_space<vmem_shared>>)
        tpu.yield
      }) : () -> ()
    } else {
    }
    %barrier3A_171 = arith.constant 0 : index
    tpu.barrier barrier_id(%barrier3A_171)
    "tpu.region"() ({
      %run_scoped3A_172 = tpu.sem_alloc : memref<!tpu.dma_semaphore, #tpu.memory_space<semaphore_mem>>
      %dma_start3A_173 = arith.constant 0 : i32
      %dma_start3A_174 = tpu.memref_slice %arg5[%arg0, %mul3A_2, %dma_start3A_173] : memref<2x10112x32xf32, #tpu.memory_space<hbm>> -> memref<1x632x32xf32, #tpu.memory_space<hbm>>
      %dma_start3A_175 = tpu.memref_squeeze %dma_start3A_174 : memref<1x632x32xf32, #tpu.memory_space<hbm>> -> memref<632x32xf32, #tpu.memory_space<hbm>>
      %dma_start3A_176 = arith.constant 0 : i32
      %dma_start3A_177 = tpu.memref_slice %arg10[%mul3A_2, %dma_start3A_176] : memref<10112x32xf32, #tpu.memory_space<vmem_shared>> -> memref<632x32xf32, #tpu.memory_space<vmem_shared>>
      tpu.enqueue_dma source(%dma_start3A_177 : memref<632x32xf32, #tpu.memory_space<vmem_shared>>) target(%dma_start3A_175 : memref<632x32xf32, #tpu.memory_space<hbm>>) target_semaphore(%run_scoped3A_172 : memref<!tpu.dma_semaphore, #tpu.memory_space<semaphore_mem>>)
      %dma_wait3A_178 = arith.constant 0 : i32
      %dma_wait3A_179 = tpu.memref_slice %arg5[%arg0, %mul3A_2, %dma_wait3A_178] : memref<2x10112x32xf32, #tpu.memory_space<hbm>> -> memref<1x632x32xf32, #tpu.memory_space<hbm>>
      %dma_wait3A_180 = tpu.memref_squeeze %dma_wait3A_179 : memref<1x632x32xf32, #tpu.memory_space<hbm>> -> memref<632x32xf32, #tpu.memory_space<hbm>>
      %dma_wait3A_181 = arith.constant 0 : i32
      %dma_wait3A_182 = tpu.memref_slice %arg10[%mul3A_2, %dma_wait3A_181] : memref<10112x32xf32, #tpu.memory_space<vmem_shared>> -> memref<632x32xf32, #tpu.memory_space<vmem_shared>>
      tpu.wait_dma2 semaphore(%run_scoped3A_172 : memref<!tpu.dma_semaphore, #tpu.memory_space<semaphore_mem>>) src(%dma_wait3A_182 : memref<632x32xf32, #tpu.memory_space<vmem_shared>>) dst(%dma_wait3A_180 : memref<632x32xf32, #tpu.memory_space<hbm>>)
      tpu.yield
    }) : () -> ()
    return
  }
}

#map = affine_map<(d0, d1) -> (0, 0)>
#map1 = affine_map<(d0, d1) -> (0, 0, 0)>
module attributes {stable_mosaic.version = 14 : i64} {
  func.func @_l1_body(%arg0: i32, %arg1: i32, %arg2: memref<10112x32xf32, #tpu.memory_space<hbm>>, %arg3: memref<10112x32xf32, #tpu.memory_space<hbm>>, %arg4: memref<2500x2x128xi32, #tpu.memory_space<hbm>>, %arg5: memref<10112x32xf32, #tpu.memory_space<hbm>>, %arg6: memref<2x10112x32xf32, #tpu.memory_space<hbm>>, %arg7: memref<2x10112x32xf32, #tpu.memory_space<hbm>>, %arg8: memref<79x128xi32, #tpu.memory_space<vmem>>, %arg9: memref<79x128xi32, #tpu.memory_space<vmem>>, %arg10: memref<3x3x128x32xf32, #tpu.memory_space<vmem>>, %arg11: memref<10112x32xf32, #tpu.memory_space<vmem_shared>>, %arg12: memref<10112x32xf32, #tpu.memory_space<vmem_shared>>, %arg13: memref<10112x32xf32, #tpu.memory_space<vmem_shared>>, %arg14: memref<3x3x!tpu.dma_semaphore, #tpu.memory_space<semaphore_mem>>, %arg15: memref<3x3x!tpu.dma_semaphore, #tpu.memory_space<semaphore_mem>>) attributes {dimension_semantics = [#tpu.dimension_semantics<core_parallel>, #tpu.dimension_semantics<subcore_parallel>], iteration_bounds = array<i64: 2, 16>, scalar_prefetch = 0 : i64, scratch_operands = 8 : i64, tpu.core_type = #tpu.core_type<sc_vector_subcore>, window_params = [{transform_indices = #map}, {transform_indices = #map}, {transform_indices = #map1}, {transform_indices = #map}, {transform_indices = #map1}, {transform_indices = #map1}]} {
    %mul3A = arith.constant 16 : i32
    %mul3A_0 = arith.muli %arg0, %mul3A : i32
    %add3A = arith.addi %mul3A_0, %arg1 : i32
    %mul3A_1 = arith.constant 632 : i32
    %mul3A_2 = arith.muli %arg1, %mul3A_1 : i32
    "tpu.region"() ({
      %run_scoped3A_338 = tpu.sem_alloc : memref<!tpu.dma_semaphore, #tpu.memory_space<semaphore_mem>>
      %dma_start3A_339 = arith.constant 0 : i32
      %dma_start3A_340 = tpu.memref_slice %arg11[%mul3A_2, %dma_start3A_339] : memref<10112x32xf32, #tpu.memory_space<vmem_shared>> -> memref<632x32xf32, #tpu.memory_space<vmem_shared>>
      %dma_start3A_341 = arith.constant 0 : i32
      %dma_start3A_342 = tpu.memref_slice %arg2[%mul3A_2, %dma_start3A_341] : memref<10112x32xf32, #tpu.memory_space<hbm>> -> memref<632x32xf32, #tpu.memory_space<hbm>>
      tpu.enqueue_dma source(%dma_start3A_342 : memref<632x32xf32, #tpu.memory_space<hbm>>) target(%dma_start3A_340 : memref<632x32xf32, #tpu.memory_space<vmem_shared>>) target_semaphore(%run_scoped3A_338 : memref<!tpu.dma_semaphore, #tpu.memory_space<semaphore_mem>>)
      %dma_wait3A_343 = arith.constant 0 : i32
      %dma_wait3A_344 = tpu.memref_slice %arg11[%mul3A_2, %dma_wait3A_343] : memref<10112x32xf32, #tpu.memory_space<vmem_shared>> -> memref<632x32xf32, #tpu.memory_space<vmem_shared>>
      %dma_wait3A_345 = arith.constant 0 : i32
      %dma_wait3A_346 = tpu.memref_slice %arg2[%mul3A_2, %dma_wait3A_345] : memref<10112x32xf32, #tpu.memory_space<hbm>> -> memref<632x32xf32, #tpu.memory_space<hbm>>
      tpu.wait_dma2 semaphore(%run_scoped3A_338 : memref<!tpu.dma_semaphore, #tpu.memory_space<semaphore_mem>>) src(%dma_wait3A_346 : memref<632x32xf32, #tpu.memory_space<hbm>>) dst(%dma_wait3A_344 : memref<632x32xf32, #tpu.memory_space<vmem_shared>>)
      tpu.yield
    }) : () -> ()
    "tpu.region"() ({
      %run_scoped3A_338 = tpu.sem_alloc : memref<!tpu.dma_semaphore, #tpu.memory_space<semaphore_mem>>
      %dma_start3A_339 = arith.constant 0 : i32
      %dma_start3A_340 = tpu.memref_slice %arg12[%mul3A_2, %dma_start3A_339] : memref<10112x32xf32, #tpu.memory_space<vmem_shared>> -> memref<632x32xf32, #tpu.memory_space<vmem_shared>>
      %dma_start3A_341 = arith.constant 0 : i32
      %dma_start3A_342 = tpu.memref_slice %arg3[%mul3A_2, %dma_start3A_341] : memref<10112x32xf32, #tpu.memory_space<hbm>> -> memref<632x32xf32, #tpu.memory_space<hbm>>
      tpu.enqueue_dma source(%dma_start3A_342 : memref<632x32xf32, #tpu.memory_space<hbm>>) target(%dma_start3A_340 : memref<632x32xf32, #tpu.memory_space<vmem_shared>>) target_semaphore(%run_scoped3A_338 : memref<!tpu.dma_semaphore, #tpu.memory_space<semaphore_mem>>)
      %dma_wait3A_343 = arith.constant 0 : i32
      %dma_wait3A_344 = tpu.memref_slice %arg12[%mul3A_2, %dma_wait3A_343] : memref<10112x32xf32, #tpu.memory_space<vmem_shared>> -> memref<632x32xf32, #tpu.memory_space<vmem_shared>>
      %dma_wait3A_345 = arith.constant 0 : i32
      %dma_wait3A_346 = tpu.memref_slice %arg3[%mul3A_2, %dma_wait3A_345] : memref<10112x32xf32, #tpu.memory_space<hbm>> -> memref<632x32xf32, #tpu.memory_space<hbm>>
      tpu.wait_dma2 semaphore(%run_scoped3A_338 : memref<!tpu.dma_semaphore, #tpu.memory_space<semaphore_mem>>) src(%dma_wait3A_346 : memref<632x32xf32, #tpu.memory_space<hbm>>) dst(%dma_wait3A_344 : memref<632x32xf32, #tpu.memory_space<vmem_shared>>)
      tpu.yield
    }) : () -> ()
    "tpu.region"() ({
      %run_scoped3A_338 = tpu.sem_alloc : memref<!tpu.dma_semaphore, #tpu.memory_space<semaphore_mem>>
      %dma_start3A_339 = arith.constant 0 : i32
      %dma_start3A_340 = tpu.memref_slice %arg13[%mul3A_2, %dma_start3A_339] : memref<10112x32xf32, #tpu.memory_space<vmem_shared>> -> memref<632x32xf32, #tpu.memory_space<vmem_shared>>
      %dma_start3A_341 = arith.constant 0 : i32
      %dma_start3A_342 = tpu.memref_slice %arg5[%mul3A_2, %dma_start3A_341] : memref<10112x32xf32, #tpu.memory_space<hbm>> -> memref<632x32xf32, #tpu.memory_space<hbm>>
      tpu.enqueue_dma source(%dma_start3A_342 : memref<632x32xf32, #tpu.memory_space<hbm>>) target(%dma_start3A_340 : memref<632x32xf32, #tpu.memory_space<vmem_shared>>) target_semaphore(%run_scoped3A_338 : memref<!tpu.dma_semaphore, #tpu.memory_space<semaphore_mem>>)
      %dma_wait3A_343 = arith.constant 0 : i32
      %dma_wait3A_344 = tpu.memref_slice %arg13[%mul3A_2, %dma_wait3A_343] : memref<10112x32xf32, #tpu.memory_space<vmem_shared>> -> memref<632x32xf32, #tpu.memory_space<vmem_shared>>
      %dma_wait3A_345 = arith.constant 0 : i32
      %dma_wait3A_346 = tpu.memref_slice %arg5[%mul3A_2, %dma_wait3A_345] : memref<10112x32xf32, #tpu.memory_space<hbm>> -> memref<632x32xf32, #tpu.memory_space<hbm>>
      tpu.wait_dma2 semaphore(%run_scoped3A_338 : memref<!tpu.dma_semaphore, #tpu.memory_space<semaphore_mem>>) src(%dma_wait3A_346 : memref<632x32xf32, #tpu.memory_space<hbm>>) dst(%dma_wait3A_344 : memref<632x32xf32, #tpu.memory_space<vmem_shared>>)
      tpu.yield
    }) : () -> ()
    %mul3A_3 = arith.constant 78 : i32
    %mul3A_4 = arith.muli %mul3A_3, %add3A : i32
    %run_scoped3A = arith.constant 0 : i32
    "tpu.region"() ({
      %run_scoped3A_338 = tpu.sem_alloc : memref<!tpu.dma_semaphore, #tpu.memory_space<semaphore_mem>>
      %dma_start3A_339 = arith.constant 0 : i32
      %dma_start3A_340 = arith.constant 0 : i32
      %dma_start3A_341 = tpu.memref_slice %arg8[%dma_start3A_339, %dma_start3A_340] : memref<79x128xi32, #tpu.memory_space<vmem>> -> memref<78x128xi32, #tpu.memory_space<vmem>>
      %dma_start3A_342 = arith.constant 0 : i32
      %dma_start3A_343 = tpu.memref_slice %arg4[%mul3A_4, %run_scoped3A, %dma_start3A_342] : memref<2500x2x128xi32, #tpu.memory_space<hbm>> -> memref<78x1x128xi32, #tpu.memory_space<hbm>>
      %dma_start3A_344 = tpu.memref_squeeze %dma_start3A_343 : memref<78x1x128xi32, #tpu.memory_space<hbm>> -> memref<78x128xi32, #tpu.memory_space<hbm>>
      %dma_start3A_345 = arith.constant 0 : i32
      %dma_start3A_346 = arith.constant 0 : i32
      %dma_start3A_347 = tpu.memref_slice %arg8[%dma_start3A_345, %dma_start3A_346] : memref<79x128xi32, #tpu.memory_space<vmem>> -> memref<78x128xi32, #tpu.memory_space<vmem>>
      %dma_start3A_348 = arith.constant 0 : i32
      %dma_start3A_349 = tpu.memref_slice %arg4[%mul3A_4, %run_scoped3A, %dma_start3A_348] : memref<2500x2x128xi32, #tpu.memory_space<hbm>> -> memref<78x1x128xi32, #tpu.memory_space<hbm>>
      %dma_start3A_350 = tpu.memref_squeeze %dma_start3A_349 : memref<78x1x128xi32, #tpu.memory_space<hbm>> -> memref<78x128xi32, #tpu.memory_space<hbm>>
      tpu.enqueue_dma source(%dma_start3A_350 : memref<78x128xi32, #tpu.memory_space<hbm>>) target(%dma_start3A_347 : memref<78x128xi32, #tpu.memory_space<vmem>>) target_semaphore(%run_scoped3A_338 : memref<!tpu.dma_semaphore, #tpu.memory_space<semaphore_mem>>)
      %dma_wait3A_351 = arith.constant 0 : i32
      %dma_wait3A_352 = arith.constant 0 : i32
      %dma_wait3A_353 = tpu.memref_slice %arg8[%dma_wait3A_351, %dma_wait3A_352] : memref<79x128xi32, #tpu.memory_space<vmem>> -> memref<78x128xi32, #tpu.memory_space<vmem>>
      %dma_wait3A_354 = arith.constant 0 : i32
      %dma_wait3A_355 = tpu.memref_slice %arg4[%mul3A_4, %run_scoped3A, %dma_wait3A_354] : memref<2500x2x128xi32, #tpu.memory_space<hbm>> -> memref<78x1x128xi32, #tpu.memory_space<hbm>>
      %dma_wait3A_356 = tpu.memref_squeeze %dma_wait3A_355 : memref<78x1x128xi32, #tpu.memory_space<hbm>> -> memref<78x128xi32, #tpu.memory_space<hbm>>
      %dma_wait3A_357 = arith.constant 0 : i32
      %dma_wait3A_358 = arith.constant 0 : i32
      %dma_wait3A_359 = tpu.memref_slice %arg8[%dma_wait3A_357, %dma_wait3A_358] : memref<79x128xi32, #tpu.memory_space<vmem>> -> memref<78x128xi32, #tpu.memory_space<vmem>>
      %dma_wait3A_360 = arith.constant 0 : i32
      %dma_wait3A_361 = tpu.memref_slice %arg4[%mul3A_4, %run_scoped3A, %dma_wait3A_360] : memref<2500x2x128xi32, #tpu.memory_space<hbm>> -> memref<78x1x128xi32, #tpu.memory_space<hbm>>
      %dma_wait3A_362 = tpu.memref_squeeze %dma_wait3A_361 : memref<78x1x128xi32, #tpu.memory_space<hbm>> -> memref<78x128xi32, #tpu.memory_space<hbm>>
      tpu.wait_dma2 semaphore(%run_scoped3A_338 : memref<!tpu.dma_semaphore, #tpu.memory_space<semaphore_mem>>) src(%dma_wait3A_362 : memref<78x128xi32, #tpu.memory_space<hbm>>) dst(%dma_wait3A_359 : memref<78x128xi32, #tpu.memory_space<vmem>>)
      tpu.yield
    }) : () -> ()
    %mul3A_5 = arith.constant 78 : i32
    %mul3A_6 = arith.muli %mul3A_5, %add3A : i32
    %run_scoped3A_7 = arith.constant 1 : i32
    "tpu.region"() ({
      %run_scoped3A_338 = tpu.sem_alloc : memref<!tpu.dma_semaphore, #tpu.memory_space<semaphore_mem>>
      %dma_start3A_339 = arith.constant 0 : i32
      %dma_start3A_340 = arith.constant 0 : i32
      %dma_start3A_341 = tpu.memref_slice %arg9[%dma_start3A_339, %dma_start3A_340] : memref<79x128xi32, #tpu.memory_space<vmem>> -> memref<78x128xi32, #tpu.memory_space<vmem>>
      %dma_start3A_342 = arith.constant 0 : i32
      %dma_start3A_343 = tpu.memref_slice %arg4[%mul3A_6, %run_scoped3A_7, %dma_start3A_342] : memref<2500x2x128xi32, #tpu.memory_space<hbm>> -> memref<78x1x128xi32, #tpu.memory_space<hbm>>
      %dma_start3A_344 = tpu.memref_squeeze %dma_start3A_343 : memref<78x1x128xi32, #tpu.memory_space<hbm>> -> memref<78x128xi32, #tpu.memory_space<hbm>>
      %dma_start3A_345 = arith.constant 0 : i32
      %dma_start3A_346 = arith.constant 0 : i32
      %dma_start3A_347 = tpu.memref_slice %arg9[%dma_start3A_345, %dma_start3A_346] : memref<79x128xi32, #tpu.memory_space<vmem>> -> memref<78x128xi32, #tpu.memory_space<vmem>>
      %dma_start3A_348 = arith.constant 0 : i32
      %dma_start3A_349 = tpu.memref_slice %arg4[%mul3A_6, %run_scoped3A_7, %dma_start3A_348] : memref<2500x2x128xi32, #tpu.memory_space<hbm>> -> memref<78x1x128xi32, #tpu.memory_space<hbm>>
      %dma_start3A_350 = tpu.memref_squeeze %dma_start3A_349 : memref<78x1x128xi32, #tpu.memory_space<hbm>> -> memref<78x128xi32, #tpu.memory_space<hbm>>
      tpu.enqueue_dma source(%dma_start3A_350 : memref<78x128xi32, #tpu.memory_space<hbm>>) target(%dma_start3A_347 : memref<78x128xi32, #tpu.memory_space<vmem>>) target_semaphore(%run_scoped3A_338 : memref<!tpu.dma_semaphore, #tpu.memory_space<semaphore_mem>>)
      %dma_wait3A_351 = arith.constant 0 : i32
      %dma_wait3A_352 = arith.constant 0 : i32
      %dma_wait3A_353 = tpu.memref_slice %arg9[%dma_wait3A_351, %dma_wait3A_352] : memref<79x128xi32, #tpu.memory_space<vmem>> -> memref<78x128xi32, #tpu.memory_space<vmem>>
      %dma_wait3A_354 = arith.constant 0 : i32
      %dma_wait3A_355 = tpu.memref_slice %arg4[%mul3A_6, %run_scoped3A_7, %dma_wait3A_354] : memref<2500x2x128xi32, #tpu.memory_space<hbm>> -> memref<78x1x128xi32, #tpu.memory_space<hbm>>
      %dma_wait3A_356 = tpu.memref_squeeze %dma_wait3A_355 : memref<78x1x128xi32, #tpu.memory_space<hbm>> -> memref<78x128xi32, #tpu.memory_space<hbm>>
      %dma_wait3A_357 = arith.constant 0 : i32
      %dma_wait3A_358 = arith.constant 0 : i32
      %dma_wait3A_359 = tpu.memref_slice %arg9[%dma_wait3A_357, %dma_wait3A_358] : memref<79x128xi32, #tpu.memory_space<vmem>> -> memref<78x128xi32, #tpu.memory_space<vmem>>
      %dma_wait3A_360 = arith.constant 0 : i32
      %dma_wait3A_361 = tpu.memref_slice %arg4[%mul3A_6, %run_scoped3A_7, %dma_wait3A_360] : memref<2500x2x128xi32, #tpu.memory_space<hbm>> -> memref<78x1x128xi32, #tpu.memory_space<hbm>>
      %dma_wait3A_362 = tpu.memref_squeeze %dma_wait3A_361 : memref<78x1x128xi32, #tpu.memory_space<hbm>> -> memref<78x128xi32, #tpu.memory_space<hbm>>
      tpu.wait_dma2 semaphore(%run_scoped3A_338 : memref<!tpu.dma_semaphore, #tpu.memory_space<semaphore_mem>>) src(%dma_wait3A_362 : memref<78x128xi32, #tpu.memory_space<hbm>>) dst(%dma_wait3A_359 : memref<78x128xi32, #tpu.memory_space<vmem>>)
      tpu.yield
    }) : () -> ()
    %lt3A = arith.constant 4 : i32
    %lt3A_8 = arith.cmpi slt, %add3A, %lt3A : i32
    %convert_element_type3A = arith.extui %lt3A_8 : i1 to i32
    %cond3A = arith.constant 0 : i32
    %cond3A_9 = arith.cmpi ne, %convert_element_type3A, %cond3A : i32
    scf.if %cond3A_9 {
      %add3A_338 = arith.constant 2496 : i32
      %add3A_339 = arith.addi %add3A_338, %add3A : i32
      %run_scoped3A_340 = arith.constant 0 : i32
      %run_scoped3A_341 = arith.constant 78 : i32
      "tpu.region"() ({
        %run_scoped3A_346 = tpu.sem_alloc : memref<!tpu.dma_semaphore, #tpu.memory_space<semaphore_mem>>
        %dma_start3A_347 = arith.constant 0 : i32
        %dma_start3A_348 = tpu.memref_slice %arg8[%run_scoped3A_341, %dma_start3A_347] : memref<79x128xi32, #tpu.memory_space<vmem>> -> memref<1x128xi32, #tpu.memory_space<vmem>>
        %dma_start3A_349 = tpu.memref_squeeze %dma_start3A_348 : memref<1x128xi32, #tpu.memory_space<vmem>> -> memref<128xi32, #tpu.memory_space<vmem>>
        %dma_start3A_350 = arith.constant 0 : i32
        %dma_start3A_351 = tpu.memref_slice %arg4[%add3A_339, %run_scoped3A_340, %dma_start3A_350] : memref<2500x2x128xi32, #tpu.memory_space<hbm>> -> memref<1x1x128xi32, #tpu.memory_space<hbm>>
        %dma_start3A_352 = tpu.memref_squeeze %dma_start3A_351 : memref<1x1x128xi32, #tpu.memory_space<hbm>> -> memref<128xi32, #tpu.memory_space<hbm>>
        %dma_start3A_353 = arith.constant 0 : i32
        %dma_start3A_354 = tpu.memref_slice %arg8[%run_scoped3A_341, %dma_start3A_353] : memref<79x128xi32, #tpu.memory_space<vmem>> -> memref<1x128xi32, #tpu.memory_space<vmem>>
        %dma_start3A_355 = tpu.memref_squeeze %dma_start3A_354 : memref<1x128xi32, #tpu.memory_space<vmem>> -> memref<128xi32, #tpu.memory_space<vmem>>
        %dma_start3A_356 = arith.constant 0 : i32
        %dma_start3A_357 = tpu.memref_slice %arg4[%add3A_339, %run_scoped3A_340, %dma_start3A_356] : memref<2500x2x128xi32, #tpu.memory_space<hbm>> -> memref<1x1x128xi32, #tpu.memory_space<hbm>>
        %dma_start3A_358 = tpu.memref_squeeze %dma_start3A_357 : memref<1x1x128xi32, #tpu.memory_space<hbm>> -> memref<128xi32, #tpu.memory_space<hbm>>
        tpu.enqueue_dma source(%dma_start3A_358 : memref<128xi32, #tpu.memory_space<hbm>>) target(%dma_start3A_355 : memref<128xi32, #tpu.memory_space<vmem>>) target_semaphore(%run_scoped3A_346 : memref<!tpu.dma_semaphore, #tpu.memory_space<semaphore_mem>>)
        %dma_wait3A_359 = arith.constant 0 : i32
        %dma_wait3A_360 = tpu.memref_slice %arg8[%run_scoped3A_341, %dma_wait3A_359] : memref<79x128xi32, #tpu.memory_space<vmem>> -> memref<1x128xi32, #tpu.memory_space<vmem>>
        %dma_wait3A_361 = tpu.memref_squeeze %dma_wait3A_360 : memref<1x128xi32, #tpu.memory_space<vmem>> -> memref<128xi32, #tpu.memory_space<vmem>>
        %dma_wait3A_362 = arith.constant 0 : i32
        %dma_wait3A_363 = tpu.memref_slice %arg4[%add3A_339, %run_scoped3A_340, %dma_wait3A_362] : memref<2500x2x128xi32, #tpu.memory_space<hbm>> -> memref<1x1x128xi32, #tpu.memory_space<hbm>>
        %dma_wait3A_364 = tpu.memref_squeeze %dma_wait3A_363 : memref<1x1x128xi32, #tpu.memory_space<hbm>> -> memref<128xi32, #tpu.memory_space<hbm>>
        %dma_wait3A_365 = arith.constant 0 : i32
        %dma_wait3A_366 = tpu.memref_slice %arg8[%run_scoped3A_341, %dma_wait3A_365] : memref<79x128xi32, #tpu.memory_space<vmem>> -> memref<1x128xi32, #tpu.memory_space<vmem>>
        %dma_wait3A_367 = tpu.memref_squeeze %dma_wait3A_366 : memref<1x128xi32, #tpu.memory_space<vmem>> -> memref<128xi32, #tpu.memory_space<vmem>>
        %dma_wait3A_368 = arith.constant 0 : i32
        %dma_wait3A_369 = tpu.memref_slice %arg4[%add3A_339, %run_scoped3A_340, %dma_wait3A_368] : memref<2500x2x128xi32, #tpu.memory_space<hbm>> -> memref<1x1x128xi32, #tpu.memory_space<hbm>>
        %dma_wait3A_370 = tpu.memref_squeeze %dma_wait3A_369 : memref<1x1x128xi32, #tpu.memory_space<hbm>> -> memref<128xi32, #tpu.memory_space<hbm>>
        tpu.wait_dma2 semaphore(%run_scoped3A_346 : memref<!tpu.dma_semaphore, #tpu.memory_space<semaphore_mem>>) src(%dma_wait3A_370 : memref<128xi32, #tpu.memory_space<hbm>>) dst(%dma_wait3A_367 : memref<128xi32, #tpu.memory_space<vmem>>)
        tpu.yield
      }) : () -> ()
      %add3A_342 = arith.constant 2496 : i32
      %add3A_343 = arith.addi %add3A_342, %add3A : i32
      %run_scoped3A_344 = arith.constant 1 : i32
      %run_scoped3A_345 = arith.constant 78 : i32
      "tpu.region"() ({
        %run_scoped3A_346 = tpu.sem_alloc : memref<!tpu.dma_semaphore, #tpu.memory_space<semaphore_mem>>
        %dma_start3A_347 = arith.constant 0 : i32
        %dma_start3A_348 = tpu.memref_slice %arg9[%run_scoped3A_345, %dma_start3A_347] : memref<79x128xi32, #tpu.memory_space<vmem>> -> memref<1x128xi32, #tpu.memory_space<vmem>>
        %dma_start3A_349 = tpu.memref_squeeze %dma_start3A_348 : memref<1x128xi32, #tpu.memory_space<vmem>> -> memref<128xi32, #tpu.memory_space<vmem>>
        %dma_start3A_350 = arith.constant 0 : i32
        %dma_start3A_351 = tpu.memref_slice %arg4[%add3A_343, %run_scoped3A_344, %dma_start3A_350] : memref<2500x2x128xi32, #tpu.memory_space<hbm>> -> memref<1x1x128xi32, #tpu.memory_space<hbm>>
        %dma_start3A_352 = tpu.memref_squeeze %dma_start3A_351 : memref<1x1x128xi32, #tpu.memory_space<hbm>> -> memref<128xi32, #tpu.memory_space<hbm>>
        %dma_start3A_353 = arith.constant 0 : i32
        %dma_start3A_354 = tpu.memref_slice %arg9[%run_scoped3A_345, %dma_start3A_353] : memref<79x128xi32, #tpu.memory_space<vmem>> -> memref<1x128xi32, #tpu.memory_space<vmem>>
        %dma_start3A_355 = tpu.memref_squeeze %dma_start3A_354 : memref<1x128xi32, #tpu.memory_space<vmem>> -> memref<128xi32, #tpu.memory_space<vmem>>
        %dma_start3A_356 = arith.constant 0 : i32
        %dma_start3A_357 = tpu.memref_slice %arg4[%add3A_343, %run_scoped3A_344, %dma_start3A_356] : memref<2500x2x128xi32, #tpu.memory_space<hbm>> -> memref<1x1x128xi32, #tpu.memory_space<hbm>>
        %dma_start3A_358 = tpu.memref_squeeze %dma_start3A_357 : memref<1x1x128xi32, #tpu.memory_space<hbm>> -> memref<128xi32, #tpu.memory_space<hbm>>
        tpu.enqueue_dma source(%dma_start3A_358 : memref<128xi32, #tpu.memory_space<hbm>>) target(%dma_start3A_355 : memref<128xi32, #tpu.memory_space<vmem>>) target_semaphore(%run_scoped3A_346 : memref<!tpu.dma_semaphore, #tpu.memory_space<semaphore_mem>>)
        %dma_wait3A_359 = arith.constant 0 : i32
        %dma_wait3A_360 = tpu.memref_slice %arg9[%run_scoped3A_345, %dma_wait3A_359] : memref<79x128xi32, #tpu.memory_space<vmem>> -> memref<1x128xi32, #tpu.memory_space<vmem>>
        %dma_wait3A_361 = tpu.memref_squeeze %dma_wait3A_360 : memref<1x128xi32, #tpu.memory_space<vmem>> -> memref<128xi32, #tpu.memory_space<vmem>>
        %dma_wait3A_362 = arith.constant 0 : i32
        %dma_wait3A_363 = tpu.memref_slice %arg4[%add3A_343, %run_scoped3A_344, %dma_wait3A_362] : memref<2500x2x128xi32, #tpu.memory_space<hbm>> -> memref<1x1x128xi32, #tpu.memory_space<hbm>>
        %dma_wait3A_364 = tpu.memref_squeeze %dma_wait3A_363 : memref<1x1x128xi32, #tpu.memory_space<hbm>> -> memref<128xi32, #tpu.memory_space<hbm>>
        %dma_wait3A_365 = arith.constant 0 : i32
        %dma_wait3A_366 = tpu.memref_slice %arg9[%run_scoped3A_345, %dma_wait3A_365] : memref<79x128xi32, #tpu.memory_space<vmem>> -> memref<1x128xi32, #tpu.memory_space<vmem>>
        %dma_wait3A_367 = tpu.memref_squeeze %dma_wait3A_366 : memref<1x128xi32, #tpu.memory_space<vmem>> -> memref<128xi32, #tpu.memory_space<vmem>>
        %dma_wait3A_368 = arith.constant 0 : i32
        %dma_wait3A_369 = tpu.memref_slice %arg4[%add3A_343, %run_scoped3A_344, %dma_wait3A_368] : memref<2500x2x128xi32, #tpu.memory_space<hbm>> -> memref<1x1x128xi32, #tpu.memory_space<hbm>>
        %dma_wait3A_370 = tpu.memref_squeeze %dma_wait3A_369 : memref<1x1x128xi32, #tpu.memory_space<hbm>> -> memref<128xi32, #tpu.memory_space<hbm>>
        tpu.wait_dma2 semaphore(%run_scoped3A_346 : memref<!tpu.dma_semaphore, #tpu.memory_space<semaphore_mem>>) src(%dma_wait3A_370 : memref<128xi32, #tpu.memory_space<hbm>>) dst(%dma_wait3A_367 : memref<128xi32, #tpu.memory_space<vmem>>)
        tpu.yield
      }) : () -> ()
    } else {
    }
    %barrier3A = arith.constant 0 : index
    tpu.barrier barrier_id(%barrier3A)
    %dma_start3A = arith.constant 0 : i32
    %dma_start3A_10 = arith.constant 0 : i32
    %dma_start3A_11 = arith.constant 0 : i32
    %dma_start3A_12 = arith.constant 0 : i32
    %dma_start3A_13 = arith.constant 0 : i32
    %dma_start3A_14 = arith.constant 0 : i32
    %dma_start3A_15 = arith.constant 0 : i32
    %dma_start3A_16 = tpu.memref_slice %arg10[%dma_start3A_10, %dma_start3A_11, %dma_start3A_14, %dma_start3A_15] : memref<3x3x128x32xf32, #tpu.memory_space<vmem>> -> memref<1x1x128x32xf32, #tpu.memory_space<vmem>>
    %dma_start3A_17 = tpu.memref_squeeze %dma_start3A_16 : memref<1x1x128x32xf32, #tpu.memory_space<vmem>> -> memref<128x32xf32, #tpu.memory_space<vmem>>
    %dma_start3A_18 = arith.constant 0 : i32
    %dma_start3A_19 = tpu.memref_slice %arg8[%dma_start3A, %dma_start3A_18] : memref<79x128xi32, #tpu.memory_space<vmem>> -> memref<1x128xi32, #tpu.memory_space<vmem>>
    %dma_start3A_20 = tpu.memref_squeeze %dma_start3A_19 : memref<1x128xi32, #tpu.memory_space<vmem>> -> memref<128xi32, #tpu.memory_space<vmem>>
    %dma_start3A_21 = arith.constant 0 : i32
    %dma_start3A_22 = arith.constant 0 : i32
    %dma_start3A_23 = tpu.memref_slice %arg11[%dma_start3A_21, %dma_start3A_22] : memref<10112x32xf32, #tpu.memory_space<vmem_shared>> -> memref<10112x32xf32, #tpu.memory_space<vmem_shared>>
    %dma_start3A_24 = tpu.memref_slice %arg14[%dma_start3A_12, %dma_start3A_13] : memref<3x3x!tpu.dma_semaphore, #tpu.memory_space<semaphore_mem>> -> memref<1x1x!tpu.dma_semaphore, #tpu.memory_space<semaphore_mem>>
    %dma_start3A_25 = tpu.memref_squeeze %dma_start3A_24 : memref<1x1x!tpu.dma_semaphore, #tpu.memory_space<semaphore_mem>> -> memref<!tpu.dma_semaphore, #tpu.memory_space<semaphore_mem>>
    tpu.enqueue_indirect_dma source(%dma_start3A_23 : memref<10112x32xf32, #tpu.memory_space<vmem_shared>>) target(%dma_start3A_17 : memref<128x32xf32, #tpu.memory_space<vmem>>) offsets(%dma_start3A_20 : memref<128xi32, #tpu.memory_space<vmem>>) semaphore(%dma_start3A_25 : memref<!tpu.dma_semaphore, #tpu.memory_space<semaphore_mem>>)
    %dma_start3A_26 = arith.constant 1 : i32
    %dma_start3A_27 = arith.constant 0 : i32
    %dma_start3A_28 = arith.constant 1 : i32
    %dma_start3A_29 = arith.constant 0 : i32
    %dma_start3A_30 = arith.constant 1 : i32
    %dma_start3A_31 = arith.constant 0 : i32
    %dma_start3A_32 = arith.constant 0 : i32
    %dma_start3A_33 = tpu.memref_slice %arg10[%dma_start3A_27, %dma_start3A_28, %dma_start3A_31, %dma_start3A_32] : memref<3x3x128x32xf32, #tpu.memory_space<vmem>> -> memref<1x1x128x32xf32, #tpu.memory_space<vmem>>
    %dma_start3A_34 = tpu.memref_squeeze %dma_start3A_33 : memref<1x1x128x32xf32, #tpu.memory_space<vmem>> -> memref<128x32xf32, #tpu.memory_space<vmem>>
    %dma_start3A_35 = arith.constant 0 : i32
    %dma_start3A_36 = tpu.memref_slice %arg8[%dma_start3A_26, %dma_start3A_35] : memref<79x128xi32, #tpu.memory_space<vmem>> -> memref<1x128xi32, #tpu.memory_space<vmem>>
    %dma_start3A_37 = tpu.memref_squeeze %dma_start3A_36 : memref<1x128xi32, #tpu.memory_space<vmem>> -> memref<128xi32, #tpu.memory_space<vmem>>
    %dma_start3A_38 = arith.constant 0 : i32
    %dma_start3A_39 = arith.constant 0 : i32
    %dma_start3A_40 = tpu.memref_slice %arg11[%dma_start3A_38, %dma_start3A_39] : memref<10112x32xf32, #tpu.memory_space<vmem_shared>> -> memref<10112x32xf32, #tpu.memory_space<vmem_shared>>
    %dma_start3A_41 = tpu.memref_slice %arg14[%dma_start3A_29, %dma_start3A_30] : memref<3x3x!tpu.dma_semaphore, #tpu.memory_space<semaphore_mem>> -> memref<1x1x!tpu.dma_semaphore, #tpu.memory_space<semaphore_mem>>
    %dma_start3A_42 = tpu.memref_squeeze %dma_start3A_41 : memref<1x1x!tpu.dma_semaphore, #tpu.memory_space<semaphore_mem>> -> memref<!tpu.dma_semaphore, #tpu.memory_space<semaphore_mem>>
    tpu.enqueue_indirect_dma source(%dma_start3A_40 : memref<10112x32xf32, #tpu.memory_space<vmem_shared>>) target(%dma_start3A_34 : memref<128x32xf32, #tpu.memory_space<vmem>>) offsets(%dma_start3A_37 : memref<128xi32, #tpu.memory_space<vmem>>) semaphore(%dma_start3A_42 : memref<!tpu.dma_semaphore, #tpu.memory_space<semaphore_mem>>)
    %dma_start3A_43 = arith.constant 2 : i32
    %dma_start3A_44 = arith.constant 0 : i32
    %dma_start3A_45 = arith.constant 2 : i32
    %dma_start3A_46 = arith.constant 0 : i32
    %dma_start3A_47 = arith.constant 2 : i32
    %dma_start3A_48 = arith.constant 0 : i32
    %dma_start3A_49 = arith.constant 0 : i32
    %dma_start3A_50 = tpu.memref_slice %arg10[%dma_start3A_44, %dma_start3A_45, %dma_start3A_48, %dma_start3A_49] : memref<3x3x128x32xf32, #tpu.memory_space<vmem>> -> memref<1x1x128x32xf32, #tpu.memory_space<vmem>>
    %dma_start3A_51 = tpu.memref_squeeze %dma_start3A_50 : memref<1x1x128x32xf32, #tpu.memory_space<vmem>> -> memref<128x32xf32, #tpu.memory_space<vmem>>
    %dma_start3A_52 = arith.constant 0 : i32
    %dma_start3A_53 = tpu.memref_slice %arg8[%dma_start3A_43, %dma_start3A_52] : memref<79x128xi32, #tpu.memory_space<vmem>> -> memref<1x128xi32, #tpu.memory_space<vmem>>
    %dma_start3A_54 = tpu.memref_squeeze %dma_start3A_53 : memref<1x128xi32, #tpu.memory_space<vmem>> -> memref<128xi32, #tpu.memory_space<vmem>>
    %dma_start3A_55 = arith.constant 0 : i32
    %dma_start3A_56 = arith.constant 0 : i32
    %dma_start3A_57 = tpu.memref_slice %arg11[%dma_start3A_55, %dma_start3A_56] : memref<10112x32xf32, #tpu.memory_space<vmem_shared>> -> memref<10112x32xf32, #tpu.memory_space<vmem_shared>>
    %dma_start3A_58 = tpu.memref_slice %arg14[%dma_start3A_46, %dma_start3A_47] : memref<3x3x!tpu.dma_semaphore, #tpu.memory_space<semaphore_mem>> -> memref<1x1x!tpu.dma_semaphore, #tpu.memory_space<semaphore_mem>>
    %dma_start3A_59 = tpu.memref_squeeze %dma_start3A_58 : memref<1x1x!tpu.dma_semaphore, #tpu.memory_space<semaphore_mem>> -> memref<!tpu.dma_semaphore, #tpu.memory_space<semaphore_mem>>
    tpu.enqueue_indirect_dma source(%dma_start3A_57 : memref<10112x32xf32, #tpu.memory_space<vmem_shared>>) target(%dma_start3A_51 : memref<128x32xf32, #tpu.memory_space<vmem>>) offsets(%dma_start3A_54 : memref<128xi32, #tpu.memory_space<vmem>>) semaphore(%dma_start3A_59 : memref<!tpu.dma_semaphore, #tpu.memory_space<semaphore_mem>>)
    %scan3A = arith.constant 0 : i32
    %scan3A_60 = arith.constant 0 : i32
    %scan3A_61 = arith.constant 26 : i32
    %scan3A_62 = arith.addi %scan3A_60, %scan3A_61 : i32
    %scan3A_63 = arith.constant 1 : i32
    scf.for %scan3A_338 = %scan3A_60 to %scan3A_62 step %scan3A_63  : i32 {
      %rem3A = arith.constant 3 : i32
      %rem3A_339 = arith.remsi %scan3A_338, %rem3A : i32
      %add3A_340 = arith.constant 1 : i32
      %add3A_341 = arith.addi %scan3A_338, %add3A_340 : i32
      %rem3A_342 = arith.constant 3 : i32
      %rem3A_343 = arith.remsi %add3A_341, %rem3A_342 : i32
      %lt3A_344 = arith.constant 25 : i32
      %lt3A_345 = arith.cmpi slt, %scan3A_338, %lt3A_344 : i32
      %convert_element_type3A_346 = arith.extui %lt3A_345 : i1 to i32
      %cond3A_347 = arith.constant 0 : i32
      %cond3A_348 = arith.cmpi ne, %convert_element_type3A_346, %cond3A_347 : i32
      scf.if %cond3A_348 {
        %ge3A = arith.constant 2 : i32
        %ge3A_457 = arith.cmpi sge, %scan3A_338, %ge3A : i32
        %convert_element_type3A_458 = arith.extui %ge3A_457 : i1 to i32
        %cond3A_459 = arith.constant 0 : i32
        %cond3A_460 = arith.cmpi ne, %convert_element_type3A_458, %cond3A_459 : i32
        scf.if %cond3A_460 {
          %sub3A = arith.constant 2 : i32
          %sub3A_517 = arith.subi %scan3A_338, %sub3A : i32
          %mul3A_518 = arith.constant 3 : i32
          %mul3A_519 = arith.muli %sub3A_517, %mul3A_518 : i32
          %add3A_520 = arith.constant 0 : i32
          %add3A_521 = arith.addi %mul3A_519, %add3A_520 : i32
          %dma_wait3A_522 = arith.constant 0 : i32
          %dma_wait3A_523 = arith.constant 0 : i32
          %dma_wait3A_524 = arith.constant 0 : i32
          %dma_wait3A_525 = arith.constant 0 : i32
          %dma_wait3A_526 = tpu.memref_slice %arg10[%rem3A_343, %dma_wait3A_522, %dma_wait3A_524, %dma_wait3A_525] : memref<3x3x128x32xf32, #tpu.memory_space<vmem>> -> memref<1x1x128x32xf32, #tpu.memory_space<vmem>>
          %dma_wait3A_527 = tpu.memref_squeeze %dma_wait3A_526 : memref<1x1x128x32xf32, #tpu.memory_space<vmem>> -> memref<128x32xf32, #tpu.memory_space<vmem>>
          %dma_wait3A_528 = arith.constant 0 : i32
          %dma_wait3A_529 = tpu.memref_slice %arg9[%add3A_521, %dma_wait3A_528] : memref<79x128xi32, #tpu.memory_space<vmem>> -> memref<1x128xi32, #tpu.memory_space<vmem>>
          %dma_wait3A_530 = tpu.memref_squeeze %dma_wait3A_529 : memref<1x128xi32, #tpu.memory_space<vmem>> -> memref<128xi32, #tpu.memory_space<vmem>>
          %dma_wait3A_531 = arith.constant 0 : i32
          %dma_wait3A_532 = arith.constant 0 : i32
          %dma_wait3A_533 = tpu.memref_slice %arg13[%dma_wait3A_531, %dma_wait3A_532] : memref<10112x32xf32, #tpu.memory_space<vmem_shared>> -> memref<10112x32xf32, #tpu.memory_space<vmem_shared>>
          %dma_wait3A_534 = tpu.memref_slice %arg15[%rem3A_343, %dma_wait3A_523] : memref<3x3x!tpu.dma_semaphore, #tpu.memory_space<semaphore_mem>> -> memref<1x1x!tpu.dma_semaphore, #tpu.memory_space<semaphore_mem>>
          %dma_wait3A_535 = tpu.memref_squeeze %dma_wait3A_534 : memref<1x1x!tpu.dma_semaphore, #tpu.memory_space<semaphore_mem>> -> memref<!tpu.dma_semaphore, #tpu.memory_space<semaphore_mem>>
          tpu.wait_indirect_dma semaphore(%dma_wait3A_535 : memref<!tpu.dma_semaphore, #tpu.memory_space<semaphore_mem>>) src(%dma_wait3A_527 : memref<128x32xf32, #tpu.memory_space<vmem>>) dst(%dma_wait3A_533 : memref<10112x32xf32, #tpu.memory_space<vmem_shared>>)
          %mul3A_536 = arith.constant 3 : i32
          %mul3A_537 = arith.muli %sub3A_517, %mul3A_536 : i32
          %add3A_538 = arith.constant 1 : i32
          %add3A_539 = arith.addi %mul3A_537, %add3A_538 : i32
          %dma_wait3A_540 = arith.constant 1 : i32
          %dma_wait3A_541 = arith.constant 1 : i32
          %dma_wait3A_542 = arith.constant 0 : i32
          %dma_wait3A_543 = arith.constant 0 : i32
          %dma_wait3A_544 = tpu.memref_slice %arg10[%rem3A_343, %dma_wait3A_540, %dma_wait3A_542, %dma_wait3A_543] : memref<3x3x128x32xf32, #tpu.memory_space<vmem>> -> memref<1x1x128x32xf32, #tpu.memory_space<vmem>>
          %dma_wait3A_545 = tpu.memref_squeeze %dma_wait3A_544 : memref<1x1x128x32xf32, #tpu.memory_space<vmem>> -> memref<128x32xf32, #tpu.memory_space<vmem>>
          %dma_wait3A_546 = arith.constant 0 : i32
          %dma_wait3A_547 = tpu.memref_slice %arg9[%add3A_539, %dma_wait3A_546] : memref<79x128xi32, #tpu.memory_space<vmem>> -> memref<1x128xi32, #tpu.memory_space<vmem>>
          %dma_wait3A_548 = tpu.memref_squeeze %dma_wait3A_547 : memref<1x128xi32, #tpu.memory_space<vmem>> -> memref<128xi32, #tpu.memory_space<vmem>>
          %dma_wait3A_549 = arith.constant 0 : i32
          %dma_wait3A_550 = arith.constant 0 : i32
          %dma_wait3A_551 = tpu.memref_slice %arg13[%dma_wait3A_549, %dma_wait3A_550] : memref<10112x32xf32, #tpu.memory_space<vmem_shared>> -> memref<10112x32xf32, #tpu.memory_space<vmem_shared>>
          %dma_wait3A_552 = tpu.memref_slice %arg15[%rem3A_343, %dma_wait3A_541] : memref<3x3x!tpu.dma_semaphore, #tpu.memory_space<semaphore_mem>> -> memref<1x1x!tpu.dma_semaphore, #tpu.memory_space<semaphore_mem>>
          %dma_wait3A_553 = tpu.memref_squeeze %dma_wait3A_552 : memref<1x1x!tpu.dma_semaphore, #tpu.memory_space<semaphore_mem>> -> memref<!tpu.dma_semaphore, #tpu.memory_space<semaphore_mem>>
          tpu.wait_indirect_dma semaphore(%dma_wait3A_553 : memref<!tpu.dma_semaphore, #tpu.memory_space<semaphore_mem>>) src(%dma_wait3A_545 : memref<128x32xf32, #tpu.memory_space<vmem>>) dst(%dma_wait3A_551 : memref<10112x32xf32, #tpu.memory_space<vmem_shared>>)
          %mul3A_554 = arith.constant 3 : i32
          %mul3A_555 = arith.muli %sub3A_517, %mul3A_554 : i32
          %add3A_556 = arith.constant 2 : i32
          %add3A_557 = arith.addi %mul3A_555, %add3A_556 : i32
          %dma_wait3A_558 = arith.constant 2 : i32
          %dma_wait3A_559 = arith.constant 2 : i32
          %dma_wait3A_560 = arith.constant 0 : i32
          %dma_wait3A_561 = arith.constant 0 : i32
          %dma_wait3A_562 = tpu.memref_slice %arg10[%rem3A_343, %dma_wait3A_558, %dma_wait3A_560, %dma_wait3A_561] : memref<3x3x128x32xf32, #tpu.memory_space<vmem>> -> memref<1x1x128x32xf32, #tpu.memory_space<vmem>>
          %dma_wait3A_563 = tpu.memref_squeeze %dma_wait3A_562 : memref<1x1x128x32xf32, #tpu.memory_space<vmem>> -> memref<128x32xf32, #tpu.memory_space<vmem>>
          %dma_wait3A_564 = arith.constant 0 : i32
          %dma_wait3A_565 = tpu.memref_slice %arg9[%add3A_557, %dma_wait3A_564] : memref<79x128xi32, #tpu.memory_space<vmem>> -> memref<1x128xi32, #tpu.memory_space<vmem>>
          %dma_wait3A_566 = tpu.memref_squeeze %dma_wait3A_565 : memref<1x128xi32, #tpu.memory_space<vmem>> -> memref<128xi32, #tpu.memory_space<vmem>>
          %dma_wait3A_567 = arith.constant 0 : i32
          %dma_wait3A_568 = arith.constant 0 : i32
          %dma_wait3A_569 = tpu.memref_slice %arg13[%dma_wait3A_567, %dma_wait3A_568] : memref<10112x32xf32, #tpu.memory_space<vmem_shared>> -> memref<10112x32xf32, #tpu.memory_space<vmem_shared>>
          %dma_wait3A_570 = tpu.memref_slice %arg15[%rem3A_343, %dma_wait3A_559] : memref<3x3x!tpu.dma_semaphore, #tpu.memory_space<semaphore_mem>> -> memref<1x1x!tpu.dma_semaphore, #tpu.memory_space<semaphore_mem>>
          %dma_wait3A_571 = tpu.memref_squeeze %dma_wait3A_570 : memref<1x1x!tpu.dma_semaphore, #tpu.memory_space<semaphore_mem>> -> memref<!tpu.dma_semaphore, #tpu.memory_space<semaphore_mem>>
          tpu.wait_indirect_dma semaphore(%dma_wait3A_571 : memref<!tpu.dma_semaphore, #tpu.memory_space<semaphore_mem>>) src(%dma_wait3A_563 : memref<128x32xf32, #tpu.memory_space<vmem>>) dst(%dma_wait3A_569 : memref<10112x32xf32, #tpu.memory_space<vmem_shared>>)
        } else {
        }
        %add3A_461 = arith.constant 1 : i32
        %add3A_462 = arith.addi %scan3A_338, %add3A_461 : i32
        %mul3A_463 = arith.constant 3 : i32
        %mul3A_464 = arith.muli %add3A_462, %mul3A_463 : i32
        %add3A_465 = arith.constant 0 : i32
        %add3A_466 = arith.addi %mul3A_464, %add3A_465 : i32
        %dma_start3A_467 = arith.constant 0 : i32
        %dma_start3A_468 = arith.constant 0 : i32
        %dma_start3A_469 = arith.constant 0 : i32
        %dma_start3A_470 = arith.constant 0 : i32
        %dma_start3A_471 = tpu.memref_slice %arg10[%rem3A_343, %dma_start3A_467, %dma_start3A_469, %dma_start3A_470] : memref<3x3x128x32xf32, #tpu.memory_space<vmem>> -> memref<1x1x128x32xf32, #tpu.memory_space<vmem>>
        %dma_start3A_472 = tpu.memref_squeeze %dma_start3A_471 : memref<1x1x128x32xf32, #tpu.memory_space<vmem>> -> memref<128x32xf32, #tpu.memory_space<vmem>>
        %dma_start3A_473 = arith.constant 0 : i32
        %dma_start3A_474 = tpu.memref_slice %arg8[%add3A_466, %dma_start3A_473] : memref<79x128xi32, #tpu.memory_space<vmem>> -> memref<1x128xi32, #tpu.memory_space<vmem>>
        %dma_start3A_475 = tpu.memref_squeeze %dma_start3A_474 : memref<1x128xi32, #tpu.memory_space<vmem>> -> memref<128xi32, #tpu.memory_space<vmem>>
        %dma_start3A_476 = arith.constant 0 : i32
        %dma_start3A_477 = arith.constant 0 : i32
        %dma_start3A_478 = tpu.memref_slice %arg11[%dma_start3A_476, %dma_start3A_477] : memref<10112x32xf32, #tpu.memory_space<vmem_shared>> -> memref<10112x32xf32, #tpu.memory_space<vmem_shared>>
        %dma_start3A_479 = tpu.memref_slice %arg14[%rem3A_343, %dma_start3A_468] : memref<3x3x!tpu.dma_semaphore, #tpu.memory_space<semaphore_mem>> -> memref<1x1x!tpu.dma_semaphore, #tpu.memory_space<semaphore_mem>>
        %dma_start3A_480 = tpu.memref_squeeze %dma_start3A_479 : memref<1x1x!tpu.dma_semaphore, #tpu.memory_space<semaphore_mem>> -> memref<!tpu.dma_semaphore, #tpu.memory_space<semaphore_mem>>
        tpu.enqueue_indirect_dma source(%dma_start3A_478 : memref<10112x32xf32, #tpu.memory_space<vmem_shared>>) target(%dma_start3A_472 : memref<128x32xf32, #tpu.memory_space<vmem>>) offsets(%dma_start3A_475 : memref<128xi32, #tpu.memory_space<vmem>>) semaphore(%dma_start3A_480 : memref<!tpu.dma_semaphore, #tpu.memory_space<semaphore_mem>>)
        %mul3A_481 = arith.constant 3 : i32
        %mul3A_482 = arith.muli %add3A_462, %mul3A_481 : i32
        %add3A_483 = arith.constant 1 : i32
        %add3A_484 = arith.addi %mul3A_482, %add3A_483 : i32
        %dma_start3A_485 = arith.constant 1 : i32
        %dma_start3A_486 = arith.constant 1 : i32
        %dma_start3A_487 = arith.constant 0 : i32
        %dma_start3A_488 = arith.constant 0 : i32
        %dma_start3A_489 = tpu.memref_slice %arg10[%rem3A_343, %dma_start3A_485, %dma_start3A_487, %dma_start3A_488] : memref<3x3x128x32xf32, #tpu.memory_space<vmem>> -> memref<1x1x128x32xf32, #tpu.memory_space<vmem>>
        %dma_start3A_490 = tpu.memref_squeeze %dma_start3A_489 : memref<1x1x128x32xf32, #tpu.memory_space<vmem>> -> memref<128x32xf32, #tpu.memory_space<vmem>>
        %dma_start3A_491 = arith.constant 0 : i32
        %dma_start3A_492 = tpu.memref_slice %arg8[%add3A_484, %dma_start3A_491] : memref<79x128xi32, #tpu.memory_space<vmem>> -> memref<1x128xi32, #tpu.memory_space<vmem>>
        %dma_start3A_493 = tpu.memref_squeeze %dma_start3A_492 : memref<1x128xi32, #tpu.memory_space<vmem>> -> memref<128xi32, #tpu.memory_space<vmem>>
        %dma_start3A_494 = arith.constant 0 : i32
        %dma_start3A_495 = arith.constant 0 : i32
        %dma_start3A_496 = tpu.memref_slice %arg11[%dma_start3A_494, %dma_start3A_495] : memref<10112x32xf32, #tpu.memory_space<vmem_shared>> -> memref<10112x32xf32, #tpu.memory_space<vmem_shared>>
        %dma_start3A_497 = tpu.memref_slice %arg14[%rem3A_343, %dma_start3A_486] : memref<3x3x!tpu.dma_semaphore, #tpu.memory_space<semaphore_mem>> -> memref<1x1x!tpu.dma_semaphore, #tpu.memory_space<semaphore_mem>>
        %dma_start3A_498 = tpu.memref_squeeze %dma_start3A_497 : memref<1x1x!tpu.dma_semaphore, #tpu.memory_space<semaphore_mem>> -> memref<!tpu.dma_semaphore, #tpu.memory_space<semaphore_mem>>
        tpu.enqueue_indirect_dma source(%dma_start3A_496 : memref<10112x32xf32, #tpu.memory_space<vmem_shared>>) target(%dma_start3A_490 : memref<128x32xf32, #tpu.memory_space<vmem>>) offsets(%dma_start3A_493 : memref<128xi32, #tpu.memory_space<vmem>>) semaphore(%dma_start3A_498 : memref<!tpu.dma_semaphore, #tpu.memory_space<semaphore_mem>>)
        %mul3A_499 = arith.constant 3 : i32
        %mul3A_500 = arith.muli %add3A_462, %mul3A_499 : i32
        %add3A_501 = arith.constant 2 : i32
        %add3A_502 = arith.addi %mul3A_500, %add3A_501 : i32
        %dma_start3A_503 = arith.constant 2 : i32
        %dma_start3A_504 = arith.constant 2 : i32
        %dma_start3A_505 = arith.constant 0 : i32
        %dma_start3A_506 = arith.constant 0 : i32
        %dma_start3A_507 = tpu.memref_slice %arg10[%rem3A_343, %dma_start3A_503, %dma_start3A_505, %dma_start3A_506] : memref<3x3x128x32xf32, #tpu.memory_space<vmem>> -> memref<1x1x128x32xf32, #tpu.memory_space<vmem>>
        %dma_start3A_508 = tpu.memref_squeeze %dma_start3A_507 : memref<1x1x128x32xf32, #tpu.memory_space<vmem>> -> memref<128x32xf32, #tpu.memory_space<vmem>>
        %dma_start3A_509 = arith.constant 0 : i32
        %dma_start3A_510 = tpu.memref_slice %arg8[%add3A_502, %dma_start3A_509] : memref<79x128xi32, #tpu.memory_space<vmem>> -> memref<1x128xi32, #tpu.memory_space<vmem>>
        %dma_start3A_511 = tpu.memref_squeeze %dma_start3A_510 : memref<1x128xi32, #tpu.memory_space<vmem>> -> memref<128xi32, #tpu.memory_space<vmem>>
        %dma_start3A_512 = arith.constant 0 : i32
        %dma_start3A_513 = arith.constant 0 : i32
        %dma_start3A_514 = tpu.memref_slice %arg11[%dma_start3A_512, %dma_start3A_513] : memref<10112x32xf32, #tpu.memory_space<vmem_shared>> -> memref<10112x32xf32, #tpu.memory_space<vmem_shared>>
        %dma_start3A_515 = tpu.memref_slice %arg14[%rem3A_343, %dma_start3A_504] : memref<3x3x!tpu.dma_semaphore, #tpu.memory_space<semaphore_mem>> -> memref<1x1x!tpu.dma_semaphore, #tpu.memory_space<semaphore_mem>>
        %dma_start3A_516 = tpu.memref_squeeze %dma_start3A_515 : memref<1x1x!tpu.dma_semaphore, #tpu.memory_space<semaphore_mem>> -> memref<!tpu.dma_semaphore, #tpu.memory_space<semaphore_mem>>
        tpu.enqueue_indirect_dma source(%dma_start3A_514 : memref<10112x32xf32, #tpu.memory_space<vmem_shared>>) target(%dma_start3A_508 : memref<128x32xf32, #tpu.memory_space<vmem>>) offsets(%dma_start3A_511 : memref<128xi32, #tpu.memory_space<vmem>>) semaphore(%dma_start3A_516 : memref<!tpu.dma_semaphore, #tpu.memory_space<semaphore_mem>>)
      } else {
      }
      %mul3A_349 = arith.constant 3 : i32
      %mul3A_350 = arith.muli %scan3A_338, %mul3A_349 : i32
      %add3A_351 = arith.constant 0 : i32
      %add3A_352 = arith.addi %mul3A_350, %add3A_351 : i32
      %dma_wait3A_353 = arith.constant 0 : i32
      %dma_wait3A_354 = arith.constant 0 : i32
      %dma_wait3A_355 = arith.constant 0 : i32
      %dma_wait3A_356 = arith.constant 0 : i32
      %dma_wait3A_357 = tpu.memref_slice %arg10[%rem3A_339, %dma_wait3A_353, %dma_wait3A_355, %dma_wait3A_356] : memref<3x3x128x32xf32, #tpu.memory_space<vmem>> -> memref<1x1x128x32xf32, #tpu.memory_space<vmem>>
      %dma_wait3A_358 = tpu.memref_squeeze %dma_wait3A_357 : memref<1x1x128x32xf32, #tpu.memory_space<vmem>> -> memref<128x32xf32, #tpu.memory_space<vmem>>
      %dma_wait3A_359 = arith.constant 0 : i32
      %dma_wait3A_360 = tpu.memref_slice %arg8[%add3A_352, %dma_wait3A_359] : memref<79x128xi32, #tpu.memory_space<vmem>> -> memref<1x128xi32, #tpu.memory_space<vmem>>
      %dma_wait3A_361 = tpu.memref_squeeze %dma_wait3A_360 : memref<1x128xi32, #tpu.memory_space<vmem>> -> memref<128xi32, #tpu.memory_space<vmem>>
      %dma_wait3A_362 = arith.constant 0 : i32
      %dma_wait3A_363 = arith.constant 0 : i32
      %dma_wait3A_364 = tpu.memref_slice %arg11[%dma_wait3A_362, %dma_wait3A_363] : memref<10112x32xf32, #tpu.memory_space<vmem_shared>> -> memref<10112x32xf32, #tpu.memory_space<vmem_shared>>
      %dma_wait3A_365 = tpu.memref_slice %arg14[%rem3A_339, %dma_wait3A_354] : memref<3x3x!tpu.dma_semaphore, #tpu.memory_space<semaphore_mem>> -> memref<1x1x!tpu.dma_semaphore, #tpu.memory_space<semaphore_mem>>
      %dma_wait3A_366 = tpu.memref_squeeze %dma_wait3A_365 : memref<1x1x!tpu.dma_semaphore, #tpu.memory_space<semaphore_mem>> -> memref<!tpu.dma_semaphore, #tpu.memory_space<semaphore_mem>>
      tpu.wait_indirect_dma semaphore(%dma_wait3A_366 : memref<!tpu.dma_semaphore, #tpu.memory_space<semaphore_mem>>) src(%dma_wait3A_364 : memref<10112x32xf32, #tpu.memory_space<vmem_shared>>) dst(%dma_wait3A_358 : memref<128x32xf32, #tpu.memory_space<vmem>>)
      %mul3A_367 = arith.constant 3 : i32
      %mul3A_368 = arith.muli %scan3A_338, %mul3A_367 : i32
      %add3A_369 = arith.constant 0 : i32
      %add3A_370 = arith.addi %mul3A_368, %add3A_369 : i32
      %dma_start3A_371 = arith.constant 0 : i32
      %dma_start3A_372 = arith.constant 0 : i32
      %dma_start3A_373 = arith.constant 0 : i32
      %dma_start3A_374 = arith.constant 0 : i32
      %dma_start3A_375 = tpu.memref_slice %arg10[%rem3A_339, %dma_start3A_371, %dma_start3A_373, %dma_start3A_374] : memref<3x3x128x32xf32, #tpu.memory_space<vmem>> -> memref<1x1x128x32xf32, #tpu.memory_space<vmem>>
      %dma_start3A_376 = tpu.memref_squeeze %dma_start3A_375 : memref<1x1x128x32xf32, #tpu.memory_space<vmem>> -> memref<128x32xf32, #tpu.memory_space<vmem>>
      %dma_start3A_377 = arith.constant 0 : i32
      %dma_start3A_378 = tpu.memref_slice %arg9[%add3A_370, %dma_start3A_377] : memref<79x128xi32, #tpu.memory_space<vmem>> -> memref<1x128xi32, #tpu.memory_space<vmem>>
      %dma_start3A_379 = tpu.memref_squeeze %dma_start3A_378 : memref<1x128xi32, #tpu.memory_space<vmem>> -> memref<128xi32, #tpu.memory_space<vmem>>
      %dma_start3A_380 = arith.constant 0 : i32
      %dma_start3A_381 = arith.constant 0 : i32
      %dma_start3A_382 = tpu.memref_slice %arg13[%dma_start3A_380, %dma_start3A_381] : memref<10112x32xf32, #tpu.memory_space<vmem_shared>> -> memref<10112x32xf32, #tpu.memory_space<vmem_shared>>
      %dma_start3A_383 = tpu.memref_slice %arg15[%rem3A_339, %dma_start3A_372] : memref<3x3x!tpu.dma_semaphore, #tpu.memory_space<semaphore_mem>> -> memref<1x1x!tpu.dma_semaphore, #tpu.memory_space<semaphore_mem>>
      %dma_start3A_384 = tpu.memref_squeeze %dma_start3A_383 : memref<1x1x!tpu.dma_semaphore, #tpu.memory_space<semaphore_mem>> -> memref<!tpu.dma_semaphore, #tpu.memory_space<semaphore_mem>>
      tpu.enqueue_indirect_dma source(%dma_start3A_376 : memref<128x32xf32, #tpu.memory_space<vmem>>) target(%dma_start3A_382 : memref<10112x32xf32, #tpu.memory_space<vmem_shared>>) offsets(%dma_start3A_379 : memref<128xi32, #tpu.memory_space<vmem>>) semaphore(%dma_start3A_384 : memref<!tpu.dma_semaphore, #tpu.memory_space<semaphore_mem>>) {add = true}
      %mul3A_385 = arith.constant 3 : i32
      %mul3A_386 = arith.muli %scan3A_338, %mul3A_385 : i32
      %add3A_387 = arith.constant 1 : i32
      %add3A_388 = arith.addi %mul3A_386, %add3A_387 : i32
      %dma_wait3A_389 = arith.constant 1 : i32
      %dma_wait3A_390 = arith.constant 1 : i32
      %dma_wait3A_391 = arith.constant 0 : i32
      %dma_wait3A_392 = arith.constant 0 : i32
      %dma_wait3A_393 = tpu.memref_slice %arg10[%rem3A_339, %dma_wait3A_389, %dma_wait3A_391, %dma_wait3A_392] : memref<3x3x128x32xf32, #tpu.memory_space<vmem>> -> memref<1x1x128x32xf32, #tpu.memory_space<vmem>>
      %dma_wait3A_394 = tpu.memref_squeeze %dma_wait3A_393 : memref<1x1x128x32xf32, #tpu.memory_space<vmem>> -> memref<128x32xf32, #tpu.memory_space<vmem>>
      %dma_wait3A_395 = arith.constant 0 : i32
      %dma_wait3A_396 = tpu.memref_slice %arg8[%add3A_388, %dma_wait3A_395] : memref<79x128xi32, #tpu.memory_space<vmem>> -> memref<1x128xi32, #tpu.memory_space<vmem>>
      %dma_wait3A_397 = tpu.memref_squeeze %dma_wait3A_396 : memref<1x128xi32, #tpu.memory_space<vmem>> -> memref<128xi32, #tpu.memory_space<vmem>>
      %dma_wait3A_398 = arith.constant 0 : i32
      %dma_wait3A_399 = arith.constant 0 : i32
      %dma_wait3A_400 = tpu.memref_slice %arg11[%dma_wait3A_398, %dma_wait3A_399] : memref<10112x32xf32, #tpu.memory_space<vmem_shared>> -> memref<10112x32xf32, #tpu.memory_space<vmem_shared>>
      %dma_wait3A_401 = tpu.memref_slice %arg14[%rem3A_339, %dma_wait3A_390] : memref<3x3x!tpu.dma_semaphore, #tpu.memory_space<semaphore_mem>> -> memref<1x1x!tpu.dma_semaphore, #tpu.memory_space<semaphore_mem>>
      %dma_wait3A_402 = tpu.memref_squeeze %dma_wait3A_401 : memref<1x1x!tpu.dma_semaphore, #tpu.memory_space<semaphore_mem>> -> memref<!tpu.dma_semaphore, #tpu.memory_space<semaphore_mem>>
      tpu.wait_indirect_dma semaphore(%dma_wait3A_402 : memref<!tpu.dma_semaphore, #tpu.memory_space<semaphore_mem>>) src(%dma_wait3A_400 : memref<10112x32xf32, #tpu.memory_space<vmem_shared>>) dst(%dma_wait3A_394 : memref<128x32xf32, #tpu.memory_space<vmem>>)
      %mul3A_403 = arith.constant 3 : i32
      %mul3A_404 = arith.muli %scan3A_338, %mul3A_403 : i32
      %add3A_405 = arith.constant 1 : i32
      %add3A_406 = arith.addi %mul3A_404, %add3A_405 : i32
      %dma_start3A_407 = arith.constant 1 : i32
      %dma_start3A_408 = arith.constant 1 : i32
      %dma_start3A_409 = arith.constant 0 : i32
      %dma_start3A_410 = arith.constant 0 : i32
      %dma_start3A_411 = tpu.memref_slice %arg10[%rem3A_339, %dma_start3A_407, %dma_start3A_409, %dma_start3A_410] : memref<3x3x128x32xf32, #tpu.memory_space<vmem>> -> memref<1x1x128x32xf32, #tpu.memory_space<vmem>>
      %dma_start3A_412 = tpu.memref_squeeze %dma_start3A_411 : memref<1x1x128x32xf32, #tpu.memory_space<vmem>> -> memref<128x32xf32, #tpu.memory_space<vmem>>
      %dma_start3A_413 = arith.constant 0 : i32
      %dma_start3A_414 = tpu.memref_slice %arg9[%add3A_406, %dma_start3A_413] : memref<79x128xi32, #tpu.memory_space<vmem>> -> memref<1x128xi32, #tpu.memory_space<vmem>>
      %dma_start3A_415 = tpu.memref_squeeze %dma_start3A_414 : memref<1x128xi32, #tpu.memory_space<vmem>> -> memref<128xi32, #tpu.memory_space<vmem>>
      %dma_start3A_416 = arith.constant 0 : i32
      %dma_start3A_417 = arith.constant 0 : i32
      %dma_start3A_418 = tpu.memref_slice %arg13[%dma_start3A_416, %dma_start3A_417] : memref<10112x32xf32, #tpu.memory_space<vmem_shared>> -> memref<10112x32xf32, #tpu.memory_space<vmem_shared>>
      %dma_start3A_419 = tpu.memref_slice %arg15[%rem3A_339, %dma_start3A_408] : memref<3x3x!tpu.dma_semaphore, #tpu.memory_space<semaphore_mem>> -> memref<1x1x!tpu.dma_semaphore, #tpu.memory_space<semaphore_mem>>
      %dma_start3A_420 = tpu.memref_squeeze %dma_start3A_419 : memref<1x1x!tpu.dma_semaphore, #tpu.memory_space<semaphore_mem>> -> memref<!tpu.dma_semaphore, #tpu.memory_space<semaphore_mem>>
      tpu.enqueue_indirect_dma source(%dma_start3A_412 : memref<128x32xf32, #tpu.memory_space<vmem>>) target(%dma_start3A_418 : memref<10112x32xf32, #tpu.memory_space<vmem_shared>>) offsets(%dma_start3A_415 : memref<128xi32, #tpu.memory_space<vmem>>) semaphore(%dma_start3A_420 : memref<!tpu.dma_semaphore, #tpu.memory_space<semaphore_mem>>) {add = true}
      %mul3A_421 = arith.constant 3 : i32
      %mul3A_422 = arith.muli %scan3A_338, %mul3A_421 : i32
      %add3A_423 = arith.constant 2 : i32
      %add3A_424 = arith.addi %mul3A_422, %add3A_423 : i32
      %dma_wait3A_425 = arith.constant 2 : i32
      %dma_wait3A_426 = arith.constant 2 : i32
      %dma_wait3A_427 = arith.constant 0 : i32
      %dma_wait3A_428 = arith.constant 0 : i32
      %dma_wait3A_429 = tpu.memref_slice %arg10[%rem3A_339, %dma_wait3A_425, %dma_wait3A_427, %dma_wait3A_428] : memref<3x3x128x32xf32, #tpu.memory_space<vmem>> -> memref<1x1x128x32xf32, #tpu.memory_space<vmem>>
      %dma_wait3A_430 = tpu.memref_squeeze %dma_wait3A_429 : memref<1x1x128x32xf32, #tpu.memory_space<vmem>> -> memref<128x32xf32, #tpu.memory_space<vmem>>
      %dma_wait3A_431 = arith.constant 0 : i32
      %dma_wait3A_432 = tpu.memref_slice %arg8[%add3A_424, %dma_wait3A_431] : memref<79x128xi32, #tpu.memory_space<vmem>> -> memref<1x128xi32, #tpu.memory_space<vmem>>
      %dma_wait3A_433 = tpu.memref_squeeze %dma_wait3A_432 : memref<1x128xi32, #tpu.memory_space<vmem>> -> memref<128xi32, #tpu.memory_space<vmem>>
      %dma_wait3A_434 = arith.constant 0 : i32
      %dma_wait3A_435 = arith.constant 0 : i32
      %dma_wait3A_436 = tpu.memref_slice %arg11[%dma_wait3A_434, %dma_wait3A_435] : memref<10112x32xf32, #tpu.memory_space<vmem_shared>> -> memref<10112x32xf32, #tpu.memory_space<vmem_shared>>
      %dma_wait3A_437 = tpu.memref_slice %arg14[%rem3A_339, %dma_wait3A_426] : memref<3x3x!tpu.dma_semaphore, #tpu.memory_space<semaphore_mem>> -> memref<1x1x!tpu.dma_semaphore, #tpu.memory_space<semaphore_mem>>
      %dma_wait3A_438 = tpu.memref_squeeze %dma_wait3A_437 : memref<1x1x!tpu.dma_semaphore, #tpu.memory_space<semaphore_mem>> -> memref<!tpu.dma_semaphore, #tpu.memory_space<semaphore_mem>>
      tpu.wait_indirect_dma semaphore(%dma_wait3A_438 : memref<!tpu.dma_semaphore, #tpu.memory_space<semaphore_mem>>) src(%dma_wait3A_436 : memref<10112x32xf32, #tpu.memory_space<vmem_shared>>) dst(%dma_wait3A_430 : memref<128x32xf32, #tpu.memory_space<vmem>>)
      %mul3A_439 = arith.constant 3 : i32
      %mul3A_440 = arith.muli %scan3A_338, %mul3A_439 : i32
      %add3A_441 = arith.constant 2 : i32
      %add3A_442 = arith.addi %mul3A_440, %add3A_441 : i32
      %dma_start3A_443 = arith.constant 2 : i32
      %dma_start3A_444 = arith.constant 2 : i32
      %dma_start3A_445 = arith.constant 0 : i32
      %dma_start3A_446 = arith.constant 0 : i32
      %dma_start3A_447 = tpu.memref_slice %arg10[%rem3A_339, %dma_start3A_443, %dma_start3A_445, %dma_start3A_446] : memref<3x3x128x32xf32, #tpu.memory_space<vmem>> -> memref<1x1x128x32xf32, #tpu.memory_space<vmem>>
      %dma_start3A_448 = tpu.memref_squeeze %dma_start3A_447 : memref<1x1x128x32xf32, #tpu.memory_space<vmem>> -> memref<128x32xf32, #tpu.memory_space<vmem>>
      %dma_start3A_449 = arith.constant 0 : i32
      %dma_start3A_450 = tpu.memref_slice %arg9[%add3A_442, %dma_start3A_449] : memref<79x128xi32, #tpu.memory_space<vmem>> -> memref<1x128xi32, #tpu.memory_space<vmem>>
      %dma_start3A_451 = tpu.memref_squeeze %dma_start3A_450 : memref<1x128xi32, #tpu.memory_space<vmem>> -> memref<128xi32, #tpu.memory_space<vmem>>
      %dma_start3A_452 = arith.constant 0 : i32
      %dma_start3A_453 = arith.constant 0 : i32
      %dma_start3A_454 = tpu.memref_slice %arg13[%dma_start3A_452, %dma_start3A_453] : memref<10112x32xf32, #tpu.memory_space<vmem_shared>> -> memref<10112x32xf32, #tpu.memory_space<vmem_shared>>
      %dma_start3A_455 = tpu.memref_slice %arg15[%rem3A_339, %dma_start3A_444] : memref<3x3x!tpu.dma_semaphore, #tpu.memory_space<semaphore_mem>> -> memref<1x1x!tpu.dma_semaphore, #tpu.memory_space<semaphore_mem>>
      %dma_start3A_456 = tpu.memref_squeeze %dma_start3A_455 : memref<1x1x!tpu.dma_semaphore, #tpu.memory_space<semaphore_mem>> -> memref<!tpu.dma_semaphore, #tpu.memory_space<semaphore_mem>>
      tpu.enqueue_indirect_dma source(%dma_start3A_448 : memref<128x32xf32, #tpu.memory_space<vmem>>) target(%dma_start3A_454 : memref<10112x32xf32, #tpu.memory_space<vmem_shared>>) offsets(%dma_start3A_451 : memref<128xi32, #tpu.memory_space<vmem>>) semaphore(%dma_start3A_456 : memref<!tpu.dma_semaphore, #tpu.memory_space<semaphore_mem>>) {add = true}
    }
    %scan3A_64 = arith.constant 26 : i32
    %dma_wait3A = arith.constant 0 : i32
    %dma_wait3A_65 = arith.constant 0 : i32
    %dma_wait3A_66 = arith.constant 72 : i32
    %dma_wait3A_67 = arith.constant 0 : i32
    %dma_wait3A_68 = arith.constant 0 : i32
    %dma_wait3A_69 = arith.constant 0 : i32
    %dma_wait3A_70 = arith.constant 0 : i32
    %dma_wait3A_71 = tpu.memref_slice %arg10[%dma_wait3A, %dma_wait3A_65, %dma_wait3A_69, %dma_wait3A_70] : memref<3x3x128x32xf32, #tpu.memory_space<vmem>> -> memref<1x1x128x32xf32, #tpu.memory_space<vmem>>
    %dma_wait3A_72 = tpu.memref_squeeze %dma_wait3A_71 : memref<1x1x128x32xf32, #tpu.memory_space<vmem>> -> memref<128x32xf32, #tpu.memory_space<vmem>>
    %dma_wait3A_73 = arith.constant 0 : i32
    %dma_wait3A_74 = tpu.memref_slice %arg9[%dma_wait3A_66, %dma_wait3A_73] : memref<79x128xi32, #tpu.memory_space<vmem>> -> memref<1x128xi32, #tpu.memory_space<vmem>>
    %dma_wait3A_75 = tpu.memref_squeeze %dma_wait3A_74 : memref<1x128xi32, #tpu.memory_space<vmem>> -> memref<128xi32, #tpu.memory_space<vmem>>
    %dma_wait3A_76 = arith.constant 0 : i32
    %dma_wait3A_77 = arith.constant 0 : i32
    %dma_wait3A_78 = tpu.memref_slice %arg13[%dma_wait3A_76, %dma_wait3A_77] : memref<10112x32xf32, #tpu.memory_space<vmem_shared>> -> memref<10112x32xf32, #tpu.memory_space<vmem_shared>>
    %dma_wait3A_79 = tpu.memref_slice %arg15[%dma_wait3A_67, %dma_wait3A_68] : memref<3x3x!tpu.dma_semaphore, #tpu.memory_space<semaphore_mem>> -> memref<1x1x!tpu.dma_semaphore, #tpu.memory_space<semaphore_mem>>
    %dma_wait3A_80 = tpu.memref_squeeze %dma_wait3A_79 : memref<1x1x!tpu.dma_semaphore, #tpu.memory_space<semaphore_mem>> -> memref<!tpu.dma_semaphore, #tpu.memory_space<semaphore_mem>>
    tpu.wait_indirect_dma semaphore(%dma_wait3A_80 : memref<!tpu.dma_semaphore, #tpu.memory_space<semaphore_mem>>) src(%dma_wait3A_72 : memref<128x32xf32, #tpu.memory_space<vmem>>) dst(%dma_wait3A_78 : memref<10112x32xf32, #tpu.memory_space<vmem_shared>>)
    %dma_wait3A_81 = arith.constant 0 : i32
    %dma_wait3A_82 = arith.constant 1 : i32
    %dma_wait3A_83 = arith.constant 73 : i32
    %dma_wait3A_84 = arith.constant 0 : i32
    %dma_wait3A_85 = arith.constant 1 : i32
    %dma_wait3A_86 = arith.constant 0 : i32
    %dma_wait3A_87 = arith.constant 0 : i32
    %dma_wait3A_88 = tpu.memref_slice %arg10[%dma_wait3A_81, %dma_wait3A_82, %dma_wait3A_86, %dma_wait3A_87] : memref<3x3x128x32xf32, #tpu.memory_space<vmem>> -> memref<1x1x128x32xf32, #tpu.memory_space<vmem>>
    %dma_wait3A_89 = tpu.memref_squeeze %dma_wait3A_88 : memref<1x1x128x32xf32, #tpu.memory_space<vmem>> -> memref<128x32xf32, #tpu.memory_space<vmem>>
    %dma_wait3A_90 = arith.constant 0 : i32
    %dma_wait3A_91 = tpu.memref_slice %arg9[%dma_wait3A_83, %dma_wait3A_90] : memref<79x128xi32, #tpu.memory_space<vmem>> -> memref<1x128xi32, #tpu.memory_space<vmem>>
    %dma_wait3A_92 = tpu.memref_squeeze %dma_wait3A_91 : memref<1x128xi32, #tpu.memory_space<vmem>> -> memref<128xi32, #tpu.memory_space<vmem>>
    %dma_wait3A_93 = arith.constant 0 : i32
    %dma_wait3A_94 = arith.constant 0 : i32
    %dma_wait3A_95 = tpu.memref_slice %arg13[%dma_wait3A_93, %dma_wait3A_94] : memref<10112x32xf32, #tpu.memory_space<vmem_shared>> -> memref<10112x32xf32, #tpu.memory_space<vmem_shared>>
    %dma_wait3A_96 = tpu.memref_slice %arg15[%dma_wait3A_84, %dma_wait3A_85] : memref<3x3x!tpu.dma_semaphore, #tpu.memory_space<semaphore_mem>> -> memref<1x1x!tpu.dma_semaphore, #tpu.memory_space<semaphore_mem>>
    %dma_wait3A_97 = tpu.memref_squeeze %dma_wait3A_96 : memref<1x1x!tpu.dma_semaphore, #tpu.memory_space<semaphore_mem>> -> memref<!tpu.dma_semaphore, #tpu.memory_space<semaphore_mem>>
    tpu.wait_indirect_dma semaphore(%dma_wait3A_97 : memref<!tpu.dma_semaphore, #tpu.memory_space<semaphore_mem>>) src(%dma_wait3A_89 : memref<128x32xf32, #tpu.memory_space<vmem>>) dst(%dma_wait3A_95 : memref<10112x32xf32, #tpu.memory_space<vmem_shared>>)
    %dma_wait3A_98 = arith.constant 0 : i32
    %dma_wait3A_99 = arith.constant 2 : i32
    %dma_wait3A_100 = arith.constant 74 : i32
    %dma_wait3A_101 = arith.constant 0 : i32
    %dma_wait3A_102 = arith.constant 2 : i32
    %dma_wait3A_103 = arith.constant 0 : i32
    %dma_wait3A_104 = arith.constant 0 : i32
    %dma_wait3A_105 = tpu.memref_slice %arg10[%dma_wait3A_98, %dma_wait3A_99, %dma_wait3A_103, %dma_wait3A_104] : memref<3x3x128x32xf32, #tpu.memory_space<vmem>> -> memref<1x1x128x32xf32, #tpu.memory_space<vmem>>
    %dma_wait3A_106 = tpu.memref_squeeze %dma_wait3A_105 : memref<1x1x128x32xf32, #tpu.memory_space<vmem>> -> memref<128x32xf32, #tpu.memory_space<vmem>>
    %dma_wait3A_107 = arith.constant 0 : i32
    %dma_wait3A_108 = tpu.memref_slice %arg9[%dma_wait3A_100, %dma_wait3A_107] : memref<79x128xi32, #tpu.memory_space<vmem>> -> memref<1x128xi32, #tpu.memory_space<vmem>>
    %dma_wait3A_109 = tpu.memref_squeeze %dma_wait3A_108 : memref<1x128xi32, #tpu.memory_space<vmem>> -> memref<128xi32, #tpu.memory_space<vmem>>
    %dma_wait3A_110 = arith.constant 0 : i32
    %dma_wait3A_111 = arith.constant 0 : i32
    %dma_wait3A_112 = tpu.memref_slice %arg13[%dma_wait3A_110, %dma_wait3A_111] : memref<10112x32xf32, #tpu.memory_space<vmem_shared>> -> memref<10112x32xf32, #tpu.memory_space<vmem_shared>>
    %dma_wait3A_113 = tpu.memref_slice %arg15[%dma_wait3A_101, %dma_wait3A_102] : memref<3x3x!tpu.dma_semaphore, #tpu.memory_space<semaphore_mem>> -> memref<1x1x!tpu.dma_semaphore, #tpu.memory_space<semaphore_mem>>
    %dma_wait3A_114 = tpu.memref_squeeze %dma_wait3A_113 : memref<1x1x!tpu.dma_semaphore, #tpu.memory_space<semaphore_mem>> -> memref<!tpu.dma_semaphore, #tpu.memory_space<semaphore_mem>>
    tpu.wait_indirect_dma semaphore(%dma_wait3A_114 : memref<!tpu.dma_semaphore, #tpu.memory_space<semaphore_mem>>) src(%dma_wait3A_106 : memref<128x32xf32, #tpu.memory_space<vmem>>) dst(%dma_wait3A_112 : memref<10112x32xf32, #tpu.memory_space<vmem_shared>>)
    %dma_wait3A_115 = arith.constant 1 : i32
    %dma_wait3A_116 = arith.constant 0 : i32
    %dma_wait3A_117 = arith.constant 75 : i32
    %dma_wait3A_118 = arith.constant 1 : i32
    %dma_wait3A_119 = arith.constant 0 : i32
    %dma_wait3A_120 = arith.constant 0 : i32
    %dma_wait3A_121 = arith.constant 0 : i32
    %dma_wait3A_122 = tpu.memref_slice %arg10[%dma_wait3A_115, %dma_wait3A_116, %dma_wait3A_120, %dma_wait3A_121] : memref<3x3x128x32xf32, #tpu.memory_space<vmem>> -> memref<1x1x128x32xf32, #tpu.memory_space<vmem>>
    %dma_wait3A_123 = tpu.memref_squeeze %dma_wait3A_122 : memref<1x1x128x32xf32, #tpu.memory_space<vmem>> -> memref<128x32xf32, #tpu.memory_space<vmem>>
    %dma_wait3A_124 = arith.constant 0 : i32
    %dma_wait3A_125 = tpu.memref_slice %arg9[%dma_wait3A_117, %dma_wait3A_124] : memref<79x128xi32, #tpu.memory_space<vmem>> -> memref<1x128xi32, #tpu.memory_space<vmem>>
    %dma_wait3A_126 = tpu.memref_squeeze %dma_wait3A_125 : memref<1x128xi32, #tpu.memory_space<vmem>> -> memref<128xi32, #tpu.memory_space<vmem>>
    %dma_wait3A_127 = arith.constant 0 : i32
    %dma_wait3A_128 = arith.constant 0 : i32
    %dma_wait3A_129 = tpu.memref_slice %arg13[%dma_wait3A_127, %dma_wait3A_128] : memref<10112x32xf32, #tpu.memory_space<vmem_shared>> -> memref<10112x32xf32, #tpu.memory_space<vmem_shared>>
    %dma_wait3A_130 = tpu.memref_slice %arg15[%dma_wait3A_118, %dma_wait3A_119] : memref<3x3x!tpu.dma_semaphore, #tpu.memory_space<semaphore_mem>> -> memref<1x1x!tpu.dma_semaphore, #tpu.memory_space<semaphore_mem>>
    %dma_wait3A_131 = tpu.memref_squeeze %dma_wait3A_130 : memref<1x1x!tpu.dma_semaphore, #tpu.memory_space<semaphore_mem>> -> memref<!tpu.dma_semaphore, #tpu.memory_space<semaphore_mem>>
    tpu.wait_indirect_dma semaphore(%dma_wait3A_131 : memref<!tpu.dma_semaphore, #tpu.memory_space<semaphore_mem>>) src(%dma_wait3A_123 : memref<128x32xf32, #tpu.memory_space<vmem>>) dst(%dma_wait3A_129 : memref<10112x32xf32, #tpu.memory_space<vmem_shared>>)
    %dma_wait3A_132 = arith.constant 1 : i32
    %dma_wait3A_133 = arith.constant 1 : i32
    %dma_wait3A_134 = arith.constant 76 : i32
    %dma_wait3A_135 = arith.constant 1 : i32
    %dma_wait3A_136 = arith.constant 1 : i32
    %dma_wait3A_137 = arith.constant 0 : i32
    %dma_wait3A_138 = arith.constant 0 : i32
    %dma_wait3A_139 = tpu.memref_slice %arg10[%dma_wait3A_132, %dma_wait3A_133, %dma_wait3A_137, %dma_wait3A_138] : memref<3x3x128x32xf32, #tpu.memory_space<vmem>> -> memref<1x1x128x32xf32, #tpu.memory_space<vmem>>
    %dma_wait3A_140 = tpu.memref_squeeze %dma_wait3A_139 : memref<1x1x128x32xf32, #tpu.memory_space<vmem>> -> memref<128x32xf32, #tpu.memory_space<vmem>>
    %dma_wait3A_141 = arith.constant 0 : i32
    %dma_wait3A_142 = tpu.memref_slice %arg9[%dma_wait3A_134, %dma_wait3A_141] : memref<79x128xi32, #tpu.memory_space<vmem>> -> memref<1x128xi32, #tpu.memory_space<vmem>>
    %dma_wait3A_143 = tpu.memref_squeeze %dma_wait3A_142 : memref<1x128xi32, #tpu.memory_space<vmem>> -> memref<128xi32, #tpu.memory_space<vmem>>
    %dma_wait3A_144 = arith.constant 0 : i32
    %dma_wait3A_145 = arith.constant 0 : i32
    %dma_wait3A_146 = tpu.memref_slice %arg13[%dma_wait3A_144, %dma_wait3A_145] : memref<10112x32xf32, #tpu.memory_space<vmem_shared>> -> memref<10112x32xf32, #tpu.memory_space<vmem_shared>>
    %dma_wait3A_147 = tpu.memref_slice %arg15[%dma_wait3A_135, %dma_wait3A_136] : memref<3x3x!tpu.dma_semaphore, #tpu.memory_space<semaphore_mem>> -> memref<1x1x!tpu.dma_semaphore, #tpu.memory_space<semaphore_mem>>
    %dma_wait3A_148 = tpu.memref_squeeze %dma_wait3A_147 : memref<1x1x!tpu.dma_semaphore, #tpu.memory_space<semaphore_mem>> -> memref<!tpu.dma_semaphore, #tpu.memory_space<semaphore_mem>>
    tpu.wait_indirect_dma semaphore(%dma_wait3A_148 : memref<!tpu.dma_semaphore, #tpu.memory_space<semaphore_mem>>) src(%dma_wait3A_140 : memref<128x32xf32, #tpu.memory_space<vmem>>) dst(%dma_wait3A_146 : memref<10112x32xf32, #tpu.memory_space<vmem_shared>>)
    %dma_wait3A_149 = arith.constant 1 : i32
    %dma_wait3A_150 = arith.constant 2 : i32
    %dma_wait3A_151 = arith.constant 77 : i32
    %dma_wait3A_152 = arith.constant 1 : i32
    %dma_wait3A_153 = arith.constant 2 : i32
    %dma_wait3A_154 = arith.constant 0 : i32
    %dma_wait3A_155 = arith.constant 0 : i32
    %dma_wait3A_156 = tpu.memref_slice %arg10[%dma_wait3A_149, %dma_wait3A_150, %dma_wait3A_154, %dma_wait3A_155] : memref<3x3x128x32xf32, #tpu.memory_space<vmem>> -> memref<1x1x128x32xf32, #tpu.memory_space<vmem>>
    %dma_wait3A_157 = tpu.memref_squeeze %dma_wait3A_156 : memref<1x1x128x32xf32, #tpu.memory_space<vmem>> -> memref<128x32xf32, #tpu.memory_space<vmem>>
    %dma_wait3A_158 = arith.constant 0 : i32
    %dma_wait3A_159 = tpu.memref_slice %arg9[%dma_wait3A_151, %dma_wait3A_158] : memref<79x128xi32, #tpu.memory_space<vmem>> -> memref<1x128xi32, #tpu.memory_space<vmem>>
    %dma_wait3A_160 = tpu.memref_squeeze %dma_wait3A_159 : memref<1x128xi32, #tpu.memory_space<vmem>> -> memref<128xi32, #tpu.memory_space<vmem>>
    %dma_wait3A_161 = arith.constant 0 : i32
    %dma_wait3A_162 = arith.constant 0 : i32
    %dma_wait3A_163 = tpu.memref_slice %arg13[%dma_wait3A_161, %dma_wait3A_162] : memref<10112x32xf32, #tpu.memory_space<vmem_shared>> -> memref<10112x32xf32, #tpu.memory_space<vmem_shared>>
    %dma_wait3A_164 = tpu.memref_slice %arg15[%dma_wait3A_152, %dma_wait3A_153] : memref<3x3x!tpu.dma_semaphore, #tpu.memory_space<semaphore_mem>> -> memref<1x1x!tpu.dma_semaphore, #tpu.memory_space<semaphore_mem>>
    %dma_wait3A_165 = tpu.memref_squeeze %dma_wait3A_164 : memref<1x1x!tpu.dma_semaphore, #tpu.memory_space<semaphore_mem>> -> memref<!tpu.dma_semaphore, #tpu.memory_space<semaphore_mem>>
    tpu.wait_indirect_dma semaphore(%dma_wait3A_165 : memref<!tpu.dma_semaphore, #tpu.memory_space<semaphore_mem>>) src(%dma_wait3A_157 : memref<128x32xf32, #tpu.memory_space<vmem>>) dst(%dma_wait3A_163 : memref<10112x32xf32, #tpu.memory_space<vmem_shared>>)
    %lt3A_166 = arith.constant 4 : i32
    %lt3A_167 = arith.cmpi slt, %add3A, %lt3A_166 : i32
    %convert_element_type3A_168 = arith.extui %lt3A_167 : i1 to i32
    %cond3A_169 = arith.constant 0 : i32
    %cond3A_170 = arith.cmpi ne, %convert_element_type3A_168, %cond3A_169 : i32
    scf.if %cond3A_170 {
      %run_scoped3A_338 = arith.constant 78 : i32
      %run_scoped3A_339 = arith.constant 0 : i32
      %run_scoped3A_340 = arith.constant 0 : i32
      "tpu.region"() ({
        %run_scoped3A_344 = tpu.sem_alloc : memref<!tpu.dma_semaphore, #tpu.memory_space<semaphore_mem>>
        %dma_start3A_345 = arith.constant 0 : i32
        %dma_start3A_346 = arith.constant 0 : i32
        %dma_start3A_347 = tpu.memref_slice %arg10[%run_scoped3A_339, %run_scoped3A_340, %dma_start3A_345, %dma_start3A_346] : memref<3x3x128x32xf32, #tpu.memory_space<vmem>> -> memref<1x1x128x32xf32, #tpu.memory_space<vmem>>
        %dma_start3A_348 = tpu.memref_squeeze %dma_start3A_347 : memref<1x1x128x32xf32, #tpu.memory_space<vmem>> -> memref<128x32xf32, #tpu.memory_space<vmem>>
        %dma_start3A_349 = arith.constant 0 : i32
        %dma_start3A_350 = tpu.memref_slice %arg8[%run_scoped3A_338, %dma_start3A_349] : memref<79x128xi32, #tpu.memory_space<vmem>> -> memref<1x128xi32, #tpu.memory_space<vmem>>
        %dma_start3A_351 = tpu.memref_squeeze %dma_start3A_350 : memref<1x128xi32, #tpu.memory_space<vmem>> -> memref<128xi32, #tpu.memory_space<vmem>>
        %dma_start3A_352 = arith.constant 0 : i32
        %dma_start3A_353 = arith.constant 0 : i32
        %dma_start3A_354 = tpu.memref_slice %arg11[%dma_start3A_352, %dma_start3A_353] : memref<10112x32xf32, #tpu.memory_space<vmem_shared>> -> memref<10112x32xf32, #tpu.memory_space<vmem_shared>>
        tpu.enqueue_indirect_dma source(%dma_start3A_354 : memref<10112x32xf32, #tpu.memory_space<vmem_shared>>) target(%dma_start3A_348 : memref<128x32xf32, #tpu.memory_space<vmem>>) offsets(%dma_start3A_351 : memref<128xi32, #tpu.memory_space<vmem>>) semaphore(%run_scoped3A_344 : memref<!tpu.dma_semaphore, #tpu.memory_space<semaphore_mem>>)
        %dma_wait3A_355 = arith.constant 0 : i32
        %dma_wait3A_356 = arith.constant 0 : i32
        %dma_wait3A_357 = tpu.memref_slice %arg10[%run_scoped3A_339, %run_scoped3A_340, %dma_wait3A_355, %dma_wait3A_356] : memref<3x3x128x32xf32, #tpu.memory_space<vmem>> -> memref<1x1x128x32xf32, #tpu.memory_space<vmem>>
        %dma_wait3A_358 = tpu.memref_squeeze %dma_wait3A_357 : memref<1x1x128x32xf32, #tpu.memory_space<vmem>> -> memref<128x32xf32, #tpu.memory_space<vmem>>
        %dma_wait3A_359 = arith.constant 0 : i32
        %dma_wait3A_360 = tpu.memref_slice %arg8[%run_scoped3A_338, %dma_wait3A_359] : memref<79x128xi32, #tpu.memory_space<vmem>> -> memref<1x128xi32, #tpu.memory_space<vmem>>
        %dma_wait3A_361 = tpu.memref_squeeze %dma_wait3A_360 : memref<1x128xi32, #tpu.memory_space<vmem>> -> memref<128xi32, #tpu.memory_space<vmem>>
        %dma_wait3A_362 = arith.constant 0 : i32
        %dma_wait3A_363 = arith.constant 0 : i32
        %dma_wait3A_364 = tpu.memref_slice %arg11[%dma_wait3A_362, %dma_wait3A_363] : memref<10112x32xf32, #tpu.memory_space<vmem_shared>> -> memref<10112x32xf32, #tpu.memory_space<vmem_shared>>
        tpu.wait_indirect_dma semaphore(%run_scoped3A_344 : memref<!tpu.dma_semaphore, #tpu.memory_space<semaphore_mem>>) src(%dma_wait3A_364 : memref<10112x32xf32, #tpu.memory_space<vmem_shared>>) dst(%dma_wait3A_358 : memref<128x32xf32, #tpu.memory_space<vmem>>)
        tpu.yield
      }) : () -> ()
      %run_scoped3A_341 = arith.constant 0 : i32
      %run_scoped3A_342 = arith.constant 0 : i32
      %run_scoped3A_343 = arith.constant 78 : i32
      "tpu.region"() ({
        %run_scoped3A_344 = tpu.sem_alloc : memref<!tpu.dma_semaphore, #tpu.memory_space<semaphore_mem>>
        %dma_start3A_345 = arith.constant 0 : i32
        %dma_start3A_346 = arith.constant 0 : i32
        %dma_start3A_347 = tpu.memref_slice %arg10[%run_scoped3A_341, %run_scoped3A_342, %dma_start3A_345, %dma_start3A_346] : memref<3x3x128x32xf32, #tpu.memory_space<vmem>> -> memref<1x1x128x32xf32, #tpu.memory_space<vmem>>
        %dma_start3A_348 = tpu.memref_squeeze %dma_start3A_347 : memref<1x1x128x32xf32, #tpu.memory_space<vmem>> -> memref<128x32xf32, #tpu.memory_space<vmem>>
        %dma_start3A_349 = arith.constant 0 : i32
        %dma_start3A_350 = tpu.memref_slice %arg9[%run_scoped3A_343, %dma_start3A_349] : memref<79x128xi32, #tpu.memory_space<vmem>> -> memref<1x128xi32, #tpu.memory_space<vmem>>
        %dma_start3A_351 = tpu.memref_squeeze %dma_start3A_350 : memref<1x128xi32, #tpu.memory_space<vmem>> -> memref<128xi32, #tpu.memory_space<vmem>>
        %dma_start3A_352 = arith.constant 0 : i32
        %dma_start3A_353 = arith.constant 0 : i32
        %dma_start3A_354 = tpu.memref_slice %arg13[%dma_start3A_352, %dma_start3A_353] : memref<10112x32xf32, #tpu.memory_space<vmem_shared>> -> memref<10112x32xf32, #tpu.memory_space<vmem_shared>>
        tpu.enqueue_indirect_dma source(%dma_start3A_348 : memref<128x32xf32, #tpu.memory_space<vmem>>) target(%dma_start3A_354 : memref<10112x32xf32, #tpu.memory_space<vmem_shared>>) offsets(%dma_start3A_351 : memref<128xi32, #tpu.memory_space<vmem>>) semaphore(%run_scoped3A_344 : memref<!tpu.dma_semaphore, #tpu.memory_space<semaphore_mem>>) {add = true}
        %dma_wait3A_355 = arith.constant 0 : i32
        %dma_wait3A_356 = arith.constant 0 : i32
        %dma_wait3A_357 = tpu.memref_slice %arg10[%run_scoped3A_341, %run_scoped3A_342, %dma_wait3A_355, %dma_wait3A_356] : memref<3x3x128x32xf32, #tpu.memory_space<vmem>> -> memref<1x1x128x32xf32, #tpu.memory_space<vmem>>
        %dma_wait3A_358 = tpu.memref_squeeze %dma_wait3A_357 : memref<1x1x128x32xf32, #tpu.memory_space<vmem>> -> memref<128x32xf32, #tpu.memory_space<vmem>>
        %dma_wait3A_359 = arith.constant 0 : i32
        %dma_wait3A_360 = tpu.memref_slice %arg9[%run_scoped3A_343, %dma_wait3A_359] : memref<79x128xi32, #tpu.memory_space<vmem>> -> memref<1x128xi32, #tpu.memory_space<vmem>>
        %dma_wait3A_361 = tpu.memref_squeeze %dma_wait3A_360 : memref<1x128xi32, #tpu.memory_space<vmem>> -> memref<128xi32, #tpu.memory_space<vmem>>
        %dma_wait3A_362 = arith.constant 0 : i32
        %dma_wait3A_363 = arith.constant 0 : i32
        %dma_wait3A_364 = tpu.memref_slice %arg13[%dma_wait3A_362, %dma_wait3A_363] : memref<10112x32xf32, #tpu.memory_space<vmem_shared>> -> memref<10112x32xf32, #tpu.memory_space<vmem_shared>>
        tpu.wait_indirect_dma semaphore(%run_scoped3A_344 : memref<!tpu.dma_semaphore, #tpu.memory_space<semaphore_mem>>) src(%dma_wait3A_358 : memref<128x32xf32, #tpu.memory_space<vmem>>) dst(%dma_wait3A_364 : memref<10112x32xf32, #tpu.memory_space<vmem_shared>>)
        tpu.yield
      }) : () -> ()
    } else {
    }
    %barrier3A_171 = arith.constant 0 : index
    tpu.barrier barrier_id(%barrier3A_171)
    "tpu.region"() ({
      %run_scoped3A_338 = tpu.sem_alloc : memref<!tpu.dma_semaphore, #tpu.memory_space<semaphore_mem>>
      %dma_start3A_339 = arith.constant 0 : i32
      %dma_start3A_340 = tpu.memref_slice %arg6[%arg0, %mul3A_2, %dma_start3A_339] : memref<2x10112x32xf32, #tpu.memory_space<hbm>> -> memref<1x632x32xf32, #tpu.memory_space<hbm>>
      %dma_start3A_341 = tpu.memref_squeeze %dma_start3A_340 : memref<1x632x32xf32, #tpu.memory_space<hbm>> -> memref<632x32xf32, #tpu.memory_space<hbm>>
      %dma_start3A_342 = arith.constant 0 : i32
      %dma_start3A_343 = tpu.memref_slice %arg13[%mul3A_2, %dma_start3A_342] : memref<10112x32xf32, #tpu.memory_space<vmem_shared>> -> memref<632x32xf32, #tpu.memory_space<vmem_shared>>
      tpu.enqueue_dma source(%dma_start3A_343 : memref<632x32xf32, #tpu.memory_space<vmem_shared>>) target(%dma_start3A_341 : memref<632x32xf32, #tpu.memory_space<hbm>>) target_semaphore(%run_scoped3A_338 : memref<!tpu.dma_semaphore, #tpu.memory_space<semaphore_mem>>)
      %dma_wait3A_344 = arith.constant 0 : i32
      %dma_wait3A_345 = tpu.memref_slice %arg6[%arg0, %mul3A_2, %dma_wait3A_344] : memref<2x10112x32xf32, #tpu.memory_space<hbm>> -> memref<1x632x32xf32, #tpu.memory_space<hbm>>
      %dma_wait3A_346 = tpu.memref_squeeze %dma_wait3A_345 : memref<1x632x32xf32, #tpu.memory_space<hbm>> -> memref<632x32xf32, #tpu.memory_space<hbm>>
      %dma_wait3A_347 = arith.constant 0 : i32
      %dma_wait3A_348 = tpu.memref_slice %arg13[%mul3A_2, %dma_wait3A_347] : memref<10112x32xf32, #tpu.memory_space<vmem_shared>> -> memref<632x32xf32, #tpu.memory_space<vmem_shared>>
      tpu.wait_dma2 semaphore(%run_scoped3A_338 : memref<!tpu.dma_semaphore, #tpu.memory_space<semaphore_mem>>) src(%dma_wait3A_348 : memref<632x32xf32, #tpu.memory_space<vmem_shared>>) dst(%dma_wait3A_346 : memref<632x32xf32, #tpu.memory_space<hbm>>)
      tpu.yield
    }) : () -> ()
    "tpu.region"() ({
      %run_scoped3A_338 = tpu.sem_alloc : memref<!tpu.dma_semaphore, #tpu.memory_space<semaphore_mem>>
      %dma_start3A_339 = arith.constant 0 : i32
      %dma_start3A_340 = tpu.memref_slice %arg13[%mul3A_2, %dma_start3A_339] : memref<10112x32xf32, #tpu.memory_space<vmem_shared>> -> memref<632x32xf32, #tpu.memory_space<vmem_shared>>
      %dma_start3A_341 = arith.constant 0 : i32
      %dma_start3A_342 = tpu.memref_slice %arg5[%mul3A_2, %dma_start3A_341] : memref<10112x32xf32, #tpu.memory_space<hbm>> -> memref<632x32xf32, #tpu.memory_space<hbm>>
      tpu.enqueue_dma source(%dma_start3A_342 : memref<632x32xf32, #tpu.memory_space<hbm>>) target(%dma_start3A_340 : memref<632x32xf32, #tpu.memory_space<vmem_shared>>) target_semaphore(%run_scoped3A_338 : memref<!tpu.dma_semaphore, #tpu.memory_space<semaphore_mem>>)
      %dma_wait3A_343 = arith.constant 0 : i32
      %dma_wait3A_344 = tpu.memref_slice %arg13[%mul3A_2, %dma_wait3A_343] : memref<10112x32xf32, #tpu.memory_space<vmem_shared>> -> memref<632x32xf32, #tpu.memory_space<vmem_shared>>
      %dma_wait3A_345 = arith.constant 0 : i32
      %dma_wait3A_346 = tpu.memref_slice %arg5[%mul3A_2, %dma_wait3A_345] : memref<10112x32xf32, #tpu.memory_space<hbm>> -> memref<632x32xf32, #tpu.memory_space<hbm>>
      tpu.wait_dma2 semaphore(%run_scoped3A_338 : memref<!tpu.dma_semaphore, #tpu.memory_space<semaphore_mem>>) src(%dma_wait3A_346 : memref<632x32xf32, #tpu.memory_space<hbm>>) dst(%dma_wait3A_344 : memref<632x32xf32, #tpu.memory_space<vmem_shared>>)
      tpu.yield
    }) : () -> ()
    %barrier3A_172 = arith.constant 0 : index
    tpu.barrier barrier_id(%barrier3A_172)
    %dma_start3A_173 = arith.constant 0 : i32
    %dma_start3A_174 = arith.constant 0 : i32
    %dma_start3A_175 = arith.constant 0 : i32
    %dma_start3A_176 = arith.constant 0 : i32
    %dma_start3A_177 = arith.constant 0 : i32
    %dma_start3A_178 = arith.constant 0 : i32
    %dma_start3A_179 = arith.constant 0 : i32
    %dma_start3A_180 = tpu.memref_slice %arg10[%dma_start3A_174, %dma_start3A_175, %dma_start3A_178, %dma_start3A_179] : memref<3x3x128x32xf32, #tpu.memory_space<vmem>> -> memref<1x1x128x32xf32, #tpu.memory_space<vmem>>
    %dma_start3A_181 = tpu.memref_squeeze %dma_start3A_180 : memref<1x1x128x32xf32, #tpu.memory_space<vmem>> -> memref<128x32xf32, #tpu.memory_space<vmem>>
    %dma_start3A_182 = arith.constant 0 : i32
    %dma_start3A_183 = tpu.memref_slice %arg8[%dma_start3A_173, %dma_start3A_182] : memref<79x128xi32, #tpu.memory_space<vmem>> -> memref<1x128xi32, #tpu.memory_space<vmem>>
    %dma_start3A_184 = tpu.memref_squeeze %dma_start3A_183 : memref<1x128xi32, #tpu.memory_space<vmem>> -> memref<128xi32, #tpu.memory_space<vmem>>
    %dma_start3A_185 = arith.constant 0 : i32
    %dma_start3A_186 = arith.constant 0 : i32
    %dma_start3A_187 = tpu.memref_slice %arg12[%dma_start3A_185, %dma_start3A_186] : memref<10112x32xf32, #tpu.memory_space<vmem_shared>> -> memref<10112x32xf32, #tpu.memory_space<vmem_shared>>
    %dma_start3A_188 = tpu.memref_slice %arg14[%dma_start3A_176, %dma_start3A_177] : memref<3x3x!tpu.dma_semaphore, #tpu.memory_space<semaphore_mem>> -> memref<1x1x!tpu.dma_semaphore, #tpu.memory_space<semaphore_mem>>
    %dma_start3A_189 = tpu.memref_squeeze %dma_start3A_188 : memref<1x1x!tpu.dma_semaphore, #tpu.memory_space<semaphore_mem>> -> memref<!tpu.dma_semaphore, #tpu.memory_space<semaphore_mem>>
    tpu.enqueue_indirect_dma source(%dma_start3A_187 : memref<10112x32xf32, #tpu.memory_space<vmem_shared>>) target(%dma_start3A_181 : memref<128x32xf32, #tpu.memory_space<vmem>>) offsets(%dma_start3A_184 : memref<128xi32, #tpu.memory_space<vmem>>) semaphore(%dma_start3A_189 : memref<!tpu.dma_semaphore, #tpu.memory_space<semaphore_mem>>)
    %dma_start3A_190 = arith.constant 1 : i32
    %dma_start3A_191 = arith.constant 0 : i32
    %dma_start3A_192 = arith.constant 1 : i32
    %dma_start3A_193 = arith.constant 0 : i32
    %dma_start3A_194 = arith.constant 1 : i32
    %dma_start3A_195 = arith.constant 0 : i32
    %dma_start3A_196 = arith.constant 0 : i32
    %dma_start3A_197 = tpu.memref_slice %arg10[%dma_start3A_191, %dma_start3A_192, %dma_start3A_195, %dma_start3A_196] : memref<3x3x128x32xf32, #tpu.memory_space<vmem>> -> memref<1x1x128x32xf32, #tpu.memory_space<vmem>>
    %dma_start3A_198 = tpu.memref_squeeze %dma_start3A_197 : memref<1x1x128x32xf32, #tpu.memory_space<vmem>> -> memref<128x32xf32, #tpu.memory_space<vmem>>
    %dma_start3A_199 = arith.constant 0 : i32
    %dma_start3A_200 = tpu.memref_slice %arg8[%dma_start3A_190, %dma_start3A_199] : memref<79x128xi32, #tpu.memory_space<vmem>> -> memref<1x128xi32, #tpu.memory_space<vmem>>
    %dma_start3A_201 = tpu.memref_squeeze %dma_start3A_200 : memref<1x128xi32, #tpu.memory_space<vmem>> -> memref<128xi32, #tpu.memory_space<vmem>>
    %dma_start3A_202 = arith.constant 0 : i32
    %dma_start3A_203 = arith.constant 0 : i32
    %dma_start3A_204 = tpu.memref_slice %arg12[%dma_start3A_202, %dma_start3A_203] : memref<10112x32xf32, #tpu.memory_space<vmem_shared>> -> memref<10112x32xf32, #tpu.memory_space<vmem_shared>>
    %dma_start3A_205 = tpu.memref_slice %arg14[%dma_start3A_193, %dma_start3A_194] : memref<3x3x!tpu.dma_semaphore, #tpu.memory_space<semaphore_mem>> -> memref<1x1x!tpu.dma_semaphore, #tpu.memory_space<semaphore_mem>>
    %dma_start3A_206 = tpu.memref_squeeze %dma_start3A_205 : memref<1x1x!tpu.dma_semaphore, #tpu.memory_space<semaphore_mem>> -> memref<!tpu.dma_semaphore, #tpu.memory_space<semaphore_mem>>
    tpu.enqueue_indirect_dma source(%dma_start3A_204 : memref<10112x32xf32, #tpu.memory_space<vmem_shared>>) target(%dma_start3A_198 : memref<128x32xf32, #tpu.memory_space<vmem>>) offsets(%dma_start3A_201 : memref<128xi32, #tpu.memory_space<vmem>>) semaphore(%dma_start3A_206 : memref<!tpu.dma_semaphore, #tpu.memory_space<semaphore_mem>>)
    %dma_start3A_207 = arith.constant 2 : i32
    %dma_start3A_208 = arith.constant 0 : i32
    %dma_start3A_209 = arith.constant 2 : i32
    %dma_start3A_210 = arith.constant 0 : i32
    %dma_start3A_211 = arith.constant 2 : i32
    %dma_start3A_212 = arith.constant 0 : i32
    %dma_start3A_213 = arith.constant 0 : i32
    %dma_start3A_214 = tpu.memref_slice %arg10[%dma_start3A_208, %dma_start3A_209, %dma_start3A_212, %dma_start3A_213] : memref<3x3x128x32xf32, #tpu.memory_space<vmem>> -> memref<1x1x128x32xf32, #tpu.memory_space<vmem>>
    %dma_start3A_215 = tpu.memref_squeeze %dma_start3A_214 : memref<1x1x128x32xf32, #tpu.memory_space<vmem>> -> memref<128x32xf32, #tpu.memory_space<vmem>>
    %dma_start3A_216 = arith.constant 0 : i32
    %dma_start3A_217 = tpu.memref_slice %arg8[%dma_start3A_207, %dma_start3A_216] : memref<79x128xi32, #tpu.memory_space<vmem>> -> memref<1x128xi32, #tpu.memory_space<vmem>>
    %dma_start3A_218 = tpu.memref_squeeze %dma_start3A_217 : memref<1x128xi32, #tpu.memory_space<vmem>> -> memref<128xi32, #tpu.memory_space<vmem>>
    %dma_start3A_219 = arith.constant 0 : i32
    %dma_start3A_220 = arith.constant 0 : i32
    %dma_start3A_221 = tpu.memref_slice %arg12[%dma_start3A_219, %dma_start3A_220] : memref<10112x32xf32, #tpu.memory_space<vmem_shared>> -> memref<10112x32xf32, #tpu.memory_space<vmem_shared>>
    %dma_start3A_222 = tpu.memref_slice %arg14[%dma_start3A_210, %dma_start3A_211] : memref<3x3x!tpu.dma_semaphore, #tpu.memory_space<semaphore_mem>> -> memref<1x1x!tpu.dma_semaphore, #tpu.memory_space<semaphore_mem>>
    %dma_start3A_223 = tpu.memref_squeeze %dma_start3A_222 : memref<1x1x!tpu.dma_semaphore, #tpu.memory_space<semaphore_mem>> -> memref<!tpu.dma_semaphore, #tpu.memory_space<semaphore_mem>>
    tpu.enqueue_indirect_dma source(%dma_start3A_221 : memref<10112x32xf32, #tpu.memory_space<vmem_shared>>) target(%dma_start3A_215 : memref<128x32xf32, #tpu.memory_space<vmem>>) offsets(%dma_start3A_218 : memref<128xi32, #tpu.memory_space<vmem>>) semaphore(%dma_start3A_223 : memref<!tpu.dma_semaphore, #tpu.memory_space<semaphore_mem>>)
    %scan3A_224 = arith.constant 0 : i32
    %scan3A_225 = arith.constant 0 : i32
    %scan3A_226 = arith.constant 26 : i32
    %scan3A_227 = arith.addi %scan3A_225, %scan3A_226 : i32
    %scan3A_228 = arith.constant 1 : i32
    scf.for %scan3A_338 = %scan3A_225 to %scan3A_227 step %scan3A_228  : i32 {
      %rem3A = arith.constant 3 : i32
      %rem3A_339 = arith.remsi %scan3A_338, %rem3A : i32
      %add3A_340 = arith.constant 1 : i32
      %add3A_341 = arith.addi %scan3A_338, %add3A_340 : i32
      %rem3A_342 = arith.constant 3 : i32
      %rem3A_343 = arith.remsi %add3A_341, %rem3A_342 : i32
      %lt3A_344 = arith.constant 25 : i32
      %lt3A_345 = arith.cmpi slt, %scan3A_338, %lt3A_344 : i32
      %convert_element_type3A_346 = arith.extui %lt3A_345 : i1 to i32
      %cond3A_347 = arith.constant 0 : i32
      %cond3A_348 = arith.cmpi ne, %convert_element_type3A_346, %cond3A_347 : i32
      scf.if %cond3A_348 {
        %ge3A = arith.constant 2 : i32
        %ge3A_457 = arith.cmpi sge, %scan3A_338, %ge3A : i32
        %convert_element_type3A_458 = arith.extui %ge3A_457 : i1 to i32
        %cond3A_459 = arith.constant 0 : i32
        %cond3A_460 = arith.cmpi ne, %convert_element_type3A_458, %cond3A_459 : i32
        scf.if %cond3A_460 {
          %sub3A = arith.constant 2 : i32
          %sub3A_517 = arith.subi %scan3A_338, %sub3A : i32
          %mul3A_518 = arith.constant 3 : i32
          %mul3A_519 = arith.muli %sub3A_517, %mul3A_518 : i32
          %add3A_520 = arith.constant 0 : i32
          %add3A_521 = arith.addi %mul3A_519, %add3A_520 : i32
          %dma_wait3A_522 = arith.constant 0 : i32
          %dma_wait3A_523 = arith.constant 0 : i32
          %dma_wait3A_524 = arith.constant 0 : i32
          %dma_wait3A_525 = arith.constant 0 : i32
          %dma_wait3A_526 = tpu.memref_slice %arg10[%rem3A_343, %dma_wait3A_522, %dma_wait3A_524, %dma_wait3A_525] : memref<3x3x128x32xf32, #tpu.memory_space<vmem>> -> memref<1x1x128x32xf32, #tpu.memory_space<vmem>>
          %dma_wait3A_527 = tpu.memref_squeeze %dma_wait3A_526 : memref<1x1x128x32xf32, #tpu.memory_space<vmem>> -> memref<128x32xf32, #tpu.memory_space<vmem>>
          %dma_wait3A_528 = arith.constant 0 : i32
          %dma_wait3A_529 = tpu.memref_slice %arg9[%add3A_521, %dma_wait3A_528] : memref<79x128xi32, #tpu.memory_space<vmem>> -> memref<1x128xi32, #tpu.memory_space<vmem>>
          %dma_wait3A_530 = tpu.memref_squeeze %dma_wait3A_529 : memref<1x128xi32, #tpu.memory_space<vmem>> -> memref<128xi32, #tpu.memory_space<vmem>>
          %dma_wait3A_531 = arith.constant 0 : i32
          %dma_wait3A_532 = arith.constant 0 : i32
          %dma_wait3A_533 = tpu.memref_slice %arg13[%dma_wait3A_531, %dma_wait3A_532] : memref<10112x32xf32, #tpu.memory_space<vmem_shared>> -> memref<10112x32xf32, #tpu.memory_space<vmem_shared>>
          %dma_wait3A_534 = tpu.memref_slice %arg15[%rem3A_343, %dma_wait3A_523] : memref<3x3x!tpu.dma_semaphore, #tpu.memory_space<semaphore_mem>> -> memref<1x1x!tpu.dma_semaphore, #tpu.memory_space<semaphore_mem>>
          %dma_wait3A_535 = tpu.memref_squeeze %dma_wait3A_534 : memref<1x1x!tpu.dma_semaphore, #tpu.memory_space<semaphore_mem>> -> memref<!tpu.dma_semaphore, #tpu.memory_space<semaphore_mem>>
          tpu.wait_indirect_dma semaphore(%dma_wait3A_535 : memref<!tpu.dma_semaphore, #tpu.memory_space<semaphore_mem>>) src(%dma_wait3A_527 : memref<128x32xf32, #tpu.memory_space<vmem>>) dst(%dma_wait3A_533 : memref<10112x32xf32, #tpu.memory_space<vmem_shared>>)
          %mul3A_536 = arith.constant 3 : i32
          %mul3A_537 = arith.muli %sub3A_517, %mul3A_536 : i32
          %add3A_538 = arith.constant 1 : i32
          %add3A_539 = arith.addi %mul3A_537, %add3A_538 : i32
          %dma_wait3A_540 = arith.constant 1 : i32
          %dma_wait3A_541 = arith.constant 1 : i32
          %dma_wait3A_542 = arith.constant 0 : i32
          %dma_wait3A_543 = arith.constant 0 : i32
          %dma_wait3A_544 = tpu.memref_slice %arg10[%rem3A_343, %dma_wait3A_540, %dma_wait3A_542, %dma_wait3A_543] : memref<3x3x128x32xf32, #tpu.memory_space<vmem>> -> memref<1x1x128x32xf32, #tpu.memory_space<vmem>>
          %dma_wait3A_545 = tpu.memref_squeeze %dma_wait3A_544 : memref<1x1x128x32xf32, #tpu.memory_space<vmem>> -> memref<128x32xf32, #tpu.memory_space<vmem>>
          %dma_wait3A_546 = arith.constant 0 : i32
          %dma_wait3A_547 = tpu.memref_slice %arg9[%add3A_539, %dma_wait3A_546] : memref<79x128xi32, #tpu.memory_space<vmem>> -> memref<1x128xi32, #tpu.memory_space<vmem>>
          %dma_wait3A_548 = tpu.memref_squeeze %dma_wait3A_547 : memref<1x128xi32, #tpu.memory_space<vmem>> -> memref<128xi32, #tpu.memory_space<vmem>>
          %dma_wait3A_549 = arith.constant 0 : i32
          %dma_wait3A_550 = arith.constant 0 : i32
          %dma_wait3A_551 = tpu.memref_slice %arg13[%dma_wait3A_549, %dma_wait3A_550] : memref<10112x32xf32, #tpu.memory_space<vmem_shared>> -> memref<10112x32xf32, #tpu.memory_space<vmem_shared>>
          %dma_wait3A_552 = tpu.memref_slice %arg15[%rem3A_343, %dma_wait3A_541] : memref<3x3x!tpu.dma_semaphore, #tpu.memory_space<semaphore_mem>> -> memref<1x1x!tpu.dma_semaphore, #tpu.memory_space<semaphore_mem>>
          %dma_wait3A_553 = tpu.memref_squeeze %dma_wait3A_552 : memref<1x1x!tpu.dma_semaphore, #tpu.memory_space<semaphore_mem>> -> memref<!tpu.dma_semaphore, #tpu.memory_space<semaphore_mem>>
          tpu.wait_indirect_dma semaphore(%dma_wait3A_553 : memref<!tpu.dma_semaphore, #tpu.memory_space<semaphore_mem>>) src(%dma_wait3A_545 : memref<128x32xf32, #tpu.memory_space<vmem>>) dst(%dma_wait3A_551 : memref<10112x32xf32, #tpu.memory_space<vmem_shared>>)
          %mul3A_554 = arith.constant 3 : i32
          %mul3A_555 = arith.muli %sub3A_517, %mul3A_554 : i32
          %add3A_556 = arith.constant 2 : i32
          %add3A_557 = arith.addi %mul3A_555, %add3A_556 : i32
          %dma_wait3A_558 = arith.constant 2 : i32
          %dma_wait3A_559 = arith.constant 2 : i32
          %dma_wait3A_560 = arith.constant 0 : i32
          %dma_wait3A_561 = arith.constant 0 : i32
          %dma_wait3A_562 = tpu.memref_slice %arg10[%rem3A_343, %dma_wait3A_558, %dma_wait3A_560, %dma_wait3A_561] : memref<3x3x128x32xf32, #tpu.memory_space<vmem>> -> memref<1x1x128x32xf32, #tpu.memory_space<vmem>>
          %dma_wait3A_563 = tpu.memref_squeeze %dma_wait3A_562 : memref<1x1x128x32xf32, #tpu.memory_space<vmem>> -> memref<128x32xf32, #tpu.memory_space<vmem>>
          %dma_wait3A_564 = arith.constant 0 : i32
          %dma_wait3A_565 = tpu.memref_slice %arg9[%add3A_557, %dma_wait3A_564] : memref<79x128xi32, #tpu.memory_space<vmem>> -> memref<1x128xi32, #tpu.memory_space<vmem>>
          %dma_wait3A_566 = tpu.memref_squeeze %dma_wait3A_565 : memref<1x128xi32, #tpu.memory_space<vmem>> -> memref<128xi32, #tpu.memory_space<vmem>>
          %dma_wait3A_567 = arith.constant 0 : i32
          %dma_wait3A_568 = arith.constant 0 : i32
          %dma_wait3A_569 = tpu.memref_slice %arg13[%dma_wait3A_567, %dma_wait3A_568] : memref<10112x32xf32, #tpu.memory_space<vmem_shared>> -> memref<10112x32xf32, #tpu.memory_space<vmem_shared>>
          %dma_wait3A_570 = tpu.memref_slice %arg15[%rem3A_343, %dma_wait3A_559] : memref<3x3x!tpu.dma_semaphore, #tpu.memory_space<semaphore_mem>> -> memref<1x1x!tpu.dma_semaphore, #tpu.memory_space<semaphore_mem>>
          %dma_wait3A_571 = tpu.memref_squeeze %dma_wait3A_570 : memref<1x1x!tpu.dma_semaphore, #tpu.memory_space<semaphore_mem>> -> memref<!tpu.dma_semaphore, #tpu.memory_space<semaphore_mem>>
          tpu.wait_indirect_dma semaphore(%dma_wait3A_571 : memref<!tpu.dma_semaphore, #tpu.memory_space<semaphore_mem>>) src(%dma_wait3A_563 : memref<128x32xf32, #tpu.memory_space<vmem>>) dst(%dma_wait3A_569 : memref<10112x32xf32, #tpu.memory_space<vmem_shared>>)
        } else {
        }
        %add3A_461 = arith.constant 1 : i32
        %add3A_462 = arith.addi %scan3A_338, %add3A_461 : i32
        %mul3A_463 = arith.constant 3 : i32
        %mul3A_464 = arith.muli %add3A_462, %mul3A_463 : i32
        %add3A_465 = arith.constant 0 : i32
        %add3A_466 = arith.addi %mul3A_464, %add3A_465 : i32
        %dma_start3A_467 = arith.constant 0 : i32
        %dma_start3A_468 = arith.constant 0 : i32
        %dma_start3A_469 = arith.constant 0 : i32
        %dma_start3A_470 = arith.constant 0 : i32
        %dma_start3A_471 = tpu.memref_slice %arg10[%rem3A_343, %dma_start3A_467, %dma_start3A_469, %dma_start3A_470] : memref<3x3x128x32xf32, #tpu.memory_space<vmem>> -> memref<1x1x128x32xf32, #tpu.memory_space<vmem>>
        %dma_start3A_472 = tpu.memref_squeeze %dma_start3A_471 : memref<1x1x128x32xf32, #tpu.memory_space<vmem>> -> memref<128x32xf32, #tpu.memory_space<vmem>>
        %dma_start3A_473 = arith.constant 0 : i32
        %dma_start3A_474 = tpu.memref_slice %arg8[%add3A_466, %dma_start3A_473] : memref<79x128xi32, #tpu.memory_space<vmem>> -> memref<1x128xi32, #tpu.memory_space<vmem>>
        %dma_start3A_475 = tpu.memref_squeeze %dma_start3A_474 : memref<1x128xi32, #tpu.memory_space<vmem>> -> memref<128xi32, #tpu.memory_space<vmem>>
        %dma_start3A_476 = arith.constant 0 : i32
        %dma_start3A_477 = arith.constant 0 : i32
        %dma_start3A_478 = tpu.memref_slice %arg12[%dma_start3A_476, %dma_start3A_477] : memref<10112x32xf32, #tpu.memory_space<vmem_shared>> -> memref<10112x32xf32, #tpu.memory_space<vmem_shared>>
        %dma_start3A_479 = tpu.memref_slice %arg14[%rem3A_343, %dma_start3A_468] : memref<3x3x!tpu.dma_semaphore, #tpu.memory_space<semaphore_mem>> -> memref<1x1x!tpu.dma_semaphore, #tpu.memory_space<semaphore_mem>>
        %dma_start3A_480 = tpu.memref_squeeze %dma_start3A_479 : memref<1x1x!tpu.dma_semaphore, #tpu.memory_space<semaphore_mem>> -> memref<!tpu.dma_semaphore, #tpu.memory_space<semaphore_mem>>
        tpu.enqueue_indirect_dma source(%dma_start3A_478 : memref<10112x32xf32, #tpu.memory_space<vmem_shared>>) target(%dma_start3A_472 : memref<128x32xf32, #tpu.memory_space<vmem>>) offsets(%dma_start3A_475 : memref<128xi32, #tpu.memory_space<vmem>>) semaphore(%dma_start3A_480 : memref<!tpu.dma_semaphore, #tpu.memory_space<semaphore_mem>>)
        %mul3A_481 = arith.constant 3 : i32
        %mul3A_482 = arith.muli %add3A_462, %mul3A_481 : i32
        %add3A_483 = arith.constant 1 : i32
        %add3A_484 = arith.addi %mul3A_482, %add3A_483 : i32
        %dma_start3A_485 = arith.constant 1 : i32
        %dma_start3A_486 = arith.constant 1 : i32
        %dma_start3A_487 = arith.constant 0 : i32
        %dma_start3A_488 = arith.constant 0 : i32
        %dma_start3A_489 = tpu.memref_slice %arg10[%rem3A_343, %dma_start3A_485, %dma_start3A_487, %dma_start3A_488] : memref<3x3x128x32xf32, #tpu.memory_space<vmem>> -> memref<1x1x128x32xf32, #tpu.memory_space<vmem>>
        %dma_start3A_490 = tpu.memref_squeeze %dma_start3A_489 : memref<1x1x128x32xf32, #tpu.memory_space<vmem>> -> memref<128x32xf32, #tpu.memory_space<vmem>>
        %dma_start3A_491 = arith.constant 0 : i32
        %dma_start3A_492 = tpu.memref_slice %arg8[%add3A_484, %dma_start3A_491] : memref<79x128xi32, #tpu.memory_space<vmem>> -> memref<1x128xi32, #tpu.memory_space<vmem>>
        %dma_start3A_493 = tpu.memref_squeeze %dma_start3A_492 : memref<1x128xi32, #tpu.memory_space<vmem>> -> memref<128xi32, #tpu.memory_space<vmem>>
        %dma_start3A_494 = arith.constant 0 : i32
        %dma_start3A_495 = arith.constant 0 : i32
        %dma_start3A_496 = tpu.memref_slice %arg12[%dma_start3A_494, %dma_start3A_495] : memref<10112x32xf32, #tpu.memory_space<vmem_shared>> -> memref<10112x32xf32, #tpu.memory_space<vmem_shared>>
        %dma_start3A_497 = tpu.memref_slice %arg14[%rem3A_343, %dma_start3A_486] : memref<3x3x!tpu.dma_semaphore, #tpu.memory_space<semaphore_mem>> -> memref<1x1x!tpu.dma_semaphore, #tpu.memory_space<semaphore_mem>>
        %dma_start3A_498 = tpu.memref_squeeze %dma_start3A_497 : memref<1x1x!tpu.dma_semaphore, #tpu.memory_space<semaphore_mem>> -> memref<!tpu.dma_semaphore, #tpu.memory_space<semaphore_mem>>
        tpu.enqueue_indirect_dma source(%dma_start3A_496 : memref<10112x32xf32, #tpu.memory_space<vmem_shared>>) target(%dma_start3A_490 : memref<128x32xf32, #tpu.memory_space<vmem>>) offsets(%dma_start3A_493 : memref<128xi32, #tpu.memory_space<vmem>>) semaphore(%dma_start3A_498 : memref<!tpu.dma_semaphore, #tpu.memory_space<semaphore_mem>>)
        %mul3A_499 = arith.constant 3 : i32
        %mul3A_500 = arith.muli %add3A_462, %mul3A_499 : i32
        %add3A_501 = arith.constant 2 : i32
        %add3A_502 = arith.addi %mul3A_500, %add3A_501 : i32
        %dma_start3A_503 = arith.constant 2 : i32
        %dma_start3A_504 = arith.constant 2 : i32
        %dma_start3A_505 = arith.constant 0 : i32
        %dma_start3A_506 = arith.constant 0 : i32
        %dma_start3A_507 = tpu.memref_slice %arg10[%rem3A_343, %dma_start3A_503, %dma_start3A_505, %dma_start3A_506] : memref<3x3x128x32xf32, #tpu.memory_space<vmem>> -> memref<1x1x128x32xf32, #tpu.memory_space<vmem>>
        %dma_start3A_508 = tpu.memref_squeeze %dma_start3A_507 : memref<1x1x128x32xf32, #tpu.memory_space<vmem>> -> memref<128x32xf32, #tpu.memory_space<vmem>>
        %dma_start3A_509 = arith.constant 0 : i32
        %dma_start3A_510 = tpu.memref_slice %arg8[%add3A_502, %dma_start3A_509] : memref<79x128xi32, #tpu.memory_space<vmem>> -> memref<1x128xi32, #tpu.memory_space<vmem>>
        %dma_start3A_511 = tpu.memref_squeeze %dma_start3A_510 : memref<1x128xi32, #tpu.memory_space<vmem>> -> memref<128xi32, #tpu.memory_space<vmem>>
        %dma_start3A_512 = arith.constant 0 : i32
        %dma_start3A_513 = arith.constant 0 : i32
        %dma_start3A_514 = tpu.memref_slice %arg12[%dma_start3A_512, %dma_start3A_513] : memref<10112x32xf32, #tpu.memory_space<vmem_shared>> -> memref<10112x32xf32, #tpu.memory_space<vmem_shared>>
        %dma_start3A_515 = tpu.memref_slice %arg14[%rem3A_343, %dma_start3A_504] : memref<3x3x!tpu.dma_semaphore, #tpu.memory_space<semaphore_mem>> -> memref<1x1x!tpu.dma_semaphore, #tpu.memory_space<semaphore_mem>>
        %dma_start3A_516 = tpu.memref_squeeze %dma_start3A_515 : memref<1x1x!tpu.dma_semaphore, #tpu.memory_space<semaphore_mem>> -> memref<!tpu.dma_semaphore, #tpu.memory_space<semaphore_mem>>
        tpu.enqueue_indirect_dma source(%dma_start3A_514 : memref<10112x32xf32, #tpu.memory_space<vmem_shared>>) target(%dma_start3A_508 : memref<128x32xf32, #tpu.memory_space<vmem>>) offsets(%dma_start3A_511 : memref<128xi32, #tpu.memory_space<vmem>>) semaphore(%dma_start3A_516 : memref<!tpu.dma_semaphore, #tpu.memory_space<semaphore_mem>>)
      } else {
      }
      %mul3A_349 = arith.constant 3 : i32
      %mul3A_350 = arith.muli %scan3A_338, %mul3A_349 : i32
      %add3A_351 = arith.constant 0 : i32
      %add3A_352 = arith.addi %mul3A_350, %add3A_351 : i32
      %dma_wait3A_353 = arith.constant 0 : i32
      %dma_wait3A_354 = arith.constant 0 : i32
      %dma_wait3A_355 = arith.constant 0 : i32
      %dma_wait3A_356 = arith.constant 0 : i32
      %dma_wait3A_357 = tpu.memref_slice %arg10[%rem3A_339, %dma_wait3A_353, %dma_wait3A_355, %dma_wait3A_356] : memref<3x3x128x32xf32, #tpu.memory_space<vmem>> -> memref<1x1x128x32xf32, #tpu.memory_space<vmem>>
      %dma_wait3A_358 = tpu.memref_squeeze %dma_wait3A_357 : memref<1x1x128x32xf32, #tpu.memory_space<vmem>> -> memref<128x32xf32, #tpu.memory_space<vmem>>
      %dma_wait3A_359 = arith.constant 0 : i32
      %dma_wait3A_360 = tpu.memref_slice %arg8[%add3A_352, %dma_wait3A_359] : memref<79x128xi32, #tpu.memory_space<vmem>> -> memref<1x128xi32, #tpu.memory_space<vmem>>
      %dma_wait3A_361 = tpu.memref_squeeze %dma_wait3A_360 : memref<1x128xi32, #tpu.memory_space<vmem>> -> memref<128xi32, #tpu.memory_space<vmem>>
      %dma_wait3A_362 = arith.constant 0 : i32
      %dma_wait3A_363 = arith.constant 0 : i32
      %dma_wait3A_364 = tpu.memref_slice %arg12[%dma_wait3A_362, %dma_wait3A_363] : memref<10112x32xf32, #tpu.memory_space<vmem_shared>> -> memref<10112x32xf32, #tpu.memory_space<vmem_shared>>
      %dma_wait3A_365 = tpu.memref_slice %arg14[%rem3A_339, %dma_wait3A_354] : memref<3x3x!tpu.dma_semaphore, #tpu.memory_space<semaphore_mem>> -> memref<1x1x!tpu.dma_semaphore, #tpu.memory_space<semaphore_mem>>
      %dma_wait3A_366 = tpu.memref_squeeze %dma_wait3A_365 : memref<1x1x!tpu.dma_semaphore, #tpu.memory_space<semaphore_mem>> -> memref<!tpu.dma_semaphore, #tpu.memory_space<semaphore_mem>>
      tpu.wait_indirect_dma semaphore(%dma_wait3A_366 : memref<!tpu.dma_semaphore, #tpu.memory_space<semaphore_mem>>) src(%dma_wait3A_364 : memref<10112x32xf32, #tpu.memory_space<vmem_shared>>) dst(%dma_wait3A_358 : memref<128x32xf32, #tpu.memory_space<vmem>>)
      %mul3A_367 = arith.constant 3 : i32
      %mul3A_368 = arith.muli %scan3A_338, %mul3A_367 : i32
      %add3A_369 = arith.constant 0 : i32
      %add3A_370 = arith.addi %mul3A_368, %add3A_369 : i32
      %dma_start3A_371 = arith.constant 0 : i32
      %dma_start3A_372 = arith.constant 0 : i32
      %dma_start3A_373 = arith.constant 0 : i32
      %dma_start3A_374 = arith.constant 0 : i32
      %dma_start3A_375 = tpu.memref_slice %arg10[%rem3A_339, %dma_start3A_371, %dma_start3A_373, %dma_start3A_374] : memref<3x3x128x32xf32, #tpu.memory_space<vmem>> -> memref<1x1x128x32xf32, #tpu.memory_space<vmem>>
      %dma_start3A_376 = tpu.memref_squeeze %dma_start3A_375 : memref<1x1x128x32xf32, #tpu.memory_space<vmem>> -> memref<128x32xf32, #tpu.memory_space<vmem>>
      %dma_start3A_377 = arith.constant 0 : i32
      %dma_start3A_378 = tpu.memref_slice %arg9[%add3A_370, %dma_start3A_377] : memref<79x128xi32, #tpu.memory_space<vmem>> -> memref<1x128xi32, #tpu.memory_space<vmem>>
      %dma_start3A_379 = tpu.memref_squeeze %dma_start3A_378 : memref<1x128xi32, #tpu.memory_space<vmem>> -> memref<128xi32, #tpu.memory_space<vmem>>
      %dma_start3A_380 = arith.constant 0 : i32
      %dma_start3A_381 = arith.constant 0 : i32
      %dma_start3A_382 = tpu.memref_slice %arg13[%dma_start3A_380, %dma_start3A_381] : memref<10112x32xf32, #tpu.memory_space<vmem_shared>> -> memref<10112x32xf32, #tpu.memory_space<vmem_shared>>
      %dma_start3A_383 = tpu.memref_slice %arg15[%rem3A_339, %dma_start3A_372] : memref<3x3x!tpu.dma_semaphore, #tpu.memory_space<semaphore_mem>> -> memref<1x1x!tpu.dma_semaphore, #tpu.memory_space<semaphore_mem>>
      %dma_start3A_384 = tpu.memref_squeeze %dma_start3A_383 : memref<1x1x!tpu.dma_semaphore, #tpu.memory_space<semaphore_mem>> -> memref<!tpu.dma_semaphore, #tpu.memory_space<semaphore_mem>>
      tpu.enqueue_indirect_dma source(%dma_start3A_376 : memref<128x32xf32, #tpu.memory_space<vmem>>) target(%dma_start3A_382 : memref<10112x32xf32, #tpu.memory_space<vmem_shared>>) offsets(%dma_start3A_379 : memref<128xi32, #tpu.memory_space<vmem>>) semaphore(%dma_start3A_384 : memref<!tpu.dma_semaphore, #tpu.memory_space<semaphore_mem>>) {add = true}
      %mul3A_385 = arith.constant 3 : i32
      %mul3A_386 = arith.muli %scan3A_338, %mul3A_385 : i32
      %add3A_387 = arith.constant 1 : i32
      %add3A_388 = arith.addi %mul3A_386, %add3A_387 : i32
      %dma_wait3A_389 = arith.constant 1 : i32
      %dma_wait3A_390 = arith.constant 1 : i32
      %dma_wait3A_391 = arith.constant 0 : i32
      %dma_wait3A_392 = arith.constant 0 : i32
      %dma_wait3A_393 = tpu.memref_slice %arg10[%rem3A_339, %dma_wait3A_389, %dma_wait3A_391, %dma_wait3A_392] : memref<3x3x128x32xf32, #tpu.memory_space<vmem>> -> memref<1x1x128x32xf32, #tpu.memory_space<vmem>>
      %dma_wait3A_394 = tpu.memref_squeeze %dma_wait3A_393 : memref<1x1x128x32xf32, #tpu.memory_space<vmem>> -> memref<128x32xf32, #tpu.memory_space<vmem>>
      %dma_wait3A_395 = arith.constant 0 : i32
      %dma_wait3A_396 = tpu.memref_slice %arg8[%add3A_388, %dma_wait3A_395] : memref<79x128xi32, #tpu.memory_space<vmem>> -> memref<1x128xi32, #tpu.memory_space<vmem>>
      %dma_wait3A_397 = tpu.memref_squeeze %dma_wait3A_396 : memref<1x128xi32, #tpu.memory_space<vmem>> -> memref<128xi32, #tpu.memory_space<vmem>>
      %dma_wait3A_398 = arith.constant 0 : i32
      %dma_wait3A_399 = arith.constant 0 : i32
      %dma_wait3A_400 = tpu.memref_slice %arg12[%dma_wait3A_398, %dma_wait3A_399] : memref<10112x32xf32, #tpu.memory_space<vmem_shared>> -> memref<10112x32xf32, #tpu.memory_space<vmem_shared>>
      %dma_wait3A_401 = tpu.memref_slice %arg14[%rem3A_339, %dma_wait3A_390] : memref<3x3x!tpu.dma_semaphore, #tpu.memory_space<semaphore_mem>> -> memref<1x1x!tpu.dma_semaphore, #tpu.memory_space<semaphore_mem>>
      %dma_wait3A_402 = tpu.memref_squeeze %dma_wait3A_401 : memref<1x1x!tpu.dma_semaphore, #tpu.memory_space<semaphore_mem>> -> memref<!tpu.dma_semaphore, #tpu.memory_space<semaphore_mem>>
      tpu.wait_indirect_dma semaphore(%dma_wait3A_402 : memref<!tpu.dma_semaphore, #tpu.memory_space<semaphore_mem>>) src(%dma_wait3A_400 : memref<10112x32xf32, #tpu.memory_space<vmem_shared>>) dst(%dma_wait3A_394 : memref<128x32xf32, #tpu.memory_space<vmem>>)
      %mul3A_403 = arith.constant 3 : i32
      %mul3A_404 = arith.muli %scan3A_338, %mul3A_403 : i32
      %add3A_405 = arith.constant 1 : i32
      %add3A_406 = arith.addi %mul3A_404, %add3A_405 : i32
      %dma_start3A_407 = arith.constant 1 : i32
      %dma_start3A_408 = arith.constant 1 : i32
      %dma_start3A_409 = arith.constant 0 : i32
      %dma_start3A_410 = arith.constant 0 : i32
      %dma_start3A_411 = tpu.memref_slice %arg10[%rem3A_339, %dma_start3A_407, %dma_start3A_409, %dma_start3A_410] : memref<3x3x128x32xf32, #tpu.memory_space<vmem>> -> memref<1x1x128x32xf32, #tpu.memory_space<vmem>>
      %dma_start3A_412 = tpu.memref_squeeze %dma_start3A_411 : memref<1x1x128x32xf32, #tpu.memory_space<vmem>> -> memref<128x32xf32, #tpu.memory_space<vmem>>
      %dma_start3A_413 = arith.constant 0 : i32
      %dma_start3A_414 = tpu.memref_slice %arg9[%add3A_406, %dma_start3A_413] : memref<79x128xi32, #tpu.memory_space<vmem>> -> memref<1x128xi32, #tpu.memory_space<vmem>>
      %dma_start3A_415 = tpu.memref_squeeze %dma_start3A_414 : memref<1x128xi32, #tpu.memory_space<vmem>> -> memref<128xi32, #tpu.memory_space<vmem>>
      %dma_start3A_416 = arith.constant 0 : i32
      %dma_start3A_417 = arith.constant 0 : i32
      %dma_start3A_418 = tpu.memref_slice %arg13[%dma_start3A_416, %dma_start3A_417] : memref<10112x32xf32, #tpu.memory_space<vmem_shared>> -> memref<10112x32xf32, #tpu.memory_space<vmem_shared>>
      %dma_start3A_419 = tpu.memref_slice %arg15[%rem3A_339, %dma_start3A_408] : memref<3x3x!tpu.dma_semaphore, #tpu.memory_space<semaphore_mem>> -> memref<1x1x!tpu.dma_semaphore, #tpu.memory_space<semaphore_mem>>
      %dma_start3A_420 = tpu.memref_squeeze %dma_start3A_419 : memref<1x1x!tpu.dma_semaphore, #tpu.memory_space<semaphore_mem>> -> memref<!tpu.dma_semaphore, #tpu.memory_space<semaphore_mem>>
      tpu.enqueue_indirect_dma source(%dma_start3A_412 : memref<128x32xf32, #tpu.memory_space<vmem>>) target(%dma_start3A_418 : memref<10112x32xf32, #tpu.memory_space<vmem_shared>>) offsets(%dma_start3A_415 : memref<128xi32, #tpu.memory_space<vmem>>) semaphore(%dma_start3A_420 : memref<!tpu.dma_semaphore, #tpu.memory_space<semaphore_mem>>) {add = true}
      %mul3A_421 = arith.constant 3 : i32
      %mul3A_422 = arith.muli %scan3A_338, %mul3A_421 : i32
      %add3A_423 = arith.constant 2 : i32
      %add3A_424 = arith.addi %mul3A_422, %add3A_423 : i32
      %dma_wait3A_425 = arith.constant 2 : i32
      %dma_wait3A_426 = arith.constant 2 : i32
      %dma_wait3A_427 = arith.constant 0 : i32
      %dma_wait3A_428 = arith.constant 0 : i32
      %dma_wait3A_429 = tpu.memref_slice %arg10[%rem3A_339, %dma_wait3A_425, %dma_wait3A_427, %dma_wait3A_428] : memref<3x3x128x32xf32, #tpu.memory_space<vmem>> -> memref<1x1x128x32xf32, #tpu.memory_space<vmem>>
      %dma_wait3A_430 = tpu.memref_squeeze %dma_wait3A_429 : memref<1x1x128x32xf32, #tpu.memory_space<vmem>> -> memref<128x32xf32, #tpu.memory_space<vmem>>
      %dma_wait3A_431 = arith.constant 0 : i32
      %dma_wait3A_432 = tpu.memref_slice %arg8[%add3A_424, %dma_wait3A_431] : memref<79x128xi32, #tpu.memory_space<vmem>> -> memref<1x128xi32, #tpu.memory_space<vmem>>
      %dma_wait3A_433 = tpu.memref_squeeze %dma_wait3A_432 : memref<1x128xi32, #tpu.memory_space<vmem>> -> memref<128xi32, #tpu.memory_space<vmem>>
      %dma_wait3A_434 = arith.constant 0 : i32
      %dma_wait3A_435 = arith.constant 0 : i32
      %dma_wait3A_436 = tpu.memref_slice %arg12[%dma_wait3A_434, %dma_wait3A_435] : memref<10112x32xf32, #tpu.memory_space<vmem_shared>> -> memref<10112x32xf32, #tpu.memory_space<vmem_shared>>
      %dma_wait3A_437 = tpu.memref_slice %arg14[%rem3A_339, %dma_wait3A_426] : memref<3x3x!tpu.dma_semaphore, #tpu.memory_space<semaphore_mem>> -> memref<1x1x!tpu.dma_semaphore, #tpu.memory_space<semaphore_mem>>
      %dma_wait3A_438 = tpu.memref_squeeze %dma_wait3A_437 : memref<1x1x!tpu.dma_semaphore, #tpu.memory_space<semaphore_mem>> -> memref<!tpu.dma_semaphore, #tpu.memory_space<semaphore_mem>>
      tpu.wait_indirect_dma semaphore(%dma_wait3A_438 : memref<!tpu.dma_semaphore, #tpu.memory_space<semaphore_mem>>) src(%dma_wait3A_436 : memref<10112x32xf32, #tpu.memory_space<vmem_shared>>) dst(%dma_wait3A_430 : memref<128x32xf32, #tpu.memory_space<vmem>>)
      %mul3A_439 = arith.constant 3 : i32
      %mul3A_440 = arith.muli %scan3A_338, %mul3A_439 : i32
      %add3A_441 = arith.constant 2 : i32
      %add3A_442 = arith.addi %mul3A_440, %add3A_441 : i32
      %dma_start3A_443 = arith.constant 2 : i32
      %dma_start3A_444 = arith.constant 2 : i32
      %dma_start3A_445 = arith.constant 0 : i32
      %dma_start3A_446 = arith.constant 0 : i32
      %dma_start3A_447 = tpu.memref_slice %arg10[%rem3A_339, %dma_start3A_443, %dma_start3A_445, %dma_start3A_446] : memref<3x3x128x32xf32, #tpu.memory_space<vmem>> -> memref<1x1x128x32xf32, #tpu.memory_space<vmem>>
      %dma_start3A_448 = tpu.memref_squeeze %dma_start3A_447 : memref<1x1x128x32xf32, #tpu.memory_space<vmem>> -> memref<128x32xf32, #tpu.memory_space<vmem>>
      %dma_start3A_449 = arith.constant 0 : i32
      %dma_start3A_450 = tpu.memref_slice %arg9[%add3A_442, %dma_start3A_449] : memref<79x128xi32, #tpu.memory_space<vmem>> -> memref<1x128xi32, #tpu.memory_space<vmem>>
      %dma_start3A_451 = tpu.memref_squeeze %dma_start3A_450 : memref<1x128xi32, #tpu.memory_space<vmem>> -> memref<128xi32, #tpu.memory_space<vmem>>
      %dma_start3A_452 = arith.constant 0 : i32
      %dma_start3A_453 = arith.constant 0 : i32
      %dma_start3A_454 = tpu.memref_slice %arg13[%dma_start3A_452, %dma_start3A_453] : memref<10112x32xf32, #tpu.memory_space<vmem_shared>> -> memref<10112x32xf32, #tpu.memory_space<vmem_shared>>
      %dma_start3A_455 = tpu.memref_slice %arg15[%rem3A_339, %dma_start3A_444] : memref<3x3x!tpu.dma_semaphore, #tpu.memory_space<semaphore_mem>> -> memref<1x1x!tpu.dma_semaphore, #tpu.memory_space<semaphore_mem>>
      %dma_start3A_456 = tpu.memref_squeeze %dma_start3A_455 : memref<1x1x!tpu.dma_semaphore, #tpu.memory_space<semaphore_mem>> -> memref<!tpu.dma_semaphore, #tpu.memory_space<semaphore_mem>>
      tpu.enqueue_indirect_dma source(%dma_start3A_448 : memref<128x32xf32, #tpu.memory_space<vmem>>) target(%dma_start3A_454 : memref<10112x32xf32, #tpu.memory_space<vmem_shared>>) offsets(%dma_start3A_451 : memref<128xi32, #tpu.memory_space<vmem>>) semaphore(%dma_start3A_456 : memref<!tpu.dma_semaphore, #tpu.memory_space<semaphore_mem>>) {add = true}
    }
    %scan3A_229 = arith.constant 26 : i32
    %dma_wait3A_230 = arith.constant 0 : i32
    %dma_wait3A_231 = arith.constant 0 : i32
    %dma_wait3A_232 = arith.constant 72 : i32
    %dma_wait3A_233 = arith.constant 0 : i32
    %dma_wait3A_234 = arith.constant 0 : i32
    %dma_wait3A_235 = arith.constant 0 : i32
    %dma_wait3A_236 = arith.constant 0 : i32
    %dma_wait3A_237 = tpu.memref_slice %arg10[%dma_wait3A_230, %dma_wait3A_231, %dma_wait3A_235, %dma_wait3A_236] : memref<3x3x128x32xf32, #tpu.memory_space<vmem>> -> memref<1x1x128x32xf32, #tpu.memory_space<vmem>>
    %dma_wait3A_238 = tpu.memref_squeeze %dma_wait3A_237 : memref<1x1x128x32xf32, #tpu.memory_space<vmem>> -> memref<128x32xf32, #tpu.memory_space<vmem>>
    %dma_wait3A_239 = arith.constant 0 : i32
    %dma_wait3A_240 = tpu.memref_slice %arg9[%dma_wait3A_232, %dma_wait3A_239] : memref<79x128xi32, #tpu.memory_space<vmem>> -> memref<1x128xi32, #tpu.memory_space<vmem>>
    %dma_wait3A_241 = tpu.memref_squeeze %dma_wait3A_240 : memref<1x128xi32, #tpu.memory_space<vmem>> -> memref<128xi32, #tpu.memory_space<vmem>>
    %dma_wait3A_242 = arith.constant 0 : i32
    %dma_wait3A_243 = arith.constant 0 : i32
    %dma_wait3A_244 = tpu.memref_slice %arg13[%dma_wait3A_242, %dma_wait3A_243] : memref<10112x32xf32, #tpu.memory_space<vmem_shared>> -> memref<10112x32xf32, #tpu.memory_space<vmem_shared>>
    %dma_wait3A_245 = tpu.memref_slice %arg15[%dma_wait3A_233, %dma_wait3A_234] : memref<3x3x!tpu.dma_semaphore, #tpu.memory_space<semaphore_mem>> -> memref<1x1x!tpu.dma_semaphore, #tpu.memory_space<semaphore_mem>>
    %dma_wait3A_246 = tpu.memref_squeeze %dma_wait3A_245 : memref<1x1x!tpu.dma_semaphore, #tpu.memory_space<semaphore_mem>> -> memref<!tpu.dma_semaphore, #tpu.memory_space<semaphore_mem>>
    tpu.wait_indirect_dma semaphore(%dma_wait3A_246 : memref<!tpu.dma_semaphore, #tpu.memory_space<semaphore_mem>>) src(%dma_wait3A_238 : memref<128x32xf32, #tpu.memory_space<vmem>>) dst(%dma_wait3A_244 : memref<10112x32xf32, #tpu.memory_space<vmem_shared>>)
    %dma_wait3A_247 = arith.constant 0 : i32
    %dma_wait3A_248 = arith.constant 1 : i32
    %dma_wait3A_249 = arith.constant 73 : i32
    %dma_wait3A_250 = arith.constant 0 : i32
    %dma_wait3A_251 = arith.constant 1 : i32
    %dma_wait3A_252 = arith.constant 0 : i32
    %dma_wait3A_253 = arith.constant 0 : i32
    %dma_wait3A_254 = tpu.memref_slice %arg10[%dma_wait3A_247, %dma_wait3A_248, %dma_wait3A_252, %dma_wait3A_253] : memref<3x3x128x32xf32, #tpu.memory_space<vmem>> -> memref<1x1x128x32xf32, #tpu.memory_space<vmem>>
    %dma_wait3A_255 = tpu.memref_squeeze %dma_wait3A_254 : memref<1x1x128x32xf32, #tpu.memory_space<vmem>> -> memref<128x32xf32, #tpu.memory_space<vmem>>
    %dma_wait3A_256 = arith.constant 0 : i32
    %dma_wait3A_257 = tpu.memref_slice %arg9[%dma_wait3A_249, %dma_wait3A_256] : memref<79x128xi32, #tpu.memory_space<vmem>> -> memref<1x128xi32, #tpu.memory_space<vmem>>
    %dma_wait3A_258 = tpu.memref_squeeze %dma_wait3A_257 : memref<1x128xi32, #tpu.memory_space<vmem>> -> memref<128xi32, #tpu.memory_space<vmem>>
    %dma_wait3A_259 = arith.constant 0 : i32
    %dma_wait3A_260 = arith.constant 0 : i32
    %dma_wait3A_261 = tpu.memref_slice %arg13[%dma_wait3A_259, %dma_wait3A_260] : memref<10112x32xf32, #tpu.memory_space<vmem_shared>> -> memref<10112x32xf32, #tpu.memory_space<vmem_shared>>
    %dma_wait3A_262 = tpu.memref_slice %arg15[%dma_wait3A_250, %dma_wait3A_251] : memref<3x3x!tpu.dma_semaphore, #tpu.memory_space<semaphore_mem>> -> memref<1x1x!tpu.dma_semaphore, #tpu.memory_space<semaphore_mem>>
    %dma_wait3A_263 = tpu.memref_squeeze %dma_wait3A_262 : memref<1x1x!tpu.dma_semaphore, #tpu.memory_space<semaphore_mem>> -> memref<!tpu.dma_semaphore, #tpu.memory_space<semaphore_mem>>
    tpu.wait_indirect_dma semaphore(%dma_wait3A_263 : memref<!tpu.dma_semaphore, #tpu.memory_space<semaphore_mem>>) src(%dma_wait3A_255 : memref<128x32xf32, #tpu.memory_space<vmem>>) dst(%dma_wait3A_261 : memref<10112x32xf32, #tpu.memory_space<vmem_shared>>)
    %dma_wait3A_264 = arith.constant 0 : i32
    %dma_wait3A_265 = arith.constant 2 : i32
    %dma_wait3A_266 = arith.constant 74 : i32
    %dma_wait3A_267 = arith.constant 0 : i32
    %dma_wait3A_268 = arith.constant 2 : i32
    %dma_wait3A_269 = arith.constant 0 : i32
    %dma_wait3A_270 = arith.constant 0 : i32
    %dma_wait3A_271 = tpu.memref_slice %arg10[%dma_wait3A_264, %dma_wait3A_265, %dma_wait3A_269, %dma_wait3A_270] : memref<3x3x128x32xf32, #tpu.memory_space<vmem>> -> memref<1x1x128x32xf32, #tpu.memory_space<vmem>>
    %dma_wait3A_272 = tpu.memref_squeeze %dma_wait3A_271 : memref<1x1x128x32xf32, #tpu.memory_space<vmem>> -> memref<128x32xf32, #tpu.memory_space<vmem>>
    %dma_wait3A_273 = arith.constant 0 : i32
    %dma_wait3A_274 = tpu.memref_slice %arg9[%dma_wait3A_266, %dma_wait3A_273] : memref<79x128xi32, #tpu.memory_space<vmem>> -> memref<1x128xi32, #tpu.memory_space<vmem>>
    %dma_wait3A_275 = tpu.memref_squeeze %dma_wait3A_274 : memref<1x128xi32, #tpu.memory_space<vmem>> -> memref<128xi32, #tpu.memory_space<vmem>>
    %dma_wait3A_276 = arith.constant 0 : i32
    %dma_wait3A_277 = arith.constant 0 : i32
    %dma_wait3A_278 = tpu.memref_slice %arg13[%dma_wait3A_276, %dma_wait3A_277] : memref<10112x32xf32, #tpu.memory_space<vmem_shared>> -> memref<10112x32xf32, #tpu.memory_space<vmem_shared>>
    %dma_wait3A_279 = tpu.memref_slice %arg15[%dma_wait3A_267, %dma_wait3A_268] : memref<3x3x!tpu.dma_semaphore, #tpu.memory_space<semaphore_mem>> -> memref<1x1x!tpu.dma_semaphore, #tpu.memory_space<semaphore_mem>>
    %dma_wait3A_280 = tpu.memref_squeeze %dma_wait3A_279 : memref<1x1x!tpu.dma_semaphore, #tpu.memory_space<semaphore_mem>> -> memref<!tpu.dma_semaphore, #tpu.memory_space<semaphore_mem>>
    tpu.wait_indirect_dma semaphore(%dma_wait3A_280 : memref<!tpu.dma_semaphore, #tpu.memory_space<semaphore_mem>>) src(%dma_wait3A_272 : memref<128x32xf32, #tpu.memory_space<vmem>>) dst(%dma_wait3A_278 : memref<10112x32xf32, #tpu.memory_space<vmem_shared>>)
    %dma_wait3A_281 = arith.constant 1 : i32
    %dma_wait3A_282 = arith.constant 0 : i32
    %dma_wait3A_283 = arith.constant 75 : i32
    %dma_wait3A_284 = arith.constant 1 : i32
    %dma_wait3A_285 = arith.constant 0 : i32
    %dma_wait3A_286 = arith.constant 0 : i32
    %dma_wait3A_287 = arith.constant 0 : i32
    %dma_wait3A_288 = tpu.memref_slice %arg10[%dma_wait3A_281, %dma_wait3A_282, %dma_wait3A_286, %dma_wait3A_287] : memref<3x3x128x32xf32, #tpu.memory_space<vmem>> -> memref<1x1x128x32xf32, #tpu.memory_space<vmem>>
    %dma_wait3A_289 = tpu.memref_squeeze %dma_wait3A_288 : memref<1x1x128x32xf32, #tpu.memory_space<vmem>> -> memref<128x32xf32, #tpu.memory_space<vmem>>
    %dma_wait3A_290 = arith.constant 0 : i32
    %dma_wait3A_291 = tpu.memref_slice %arg9[%dma_wait3A_283, %dma_wait3A_290] : memref<79x128xi32, #tpu.memory_space<vmem>> -> memref<1x128xi32, #tpu.memory_space<vmem>>
    %dma_wait3A_292 = tpu.memref_squeeze %dma_wait3A_291 : memref<1x128xi32, #tpu.memory_space<vmem>> -> memref<128xi32, #tpu.memory_space<vmem>>
    %dma_wait3A_293 = arith.constant 0 : i32
    %dma_wait3A_294 = arith.constant 0 : i32
    %dma_wait3A_295 = tpu.memref_slice %arg13[%dma_wait3A_293, %dma_wait3A_294] : memref<10112x32xf32, #tpu.memory_space<vmem_shared>> -> memref<10112x32xf32, #tpu.memory_space<vmem_shared>>
    %dma_wait3A_296 = tpu.memref_slice %arg15[%dma_wait3A_284, %dma_wait3A_285] : memref<3x3x!tpu.dma_semaphore, #tpu.memory_space<semaphore_mem>> -> memref<1x1x!tpu.dma_semaphore, #tpu.memory_space<semaphore_mem>>
    %dma_wait3A_297 = tpu.memref_squeeze %dma_wait3A_296 : memref<1x1x!tpu.dma_semaphore, #tpu.memory_space<semaphore_mem>> -> memref<!tpu.dma_semaphore, #tpu.memory_space<semaphore_mem>>
    tpu.wait_indirect_dma semaphore(%dma_wait3A_297 : memref<!tpu.dma_semaphore, #tpu.memory_space<semaphore_mem>>) src(%dma_wait3A_289 : memref<128x32xf32, #tpu.memory_space<vmem>>) dst(%dma_wait3A_295 : memref<10112x32xf32, #tpu.memory_space<vmem_shared>>)
    %dma_wait3A_298 = arith.constant 1 : i32
    %dma_wait3A_299 = arith.constant 1 : i32
    %dma_wait3A_300 = arith.constant 76 : i32
    %dma_wait3A_301 = arith.constant 1 : i32
    %dma_wait3A_302 = arith.constant 1 : i32
    %dma_wait3A_303 = arith.constant 0 : i32
    %dma_wait3A_304 = arith.constant 0 : i32
    %dma_wait3A_305 = tpu.memref_slice %arg10[%dma_wait3A_298, %dma_wait3A_299, %dma_wait3A_303, %dma_wait3A_304] : memref<3x3x128x32xf32, #tpu.memory_space<vmem>> -> memref<1x1x128x32xf32, #tpu.memory_space<vmem>>
    %dma_wait3A_306 = tpu.memref_squeeze %dma_wait3A_305 : memref<1x1x128x32xf32, #tpu.memory_space<vmem>> -> memref<128x32xf32, #tpu.memory_space<vmem>>
    %dma_wait3A_307 = arith.constant 0 : i32
    %dma_wait3A_308 = tpu.memref_slice %arg9[%dma_wait3A_300, %dma_wait3A_307] : memref<79x128xi32, #tpu.memory_space<vmem>> -> memref<1x128xi32, #tpu.memory_space<vmem>>
    %dma_wait3A_309 = tpu.memref_squeeze %dma_wait3A_308 : memref<1x128xi32, #tpu.memory_space<vmem>> -> memref<128xi32, #tpu.memory_space<vmem>>
    %dma_wait3A_310 = arith.constant 0 : i32
    %dma_wait3A_311 = arith.constant 0 : i32
    %dma_wait3A_312 = tpu.memref_slice %arg13[%dma_wait3A_310, %dma_wait3A_311] : memref<10112x32xf32, #tpu.memory_space<vmem_shared>> -> memref<10112x32xf32, #tpu.memory_space<vmem_shared>>
    %dma_wait3A_313 = tpu.memref_slice %arg15[%dma_wait3A_301, %dma_wait3A_302] : memref<3x3x!tpu.dma_semaphore, #tpu.memory_space<semaphore_mem>> -> memref<1x1x!tpu.dma_semaphore, #tpu.memory_space<semaphore_mem>>
    %dma_wait3A_314 = tpu.memref_squeeze %dma_wait3A_313 : memref<1x1x!tpu.dma_semaphore, #tpu.memory_space<semaphore_mem>> -> memref<!tpu.dma_semaphore, #tpu.memory_space<semaphore_mem>>
    tpu.wait_indirect_dma semaphore(%dma_wait3A_314 : memref<!tpu.dma_semaphore, #tpu.memory_space<semaphore_mem>>) src(%dma_wait3A_306 : memref<128x32xf32, #tpu.memory_space<vmem>>) dst(%dma_wait3A_312 : memref<10112x32xf32, #tpu.memory_space<vmem_shared>>)
    %dma_wait3A_315 = arith.constant 1 : i32
    %dma_wait3A_316 = arith.constant 2 : i32
    %dma_wait3A_317 = arith.constant 77 : i32
    %dma_wait3A_318 = arith.constant 1 : i32
    %dma_wait3A_319 = arith.constant 2 : i32
    %dma_wait3A_320 = arith.constant 0 : i32
    %dma_wait3A_321 = arith.constant 0 : i32
    %dma_wait3A_322 = tpu.memref_slice %arg10[%dma_wait3A_315, %dma_wait3A_316, %dma_wait3A_320, %dma_wait3A_321] : memref<3x3x128x32xf32, #tpu.memory_space<vmem>> -> memref<1x1x128x32xf32, #tpu.memory_space<vmem>>
    %dma_wait3A_323 = tpu.memref_squeeze %dma_wait3A_322 : memref<1x1x128x32xf32, #tpu.memory_space<vmem>> -> memref<128x32xf32, #tpu.memory_space<vmem>>
    %dma_wait3A_324 = arith.constant 0 : i32
    %dma_wait3A_325 = tpu.memref_slice %arg9[%dma_wait3A_317, %dma_wait3A_324] : memref<79x128xi32, #tpu.memory_space<vmem>> -> memref<1x128xi32, #tpu.memory_space<vmem>>
    %dma_wait3A_326 = tpu.memref_squeeze %dma_wait3A_325 : memref<1x128xi32, #tpu.memory_space<vmem>> -> memref<128xi32, #tpu.memory_space<vmem>>
    %dma_wait3A_327 = arith.constant 0 : i32
    %dma_wait3A_328 = arith.constant 0 : i32
    %dma_wait3A_329 = tpu.memref_slice %arg13[%dma_wait3A_327, %dma_wait3A_328] : memref<10112x32xf32, #tpu.memory_space<vmem_shared>> -> memref<10112x32xf32, #tpu.memory_space<vmem_shared>>
    %dma_wait3A_330 = tpu.memref_slice %arg15[%dma_wait3A_318, %dma_wait3A_319] : memref<3x3x!tpu.dma_semaphore, #tpu.memory_space<semaphore_mem>> -> memref<1x1x!tpu.dma_semaphore, #tpu.memory_space<semaphore_mem>>
    %dma_wait3A_331 = tpu.memref_squeeze %dma_wait3A_330 : memref<1x1x!tpu.dma_semaphore, #tpu.memory_space<semaphore_mem>> -> memref<!tpu.dma_semaphore, #tpu.memory_space<semaphore_mem>>
    tpu.wait_indirect_dma semaphore(%dma_wait3A_331 : memref<!tpu.dma_semaphore, #tpu.memory_space<semaphore_mem>>) src(%dma_wait3A_323 : memref<128x32xf32, #tpu.memory_space<vmem>>) dst(%dma_wait3A_329 : memref<10112x32xf32, #tpu.memory_space<vmem_shared>>)
    %lt3A_332 = arith.constant 4 : i32
    %lt3A_333 = arith.cmpi slt, %add3A, %lt3A_332 : i32
    %convert_element_type3A_334 = arith.extui %lt3A_333 : i1 to i32
    %cond3A_335 = arith.constant 0 : i32
    %cond3A_336 = arith.cmpi ne, %convert_element_type3A_334, %cond3A_335 : i32
    scf.if %cond3A_336 {
      %run_scoped3A_338 = arith.constant 78 : i32
      %run_scoped3A_339 = arith.constant 0 : i32
      %run_scoped3A_340 = arith.constant 0 : i32
      "tpu.region"() ({
        %run_scoped3A_344 = tpu.sem_alloc : memref<!tpu.dma_semaphore, #tpu.memory_space<semaphore_mem>>
        %dma_start3A_345 = arith.constant 0 : i32
        %dma_start3A_346 = arith.constant 0 : i32
        %dma_start3A_347 = tpu.memref_slice %arg10[%run_scoped3A_339, %run_scoped3A_340, %dma_start3A_345, %dma_start3A_346] : memref<3x3x128x32xf32, #tpu.memory_space<vmem>> -> memref<1x1x128x32xf32, #tpu.memory_space<vmem>>
        %dma_start3A_348 = tpu.memref_squeeze %dma_start3A_347 : memref<1x1x128x32xf32, #tpu.memory_space<vmem>> -> memref<128x32xf32, #tpu.memory_space<vmem>>
        %dma_start3A_349 = arith.constant 0 : i32
        %dma_start3A_350 = tpu.memref_slice %arg8[%run_scoped3A_338, %dma_start3A_349] : memref<79x128xi32, #tpu.memory_space<vmem>> -> memref<1x128xi32, #tpu.memory_space<vmem>>
        %dma_start3A_351 = tpu.memref_squeeze %dma_start3A_350 : memref<1x128xi32, #tpu.memory_space<vmem>> -> memref<128xi32, #tpu.memory_space<vmem>>
        %dma_start3A_352 = arith.constant 0 : i32
        %dma_start3A_353 = arith.constant 0 : i32
        %dma_start3A_354 = tpu.memref_slice %arg12[%dma_start3A_352, %dma_start3A_353] : memref<10112x32xf32, #tpu.memory_space<vmem_shared>> -> memref<10112x32xf32, #tpu.memory_space<vmem_shared>>
        tpu.enqueue_indirect_dma source(%dma_start3A_354 : memref<10112x32xf32, #tpu.memory_space<vmem_shared>>) target(%dma_start3A_348 : memref<128x32xf32, #tpu.memory_space<vmem>>) offsets(%dma_start3A_351 : memref<128xi32, #tpu.memory_space<vmem>>) semaphore(%run_scoped3A_344 : memref<!tpu.dma_semaphore, #tpu.memory_space<semaphore_mem>>)
        %dma_wait3A_355 = arith.constant 0 : i32
        %dma_wait3A_356 = arith.constant 0 : i32
        %dma_wait3A_357 = tpu.memref_slice %arg10[%run_scoped3A_339, %run_scoped3A_340, %dma_wait3A_355, %dma_wait3A_356] : memref<3x3x128x32xf32, #tpu.memory_space<vmem>> -> memref<1x1x128x32xf32, #tpu.memory_space<vmem>>
        %dma_wait3A_358 = tpu.memref_squeeze %dma_wait3A_357 : memref<1x1x128x32xf32, #tpu.memory_space<vmem>> -> memref<128x32xf32, #tpu.memory_space<vmem>>
        %dma_wait3A_359 = arith.constant 0 : i32
        %dma_wait3A_360 = tpu.memref_slice %arg8[%run_scoped3A_338, %dma_wait3A_359] : memref<79x128xi32, #tpu.memory_space<vmem>> -> memref<1x128xi32, #tpu.memory_space<vmem>>
        %dma_wait3A_361 = tpu.memref_squeeze %dma_wait3A_360 : memref<1x128xi32, #tpu.memory_space<vmem>> -> memref<128xi32, #tpu.memory_space<vmem>>
        %dma_wait3A_362 = arith.constant 0 : i32
        %dma_wait3A_363 = arith.constant 0 : i32
        %dma_wait3A_364 = tpu.memref_slice %arg12[%dma_wait3A_362, %dma_wait3A_363] : memref<10112x32xf32, #tpu.memory_space<vmem_shared>> -> memref<10112x32xf32, #tpu.memory_space<vmem_shared>>
        tpu.wait_indirect_dma semaphore(%run_scoped3A_344 : memref<!tpu.dma_semaphore, #tpu.memory_space<semaphore_mem>>) src(%dma_wait3A_364 : memref<10112x32xf32, #tpu.memory_space<vmem_shared>>) dst(%dma_wait3A_358 : memref<128x32xf32, #tpu.memory_space<vmem>>)
        tpu.yield
      }) : () -> ()
      %run_scoped3A_341 = arith.constant 0 : i32
      %run_scoped3A_342 = arith.constant 0 : i32
      %run_scoped3A_343 = arith.constant 78 : i32
      "tpu.region"() ({
        %run_scoped3A_344 = tpu.sem_alloc : memref<!tpu.dma_semaphore, #tpu.memory_space<semaphore_mem>>
        %dma_start3A_345 = arith.constant 0 : i32
        %dma_start3A_346 = arith.constant 0 : i32
        %dma_start3A_347 = tpu.memref_slice %arg10[%run_scoped3A_341, %run_scoped3A_342, %dma_start3A_345, %dma_start3A_346] : memref<3x3x128x32xf32, #tpu.memory_space<vmem>> -> memref<1x1x128x32xf32, #tpu.memory_space<vmem>>
        %dma_start3A_348 = tpu.memref_squeeze %dma_start3A_347 : memref<1x1x128x32xf32, #tpu.memory_space<vmem>> -> memref<128x32xf32, #tpu.memory_space<vmem>>
        %dma_start3A_349 = arith.constant 0 : i32
        %dma_start3A_350 = tpu.memref_slice %arg9[%run_scoped3A_343, %dma_start3A_349] : memref<79x128xi32, #tpu.memory_space<vmem>> -> memref<1x128xi32, #tpu.memory_space<vmem>>
        %dma_start3A_351 = tpu.memref_squeeze %dma_start3A_350 : memref<1x128xi32, #tpu.memory_space<vmem>> -> memref<128xi32, #tpu.memory_space<vmem>>
        %dma_start3A_352 = arith.constant 0 : i32
        %dma_start3A_353 = arith.constant 0 : i32
        %dma_start3A_354 = tpu.memref_slice %arg13[%dma_start3A_352, %dma_start3A_353] : memref<10112x32xf32, #tpu.memory_space<vmem_shared>> -> memref<10112x32xf32, #tpu.memory_space<vmem_shared>>
        tpu.enqueue_indirect_dma source(%dma_start3A_348 : memref<128x32xf32, #tpu.memory_space<vmem>>) target(%dma_start3A_354 : memref<10112x32xf32, #tpu.memory_space<vmem_shared>>) offsets(%dma_start3A_351 : memref<128xi32, #tpu.memory_space<vmem>>) semaphore(%run_scoped3A_344 : memref<!tpu.dma_semaphore, #tpu.memory_space<semaphore_mem>>) {add = true}
        %dma_wait3A_355 = arith.constant 0 : i32
        %dma_wait3A_356 = arith.constant 0 : i32
        %dma_wait3A_357 = tpu.memref_slice %arg10[%run_scoped3A_341, %run_scoped3A_342, %dma_wait3A_355, %dma_wait3A_356] : memref<3x3x128x32xf32, #tpu.memory_space<vmem>> -> memref<1x1x128x32xf32, #tpu.memory_space<vmem>>
        %dma_wait3A_358 = tpu.memref_squeeze %dma_wait3A_357 : memref<1x1x128x32xf32, #tpu.memory_space<vmem>> -> memref<128x32xf32, #tpu.memory_space<vmem>>
        %dma_wait3A_359 = arith.constant 0 : i32
        %dma_wait3A_360 = tpu.memref_slice %arg9[%run_scoped3A_343, %dma_wait3A_359] : memref<79x128xi32, #tpu.memory_space<vmem>> -> memref<1x128xi32, #tpu.memory_space<vmem>>
        %dma_wait3A_361 = tpu.memref_squeeze %dma_wait3A_360 : memref<1x128xi32, #tpu.memory_space<vmem>> -> memref<128xi32, #tpu.memory_space<vmem>>
        %dma_wait3A_362 = arith.constant 0 : i32
        %dma_wait3A_363 = arith.constant 0 : i32
        %dma_wait3A_364 = tpu.memref_slice %arg13[%dma_wait3A_362, %dma_wait3A_363] : memref<10112x32xf32, #tpu.memory_space<vmem_shared>> -> memref<10112x32xf32, #tpu.memory_space<vmem_shared>>
        tpu.wait_indirect_dma semaphore(%run_scoped3A_344 : memref<!tpu.dma_semaphore, #tpu.memory_space<semaphore_mem>>) src(%dma_wait3A_358 : memref<128x32xf32, #tpu.memory_space<vmem>>) dst(%dma_wait3A_364 : memref<10112x32xf32, #tpu.memory_space<vmem_shared>>)
        tpu.yield
      }) : () -> ()
    } else {
    }
    %barrier3A_337 = arith.constant 0 : index
    tpu.barrier barrier_id(%barrier3A_337)
    "tpu.region"() ({
      %run_scoped3A_338 = tpu.sem_alloc : memref<!tpu.dma_semaphore, #tpu.memory_space<semaphore_mem>>
      %dma_start3A_339 = arith.constant 0 : i32
      %dma_start3A_340 = tpu.memref_slice %arg7[%arg0, %mul3A_2, %dma_start3A_339] : memref<2x10112x32xf32, #tpu.memory_space<hbm>> -> memref<1x632x32xf32, #tpu.memory_space<hbm>>
      %dma_start3A_341 = tpu.memref_squeeze %dma_start3A_340 : memref<1x632x32xf32, #tpu.memory_space<hbm>> -> memref<632x32xf32, #tpu.memory_space<hbm>>
      %dma_start3A_342 = arith.constant 0 : i32
      %dma_start3A_343 = tpu.memref_slice %arg13[%mul3A_2, %dma_start3A_342] : memref<10112x32xf32, #tpu.memory_space<vmem_shared>> -> memref<632x32xf32, #tpu.memory_space<vmem_shared>>
      tpu.enqueue_dma source(%dma_start3A_343 : memref<632x32xf32, #tpu.memory_space<vmem_shared>>) target(%dma_start3A_341 : memref<632x32xf32, #tpu.memory_space<hbm>>) target_semaphore(%run_scoped3A_338 : memref<!tpu.dma_semaphore, #tpu.memory_space<semaphore_mem>>)
      %dma_wait3A_344 = arith.constant 0 : i32
      %dma_wait3A_345 = tpu.memref_slice %arg7[%arg0, %mul3A_2, %dma_wait3A_344] : memref<2x10112x32xf32, #tpu.memory_space<hbm>> -> memref<1x632x32xf32, #tpu.memory_space<hbm>>
      %dma_wait3A_346 = tpu.memref_squeeze %dma_wait3A_345 : memref<1x632x32xf32, #tpu.memory_space<hbm>> -> memref<632x32xf32, #tpu.memory_space<hbm>>
      %dma_wait3A_347 = arith.constant 0 : i32
      %dma_wait3A_348 = tpu.memref_slice %arg13[%mul3A_2, %dma_wait3A_347] : memref<10112x32xf32, #tpu.memory_space<vmem_shared>> -> memref<632x32xf32, #tpu.memory_space<vmem_shared>>
      tpu.wait_dma2 semaphore(%run_scoped3A_338 : memref<!tpu.dma_semaphore, #tpu.memory_space<semaphore_mem>>) src(%dma_wait3A_348 : memref<632x32xf32, #tpu.memory_space<vmem_shared>>) dst(%dma_wait3A_346 : memref<632x32xf32, #tpu.memory_space<hbm>>)
      tpu.yield
    }) : () -> ()
    return
  }
}

#map = affine_map<(d0, d1) -> (0, 0)>
#map1 = affine_map<(d0, d1) -> (0, 0, 0)>
module attributes {stable_mosaic.version = 14 : i64} {
  func.func @_agg_body(%arg0: i32, %arg1: i32, %arg2: memref<10112x16xf32, #tpu.memory_space<hbm>>, %arg3: memref<2500x2x128xi32, #tpu.memory_space<hbm>>, %arg4: memref<10112x16xf32, #tpu.memory_space<hbm>>, %arg5: memref<2x10112x16xf32, #tpu.memory_space<hbm>>, %arg6: memref<79x128xi32, #tpu.memory_space<vmem>>, %arg7: memref<79x128xi32, #tpu.memory_space<vmem>>, %arg8: memref<3x3x128x16xf32, #tpu.memory_space<vmem>>, %arg9: memref<10112x16xf32, #tpu.memory_space<vmem_shared>>, %arg10: memref<10112x16xf32, #tpu.memory_space<vmem_shared>>, %arg11: memref<3x3x!tpu.dma_semaphore, #tpu.memory_space<semaphore_mem>>, %arg12: memref<3x3x!tpu.dma_semaphore, #tpu.memory_space<semaphore_mem>>) attributes {dimension_semantics = [#tpu.dimension_semantics<core_parallel>, #tpu.dimension_semantics<subcore_parallel>], iteration_bounds = array<i64: 2, 16>, scalar_prefetch = 0 : i64, scratch_operands = 7 : i64, tpu.core_type = #tpu.core_type<sc_vector_subcore>, window_params = [{transform_indices = #map}, {transform_indices = #map1}, {transform_indices = #map}, {transform_indices = #map1}]} {
    %mul3A = arith.constant 16 : i32
    %mul3A_0 = arith.muli %arg0, %mul3A : i32
    %add3A = arith.addi %mul3A_0, %arg1 : i32
    %mul3A_1 = arith.constant 632 : i32
    %mul3A_2 = arith.muli %arg1, %mul3A_1 : i32
    "tpu.region"() ({
      %run_scoped3A_172 = tpu.sem_alloc : memref<!tpu.dma_semaphore, #tpu.memory_space<semaphore_mem>>
      %dma_start3A_173 = arith.constant 0 : i32
      %dma_start3A_174 = tpu.memref_slice %arg9[%mul3A_2, %dma_start3A_173] : memref<10112x16xf32, #tpu.memory_space<vmem_shared>> -> memref<632x16xf32, #tpu.memory_space<vmem_shared>>
      %dma_start3A_175 = arith.constant 0 : i32
      %dma_start3A_176 = tpu.memref_slice %arg2[%mul3A_2, %dma_start3A_175] : memref<10112x16xf32, #tpu.memory_space<hbm>> -> memref<632x16xf32, #tpu.memory_space<hbm>>
      tpu.enqueue_dma source(%dma_start3A_176 : memref<632x16xf32, #tpu.memory_space<hbm>>) target(%dma_start3A_174 : memref<632x16xf32, #tpu.memory_space<vmem_shared>>) target_semaphore(%run_scoped3A_172 : memref<!tpu.dma_semaphore, #tpu.memory_space<semaphore_mem>>)
      %dma_wait3A_177 = arith.constant 0 : i32
      %dma_wait3A_178 = tpu.memref_slice %arg9[%mul3A_2, %dma_wait3A_177] : memref<10112x16xf32, #tpu.memory_space<vmem_shared>> -> memref<632x16xf32, #tpu.memory_space<vmem_shared>>
      %dma_wait3A_179 = arith.constant 0 : i32
      %dma_wait3A_180 = tpu.memref_slice %arg2[%mul3A_2, %dma_wait3A_179] : memref<10112x16xf32, #tpu.memory_space<hbm>> -> memref<632x16xf32, #tpu.memory_space<hbm>>
      tpu.wait_dma2 semaphore(%run_scoped3A_172 : memref<!tpu.dma_semaphore, #tpu.memory_space<semaphore_mem>>) src(%dma_wait3A_180 : memref<632x16xf32, #tpu.memory_space<hbm>>) dst(%dma_wait3A_178 : memref<632x16xf32, #tpu.memory_space<vmem_shared>>)
      tpu.yield
    }) : () -> ()
    "tpu.region"() ({
      %run_scoped3A_172 = tpu.sem_alloc : memref<!tpu.dma_semaphore, #tpu.memory_space<semaphore_mem>>
      %dma_start3A_173 = arith.constant 0 : i32
      %dma_start3A_174 = tpu.memref_slice %arg10[%mul3A_2, %dma_start3A_173] : memref<10112x16xf32, #tpu.memory_space<vmem_shared>> -> memref<632x16xf32, #tpu.memory_space<vmem_shared>>
      %dma_start3A_175 = arith.constant 0 : i32
      %dma_start3A_176 = tpu.memref_slice %arg4[%mul3A_2, %dma_start3A_175] : memref<10112x16xf32, #tpu.memory_space<hbm>> -> memref<632x16xf32, #tpu.memory_space<hbm>>
      tpu.enqueue_dma source(%dma_start3A_176 : memref<632x16xf32, #tpu.memory_space<hbm>>) target(%dma_start3A_174 : memref<632x16xf32, #tpu.memory_space<vmem_shared>>) target_semaphore(%run_scoped3A_172 : memref<!tpu.dma_semaphore, #tpu.memory_space<semaphore_mem>>)
      %dma_wait3A_177 = arith.constant 0 : i32
      %dma_wait3A_178 = tpu.memref_slice %arg10[%mul3A_2, %dma_wait3A_177] : memref<10112x16xf32, #tpu.memory_space<vmem_shared>> -> memref<632x16xf32, #tpu.memory_space<vmem_shared>>
      %dma_wait3A_179 = arith.constant 0 : i32
      %dma_wait3A_180 = tpu.memref_slice %arg4[%mul3A_2, %dma_wait3A_179] : memref<10112x16xf32, #tpu.memory_space<hbm>> -> memref<632x16xf32, #tpu.memory_space<hbm>>
      tpu.wait_dma2 semaphore(%run_scoped3A_172 : memref<!tpu.dma_semaphore, #tpu.memory_space<semaphore_mem>>) src(%dma_wait3A_180 : memref<632x16xf32, #tpu.memory_space<hbm>>) dst(%dma_wait3A_178 : memref<632x16xf32, #tpu.memory_space<vmem_shared>>)
      tpu.yield
    }) : () -> ()
    %mul3A_3 = arith.constant 78 : i32
    %mul3A_4 = arith.muli %mul3A_3, %add3A : i32
    %run_scoped3A = arith.constant 0 : i32
    "tpu.region"() ({
      %run_scoped3A_172 = tpu.sem_alloc : memref<!tpu.dma_semaphore, #tpu.memory_space<semaphore_mem>>
      %dma_start3A_173 = arith.constant 0 : i32
      %dma_start3A_174 = arith.constant 0 : i32
      %dma_start3A_175 = tpu.memref_slice %arg6[%dma_start3A_173, %dma_start3A_174] : memref<79x128xi32, #tpu.memory_space<vmem>> -> memref<78x128xi32, #tpu.memory_space<vmem>>
      %dma_start3A_176 = arith.constant 0 : i32
      %dma_start3A_177 = tpu.memref_slice %arg3[%mul3A_4, %run_scoped3A, %dma_start3A_176] : memref<2500x2x128xi32, #tpu.memory_space<hbm>> -> memref<78x1x128xi32, #tpu.memory_space<hbm>>
      %dma_start3A_178 = tpu.memref_squeeze %dma_start3A_177 : memref<78x1x128xi32, #tpu.memory_space<hbm>> -> memref<78x128xi32, #tpu.memory_space<hbm>>
      %dma_start3A_179 = arith.constant 0 : i32
      %dma_start3A_180 = arith.constant 0 : i32
      %dma_start3A_181 = tpu.memref_slice %arg6[%dma_start3A_179, %dma_start3A_180] : memref<79x128xi32, #tpu.memory_space<vmem>> -> memref<78x128xi32, #tpu.memory_space<vmem>>
      %dma_start3A_182 = arith.constant 0 : i32
      %dma_start3A_183 = tpu.memref_slice %arg3[%mul3A_4, %run_scoped3A, %dma_start3A_182] : memref<2500x2x128xi32, #tpu.memory_space<hbm>> -> memref<78x1x128xi32, #tpu.memory_space<hbm>>
      %dma_start3A_184 = tpu.memref_squeeze %dma_start3A_183 : memref<78x1x128xi32, #tpu.memory_space<hbm>> -> memref<78x128xi32, #tpu.memory_space<hbm>>
      tpu.enqueue_dma source(%dma_start3A_184 : memref<78x128xi32, #tpu.memory_space<hbm>>) target(%dma_start3A_181 : memref<78x128xi32, #tpu.memory_space<vmem>>) target_semaphore(%run_scoped3A_172 : memref<!tpu.dma_semaphore, #tpu.memory_space<semaphore_mem>>)
      %dma_wait3A_185 = arith.constant 0 : i32
      %dma_wait3A_186 = arith.constant 0 : i32
      %dma_wait3A_187 = tpu.memref_slice %arg6[%dma_wait3A_185, %dma_wait3A_186] : memref<79x128xi32, #tpu.memory_space<vmem>> -> memref<78x128xi32, #tpu.memory_space<vmem>>
      %dma_wait3A_188 = arith.constant 0 : i32
      %dma_wait3A_189 = tpu.memref_slice %arg3[%mul3A_4, %run_scoped3A, %dma_wait3A_188] : memref<2500x2x128xi32, #tpu.memory_space<hbm>> -> memref<78x1x128xi32, #tpu.memory_space<hbm>>
      %dma_wait3A_190 = tpu.memref_squeeze %dma_wait3A_189 : memref<78x1x128xi32, #tpu.memory_space<hbm>> -> memref<78x128xi32, #tpu.memory_space<hbm>>
      %dma_wait3A_191 = arith.constant 0 : i32
      %dma_wait3A_192 = arith.constant 0 : i32
      %dma_wait3A_193 = tpu.memref_slice %arg6[%dma_wait3A_191, %dma_wait3A_192] : memref<79x128xi32, #tpu.memory_space<vmem>> -> memref<78x128xi32, #tpu.memory_space<vmem>>
      %dma_wait3A_194 = arith.constant 0 : i32
      %dma_wait3A_195 = tpu.memref_slice %arg3[%mul3A_4, %run_scoped3A, %dma_wait3A_194] : memref<2500x2x128xi32, #tpu.memory_space<hbm>> -> memref<78x1x128xi32, #tpu.memory_space<hbm>>
      %dma_wait3A_196 = tpu.memref_squeeze %dma_wait3A_195 : memref<78x1x128xi32, #tpu.memory_space<hbm>> -> memref<78x128xi32, #tpu.memory_space<hbm>>
      tpu.wait_dma2 semaphore(%run_scoped3A_172 : memref<!tpu.dma_semaphore, #tpu.memory_space<semaphore_mem>>) src(%dma_wait3A_196 : memref<78x128xi32, #tpu.memory_space<hbm>>) dst(%dma_wait3A_193 : memref<78x128xi32, #tpu.memory_space<vmem>>)
      tpu.yield
    }) : () -> ()
    %mul3A_5 = arith.constant 78 : i32
    %mul3A_6 = arith.muli %mul3A_5, %add3A : i32
    %run_scoped3A_7 = arith.constant 1 : i32
    "tpu.region"() ({
      %run_scoped3A_172 = tpu.sem_alloc : memref<!tpu.dma_semaphore, #tpu.memory_space<semaphore_mem>>
      %dma_start3A_173 = arith.constant 0 : i32
      %dma_start3A_174 = arith.constant 0 : i32
      %dma_start3A_175 = tpu.memref_slice %arg7[%dma_start3A_173, %dma_start3A_174] : memref<79x128xi32, #tpu.memory_space<vmem>> -> memref<78x128xi32, #tpu.memory_space<vmem>>
      %dma_start3A_176 = arith.constant 0 : i32
      %dma_start3A_177 = tpu.memref_slice %arg3[%mul3A_6, %run_scoped3A_7, %dma_start3A_176] : memref<2500x2x128xi32, #tpu.memory_space<hbm>> -> memref<78x1x128xi32, #tpu.memory_space<hbm>>
      %dma_start3A_178 = tpu.memref_squeeze %dma_start3A_177 : memref<78x1x128xi32, #tpu.memory_space<hbm>> -> memref<78x128xi32, #tpu.memory_space<hbm>>
      %dma_start3A_179 = arith.constant 0 : i32
      %dma_start3A_180 = arith.constant 0 : i32
      %dma_start3A_181 = tpu.memref_slice %arg7[%dma_start3A_179, %dma_start3A_180] : memref<79x128xi32, #tpu.memory_space<vmem>> -> memref<78x128xi32, #tpu.memory_space<vmem>>
      %dma_start3A_182 = arith.constant 0 : i32
      %dma_start3A_183 = tpu.memref_slice %arg3[%mul3A_6, %run_scoped3A_7, %dma_start3A_182] : memref<2500x2x128xi32, #tpu.memory_space<hbm>> -> memref<78x1x128xi32, #tpu.memory_space<hbm>>
      %dma_start3A_184 = tpu.memref_squeeze %dma_start3A_183 : memref<78x1x128xi32, #tpu.memory_space<hbm>> -> memref<78x128xi32, #tpu.memory_space<hbm>>
      tpu.enqueue_dma source(%dma_start3A_184 : memref<78x128xi32, #tpu.memory_space<hbm>>) target(%dma_start3A_181 : memref<78x128xi32, #tpu.memory_space<vmem>>) target_semaphore(%run_scoped3A_172 : memref<!tpu.dma_semaphore, #tpu.memory_space<semaphore_mem>>)
      %dma_wait3A_185 = arith.constant 0 : i32
      %dma_wait3A_186 = arith.constant 0 : i32
      %dma_wait3A_187 = tpu.memref_slice %arg7[%dma_wait3A_185, %dma_wait3A_186] : memref<79x128xi32, #tpu.memory_space<vmem>> -> memref<78x128xi32, #tpu.memory_space<vmem>>
      %dma_wait3A_188 = arith.constant 0 : i32
      %dma_wait3A_189 = tpu.memref_slice %arg3[%mul3A_6, %run_scoped3A_7, %dma_wait3A_188] : memref<2500x2x128xi32, #tpu.memory_space<hbm>> -> memref<78x1x128xi32, #tpu.memory_space<hbm>>
      %dma_wait3A_190 = tpu.memref_squeeze %dma_wait3A_189 : memref<78x1x128xi32, #tpu.memory_space<hbm>> -> memref<78x128xi32, #tpu.memory_space<hbm>>
      %dma_wait3A_191 = arith.constant 0 : i32
      %dma_wait3A_192 = arith.constant 0 : i32
      %dma_wait3A_193 = tpu.memref_slice %arg7[%dma_wait3A_191, %dma_wait3A_192] : memref<79x128xi32, #tpu.memory_space<vmem>> -> memref<78x128xi32, #tpu.memory_space<vmem>>
      %dma_wait3A_194 = arith.constant 0 : i32
      %dma_wait3A_195 = tpu.memref_slice %arg3[%mul3A_6, %run_scoped3A_7, %dma_wait3A_194] : memref<2500x2x128xi32, #tpu.memory_space<hbm>> -> memref<78x1x128xi32, #tpu.memory_space<hbm>>
      %dma_wait3A_196 = tpu.memref_squeeze %dma_wait3A_195 : memref<78x1x128xi32, #tpu.memory_space<hbm>> -> memref<78x128xi32, #tpu.memory_space<hbm>>
      tpu.wait_dma2 semaphore(%run_scoped3A_172 : memref<!tpu.dma_semaphore, #tpu.memory_space<semaphore_mem>>) src(%dma_wait3A_196 : memref<78x128xi32, #tpu.memory_space<hbm>>) dst(%dma_wait3A_193 : memref<78x128xi32, #tpu.memory_space<vmem>>)
      tpu.yield
    }) : () -> ()
    %lt3A = arith.constant 4 : i32
    %lt3A_8 = arith.cmpi slt, %add3A, %lt3A : i32
    %convert_element_type3A = arith.extui %lt3A_8 : i1 to i32
    %cond3A = arith.constant 0 : i32
    %cond3A_9 = arith.cmpi ne, %convert_element_type3A, %cond3A : i32
    scf.if %cond3A_9 {
      %add3A_172 = arith.constant 2496 : i32
      %add3A_173 = arith.addi %add3A_172, %add3A : i32
      %run_scoped3A_174 = arith.constant 0 : i32
      %run_scoped3A_175 = arith.constant 78 : i32
      "tpu.region"() ({
        %run_scoped3A_180 = tpu.sem_alloc : memref<!tpu.dma_semaphore, #tpu.memory_space<semaphore_mem>>
        %dma_start3A_181 = arith.constant 0 : i32
        %dma_start3A_182 = tpu.memref_slice %arg6[%run_scoped3A_175, %dma_start3A_181] : memref<79x128xi32, #tpu.memory_space<vmem>> -> memref<1x128xi32, #tpu.memory_space<vmem>>
        %dma_start3A_183 = tpu.memref_squeeze %dma_start3A_182 : memref<1x128xi32, #tpu.memory_space<vmem>> -> memref<128xi32, #tpu.memory_space<vmem>>
        %dma_start3A_184 = arith.constant 0 : i32
        %dma_start3A_185 = tpu.memref_slice %arg3[%add3A_173, %run_scoped3A_174, %dma_start3A_184] : memref<2500x2x128xi32, #tpu.memory_space<hbm>> -> memref<1x1x128xi32, #tpu.memory_space<hbm>>
        %dma_start3A_186 = tpu.memref_squeeze %dma_start3A_185 : memref<1x1x128xi32, #tpu.memory_space<hbm>> -> memref<128xi32, #tpu.memory_space<hbm>>
        %dma_start3A_187 = arith.constant 0 : i32
        %dma_start3A_188 = tpu.memref_slice %arg6[%run_scoped3A_175, %dma_start3A_187] : memref<79x128xi32, #tpu.memory_space<vmem>> -> memref<1x128xi32, #tpu.memory_space<vmem>>
        %dma_start3A_189 = tpu.memref_squeeze %dma_start3A_188 : memref<1x128xi32, #tpu.memory_space<vmem>> -> memref<128xi32, #tpu.memory_space<vmem>>
        %dma_start3A_190 = arith.constant 0 : i32
        %dma_start3A_191 = tpu.memref_slice %arg3[%add3A_173, %run_scoped3A_174, %dma_start3A_190] : memref<2500x2x128xi32, #tpu.memory_space<hbm>> -> memref<1x1x128xi32, #tpu.memory_space<hbm>>
        %dma_start3A_192 = tpu.memref_squeeze %dma_start3A_191 : memref<1x1x128xi32, #tpu.memory_space<hbm>> -> memref<128xi32, #tpu.memory_space<hbm>>
        tpu.enqueue_dma source(%dma_start3A_192 : memref<128xi32, #tpu.memory_space<hbm>>) target(%dma_start3A_189 : memref<128xi32, #tpu.memory_space<vmem>>) target_semaphore(%run_scoped3A_180 : memref<!tpu.dma_semaphore, #tpu.memory_space<semaphore_mem>>)
        %dma_wait3A_193 = arith.constant 0 : i32
        %dma_wait3A_194 = tpu.memref_slice %arg6[%run_scoped3A_175, %dma_wait3A_193] : memref<79x128xi32, #tpu.memory_space<vmem>> -> memref<1x128xi32, #tpu.memory_space<vmem>>
        %dma_wait3A_195 = tpu.memref_squeeze %dma_wait3A_194 : memref<1x128xi32, #tpu.memory_space<vmem>> -> memref<128xi32, #tpu.memory_space<vmem>>
        %dma_wait3A_196 = arith.constant 0 : i32
        %dma_wait3A_197 = tpu.memref_slice %arg3[%add3A_173, %run_scoped3A_174, %dma_wait3A_196] : memref<2500x2x128xi32, #tpu.memory_space<hbm>> -> memref<1x1x128xi32, #tpu.memory_space<hbm>>
        %dma_wait3A_198 = tpu.memref_squeeze %dma_wait3A_197 : memref<1x1x128xi32, #tpu.memory_space<hbm>> -> memref<128xi32, #tpu.memory_space<hbm>>
        %dma_wait3A_199 = arith.constant 0 : i32
        %dma_wait3A_200 = tpu.memref_slice %arg6[%run_scoped3A_175, %dma_wait3A_199] : memref<79x128xi32, #tpu.memory_space<vmem>> -> memref<1x128xi32, #tpu.memory_space<vmem>>
        %dma_wait3A_201 = tpu.memref_squeeze %dma_wait3A_200 : memref<1x128xi32, #tpu.memory_space<vmem>> -> memref<128xi32, #tpu.memory_space<vmem>>
        %dma_wait3A_202 = arith.constant 0 : i32
        %dma_wait3A_203 = tpu.memref_slice %arg3[%add3A_173, %run_scoped3A_174, %dma_wait3A_202] : memref<2500x2x128xi32, #tpu.memory_space<hbm>> -> memref<1x1x128xi32, #tpu.memory_space<hbm>>
        %dma_wait3A_204 = tpu.memref_squeeze %dma_wait3A_203 : memref<1x1x128xi32, #tpu.memory_space<hbm>> -> memref<128xi32, #tpu.memory_space<hbm>>
        tpu.wait_dma2 semaphore(%run_scoped3A_180 : memref<!tpu.dma_semaphore, #tpu.memory_space<semaphore_mem>>) src(%dma_wait3A_204 : memref<128xi32, #tpu.memory_space<hbm>>) dst(%dma_wait3A_201 : memref<128xi32, #tpu.memory_space<vmem>>)
        tpu.yield
      }) : () -> ()
      %add3A_176 = arith.constant 2496 : i32
      %add3A_177 = arith.addi %add3A_176, %add3A : i32
      %run_scoped3A_178 = arith.constant 1 : i32
      %run_scoped3A_179 = arith.constant 78 : i32
      "tpu.region"() ({
        %run_scoped3A_180 = tpu.sem_alloc : memref<!tpu.dma_semaphore, #tpu.memory_space<semaphore_mem>>
        %dma_start3A_181 = arith.constant 0 : i32
        %dma_start3A_182 = tpu.memref_slice %arg7[%run_scoped3A_179, %dma_start3A_181] : memref<79x128xi32, #tpu.memory_space<vmem>> -> memref<1x128xi32, #tpu.memory_space<vmem>>
        %dma_start3A_183 = tpu.memref_squeeze %dma_start3A_182 : memref<1x128xi32, #tpu.memory_space<vmem>> -> memref<128xi32, #tpu.memory_space<vmem>>
        %dma_start3A_184 = arith.constant 0 : i32
        %dma_start3A_185 = tpu.memref_slice %arg3[%add3A_177, %run_scoped3A_178, %dma_start3A_184] : memref<2500x2x128xi32, #tpu.memory_space<hbm>> -> memref<1x1x128xi32, #tpu.memory_space<hbm>>
        %dma_start3A_186 = tpu.memref_squeeze %dma_start3A_185 : memref<1x1x128xi32, #tpu.memory_space<hbm>> -> memref<128xi32, #tpu.memory_space<hbm>>
        %dma_start3A_187 = arith.constant 0 : i32
        %dma_start3A_188 = tpu.memref_slice %arg7[%run_scoped3A_179, %dma_start3A_187] : memref<79x128xi32, #tpu.memory_space<vmem>> -> memref<1x128xi32, #tpu.memory_space<vmem>>
        %dma_start3A_189 = tpu.memref_squeeze %dma_start3A_188 : memref<1x128xi32, #tpu.memory_space<vmem>> -> memref<128xi32, #tpu.memory_space<vmem>>
        %dma_start3A_190 = arith.constant 0 : i32
        %dma_start3A_191 = tpu.memref_slice %arg3[%add3A_177, %run_scoped3A_178, %dma_start3A_190] : memref<2500x2x128xi32, #tpu.memory_space<hbm>> -> memref<1x1x128xi32, #tpu.memory_space<hbm>>
        %dma_start3A_192 = tpu.memref_squeeze %dma_start3A_191 : memref<1x1x128xi32, #tpu.memory_space<hbm>> -> memref<128xi32, #tpu.memory_space<hbm>>
        tpu.enqueue_dma source(%dma_start3A_192 : memref<128xi32, #tpu.memory_space<hbm>>) target(%dma_start3A_189 : memref<128xi32, #tpu.memory_space<vmem>>) target_semaphore(%run_scoped3A_180 : memref<!tpu.dma_semaphore, #tpu.memory_space<semaphore_mem>>)
        %dma_wait3A_193 = arith.constant 0 : i32
        %dma_wait3A_194 = tpu.memref_slice %arg7[%run_scoped3A_179, %dma_wait3A_193] : memref<79x128xi32, #tpu.memory_space<vmem>> -> memref<1x128xi32, #tpu.memory_space<vmem>>
        %dma_wait3A_195 = tpu.memref_squeeze %dma_wait3A_194 : memref<1x128xi32, #tpu.memory_space<vmem>> -> memref<128xi32, #tpu.memory_space<vmem>>
        %dma_wait3A_196 = arith.constant 0 : i32
        %dma_wait3A_197 = tpu.memref_slice %arg3[%add3A_177, %run_scoped3A_178, %dma_wait3A_196] : memref<2500x2x128xi32, #tpu.memory_space<hbm>> -> memref<1x1x128xi32, #tpu.memory_space<hbm>>
        %dma_wait3A_198 = tpu.memref_squeeze %dma_wait3A_197 : memref<1x1x128xi32, #tpu.memory_space<hbm>> -> memref<128xi32, #tpu.memory_space<hbm>>
        %dma_wait3A_199 = arith.constant 0 : i32
        %dma_wait3A_200 = tpu.memref_slice %arg7[%run_scoped3A_179, %dma_wait3A_199] : memref<79x128xi32, #tpu.memory_space<vmem>> -> memref<1x128xi32, #tpu.memory_space<vmem>>
        %dma_wait3A_201 = tpu.memref_squeeze %dma_wait3A_200 : memref<1x128xi32, #tpu.memory_space<vmem>> -> memref<128xi32, #tpu.memory_space<vmem>>
        %dma_wait3A_202 = arith.constant 0 : i32
        %dma_wait3A_203 = tpu.memref_slice %arg3[%add3A_177, %run_scoped3A_178, %dma_wait3A_202] : memref<2500x2x128xi32, #tpu.memory_space<hbm>> -> memref<1x1x128xi32, #tpu.memory_space<hbm>>
        %dma_wait3A_204 = tpu.memref_squeeze %dma_wait3A_203 : memref<1x1x128xi32, #tpu.memory_space<hbm>> -> memref<128xi32, #tpu.memory_space<hbm>>
        tpu.wait_dma2 semaphore(%run_scoped3A_180 : memref<!tpu.dma_semaphore, #tpu.memory_space<semaphore_mem>>) src(%dma_wait3A_204 : memref<128xi32, #tpu.memory_space<hbm>>) dst(%dma_wait3A_201 : memref<128xi32, #tpu.memory_space<vmem>>)
        tpu.yield
      }) : () -> ()
    } else {
    }
    %barrier3A = arith.constant 0 : index
    tpu.barrier barrier_id(%barrier3A)
    %dma_start3A = arith.constant 0 : i32
    %dma_start3A_10 = arith.constant 0 : i32
    %dma_start3A_11 = arith.constant 0 : i32
    %dma_start3A_12 = arith.constant 0 : i32
    %dma_start3A_13 = arith.constant 0 : i32
    %dma_start3A_14 = arith.constant 0 : i32
    %dma_start3A_15 = arith.constant 0 : i32
    %dma_start3A_16 = tpu.memref_slice %arg8[%dma_start3A_10, %dma_start3A_11, %dma_start3A_14, %dma_start3A_15] : memref<3x3x128x16xf32, #tpu.memory_space<vmem>> -> memref<1x1x128x16xf32, #tpu.memory_space<vmem>>
    %dma_start3A_17 = tpu.memref_squeeze %dma_start3A_16 : memref<1x1x128x16xf32, #tpu.memory_space<vmem>> -> memref<128x16xf32, #tpu.memory_space<vmem>>
    %dma_start3A_18 = arith.constant 0 : i32
    %dma_start3A_19 = tpu.memref_slice %arg6[%dma_start3A, %dma_start3A_18] : memref<79x128xi32, #tpu.memory_space<vmem>> -> memref<1x128xi32, #tpu.memory_space<vmem>>
    %dma_start3A_20 = tpu.memref_squeeze %dma_start3A_19 : memref<1x128xi32, #tpu.memory_space<vmem>> -> memref<128xi32, #tpu.memory_space<vmem>>
    %dma_start3A_21 = arith.constant 0 : i32
    %dma_start3A_22 = arith.constant 0 : i32
    %dma_start3A_23 = tpu.memref_slice %arg9[%dma_start3A_21, %dma_start3A_22] : memref<10112x16xf32, #tpu.memory_space<vmem_shared>> -> memref<10112x16xf32, #tpu.memory_space<vmem_shared>>
    %dma_start3A_24 = tpu.memref_slice %arg11[%dma_start3A_12, %dma_start3A_13] : memref<3x3x!tpu.dma_semaphore, #tpu.memory_space<semaphore_mem>> -> memref<1x1x!tpu.dma_semaphore, #tpu.memory_space<semaphore_mem>>
    %dma_start3A_25 = tpu.memref_squeeze %dma_start3A_24 : memref<1x1x!tpu.dma_semaphore, #tpu.memory_space<semaphore_mem>> -> memref<!tpu.dma_semaphore, #tpu.memory_space<semaphore_mem>>
    tpu.enqueue_indirect_dma source(%dma_start3A_23 : memref<10112x16xf32, #tpu.memory_space<vmem_shared>>) target(%dma_start3A_17 : memref<128x16xf32, #tpu.memory_space<vmem>>) offsets(%dma_start3A_20 : memref<128xi32, #tpu.memory_space<vmem>>) semaphore(%dma_start3A_25 : memref<!tpu.dma_semaphore, #tpu.memory_space<semaphore_mem>>)
    %dma_start3A_26 = arith.constant 1 : i32
    %dma_start3A_27 = arith.constant 0 : i32
    %dma_start3A_28 = arith.constant 1 : i32
    %dma_start3A_29 = arith.constant 0 : i32
    %dma_start3A_30 = arith.constant 1 : i32
    %dma_start3A_31 = arith.constant 0 : i32
    %dma_start3A_32 = arith.constant 0 : i32
    %dma_start3A_33 = tpu.memref_slice %arg8[%dma_start3A_27, %dma_start3A_28, %dma_start3A_31, %dma_start3A_32] : memref<3x3x128x16xf32, #tpu.memory_space<vmem>> -> memref<1x1x128x16xf32, #tpu.memory_space<vmem>>
    %dma_start3A_34 = tpu.memref_squeeze %dma_start3A_33 : memref<1x1x128x16xf32, #tpu.memory_space<vmem>> -> memref<128x16xf32, #tpu.memory_space<vmem>>
    %dma_start3A_35 = arith.constant 0 : i32
    %dma_start3A_36 = tpu.memref_slice %arg6[%dma_start3A_26, %dma_start3A_35] : memref<79x128xi32, #tpu.memory_space<vmem>> -> memref<1x128xi32, #tpu.memory_space<vmem>>
    %dma_start3A_37 = tpu.memref_squeeze %dma_start3A_36 : memref<1x128xi32, #tpu.memory_space<vmem>> -> memref<128xi32, #tpu.memory_space<vmem>>
    %dma_start3A_38 = arith.constant 0 : i32
    %dma_start3A_39 = arith.constant 0 : i32
    %dma_start3A_40 = tpu.memref_slice %arg9[%dma_start3A_38, %dma_start3A_39] : memref<10112x16xf32, #tpu.memory_space<vmem_shared>> -> memref<10112x16xf32, #tpu.memory_space<vmem_shared>>
    %dma_start3A_41 = tpu.memref_slice %arg11[%dma_start3A_29, %dma_start3A_30] : memref<3x3x!tpu.dma_semaphore, #tpu.memory_space<semaphore_mem>> -> memref<1x1x!tpu.dma_semaphore, #tpu.memory_space<semaphore_mem>>
    %dma_start3A_42 = tpu.memref_squeeze %dma_start3A_41 : memref<1x1x!tpu.dma_semaphore, #tpu.memory_space<semaphore_mem>> -> memref<!tpu.dma_semaphore, #tpu.memory_space<semaphore_mem>>
    tpu.enqueue_indirect_dma source(%dma_start3A_40 : memref<10112x16xf32, #tpu.memory_space<vmem_shared>>) target(%dma_start3A_34 : memref<128x16xf32, #tpu.memory_space<vmem>>) offsets(%dma_start3A_37 : memref<128xi32, #tpu.memory_space<vmem>>) semaphore(%dma_start3A_42 : memref<!tpu.dma_semaphore, #tpu.memory_space<semaphore_mem>>)
    %dma_start3A_43 = arith.constant 2 : i32
    %dma_start3A_44 = arith.constant 0 : i32
    %dma_start3A_45 = arith.constant 2 : i32
    %dma_start3A_46 = arith.constant 0 : i32
    %dma_start3A_47 = arith.constant 2 : i32
    %dma_start3A_48 = arith.constant 0 : i32
    %dma_start3A_49 = arith.constant 0 : i32
    %dma_start3A_50 = tpu.memref_slice %arg8[%dma_start3A_44, %dma_start3A_45, %dma_start3A_48, %dma_start3A_49] : memref<3x3x128x16xf32, #tpu.memory_space<vmem>> -> memref<1x1x128x16xf32, #tpu.memory_space<vmem>>
    %dma_start3A_51 = tpu.memref_squeeze %dma_start3A_50 : memref<1x1x128x16xf32, #tpu.memory_space<vmem>> -> memref<128x16xf32, #tpu.memory_space<vmem>>
    %dma_start3A_52 = arith.constant 0 : i32
    %dma_start3A_53 = tpu.memref_slice %arg6[%dma_start3A_43, %dma_start3A_52] : memref<79x128xi32, #tpu.memory_space<vmem>> -> memref<1x128xi32, #tpu.memory_space<vmem>>
    %dma_start3A_54 = tpu.memref_squeeze %dma_start3A_53 : memref<1x128xi32, #tpu.memory_space<vmem>> -> memref<128xi32, #tpu.memory_space<vmem>>
    %dma_start3A_55 = arith.constant 0 : i32
    %dma_start3A_56 = arith.constant 0 : i32
    %dma_start3A_57 = tpu.memref_slice %arg9[%dma_start3A_55, %dma_start3A_56] : memref<10112x16xf32, #tpu.memory_space<vmem_shared>> -> memref<10112x16xf32, #tpu.memory_space<vmem_shared>>
    %dma_start3A_58 = tpu.memref_slice %arg11[%dma_start3A_46, %dma_start3A_47] : memref<3x3x!tpu.dma_semaphore, #tpu.memory_space<semaphore_mem>> -> memref<1x1x!tpu.dma_semaphore, #tpu.memory_space<semaphore_mem>>
    %dma_start3A_59 = tpu.memref_squeeze %dma_start3A_58 : memref<1x1x!tpu.dma_semaphore, #tpu.memory_space<semaphore_mem>> -> memref<!tpu.dma_semaphore, #tpu.memory_space<semaphore_mem>>
    tpu.enqueue_indirect_dma source(%dma_start3A_57 : memref<10112x16xf32, #tpu.memory_space<vmem_shared>>) target(%dma_start3A_51 : memref<128x16xf32, #tpu.memory_space<vmem>>) offsets(%dma_start3A_54 : memref<128xi32, #tpu.memory_space<vmem>>) semaphore(%dma_start3A_59 : memref<!tpu.dma_semaphore, #tpu.memory_space<semaphore_mem>>)
    %scan3A = arith.constant 0 : i32
    %scan3A_60 = arith.constant 0 : i32
    %scan3A_61 = arith.constant 26 : i32
    %scan3A_62 = arith.addi %scan3A_60, %scan3A_61 : i32
    %scan3A_63 = arith.constant 1 : i32
    scf.for %scan3A_172 = %scan3A_60 to %scan3A_62 step %scan3A_63  : i32 {
      %rem3A = arith.constant 3 : i32
      %rem3A_173 = arith.remsi %scan3A_172, %rem3A : i32
      %add3A_174 = arith.constant 1 : i32
      %add3A_175 = arith.addi %scan3A_172, %add3A_174 : i32
      %rem3A_176 = arith.constant 3 : i32
      %rem3A_177 = arith.remsi %add3A_175, %rem3A_176 : i32
      %lt3A_178 = arith.constant 25 : i32
      %lt3A_179 = arith.cmpi slt, %scan3A_172, %lt3A_178 : i32
      %convert_element_type3A_180 = arith.extui %lt3A_179 : i1 to i32
      %cond3A_181 = arith.constant 0 : i32
      %cond3A_182 = arith.cmpi ne, %convert_element_type3A_180, %cond3A_181 : i32
      scf.if %cond3A_182 {
        %ge3A = arith.constant 2 : i32
        %ge3A_291 = arith.cmpi sge, %scan3A_172, %ge3A : i32
        %convert_element_type3A_292 = arith.extui %ge3A_291 : i1 to i32
        %cond3A_293 = arith.constant 0 : i32
        %cond3A_294 = arith.cmpi ne, %convert_element_type3A_292, %cond3A_293 : i32
        scf.if %cond3A_294 {
          %sub3A = arith.constant 2 : i32
          %sub3A_351 = arith.subi %scan3A_172, %sub3A : i32
          %mul3A_352 = arith.constant 3 : i32
          %mul3A_353 = arith.muli %sub3A_351, %mul3A_352 : i32
          %add3A_354 = arith.constant 0 : i32
          %add3A_355 = arith.addi %mul3A_353, %add3A_354 : i32
          %dma_wait3A_356 = arith.constant 0 : i32
          %dma_wait3A_357 = arith.constant 0 : i32
          %dma_wait3A_358 = arith.constant 0 : i32
          %dma_wait3A_359 = arith.constant 0 : i32
          %dma_wait3A_360 = tpu.memref_slice %arg8[%rem3A_177, %dma_wait3A_356, %dma_wait3A_358, %dma_wait3A_359] : memref<3x3x128x16xf32, #tpu.memory_space<vmem>> -> memref<1x1x128x16xf32, #tpu.memory_space<vmem>>
          %dma_wait3A_361 = tpu.memref_squeeze %dma_wait3A_360 : memref<1x1x128x16xf32, #tpu.memory_space<vmem>> -> memref<128x16xf32, #tpu.memory_space<vmem>>
          %dma_wait3A_362 = arith.constant 0 : i32
          %dma_wait3A_363 = tpu.memref_slice %arg7[%add3A_355, %dma_wait3A_362] : memref<79x128xi32, #tpu.memory_space<vmem>> -> memref<1x128xi32, #tpu.memory_space<vmem>>
          %dma_wait3A_364 = tpu.memref_squeeze %dma_wait3A_363 : memref<1x128xi32, #tpu.memory_space<vmem>> -> memref<128xi32, #tpu.memory_space<vmem>>
          %dma_wait3A_365 = arith.constant 0 : i32
          %dma_wait3A_366 = arith.constant 0 : i32
          %dma_wait3A_367 = tpu.memref_slice %arg10[%dma_wait3A_365, %dma_wait3A_366] : memref<10112x16xf32, #tpu.memory_space<vmem_shared>> -> memref<10112x16xf32, #tpu.memory_space<vmem_shared>>
          %dma_wait3A_368 = tpu.memref_slice %arg12[%rem3A_177, %dma_wait3A_357] : memref<3x3x!tpu.dma_semaphore, #tpu.memory_space<semaphore_mem>> -> memref<1x1x!tpu.dma_semaphore, #tpu.memory_space<semaphore_mem>>
          %dma_wait3A_369 = tpu.memref_squeeze %dma_wait3A_368 : memref<1x1x!tpu.dma_semaphore, #tpu.memory_space<semaphore_mem>> -> memref<!tpu.dma_semaphore, #tpu.memory_space<semaphore_mem>>
          tpu.wait_indirect_dma semaphore(%dma_wait3A_369 : memref<!tpu.dma_semaphore, #tpu.memory_space<semaphore_mem>>) src(%dma_wait3A_361 : memref<128x16xf32, #tpu.memory_space<vmem>>) dst(%dma_wait3A_367 : memref<10112x16xf32, #tpu.memory_space<vmem_shared>>)
          %mul3A_370 = arith.constant 3 : i32
          %mul3A_371 = arith.muli %sub3A_351, %mul3A_370 : i32
          %add3A_372 = arith.constant 1 : i32
          %add3A_373 = arith.addi %mul3A_371, %add3A_372 : i32
          %dma_wait3A_374 = arith.constant 1 : i32
          %dma_wait3A_375 = arith.constant 1 : i32
          %dma_wait3A_376 = arith.constant 0 : i32
          %dma_wait3A_377 = arith.constant 0 : i32
          %dma_wait3A_378 = tpu.memref_slice %arg8[%rem3A_177, %dma_wait3A_374, %dma_wait3A_376, %dma_wait3A_377] : memref<3x3x128x16xf32, #tpu.memory_space<vmem>> -> memref<1x1x128x16xf32, #tpu.memory_space<vmem>>
          %dma_wait3A_379 = tpu.memref_squeeze %dma_wait3A_378 : memref<1x1x128x16xf32, #tpu.memory_space<vmem>> -> memref<128x16xf32, #tpu.memory_space<vmem>>
          %dma_wait3A_380 = arith.constant 0 : i32
          %dma_wait3A_381 = tpu.memref_slice %arg7[%add3A_373, %dma_wait3A_380] : memref<79x128xi32, #tpu.memory_space<vmem>> -> memref<1x128xi32, #tpu.memory_space<vmem>>
          %dma_wait3A_382 = tpu.memref_squeeze %dma_wait3A_381 : memref<1x128xi32, #tpu.memory_space<vmem>> -> memref<128xi32, #tpu.memory_space<vmem>>
          %dma_wait3A_383 = arith.constant 0 : i32
          %dma_wait3A_384 = arith.constant 0 : i32
          %dma_wait3A_385 = tpu.memref_slice %arg10[%dma_wait3A_383, %dma_wait3A_384] : memref<10112x16xf32, #tpu.memory_space<vmem_shared>> -> memref<10112x16xf32, #tpu.memory_space<vmem_shared>>
          %dma_wait3A_386 = tpu.memref_slice %arg12[%rem3A_177, %dma_wait3A_375] : memref<3x3x!tpu.dma_semaphore, #tpu.memory_space<semaphore_mem>> -> memref<1x1x!tpu.dma_semaphore, #tpu.memory_space<semaphore_mem>>
          %dma_wait3A_387 = tpu.memref_squeeze %dma_wait3A_386 : memref<1x1x!tpu.dma_semaphore, #tpu.memory_space<semaphore_mem>> -> memref<!tpu.dma_semaphore, #tpu.memory_space<semaphore_mem>>
          tpu.wait_indirect_dma semaphore(%dma_wait3A_387 : memref<!tpu.dma_semaphore, #tpu.memory_space<semaphore_mem>>) src(%dma_wait3A_379 : memref<128x16xf32, #tpu.memory_space<vmem>>) dst(%dma_wait3A_385 : memref<10112x16xf32, #tpu.memory_space<vmem_shared>>)
          %mul3A_388 = arith.constant 3 : i32
          %mul3A_389 = arith.muli %sub3A_351, %mul3A_388 : i32
          %add3A_390 = arith.constant 2 : i32
          %add3A_391 = arith.addi %mul3A_389, %add3A_390 : i32
          %dma_wait3A_392 = arith.constant 2 : i32
          %dma_wait3A_393 = arith.constant 2 : i32
          %dma_wait3A_394 = arith.constant 0 : i32
          %dma_wait3A_395 = arith.constant 0 : i32
          %dma_wait3A_396 = tpu.memref_slice %arg8[%rem3A_177, %dma_wait3A_392, %dma_wait3A_394, %dma_wait3A_395] : memref<3x3x128x16xf32, #tpu.memory_space<vmem>> -> memref<1x1x128x16xf32, #tpu.memory_space<vmem>>
          %dma_wait3A_397 = tpu.memref_squeeze %dma_wait3A_396 : memref<1x1x128x16xf32, #tpu.memory_space<vmem>> -> memref<128x16xf32, #tpu.memory_space<vmem>>
          %dma_wait3A_398 = arith.constant 0 : i32
          %dma_wait3A_399 = tpu.memref_slice %arg7[%add3A_391, %dma_wait3A_398] : memref<79x128xi32, #tpu.memory_space<vmem>> -> memref<1x128xi32, #tpu.memory_space<vmem>>
          %dma_wait3A_400 = tpu.memref_squeeze %dma_wait3A_399 : memref<1x128xi32, #tpu.memory_space<vmem>> -> memref<128xi32, #tpu.memory_space<vmem>>
          %dma_wait3A_401 = arith.constant 0 : i32
          %dma_wait3A_402 = arith.constant 0 : i32
          %dma_wait3A_403 = tpu.memref_slice %arg10[%dma_wait3A_401, %dma_wait3A_402] : memref<10112x16xf32, #tpu.memory_space<vmem_shared>> -> memref<10112x16xf32, #tpu.memory_space<vmem_shared>>
          %dma_wait3A_404 = tpu.memref_slice %arg12[%rem3A_177, %dma_wait3A_393] : memref<3x3x!tpu.dma_semaphore, #tpu.memory_space<semaphore_mem>> -> memref<1x1x!tpu.dma_semaphore, #tpu.memory_space<semaphore_mem>>
          %dma_wait3A_405 = tpu.memref_squeeze %dma_wait3A_404 : memref<1x1x!tpu.dma_semaphore, #tpu.memory_space<semaphore_mem>> -> memref<!tpu.dma_semaphore, #tpu.memory_space<semaphore_mem>>
          tpu.wait_indirect_dma semaphore(%dma_wait3A_405 : memref<!tpu.dma_semaphore, #tpu.memory_space<semaphore_mem>>) src(%dma_wait3A_397 : memref<128x16xf32, #tpu.memory_space<vmem>>) dst(%dma_wait3A_403 : memref<10112x16xf32, #tpu.memory_space<vmem_shared>>)
        } else {
        }
        %add3A_295 = arith.constant 1 : i32
        %add3A_296 = arith.addi %scan3A_172, %add3A_295 : i32
        %mul3A_297 = arith.constant 3 : i32
        %mul3A_298 = arith.muli %add3A_296, %mul3A_297 : i32
        %add3A_299 = arith.constant 0 : i32
        %add3A_300 = arith.addi %mul3A_298, %add3A_299 : i32
        %dma_start3A_301 = arith.constant 0 : i32
        %dma_start3A_302 = arith.constant 0 : i32
        %dma_start3A_303 = arith.constant 0 : i32
        %dma_start3A_304 = arith.constant 0 : i32
        %dma_start3A_305 = tpu.memref_slice %arg8[%rem3A_177, %dma_start3A_301, %dma_start3A_303, %dma_start3A_304] : memref<3x3x128x16xf32, #tpu.memory_space<vmem>> -> memref<1x1x128x16xf32, #tpu.memory_space<vmem>>
        %dma_start3A_306 = tpu.memref_squeeze %dma_start3A_305 : memref<1x1x128x16xf32, #tpu.memory_space<vmem>> -> memref<128x16xf32, #tpu.memory_space<vmem>>
        %dma_start3A_307 = arith.constant 0 : i32
        %dma_start3A_308 = tpu.memref_slice %arg6[%add3A_300, %dma_start3A_307] : memref<79x128xi32, #tpu.memory_space<vmem>> -> memref<1x128xi32, #tpu.memory_space<vmem>>
        %dma_start3A_309 = tpu.memref_squeeze %dma_start3A_308 : memref<1x128xi32, #tpu.memory_space<vmem>> -> memref<128xi32, #tpu.memory_space<vmem>>
        %dma_start3A_310 = arith.constant 0 : i32
        %dma_start3A_311 = arith.constant 0 : i32
        %dma_start3A_312 = tpu.memref_slice %arg9[%dma_start3A_310, %dma_start3A_311] : memref<10112x16xf32, #tpu.memory_space<vmem_shared>> -> memref<10112x16xf32, #tpu.memory_space<vmem_shared>>
        %dma_start3A_313 = tpu.memref_slice %arg11[%rem3A_177, %dma_start3A_302] : memref<3x3x!tpu.dma_semaphore, #tpu.memory_space<semaphore_mem>> -> memref<1x1x!tpu.dma_semaphore, #tpu.memory_space<semaphore_mem>>
        %dma_start3A_314 = tpu.memref_squeeze %dma_start3A_313 : memref<1x1x!tpu.dma_semaphore, #tpu.memory_space<semaphore_mem>> -> memref<!tpu.dma_semaphore, #tpu.memory_space<semaphore_mem>>
        tpu.enqueue_indirect_dma source(%dma_start3A_312 : memref<10112x16xf32, #tpu.memory_space<vmem_shared>>) target(%dma_start3A_306 : memref<128x16xf32, #tpu.memory_space<vmem>>) offsets(%dma_start3A_309 : memref<128xi32, #tpu.memory_space<vmem>>) semaphore(%dma_start3A_314 : memref<!tpu.dma_semaphore, #tpu.memory_space<semaphore_mem>>)
        %mul3A_315 = arith.constant 3 : i32
        %mul3A_316 = arith.muli %add3A_296, %mul3A_315 : i32
        %add3A_317 = arith.constant 1 : i32
        %add3A_318 = arith.addi %mul3A_316, %add3A_317 : i32
        %dma_start3A_319 = arith.constant 1 : i32
        %dma_start3A_320 = arith.constant 1 : i32
        %dma_start3A_321 = arith.constant 0 : i32
        %dma_start3A_322 = arith.constant 0 : i32
        %dma_start3A_323 = tpu.memref_slice %arg8[%rem3A_177, %dma_start3A_319, %dma_start3A_321, %dma_start3A_322] : memref<3x3x128x16xf32, #tpu.memory_space<vmem>> -> memref<1x1x128x16xf32, #tpu.memory_space<vmem>>
        %dma_start3A_324 = tpu.memref_squeeze %dma_start3A_323 : memref<1x1x128x16xf32, #tpu.memory_space<vmem>> -> memref<128x16xf32, #tpu.memory_space<vmem>>
        %dma_start3A_325 = arith.constant 0 : i32
        %dma_start3A_326 = tpu.memref_slice %arg6[%add3A_318, %dma_start3A_325] : memref<79x128xi32, #tpu.memory_space<vmem>> -> memref<1x128xi32, #tpu.memory_space<vmem>>
        %dma_start3A_327 = tpu.memref_squeeze %dma_start3A_326 : memref<1x128xi32, #tpu.memory_space<vmem>> -> memref<128xi32, #tpu.memory_space<vmem>>
        %dma_start3A_328 = arith.constant 0 : i32
        %dma_start3A_329 = arith.constant 0 : i32
        %dma_start3A_330 = tpu.memref_slice %arg9[%dma_start3A_328, %dma_start3A_329] : memref<10112x16xf32, #tpu.memory_space<vmem_shared>> -> memref<10112x16xf32, #tpu.memory_space<vmem_shared>>
        %dma_start3A_331 = tpu.memref_slice %arg11[%rem3A_177, %dma_start3A_320] : memref<3x3x!tpu.dma_semaphore, #tpu.memory_space<semaphore_mem>> -> memref<1x1x!tpu.dma_semaphore, #tpu.memory_space<semaphore_mem>>
        %dma_start3A_332 = tpu.memref_squeeze %dma_start3A_331 : memref<1x1x!tpu.dma_semaphore, #tpu.memory_space<semaphore_mem>> -> memref<!tpu.dma_semaphore, #tpu.memory_space<semaphore_mem>>
        tpu.enqueue_indirect_dma source(%dma_start3A_330 : memref<10112x16xf32, #tpu.memory_space<vmem_shared>>) target(%dma_start3A_324 : memref<128x16xf32, #tpu.memory_space<vmem>>) offsets(%dma_start3A_327 : memref<128xi32, #tpu.memory_space<vmem>>) semaphore(%dma_start3A_332 : memref<!tpu.dma_semaphore, #tpu.memory_space<semaphore_mem>>)
        %mul3A_333 = arith.constant 3 : i32
        %mul3A_334 = arith.muli %add3A_296, %mul3A_333 : i32
        %add3A_335 = arith.constant 2 : i32
        %add3A_336 = arith.addi %mul3A_334, %add3A_335 : i32
        %dma_start3A_337 = arith.constant 2 : i32
        %dma_start3A_338 = arith.constant 2 : i32
        %dma_start3A_339 = arith.constant 0 : i32
        %dma_start3A_340 = arith.constant 0 : i32
        %dma_start3A_341 = tpu.memref_slice %arg8[%rem3A_177, %dma_start3A_337, %dma_start3A_339, %dma_start3A_340] : memref<3x3x128x16xf32, #tpu.memory_space<vmem>> -> memref<1x1x128x16xf32, #tpu.memory_space<vmem>>
        %dma_start3A_342 = tpu.memref_squeeze %dma_start3A_341 : memref<1x1x128x16xf32, #tpu.memory_space<vmem>> -> memref<128x16xf32, #tpu.memory_space<vmem>>
        %dma_start3A_343 = arith.constant 0 : i32
        %dma_start3A_344 = tpu.memref_slice %arg6[%add3A_336, %dma_start3A_343] : memref<79x128xi32, #tpu.memory_space<vmem>> -> memref<1x128xi32, #tpu.memory_space<vmem>>
        %dma_start3A_345 = tpu.memref_squeeze %dma_start3A_344 : memref<1x128xi32, #tpu.memory_space<vmem>> -> memref<128xi32, #tpu.memory_space<vmem>>
        %dma_start3A_346 = arith.constant 0 : i32
        %dma_start3A_347 = arith.constant 0 : i32
        %dma_start3A_348 = tpu.memref_slice %arg9[%dma_start3A_346, %dma_start3A_347] : memref<10112x16xf32, #tpu.memory_space<vmem_shared>> -> memref<10112x16xf32, #tpu.memory_space<vmem_shared>>
        %dma_start3A_349 = tpu.memref_slice %arg11[%rem3A_177, %dma_start3A_338] : memref<3x3x!tpu.dma_semaphore, #tpu.memory_space<semaphore_mem>> -> memref<1x1x!tpu.dma_semaphore, #tpu.memory_space<semaphore_mem>>
        %dma_start3A_350 = tpu.memref_squeeze %dma_start3A_349 : memref<1x1x!tpu.dma_semaphore, #tpu.memory_space<semaphore_mem>> -> memref<!tpu.dma_semaphore, #tpu.memory_space<semaphore_mem>>
        tpu.enqueue_indirect_dma source(%dma_start3A_348 : memref<10112x16xf32, #tpu.memory_space<vmem_shared>>) target(%dma_start3A_342 : memref<128x16xf32, #tpu.memory_space<vmem>>) offsets(%dma_start3A_345 : memref<128xi32, #tpu.memory_space<vmem>>) semaphore(%dma_start3A_350 : memref<!tpu.dma_semaphore, #tpu.memory_space<semaphore_mem>>)
      } else {
      }
      %mul3A_183 = arith.constant 3 : i32
      %mul3A_184 = arith.muli %scan3A_172, %mul3A_183 : i32
      %add3A_185 = arith.constant 0 : i32
      %add3A_186 = arith.addi %mul3A_184, %add3A_185 : i32
      %dma_wait3A_187 = arith.constant 0 : i32
      %dma_wait3A_188 = arith.constant 0 : i32
      %dma_wait3A_189 = arith.constant 0 : i32
      %dma_wait3A_190 = arith.constant 0 : i32
      %dma_wait3A_191 = tpu.memref_slice %arg8[%rem3A_173, %dma_wait3A_187, %dma_wait3A_189, %dma_wait3A_190] : memref<3x3x128x16xf32, #tpu.memory_space<vmem>> -> memref<1x1x128x16xf32, #tpu.memory_space<vmem>>
      %dma_wait3A_192 = tpu.memref_squeeze %dma_wait3A_191 : memref<1x1x128x16xf32, #tpu.memory_space<vmem>> -> memref<128x16xf32, #tpu.memory_space<vmem>>
      %dma_wait3A_193 = arith.constant 0 : i32
      %dma_wait3A_194 = tpu.memref_slice %arg6[%add3A_186, %dma_wait3A_193] : memref<79x128xi32, #tpu.memory_space<vmem>> -> memref<1x128xi32, #tpu.memory_space<vmem>>
      %dma_wait3A_195 = tpu.memref_squeeze %dma_wait3A_194 : memref<1x128xi32, #tpu.memory_space<vmem>> -> memref<128xi32, #tpu.memory_space<vmem>>
      %dma_wait3A_196 = arith.constant 0 : i32
      %dma_wait3A_197 = arith.constant 0 : i32
      %dma_wait3A_198 = tpu.memref_slice %arg9[%dma_wait3A_196, %dma_wait3A_197] : memref<10112x16xf32, #tpu.memory_space<vmem_shared>> -> memref<10112x16xf32, #tpu.memory_space<vmem_shared>>
      %dma_wait3A_199 = tpu.memref_slice %arg11[%rem3A_173, %dma_wait3A_188] : memref<3x3x!tpu.dma_semaphore, #tpu.memory_space<semaphore_mem>> -> memref<1x1x!tpu.dma_semaphore, #tpu.memory_space<semaphore_mem>>
      %dma_wait3A_200 = tpu.memref_squeeze %dma_wait3A_199 : memref<1x1x!tpu.dma_semaphore, #tpu.memory_space<semaphore_mem>> -> memref<!tpu.dma_semaphore, #tpu.memory_space<semaphore_mem>>
      tpu.wait_indirect_dma semaphore(%dma_wait3A_200 : memref<!tpu.dma_semaphore, #tpu.memory_space<semaphore_mem>>) src(%dma_wait3A_198 : memref<10112x16xf32, #tpu.memory_space<vmem_shared>>) dst(%dma_wait3A_192 : memref<128x16xf32, #tpu.memory_space<vmem>>)
      %mul3A_201 = arith.constant 3 : i32
      %mul3A_202 = arith.muli %scan3A_172, %mul3A_201 : i32
      %add3A_203 = arith.constant 0 : i32
      %add3A_204 = arith.addi %mul3A_202, %add3A_203 : i32
      %dma_start3A_205 = arith.constant 0 : i32
      %dma_start3A_206 = arith.constant 0 : i32
      %dma_start3A_207 = arith.constant 0 : i32
      %dma_start3A_208 = arith.constant 0 : i32
      %dma_start3A_209 = tpu.memref_slice %arg8[%rem3A_173, %dma_start3A_205, %dma_start3A_207, %dma_start3A_208] : memref<3x3x128x16xf32, #tpu.memory_space<vmem>> -> memref<1x1x128x16xf32, #tpu.memory_space<vmem>>
      %dma_start3A_210 = tpu.memref_squeeze %dma_start3A_209 : memref<1x1x128x16xf32, #tpu.memory_space<vmem>> -> memref<128x16xf32, #tpu.memory_space<vmem>>
      %dma_start3A_211 = arith.constant 0 : i32
      %dma_start3A_212 = tpu.memref_slice %arg7[%add3A_204, %dma_start3A_211] : memref<79x128xi32, #tpu.memory_space<vmem>> -> memref<1x128xi32, #tpu.memory_space<vmem>>
      %dma_start3A_213 = tpu.memref_squeeze %dma_start3A_212 : memref<1x128xi32, #tpu.memory_space<vmem>> -> memref<128xi32, #tpu.memory_space<vmem>>
      %dma_start3A_214 = arith.constant 0 : i32
      %dma_start3A_215 = arith.constant 0 : i32
      %dma_start3A_216 = tpu.memref_slice %arg10[%dma_start3A_214, %dma_start3A_215] : memref<10112x16xf32, #tpu.memory_space<vmem_shared>> -> memref<10112x16xf32, #tpu.memory_space<vmem_shared>>
      %dma_start3A_217 = tpu.memref_slice %arg12[%rem3A_173, %dma_start3A_206] : memref<3x3x!tpu.dma_semaphore, #tpu.memory_space<semaphore_mem>> -> memref<1x1x!tpu.dma_semaphore, #tpu.memory_space<semaphore_mem>>
      %dma_start3A_218 = tpu.memref_squeeze %dma_start3A_217 : memref<1x1x!tpu.dma_semaphore, #tpu.memory_space<semaphore_mem>> -> memref<!tpu.dma_semaphore, #tpu.memory_space<semaphore_mem>>
      tpu.enqueue_indirect_dma source(%dma_start3A_210 : memref<128x16xf32, #tpu.memory_space<vmem>>) target(%dma_start3A_216 : memref<10112x16xf32, #tpu.memory_space<vmem_shared>>) offsets(%dma_start3A_213 : memref<128xi32, #tpu.memory_space<vmem>>) semaphore(%dma_start3A_218 : memref<!tpu.dma_semaphore, #tpu.memory_space<semaphore_mem>>) {add = true}
      %mul3A_219 = arith.constant 3 : i32
      %mul3A_220 = arith.muli %scan3A_172, %mul3A_219 : i32
      %add3A_221 = arith.constant 1 : i32
      %add3A_222 = arith.addi %mul3A_220, %add3A_221 : i32
      %dma_wait3A_223 = arith.constant 1 : i32
      %dma_wait3A_224 = arith.constant 1 : i32
      %dma_wait3A_225 = arith.constant 0 : i32
      %dma_wait3A_226 = arith.constant 0 : i32
      %dma_wait3A_227 = tpu.memref_slice %arg8[%rem3A_173, %dma_wait3A_223, %dma_wait3A_225, %dma_wait3A_226] : memref<3x3x128x16xf32, #tpu.memory_space<vmem>> -> memref<1x1x128x16xf32, #tpu.memory_space<vmem>>
      %dma_wait3A_228 = tpu.memref_squeeze %dma_wait3A_227 : memref<1x1x128x16xf32, #tpu.memory_space<vmem>> -> memref<128x16xf32, #tpu.memory_space<vmem>>
      %dma_wait3A_229 = arith.constant 0 : i32
      %dma_wait3A_230 = tpu.memref_slice %arg6[%add3A_222, %dma_wait3A_229] : memref<79x128xi32, #tpu.memory_space<vmem>> -> memref<1x128xi32, #tpu.memory_space<vmem>>
      %dma_wait3A_231 = tpu.memref_squeeze %dma_wait3A_230 : memref<1x128xi32, #tpu.memory_space<vmem>> -> memref<128xi32, #tpu.memory_space<vmem>>
      %dma_wait3A_232 = arith.constant 0 : i32
      %dma_wait3A_233 = arith.constant 0 : i32
      %dma_wait3A_234 = tpu.memref_slice %arg9[%dma_wait3A_232, %dma_wait3A_233] : memref<10112x16xf32, #tpu.memory_space<vmem_shared>> -> memref<10112x16xf32, #tpu.memory_space<vmem_shared>>
      %dma_wait3A_235 = tpu.memref_slice %arg11[%rem3A_173, %dma_wait3A_224] : memref<3x3x!tpu.dma_semaphore, #tpu.memory_space<semaphore_mem>> -> memref<1x1x!tpu.dma_semaphore, #tpu.memory_space<semaphore_mem>>
      %dma_wait3A_236 = tpu.memref_squeeze %dma_wait3A_235 : memref<1x1x!tpu.dma_semaphore, #tpu.memory_space<semaphore_mem>> -> memref<!tpu.dma_semaphore, #tpu.memory_space<semaphore_mem>>
      tpu.wait_indirect_dma semaphore(%dma_wait3A_236 : memref<!tpu.dma_semaphore, #tpu.memory_space<semaphore_mem>>) src(%dma_wait3A_234 : memref<10112x16xf32, #tpu.memory_space<vmem_shared>>) dst(%dma_wait3A_228 : memref<128x16xf32, #tpu.memory_space<vmem>>)
      %mul3A_237 = arith.constant 3 : i32
      %mul3A_238 = arith.muli %scan3A_172, %mul3A_237 : i32
      %add3A_239 = arith.constant 1 : i32
      %add3A_240 = arith.addi %mul3A_238, %add3A_239 : i32
      %dma_start3A_241 = arith.constant 1 : i32
      %dma_start3A_242 = arith.constant 1 : i32
      %dma_start3A_243 = arith.constant 0 : i32
      %dma_start3A_244 = arith.constant 0 : i32
      %dma_start3A_245 = tpu.memref_slice %arg8[%rem3A_173, %dma_start3A_241, %dma_start3A_243, %dma_start3A_244] : memref<3x3x128x16xf32, #tpu.memory_space<vmem>> -> memref<1x1x128x16xf32, #tpu.memory_space<vmem>>
      %dma_start3A_246 = tpu.memref_squeeze %dma_start3A_245 : memref<1x1x128x16xf32, #tpu.memory_space<vmem>> -> memref<128x16xf32, #tpu.memory_space<vmem>>
      %dma_start3A_247 = arith.constant 0 : i32
      %dma_start3A_248 = tpu.memref_slice %arg7[%add3A_240, %dma_start3A_247] : memref<79x128xi32, #tpu.memory_space<vmem>> -> memref<1x128xi32, #tpu.memory_space<vmem>>
      %dma_start3A_249 = tpu.memref_squeeze %dma_start3A_248 : memref<1x128xi32, #tpu.memory_space<vmem>> -> memref<128xi32, #tpu.memory_space<vmem>>
      %dma_start3A_250 = arith.constant 0 : i32
      %dma_start3A_251 = arith.constant 0 : i32
      %dma_start3A_252 = tpu.memref_slice %arg10[%dma_start3A_250, %dma_start3A_251] : memref<10112x16xf32, #tpu.memory_space<vmem_shared>> -> memref<10112x16xf32, #tpu.memory_space<vmem_shared>>
      %dma_start3A_253 = tpu.memref_slice %arg12[%rem3A_173, %dma_start3A_242] : memref<3x3x!tpu.dma_semaphore, #tpu.memory_space<semaphore_mem>> -> memref<1x1x!tpu.dma_semaphore, #tpu.memory_space<semaphore_mem>>
      %dma_start3A_254 = tpu.memref_squeeze %dma_start3A_253 : memref<1x1x!tpu.dma_semaphore, #tpu.memory_space<semaphore_mem>> -> memref<!tpu.dma_semaphore, #tpu.memory_space<semaphore_mem>>
      tpu.enqueue_indirect_dma source(%dma_start3A_246 : memref<128x16xf32, #tpu.memory_space<vmem>>) target(%dma_start3A_252 : memref<10112x16xf32, #tpu.memory_space<vmem_shared>>) offsets(%dma_start3A_249 : memref<128xi32, #tpu.memory_space<vmem>>) semaphore(%dma_start3A_254 : memref<!tpu.dma_semaphore, #tpu.memory_space<semaphore_mem>>) {add = true}
      %mul3A_255 = arith.constant 3 : i32
      %mul3A_256 = arith.muli %scan3A_172, %mul3A_255 : i32
      %add3A_257 = arith.constant 2 : i32
      %add3A_258 = arith.addi %mul3A_256, %add3A_257 : i32
      %dma_wait3A_259 = arith.constant 2 : i32
      %dma_wait3A_260 = arith.constant 2 : i32
      %dma_wait3A_261 = arith.constant 0 : i32
      %dma_wait3A_262 = arith.constant 0 : i32
      %dma_wait3A_263 = tpu.memref_slice %arg8[%rem3A_173, %dma_wait3A_259, %dma_wait3A_261, %dma_wait3A_262] : memref<3x3x128x16xf32, #tpu.memory_space<vmem>> -> memref<1x1x128x16xf32, #tpu.memory_space<vmem>>
      %dma_wait3A_264 = tpu.memref_squeeze %dma_wait3A_263 : memref<1x1x128x16xf32, #tpu.memory_space<vmem>> -> memref<128x16xf32, #tpu.memory_space<vmem>>
      %dma_wait3A_265 = arith.constant 0 : i32
      %dma_wait3A_266 = tpu.memref_slice %arg6[%add3A_258, %dma_wait3A_265] : memref<79x128xi32, #tpu.memory_space<vmem>> -> memref<1x128xi32, #tpu.memory_space<vmem>>
      %dma_wait3A_267 = tpu.memref_squeeze %dma_wait3A_266 : memref<1x128xi32, #tpu.memory_space<vmem>> -> memref<128xi32, #tpu.memory_space<vmem>>
      %dma_wait3A_268 = arith.constant 0 : i32
      %dma_wait3A_269 = arith.constant 0 : i32
      %dma_wait3A_270 = tpu.memref_slice %arg9[%dma_wait3A_268, %dma_wait3A_269] : memref<10112x16xf32, #tpu.memory_space<vmem_shared>> -> memref<10112x16xf32, #tpu.memory_space<vmem_shared>>
      %dma_wait3A_271 = tpu.memref_slice %arg11[%rem3A_173, %dma_wait3A_260] : memref<3x3x!tpu.dma_semaphore, #tpu.memory_space<semaphore_mem>> -> memref<1x1x!tpu.dma_semaphore, #tpu.memory_space<semaphore_mem>>
      %dma_wait3A_272 = tpu.memref_squeeze %dma_wait3A_271 : memref<1x1x!tpu.dma_semaphore, #tpu.memory_space<semaphore_mem>> -> memref<!tpu.dma_semaphore, #tpu.memory_space<semaphore_mem>>
      tpu.wait_indirect_dma semaphore(%dma_wait3A_272 : memref<!tpu.dma_semaphore, #tpu.memory_space<semaphore_mem>>) src(%dma_wait3A_270 : memref<10112x16xf32, #tpu.memory_space<vmem_shared>>) dst(%dma_wait3A_264 : memref<128x16xf32, #tpu.memory_space<vmem>>)
      %mul3A_273 = arith.constant 3 : i32
      %mul3A_274 = arith.muli %scan3A_172, %mul3A_273 : i32
      %add3A_275 = arith.constant 2 : i32
      %add3A_276 = arith.addi %mul3A_274, %add3A_275 : i32
      %dma_start3A_277 = arith.constant 2 : i32
      %dma_start3A_278 = arith.constant 2 : i32
      %dma_start3A_279 = arith.constant 0 : i32
      %dma_start3A_280 = arith.constant 0 : i32
      %dma_start3A_281 = tpu.memref_slice %arg8[%rem3A_173, %dma_start3A_277, %dma_start3A_279, %dma_start3A_280] : memref<3x3x128x16xf32, #tpu.memory_space<vmem>> -> memref<1x1x128x16xf32, #tpu.memory_space<vmem>>
      %dma_start3A_282 = tpu.memref_squeeze %dma_start3A_281 : memref<1x1x128x16xf32, #tpu.memory_space<vmem>> -> memref<128x16xf32, #tpu.memory_space<vmem>>
      %dma_start3A_283 = arith.constant 0 : i32
      %dma_start3A_284 = tpu.memref_slice %arg7[%add3A_276, %dma_start3A_283] : memref<79x128xi32, #tpu.memory_space<vmem>> -> memref<1x128xi32, #tpu.memory_space<vmem>>
      %dma_start3A_285 = tpu.memref_squeeze %dma_start3A_284 : memref<1x128xi32, #tpu.memory_space<vmem>> -> memref<128xi32, #tpu.memory_space<vmem>>
      %dma_start3A_286 = arith.constant 0 : i32
      %dma_start3A_287 = arith.constant 0 : i32
      %dma_start3A_288 = tpu.memref_slice %arg10[%dma_start3A_286, %dma_start3A_287] : memref<10112x16xf32, #tpu.memory_space<vmem_shared>> -> memref<10112x16xf32, #tpu.memory_space<vmem_shared>>
      %dma_start3A_289 = tpu.memref_slice %arg12[%rem3A_173, %dma_start3A_278] : memref<3x3x!tpu.dma_semaphore, #tpu.memory_space<semaphore_mem>> -> memref<1x1x!tpu.dma_semaphore, #tpu.memory_space<semaphore_mem>>
      %dma_start3A_290 = tpu.memref_squeeze %dma_start3A_289 : memref<1x1x!tpu.dma_semaphore, #tpu.memory_space<semaphore_mem>> -> memref<!tpu.dma_semaphore, #tpu.memory_space<semaphore_mem>>
      tpu.enqueue_indirect_dma source(%dma_start3A_282 : memref<128x16xf32, #tpu.memory_space<vmem>>) target(%dma_start3A_288 : memref<10112x16xf32, #tpu.memory_space<vmem_shared>>) offsets(%dma_start3A_285 : memref<128xi32, #tpu.memory_space<vmem>>) semaphore(%dma_start3A_290 : memref<!tpu.dma_semaphore, #tpu.memory_space<semaphore_mem>>) {add = true}
    }
    %scan3A_64 = arith.constant 26 : i32
    %dma_wait3A = arith.constant 0 : i32
    %dma_wait3A_65 = arith.constant 0 : i32
    %dma_wait3A_66 = arith.constant 72 : i32
    %dma_wait3A_67 = arith.constant 0 : i32
    %dma_wait3A_68 = arith.constant 0 : i32
    %dma_wait3A_69 = arith.constant 0 : i32
    %dma_wait3A_70 = arith.constant 0 : i32
    %dma_wait3A_71 = tpu.memref_slice %arg8[%dma_wait3A, %dma_wait3A_65, %dma_wait3A_69, %dma_wait3A_70] : memref<3x3x128x16xf32, #tpu.memory_space<vmem>> -> memref<1x1x128x16xf32, #tpu.memory_space<vmem>>
    %dma_wait3A_72 = tpu.memref_squeeze %dma_wait3A_71 : memref<1x1x128x16xf32, #tpu.memory_space<vmem>> -> memref<128x16xf32, #tpu.memory_space<vmem>>
    %dma_wait3A_73 = arith.constant 0 : i32
    %dma_wait3A_74 = tpu.memref_slice %arg7[%dma_wait3A_66, %dma_wait3A_73] : memref<79x128xi32, #tpu.memory_space<vmem>> -> memref<1x128xi32, #tpu.memory_space<vmem>>
    %dma_wait3A_75 = tpu.memref_squeeze %dma_wait3A_74 : memref<1x128xi32, #tpu.memory_space<vmem>> -> memref<128xi32, #tpu.memory_space<vmem>>
    %dma_wait3A_76 = arith.constant 0 : i32
    %dma_wait3A_77 = arith.constant 0 : i32
    %dma_wait3A_78 = tpu.memref_slice %arg10[%dma_wait3A_76, %dma_wait3A_77] : memref<10112x16xf32, #tpu.memory_space<vmem_shared>> -> memref<10112x16xf32, #tpu.memory_space<vmem_shared>>
    %dma_wait3A_79 = tpu.memref_slice %arg12[%dma_wait3A_67, %dma_wait3A_68] : memref<3x3x!tpu.dma_semaphore, #tpu.memory_space<semaphore_mem>> -> memref<1x1x!tpu.dma_semaphore, #tpu.memory_space<semaphore_mem>>
    %dma_wait3A_80 = tpu.memref_squeeze %dma_wait3A_79 : memref<1x1x!tpu.dma_semaphore, #tpu.memory_space<semaphore_mem>> -> memref<!tpu.dma_semaphore, #tpu.memory_space<semaphore_mem>>
    tpu.wait_indirect_dma semaphore(%dma_wait3A_80 : memref<!tpu.dma_semaphore, #tpu.memory_space<semaphore_mem>>) src(%dma_wait3A_72 : memref<128x16xf32, #tpu.memory_space<vmem>>) dst(%dma_wait3A_78 : memref<10112x16xf32, #tpu.memory_space<vmem_shared>>)
    %dma_wait3A_81 = arith.constant 0 : i32
    %dma_wait3A_82 = arith.constant 1 : i32
    %dma_wait3A_83 = arith.constant 73 : i32
    %dma_wait3A_84 = arith.constant 0 : i32
    %dma_wait3A_85 = arith.constant 1 : i32
    %dma_wait3A_86 = arith.constant 0 : i32
    %dma_wait3A_87 = arith.constant 0 : i32
    %dma_wait3A_88 = tpu.memref_slice %arg8[%dma_wait3A_81, %dma_wait3A_82, %dma_wait3A_86, %dma_wait3A_87] : memref<3x3x128x16xf32, #tpu.memory_space<vmem>> -> memref<1x1x128x16xf32, #tpu.memory_space<vmem>>
    %dma_wait3A_89 = tpu.memref_squeeze %dma_wait3A_88 : memref<1x1x128x16xf32, #tpu.memory_space<vmem>> -> memref<128x16xf32, #tpu.memory_space<vmem>>
    %dma_wait3A_90 = arith.constant 0 : i32
    %dma_wait3A_91 = tpu.memref_slice %arg7[%dma_wait3A_83, %dma_wait3A_90] : memref<79x128xi32, #tpu.memory_space<vmem>> -> memref<1x128xi32, #tpu.memory_space<vmem>>
    %dma_wait3A_92 = tpu.memref_squeeze %dma_wait3A_91 : memref<1x128xi32, #tpu.memory_space<vmem>> -> memref<128xi32, #tpu.memory_space<vmem>>
    %dma_wait3A_93 = arith.constant 0 : i32
    %dma_wait3A_94 = arith.constant 0 : i32
    %dma_wait3A_95 = tpu.memref_slice %arg10[%dma_wait3A_93, %dma_wait3A_94] : memref<10112x16xf32, #tpu.memory_space<vmem_shared>> -> memref<10112x16xf32, #tpu.memory_space<vmem_shared>>
    %dma_wait3A_96 = tpu.memref_slice %arg12[%dma_wait3A_84, %dma_wait3A_85] : memref<3x3x!tpu.dma_semaphore, #tpu.memory_space<semaphore_mem>> -> memref<1x1x!tpu.dma_semaphore, #tpu.memory_space<semaphore_mem>>
    %dma_wait3A_97 = tpu.memref_squeeze %dma_wait3A_96 : memref<1x1x!tpu.dma_semaphore, #tpu.memory_space<semaphore_mem>> -> memref<!tpu.dma_semaphore, #tpu.memory_space<semaphore_mem>>
    tpu.wait_indirect_dma semaphore(%dma_wait3A_97 : memref<!tpu.dma_semaphore, #tpu.memory_space<semaphore_mem>>) src(%dma_wait3A_89 : memref<128x16xf32, #tpu.memory_space<vmem>>) dst(%dma_wait3A_95 : memref<10112x16xf32, #tpu.memory_space<vmem_shared>>)
    %dma_wait3A_98 = arith.constant 0 : i32
    %dma_wait3A_99 = arith.constant 2 : i32
    %dma_wait3A_100 = arith.constant 74 : i32
    %dma_wait3A_101 = arith.constant 0 : i32
    %dma_wait3A_102 = arith.constant 2 : i32
    %dma_wait3A_103 = arith.constant 0 : i32
    %dma_wait3A_104 = arith.constant 0 : i32
    %dma_wait3A_105 = tpu.memref_slice %arg8[%dma_wait3A_98, %dma_wait3A_99, %dma_wait3A_103, %dma_wait3A_104] : memref<3x3x128x16xf32, #tpu.memory_space<vmem>> -> memref<1x1x128x16xf32, #tpu.memory_space<vmem>>
    %dma_wait3A_106 = tpu.memref_squeeze %dma_wait3A_105 : memref<1x1x128x16xf32, #tpu.memory_space<vmem>> -> memref<128x16xf32, #tpu.memory_space<vmem>>
    %dma_wait3A_107 = arith.constant 0 : i32
    %dma_wait3A_108 = tpu.memref_slice %arg7[%dma_wait3A_100, %dma_wait3A_107] : memref<79x128xi32, #tpu.memory_space<vmem>> -> memref<1x128xi32, #tpu.memory_space<vmem>>
    %dma_wait3A_109 = tpu.memref_squeeze %dma_wait3A_108 : memref<1x128xi32, #tpu.memory_space<vmem>> -> memref<128xi32, #tpu.memory_space<vmem>>
    %dma_wait3A_110 = arith.constant 0 : i32
    %dma_wait3A_111 = arith.constant 0 : i32
    %dma_wait3A_112 = tpu.memref_slice %arg10[%dma_wait3A_110, %dma_wait3A_111] : memref<10112x16xf32, #tpu.memory_space<vmem_shared>> -> memref<10112x16xf32, #tpu.memory_space<vmem_shared>>
    %dma_wait3A_113 = tpu.memref_slice %arg12[%dma_wait3A_101, %dma_wait3A_102] : memref<3x3x!tpu.dma_semaphore, #tpu.memory_space<semaphore_mem>> -> memref<1x1x!tpu.dma_semaphore, #tpu.memory_space<semaphore_mem>>
    %dma_wait3A_114 = tpu.memref_squeeze %dma_wait3A_113 : memref<1x1x!tpu.dma_semaphore, #tpu.memory_space<semaphore_mem>> -> memref<!tpu.dma_semaphore, #tpu.memory_space<semaphore_mem>>
    tpu.wait_indirect_dma semaphore(%dma_wait3A_114 : memref<!tpu.dma_semaphore, #tpu.memory_space<semaphore_mem>>) src(%dma_wait3A_106 : memref<128x16xf32, #tpu.memory_space<vmem>>) dst(%dma_wait3A_112 : memref<10112x16xf32, #tpu.memory_space<vmem_shared>>)
    %dma_wait3A_115 = arith.constant 1 : i32
    %dma_wait3A_116 = arith.constant 0 : i32
    %dma_wait3A_117 = arith.constant 75 : i32
    %dma_wait3A_118 = arith.constant 1 : i32
    %dma_wait3A_119 = arith.constant 0 : i32
    %dma_wait3A_120 = arith.constant 0 : i32
    %dma_wait3A_121 = arith.constant 0 : i32
    %dma_wait3A_122 = tpu.memref_slice %arg8[%dma_wait3A_115, %dma_wait3A_116, %dma_wait3A_120, %dma_wait3A_121] : memref<3x3x128x16xf32, #tpu.memory_space<vmem>> -> memref<1x1x128x16xf32, #tpu.memory_space<vmem>>
    %dma_wait3A_123 = tpu.memref_squeeze %dma_wait3A_122 : memref<1x1x128x16xf32, #tpu.memory_space<vmem>> -> memref<128x16xf32, #tpu.memory_space<vmem>>
    %dma_wait3A_124 = arith.constant 0 : i32
    %dma_wait3A_125 = tpu.memref_slice %arg7[%dma_wait3A_117, %dma_wait3A_124] : memref<79x128xi32, #tpu.memory_space<vmem>> -> memref<1x128xi32, #tpu.memory_space<vmem>>
    %dma_wait3A_126 = tpu.memref_squeeze %dma_wait3A_125 : memref<1x128xi32, #tpu.memory_space<vmem>> -> memref<128xi32, #tpu.memory_space<vmem>>
    %dma_wait3A_127 = arith.constant 0 : i32
    %dma_wait3A_128 = arith.constant 0 : i32
    %dma_wait3A_129 = tpu.memref_slice %arg10[%dma_wait3A_127, %dma_wait3A_128] : memref<10112x16xf32, #tpu.memory_space<vmem_shared>> -> memref<10112x16xf32, #tpu.memory_space<vmem_shared>>
    %dma_wait3A_130 = tpu.memref_slice %arg12[%dma_wait3A_118, %dma_wait3A_119] : memref<3x3x!tpu.dma_semaphore, #tpu.memory_space<semaphore_mem>> -> memref<1x1x!tpu.dma_semaphore, #tpu.memory_space<semaphore_mem>>
    %dma_wait3A_131 = tpu.memref_squeeze %dma_wait3A_130 : memref<1x1x!tpu.dma_semaphore, #tpu.memory_space<semaphore_mem>> -> memref<!tpu.dma_semaphore, #tpu.memory_space<semaphore_mem>>
    tpu.wait_indirect_dma semaphore(%dma_wait3A_131 : memref<!tpu.dma_semaphore, #tpu.memory_space<semaphore_mem>>) src(%dma_wait3A_123 : memref<128x16xf32, #tpu.memory_space<vmem>>) dst(%dma_wait3A_129 : memref<10112x16xf32, #tpu.memory_space<vmem_shared>>)
    %dma_wait3A_132 = arith.constant 1 : i32
    %dma_wait3A_133 = arith.constant 1 : i32
    %dma_wait3A_134 = arith.constant 76 : i32
    %dma_wait3A_135 = arith.constant 1 : i32
    %dma_wait3A_136 = arith.constant 1 : i32
    %dma_wait3A_137 = arith.constant 0 : i32
    %dma_wait3A_138 = arith.constant 0 : i32
    %dma_wait3A_139 = tpu.memref_slice %arg8[%dma_wait3A_132, %dma_wait3A_133, %dma_wait3A_137, %dma_wait3A_138] : memref<3x3x128x16xf32, #tpu.memory_space<vmem>> -> memref<1x1x128x16xf32, #tpu.memory_space<vmem>>
    %dma_wait3A_140 = tpu.memref_squeeze %dma_wait3A_139 : memref<1x1x128x16xf32, #tpu.memory_space<vmem>> -> memref<128x16xf32, #tpu.memory_space<vmem>>
    %dma_wait3A_141 = arith.constant 0 : i32
    %dma_wait3A_142 = tpu.memref_slice %arg7[%dma_wait3A_134, %dma_wait3A_141] : memref<79x128xi32, #tpu.memory_space<vmem>> -> memref<1x128xi32, #tpu.memory_space<vmem>>
    %dma_wait3A_143 = tpu.memref_squeeze %dma_wait3A_142 : memref<1x128xi32, #tpu.memory_space<vmem>> -> memref<128xi32, #tpu.memory_space<vmem>>
    %dma_wait3A_144 = arith.constant 0 : i32
    %dma_wait3A_145 = arith.constant 0 : i32
    %dma_wait3A_146 = tpu.memref_slice %arg10[%dma_wait3A_144, %dma_wait3A_145] : memref<10112x16xf32, #tpu.memory_space<vmem_shared>> -> memref<10112x16xf32, #tpu.memory_space<vmem_shared>>
    %dma_wait3A_147 = tpu.memref_slice %arg12[%dma_wait3A_135, %dma_wait3A_136] : memref<3x3x!tpu.dma_semaphore, #tpu.memory_space<semaphore_mem>> -> memref<1x1x!tpu.dma_semaphore, #tpu.memory_space<semaphore_mem>>
    %dma_wait3A_148 = tpu.memref_squeeze %dma_wait3A_147 : memref<1x1x!tpu.dma_semaphore, #tpu.memory_space<semaphore_mem>> -> memref<!tpu.dma_semaphore, #tpu.memory_space<semaphore_mem>>
    tpu.wait_indirect_dma semaphore(%dma_wait3A_148 : memref<!tpu.dma_semaphore, #tpu.memory_space<semaphore_mem>>) src(%dma_wait3A_140 : memref<128x16xf32, #tpu.memory_space<vmem>>) dst(%dma_wait3A_146 : memref<10112x16xf32, #tpu.memory_space<vmem_shared>>)
    %dma_wait3A_149 = arith.constant 1 : i32
    %dma_wait3A_150 = arith.constant 2 : i32
    %dma_wait3A_151 = arith.constant 77 : i32
    %dma_wait3A_152 = arith.constant 1 : i32
    %dma_wait3A_153 = arith.constant 2 : i32
    %dma_wait3A_154 = arith.constant 0 : i32
    %dma_wait3A_155 = arith.constant 0 : i32
    %dma_wait3A_156 = tpu.memref_slice %arg8[%dma_wait3A_149, %dma_wait3A_150, %dma_wait3A_154, %dma_wait3A_155] : memref<3x3x128x16xf32, #tpu.memory_space<vmem>> -> memref<1x1x128x16xf32, #tpu.memory_space<vmem>>
    %dma_wait3A_157 = tpu.memref_squeeze %dma_wait3A_156 : memref<1x1x128x16xf32, #tpu.memory_space<vmem>> -> memref<128x16xf32, #tpu.memory_space<vmem>>
    %dma_wait3A_158 = arith.constant 0 : i32
    %dma_wait3A_159 = tpu.memref_slice %arg7[%dma_wait3A_151, %dma_wait3A_158] : memref<79x128xi32, #tpu.memory_space<vmem>> -> memref<1x128xi32, #tpu.memory_space<vmem>>
    %dma_wait3A_160 = tpu.memref_squeeze %dma_wait3A_159 : memref<1x128xi32, #tpu.memory_space<vmem>> -> memref<128xi32, #tpu.memory_space<vmem>>
    %dma_wait3A_161 = arith.constant 0 : i32
    %dma_wait3A_162 = arith.constant 0 : i32
    %dma_wait3A_163 = tpu.memref_slice %arg10[%dma_wait3A_161, %dma_wait3A_162] : memref<10112x16xf32, #tpu.memory_space<vmem_shared>> -> memref<10112x16xf32, #tpu.memory_space<vmem_shared>>
    %dma_wait3A_164 = tpu.memref_slice %arg12[%dma_wait3A_152, %dma_wait3A_153] : memref<3x3x!tpu.dma_semaphore, #tpu.memory_space<semaphore_mem>> -> memref<1x1x!tpu.dma_semaphore, #tpu.memory_space<semaphore_mem>>
    %dma_wait3A_165 = tpu.memref_squeeze %dma_wait3A_164 : memref<1x1x!tpu.dma_semaphore, #tpu.memory_space<semaphore_mem>> -> memref<!tpu.dma_semaphore, #tpu.memory_space<semaphore_mem>>
    tpu.wait_indirect_dma semaphore(%dma_wait3A_165 : memref<!tpu.dma_semaphore, #tpu.memory_space<semaphore_mem>>) src(%dma_wait3A_157 : memref<128x16xf32, #tpu.memory_space<vmem>>) dst(%dma_wait3A_163 : memref<10112x16xf32, #tpu.memory_space<vmem_shared>>)
    %lt3A_166 = arith.constant 4 : i32
    %lt3A_167 = arith.cmpi slt, %add3A, %lt3A_166 : i32
    %convert_element_type3A_168 = arith.extui %lt3A_167 : i1 to i32
    %cond3A_169 = arith.constant 0 : i32
    %cond3A_170 = arith.cmpi ne, %convert_element_type3A_168, %cond3A_169 : i32
    scf.if %cond3A_170 {
      %run_scoped3A_172 = arith.constant 78 : i32
      %run_scoped3A_173 = arith.constant 0 : i32
      %run_scoped3A_174 = arith.constant 0 : i32
      "tpu.region"() ({
        %run_scoped3A_178 = tpu.sem_alloc : memref<!tpu.dma_semaphore, #tpu.memory_space<semaphore_mem>>
        %dma_start3A_179 = arith.constant 0 : i32
        %dma_start3A_180 = arith.constant 0 : i32
        %dma_start3A_181 = tpu.memref_slice %arg8[%run_scoped3A_173, %run_scoped3A_174, %dma_start3A_179, %dma_start3A_180] : memref<3x3x128x16xf32, #tpu.memory_space<vmem>> -> memref<1x1x128x16xf32, #tpu.memory_space<vmem>>
        %dma_start3A_182 = tpu.memref_squeeze %dma_start3A_181 : memref<1x1x128x16xf32, #tpu.memory_space<vmem>> -> memref<128x16xf32, #tpu.memory_space<vmem>>
        %dma_start3A_183 = arith.constant 0 : i32
        %dma_start3A_184 = tpu.memref_slice %arg6[%run_scoped3A_172, %dma_start3A_183] : memref<79x128xi32, #tpu.memory_space<vmem>> -> memref<1x128xi32, #tpu.memory_space<vmem>>
        %dma_start3A_185 = tpu.memref_squeeze %dma_start3A_184 : memref<1x128xi32, #tpu.memory_space<vmem>> -> memref<128xi32, #tpu.memory_space<vmem>>
        %dma_start3A_186 = arith.constant 0 : i32
        %dma_start3A_187 = arith.constant 0 : i32
        %dma_start3A_188 = tpu.memref_slice %arg9[%dma_start3A_186, %dma_start3A_187] : memref<10112x16xf32, #tpu.memory_space<vmem_shared>> -> memref<10112x16xf32, #tpu.memory_space<vmem_shared>>
        tpu.enqueue_indirect_dma source(%dma_start3A_188 : memref<10112x16xf32, #tpu.memory_space<vmem_shared>>) target(%dma_start3A_182 : memref<128x16xf32, #tpu.memory_space<vmem>>) offsets(%dma_start3A_185 : memref<128xi32, #tpu.memory_space<vmem>>) semaphore(%run_scoped3A_178 : memref<!tpu.dma_semaphore, #tpu.memory_space<semaphore_mem>>)
        %dma_wait3A_189 = arith.constant 0 : i32
        %dma_wait3A_190 = arith.constant 0 : i32
        %dma_wait3A_191 = tpu.memref_slice %arg8[%run_scoped3A_173, %run_scoped3A_174, %dma_wait3A_189, %dma_wait3A_190] : memref<3x3x128x16xf32, #tpu.memory_space<vmem>> -> memref<1x1x128x16xf32, #tpu.memory_space<vmem>>
        %dma_wait3A_192 = tpu.memref_squeeze %dma_wait3A_191 : memref<1x1x128x16xf32, #tpu.memory_space<vmem>> -> memref<128x16xf32, #tpu.memory_space<vmem>>
        %dma_wait3A_193 = arith.constant 0 : i32
        %dma_wait3A_194 = tpu.memref_slice %arg6[%run_scoped3A_172, %dma_wait3A_193] : memref<79x128xi32, #tpu.memory_space<vmem>> -> memref<1x128xi32, #tpu.memory_space<vmem>>
        %dma_wait3A_195 = tpu.memref_squeeze %dma_wait3A_194 : memref<1x128xi32, #tpu.memory_space<vmem>> -> memref<128xi32, #tpu.memory_space<vmem>>
        %dma_wait3A_196 = arith.constant 0 : i32
        %dma_wait3A_197 = arith.constant 0 : i32
        %dma_wait3A_198 = tpu.memref_slice %arg9[%dma_wait3A_196, %dma_wait3A_197] : memref<10112x16xf32, #tpu.memory_space<vmem_shared>> -> memref<10112x16xf32, #tpu.memory_space<vmem_shared>>
        tpu.wait_indirect_dma semaphore(%run_scoped3A_178 : memref<!tpu.dma_semaphore, #tpu.memory_space<semaphore_mem>>) src(%dma_wait3A_198 : memref<10112x16xf32, #tpu.memory_space<vmem_shared>>) dst(%dma_wait3A_192 : memref<128x16xf32, #tpu.memory_space<vmem>>)
        tpu.yield
      }) : () -> ()
      %run_scoped3A_175 = arith.constant 0 : i32
      %run_scoped3A_176 = arith.constant 0 : i32
      %run_scoped3A_177 = arith.constant 78 : i32
      "tpu.region"() ({
        %run_scoped3A_178 = tpu.sem_alloc : memref<!tpu.dma_semaphore, #tpu.memory_space<semaphore_mem>>
        %dma_start3A_179 = arith.constant 0 : i32
        %dma_start3A_180 = arith.constant 0 : i32
        %dma_start3A_181 = tpu.memref_slice %arg8[%run_scoped3A_175, %run_scoped3A_176, %dma_start3A_179, %dma_start3A_180] : memref<3x3x128x16xf32, #tpu.memory_space<vmem>> -> memref<1x1x128x16xf32, #tpu.memory_space<vmem>>
        %dma_start3A_182 = tpu.memref_squeeze %dma_start3A_181 : memref<1x1x128x16xf32, #tpu.memory_space<vmem>> -> memref<128x16xf32, #tpu.memory_space<vmem>>
        %dma_start3A_183 = arith.constant 0 : i32
        %dma_start3A_184 = tpu.memref_slice %arg7[%run_scoped3A_177, %dma_start3A_183] : memref<79x128xi32, #tpu.memory_space<vmem>> -> memref<1x128xi32, #tpu.memory_space<vmem>>
        %dma_start3A_185 = tpu.memref_squeeze %dma_start3A_184 : memref<1x128xi32, #tpu.memory_space<vmem>> -> memref<128xi32, #tpu.memory_space<vmem>>
        %dma_start3A_186 = arith.constant 0 : i32
        %dma_start3A_187 = arith.constant 0 : i32
        %dma_start3A_188 = tpu.memref_slice %arg10[%dma_start3A_186, %dma_start3A_187] : memref<10112x16xf32, #tpu.memory_space<vmem_shared>> -> memref<10112x16xf32, #tpu.memory_space<vmem_shared>>
        tpu.enqueue_indirect_dma source(%dma_start3A_182 : memref<128x16xf32, #tpu.memory_space<vmem>>) target(%dma_start3A_188 : memref<10112x16xf32, #tpu.memory_space<vmem_shared>>) offsets(%dma_start3A_185 : memref<128xi32, #tpu.memory_space<vmem>>) semaphore(%run_scoped3A_178 : memref<!tpu.dma_semaphore, #tpu.memory_space<semaphore_mem>>) {add = true}
        %dma_wait3A_189 = arith.constant 0 : i32
        %dma_wait3A_190 = arith.constant 0 : i32
        %dma_wait3A_191 = tpu.memref_slice %arg8[%run_scoped3A_175, %run_scoped3A_176, %dma_wait3A_189, %dma_wait3A_190] : memref<3x3x128x16xf32, #tpu.memory_space<vmem>> -> memref<1x1x128x16xf32, #tpu.memory_space<vmem>>
        %dma_wait3A_192 = tpu.memref_squeeze %dma_wait3A_191 : memref<1x1x128x16xf32, #tpu.memory_space<vmem>> -> memref<128x16xf32, #tpu.memory_space<vmem>>
        %dma_wait3A_193 = arith.constant 0 : i32
        %dma_wait3A_194 = tpu.memref_slice %arg7[%run_scoped3A_177, %dma_wait3A_193] : memref<79x128xi32, #tpu.memory_space<vmem>> -> memref<1x128xi32, #tpu.memory_space<vmem>>
        %dma_wait3A_195 = tpu.memref_squeeze %dma_wait3A_194 : memref<1x128xi32, #tpu.memory_space<vmem>> -> memref<128xi32, #tpu.memory_space<vmem>>
        %dma_wait3A_196 = arith.constant 0 : i32
        %dma_wait3A_197 = arith.constant 0 : i32
        %dma_wait3A_198 = tpu.memref_slice %arg10[%dma_wait3A_196, %dma_wait3A_197] : memref<10112x16xf32, #tpu.memory_space<vmem_shared>> -> memref<10112x16xf32, #tpu.memory_space<vmem_shared>>
        tpu.wait_indirect_dma semaphore(%run_scoped3A_178 : memref<!tpu.dma_semaphore, #tpu.memory_space<semaphore_mem>>) src(%dma_wait3A_192 : memref<128x16xf32, #tpu.memory_space<vmem>>) dst(%dma_wait3A_198 : memref<10112x16xf32, #tpu.memory_space<vmem_shared>>)
        tpu.yield
      }) : () -> ()
    } else {
    }
    %barrier3A_171 = arith.constant 0 : index
    tpu.barrier barrier_id(%barrier3A_171)
    "tpu.region"() ({
      %run_scoped3A_172 = tpu.sem_alloc : memref<!tpu.dma_semaphore, #tpu.memory_space<semaphore_mem>>
      %dma_start3A_173 = arith.constant 0 : i32
      %dma_start3A_174 = tpu.memref_slice %arg5[%arg0, %mul3A_2, %dma_start3A_173] : memref<2x10112x16xf32, #tpu.memory_space<hbm>> -> memref<1x632x16xf32, #tpu.memory_space<hbm>>
      %dma_start3A_175 = tpu.memref_squeeze %dma_start3A_174 : memref<1x632x16xf32, #tpu.memory_space<hbm>> -> memref<632x16xf32, #tpu.memory_space<hbm>>
      %dma_start3A_176 = arith.constant 0 : i32
      %dma_start3A_177 = tpu.memref_slice %arg10[%mul3A_2, %dma_start3A_176] : memref<10112x16xf32, #tpu.memory_space<vmem_shared>> -> memref<632x16xf32, #tpu.memory_space<vmem_shared>>
      tpu.enqueue_dma source(%dma_start3A_177 : memref<632x16xf32, #tpu.memory_space<vmem_shared>>) target(%dma_start3A_175 : memref<632x16xf32, #tpu.memory_space<hbm>>) target_semaphore(%run_scoped3A_172 : memref<!tpu.dma_semaphore, #tpu.memory_space<semaphore_mem>>)
      %dma_wait3A_178 = arith.constant 0 : i32
      %dma_wait3A_179 = tpu.memref_slice %arg5[%arg0, %mul3A_2, %dma_wait3A_178] : memref<2x10112x16xf32, #tpu.memory_space<hbm>> -> memref<1x632x16xf32, #tpu.memory_space<hbm>>
      %dma_wait3A_180 = tpu.memref_squeeze %dma_wait3A_179 : memref<1x632x16xf32, #tpu.memory_space<hbm>> -> memref<632x16xf32, #tpu.memory_space<hbm>>
      %dma_wait3A_181 = arith.constant 0 : i32
      %dma_wait3A_182 = tpu.memref_slice %arg10[%mul3A_2, %dma_wait3A_181] : memref<10112x16xf32, #tpu.memory_space<vmem_shared>> -> memref<632x16xf32, #tpu.memory_space<vmem_shared>>
      tpu.wait_dma2 semaphore(%run_scoped3A_172 : memref<!tpu.dma_semaphore, #tpu.memory_space<semaphore_mem>>) src(%dma_wait3A_182 : memref<632x16xf32, #tpu.memory_space<vmem_shared>>) dst(%dma_wait3A_180 : memref<632x16xf32, #tpu.memory_space<hbm>>)
      tpu.yield
    }) : () -> ()
    return
  }
}

module attributes {stable_mosaic.version = 14 : i64} {
  func.func @_tc_first_body(%arg0: memref<10000x128xf32, #tpu.memory_space<vmem>>, %arg1: memref<2x10112x8xf32, #tpu.memory_space<vmem>>, %arg2: memref<128x64xf32, #tpu.memory_space<vmem>>, %arg3: memref<10112x32xf32, #tpu.memory_space<vmem>>, %arg4: memref<10112x32xf32, #tpu.memory_space<vmem>>) attributes {dimension_semantics = [], scalar_prefetch = 0 : i64, scratch_operands = 0 : i64, tpu.core_type = #tpu.core_type<tc>} {
    %get3A = arith.constant 0 : index
    %get3A_0 = arith.constant 0 : index
    %get3A_1 = arith.constant 0 : index
    %get3A_2 = vector.load %arg1[%get3A, %get3A_0, %get3A_1] : memref<2x10112x8xf32, #tpu.memory_space<vmem>>, vector<2x10112x8xf32>
    %slice3A = vector.extract_strided_slice %get3A_2 {offsets = [0, 0, 0], sizes = [1, 10112, 8], strides = [1, 1, 1]} : vector<2x10112x8xf32> to vector<1x10112x8xf32>
    %squeeze3A = vector.shape_cast %slice3A : vector<1x10112x8xf32> to vector<10112x8xf32>
    %slice3A_3 = vector.extract_strided_slice %get3A_2 {offsets = [1, 0, 0], sizes = [1, 10112, 8], strides = [1, 1, 1]} : vector<2x10112x8xf32> to vector<1x10112x8xf32>
    %squeeze3A_4 = vector.shape_cast %slice3A_3 : vector<1x10112x8xf32> to vector<10112x8xf32>
    %add3A = arith.addf %squeeze3A, %squeeze3A_4 : vector<10112x8xf32>
    %gt3A = arith.constant 0.000000e+00 : f32
    %gt3A_5 = vector.broadcast %gt3A : f32 to vector<10112x8xf32>
    %gt3A_6 = arith.cmpf ogt, %add3A, %gt3A_5 : vector<10112x8xf32>
    %max3A = arith.constant 1.000000e+00 : f32
    %max3A_7 = vector.broadcast %max3A : f32 to vector<10112x8xf32>
    %max3A_8 = arith.maximumf %add3A, %max3A_7 : vector<10112x8xf32>
    %rsqrt3A = math.rsqrt %max3A_8 : vector<10112x8xf32>
    %jit3A = arith.constant 0.000000e+00 : f32
    %broadcast_in_dim3A = vector.broadcast %jit3A : f32 to vector<10112x8xf32>
    %select_n3A = arith.select %gt3A_6, %rsqrt3A, %broadcast_in_dim3A : vector<10112x8xi1>, vector<10112x8xf32>
    %slice3A_9 = vector.extract_strided_slice %select_n3A {offsets = [0, 0], sizes = [10112, 1], strides = [1, 1]} : vector<10112x8xf32> to vector<10112x1xf32>
    %slice3A_10 = vector.extract_strided_slice %slice3A_9 {offsets = [0, 0], sizes = [10000, 1], strides = [1, 1]} : vector<10112x1xf32> to vector<10000x1xf32>
    %get3A_11 = arith.constant 0 : index
    %get3A_12 = arith.constant 0 : index
    %get3A_13 = vector.load %arg0[%get3A_11, %get3A_12] : memref<10000x128xf32, #tpu.memory_space<vmem>>, vector<10000x128xf32>
    %get3A_14 = arith.constant 0 : index
    %get3A_15 = arith.constant 0 : index
    %get3A_16 = vector.load %arg2[%get3A_14, %get3A_15] : memref<128x64xf32, #tpu.memory_space<vmem>>, vector<128x64xf32>
    %dot_general3A = arith.constant dense<0.000000e+00> : vector<10000x64xf32>
    %dot_general3A_17 = tpu.matmul %get3A_13, %get3A_16, %dot_general3A {dimension_numbers = #tpu.dot_dimension_numbers<[1], [0], [0], [1], [0, 0, 1, 1], [], []>, transpose_lhs_hint = false} : vector<10000x128xf32>, vector<128x64xf32>, vector<10000x64xf32> -> vector<10000x64xf32>
    %mul3A = vector.broadcast %slice3A_10 : vector<10000x1xf32> to vector<10000x64xf32>
    %mul3A_18 = arith.mulf %dot_general3A_17, %mul3A : vector<10000x64xf32>
    %broadcast_in_dim3A_19 = arith.constant 0.000000e+00 : f32
    %broadcast_in_dim3A_20 = vector.broadcast %broadcast_in_dim3A_19 : f32 to vector<112x32xf32>
    %slice3A_21 = vector.extract_strided_slice %mul3A_18 {offsets = [0, 0], sizes = [10000, 32], strides = [1, 1]} : vector<10000x64xf32> to vector<10000x32xf32>
    %concatenate3A = tpu.concatenate %slice3A_21, %broadcast_in_dim3A_20 in 0 : vector<10000x32xf32>, vector<112x32xf32> -> vector<10112x32xf32>
    %swap3A = arith.constant 0 : index
    %swap3A_22 = arith.constant 0 : index
    %swap3A_23 = vector.load %arg3[%swap3A, %swap3A_22] : memref<10112x32xf32, #tpu.memory_space<vmem>>, vector<10112x32xf32>
    tpu.vector_store %arg3[%swap3A, %swap3A_22], %concatenate3A {strides = array<i32>} : memref<10112x32xf32, #tpu.memory_space<vmem>>, vector<10112x32xf32>,
    %slice3A_24 = vector.extract_strided_slice %mul3A_18 {offsets = [0, 32], sizes = [10000, 32], strides = [1, 1]} : vector<10000x64xf32> to vector<10000x32xf32>
    %concatenate3A_25 = tpu.concatenate %slice3A_24, %broadcast_in_dim3A_20 in 0 : vector<10000x32xf32>, vector<112x32xf32> -> vector<10112x32xf32>
    %swap3A_26 = arith.constant 0 : index
    %swap3A_27 = arith.constant 0 : index
    %swap3A_28 = vector.load %arg4[%swap3A_26, %swap3A_27] : memref<10112x32xf32, #tpu.memory_space<vmem>>, vector<10112x32xf32>
    tpu.vector_store %arg4[%swap3A_26, %swap3A_27], %concatenate3A_25 {strides = array<i32>} : memref<10112x32xf32, #tpu.memory_space<vmem>>, vector<10112x32xf32>,
    return
  }
}

module attributes {stable_mosaic.version = 14 : i64} {
  func.func @_tc_mid2_body(%arg0: i32, %arg1: memref<2x1264x32xf32, #tpu.memory_space<vmem>>, %arg2: memref<2x1264x32xf32, #tpu.memory_space<vmem>>, %arg3: memref<2x1264x8xf32, #tpu.memory_space<vmem>>, %arg4: memref<1x64xf32, #tpu.memory_space<vmem>>, %arg5: memref<64x32xf32, #tpu.memory_space<vmem>>, %arg6: memref<1264x32xf32, #tpu.memory_space<vmem>>) attributes {dimension_semantics = [#tpu.dimension_semantics<arbitrary>], iteration_bounds = array<i64: 8>, scalar_prefetch = 0 : i64, scratch_operands = 0 : i64, tpu.core_type = #tpu.core_type<tc>, window_params = [{transform_indices = @transform_0, window_bounds = array<i64: 2, 1264, 32>}, {transform_indices = @transform_1, window_bounds = array<i64: 2, 1264, 32>}, {transform_indices = @transform_2, window_bounds = array<i64: 2, 1264, 8>}, {pipeline_mode = #tpu.pipeline_mode<synchronous>, transform_indices = @transform_3, window_bounds = array<i64: 1, 64>}, {pipeline_mode = #tpu.pipeline_mode<synchronous>, transform_indices = @transform_4, window_bounds = array<i64: 64, 32>}, {transform_indices = @transform_5, window_bounds = array<i64: 1264, 32>}]} {
    %get3A = arith.constant 0 : index
    %get3A_0 = arith.constant 0 : index
    %get3A_1 = arith.constant 0 : index
    %get3A_2 = vector.load %arg3[%get3A, %get3A_0, %get3A_1] : memref<2x1264x8xf32, #tpu.memory_space<vmem>>, vector<2x1264x8xf32>
    %slice3A = vector.extract_strided_slice %get3A_2 {offsets = [0, 0, 0], sizes = [1, 1264, 8], strides = [1, 1, 1]} : vector<2x1264x8xf32> to vector<1x1264x8xf32>
    %squeeze3A = vector.shape_cast %slice3A : vector<1x1264x8xf32> to vector<1264x8xf32>
    %slice3A_3 = vector.extract_strided_slice %get3A_2 {offsets = [1, 0, 0], sizes = [1, 1264, 8], strides = [1, 1, 1]} : vector<2x1264x8xf32> to vector<1x1264x8xf32>
    %squeeze3A_4 = vector.shape_cast %slice3A_3 : vector<1x1264x8xf32> to vector<1264x8xf32>
    %add3A = arith.addf %squeeze3A, %squeeze3A_4 : vector<1264x8xf32>
    %gt3A = arith.constant 0.000000e+00 : f32
    %gt3A_5 = vector.broadcast %gt3A : f32 to vector<1264x8xf32>
    %gt3A_6 = arith.cmpf ogt, %add3A, %gt3A_5 : vector<1264x8xf32>
    %max3A = arith.constant 1.000000e+00 : f32
    %max3A_7 = vector.broadcast %max3A : f32 to vector<1264x8xf32>
    %max3A_8 = arith.maximumf %add3A, %max3A_7 : vector<1264x8xf32>
    %rsqrt3A = math.rsqrt %max3A_8 : vector<1264x8xf32>
    %jit3A = arith.constant 0.000000e+00 : f32
    %broadcast_in_dim3A = vector.broadcast %jit3A : f32 to vector<1264x8xf32>
    %select_n3A = arith.select %gt3A_6, %rsqrt3A, %broadcast_in_dim3A : vector<1264x8xi1>, vector<1264x8xf32>
    %slice3A_9 = vector.extract_strided_slice %select_n3A {offsets = [0, 4], sizes = [1264, 1], strides = [1, 1]} : vector<1264x8xf32> to vector<1264x1xf32>
    %get3A_10 = arith.constant 0 : index
    %get3A_11 = arith.constant 0 : index
    %get3A_12 = arith.constant 0 : index
    %get3A_13 = vector.load %arg3[%get3A_10, %get3A_11, %get3A_12] : memref<2x1264x8xf32, #tpu.memory_space<vmem>>, vector<2x1264x8xf32>
    %slice3A_14 = vector.extract_strided_slice %get3A_13 {offsets = [0, 0, 0], sizes = [1, 1264, 8], strides = [1, 1, 1]} : vector<2x1264x8xf32> to vector<1x1264x8xf32>
    %squeeze3A_15 = vector.shape_cast %slice3A_14 : vector<1x1264x8xf32> to vector<1264x8xf32>
    %slice3A_16 = vector.extract_strided_slice %get3A_13 {offsets = [1, 0, 0], sizes = [1, 1264, 8], strides = [1, 1, 1]} : vector<2x1264x8xf32> to vector<1x1264x8xf32>
    %squeeze3A_17 = vector.shape_cast %slice3A_16 : vector<1x1264x8xf32> to vector<1264x8xf32>
    %add3A_18 = arith.addf %squeeze3A_15, %squeeze3A_17 : vector<1264x8xf32>
    %gt3A_19 = arith.constant 0.000000e+00 : f32
    %gt3A_20 = vector.broadcast %gt3A_19 : f32 to vector<1264x8xf32>
    %gt3A_21 = arith.cmpf ogt, %add3A_18, %gt3A_20 : vector<1264x8xf32>
    %max3A_22 = arith.constant 1.000000e+00 : f32
    %max3A_23 = vector.broadcast %max3A_22 : f32 to vector<1264x8xf32>
    %max3A_24 = arith.maximumf %add3A_18, %max3A_23 : vector<1264x8xf32>
    %rsqrt3A_25 = math.rsqrt %max3A_24 : vector<1264x8xf32>
    %jit3A_26 = arith.constant 0.000000e+00 : f32
    %broadcast_in_dim3A_27 = vector.broadcast %jit3A_26 : f32 to vector<1264x8xf32>
    %select_n3A_28 = arith.select %gt3A_21, %rsqrt3A_25, %broadcast_in_dim3A_27 : vector<1264x8xi1>, vector<1264x8xf32>
    %slice3A_29 = vector.extract_strided_slice %select_n3A_28 {offsets = [0, 0], sizes = [1264, 1], strides = [1, 1]} : vector<1264x8xf32> to vector<1264x1xf32>
    %get3A_30 = arith.constant 0 : index
    %get3A_31 = arith.constant 0 : index
    %get3A_32 = arith.constant 0 : index
    %get3A_33 = vector.load %arg1[%get3A_30, %get3A_31, %get3A_32] : memref<2x1264x32xf32, #tpu.memory_space<vmem>>, vector<1x1264x32xf32>
    %get3A_34 = vector.shape_cast %get3A_33 : vector<1x1264x32xf32> to vector<1264x32xf32>
    %get3A_35 = arith.constant 1 : index
    %get3A_36 = arith.constant 0 : index
    %get3A_37 = arith.constant 0 : index
    %get3A_38 = vector.load %arg1[%get3A_35, %get3A_36, %get3A_37] : memref<2x1264x32xf32, #tpu.memory_space<vmem>>, vector<1x1264x32xf32>
    %get3A_39 = vector.shape_cast %get3A_38 : vector<1x1264x32xf32> to vector<1264x32xf32>
    %add3A_40 = arith.addf %get3A_34, %get3A_39 : vector<1264x32xf32>
    %mul3A = vector.broadcast %slice3A_9 : vector<1264x1xf32> to vector<1264x32xf32>
    %mul3A_41 = arith.mulf %add3A_40, %mul3A : vector<1264x32xf32>
    %get3A_42 = arith.constant 0 : index
    %get3A_43 = arith.constant 0 : index
    %get3A_44 = vector.load %arg4[%get3A_42, %get3A_43] : memref<1x64xf32, #tpu.memory_space<vmem>>, vector<1x32xf32>
    %add3A_45 = vector.broadcast %get3A_44 : vector<1x32xf32> to vector<1264x32xf32>
    %add3A_46 = arith.addf %mul3A_41, %add3A_45 : vector<1264x32xf32>
    %max3A_47 = arith.constant 0.000000e+00 : f32
    %max3A_48 = vector.broadcast %max3A_47 : f32 to vector<1264x32xf32>
    %max3A_49 = arith.maximumf %add3A_46, %max3A_48 : vector<1264x32xf32>
    %get3A_50 = arith.constant 0 : index
    %get3A_51 = arith.constant 0 : index
    %get3A_52 = arith.constant 0 : index
    %get3A_53 = vector.load %arg2[%get3A_50, %get3A_51, %get3A_52] : memref<2x1264x32xf32, #tpu.memory_space<vmem>>, vector<1x1264x32xf32>
    %get3A_54 = vector.shape_cast %get3A_53 : vector<1x1264x32xf32> to vector<1264x32xf32>
    %get3A_55 = arith.constant 1 : index
    %get3A_56 = arith.constant 0 : index
    %get3A_57 = arith.constant 0 : index
    %get3A_58 = vector.load %arg2[%get3A_55, %get3A_56, %get3A_57] : memref<2x1264x32xf32, #tpu.memory_space<vmem>>, vector<1x1264x32xf32>
    %get3A_59 = vector.shape_cast %get3A_58 : vector<1x1264x32xf32> to vector<1264x32xf32>
    %add3A_60 = arith.addf %get3A_54, %get3A_59 : vector<1264x32xf32>
    %mul3A_61 = vector.broadcast %slice3A_9 : vector<1264x1xf32> to vector<1264x32xf32>
    %mul3A_62 = arith.mulf %add3A_60, %mul3A_61 : vector<1264x32xf32>
    %get3A_63 = arith.constant 0 : index
    %get3A_64 = arith.constant 32 : index
    %get3A_65 = vector.load %arg4[%get3A_63, %get3A_64] : memref<1x64xf32, #tpu.memory_space<vmem>>, vector<1x32xf32>
    %add3A_66 = vector.broadcast %get3A_65 : vector<1x32xf32> to vector<1264x32xf32>
    %add3A_67 = arith.addf %mul3A_62, %add3A_66 : vector<1264x32xf32>
    %max3A_68 = arith.constant 0.000000e+00 : f32
    %max3A_69 = vector.broadcast %max3A_68 : f32 to vector<1264x32xf32>
    %max3A_70 = arith.maximumf %add3A_67, %max3A_69 : vector<1264x32xf32>
    %get3A_71 = arith.constant 0 : index
    %get3A_72 = arith.constant 0 : index
    %get3A_73 = vector.load %arg5[%get3A_71, %get3A_72] : memref<64x32xf32, #tpu.memory_space<vmem>>, vector<32x32xf32>
    %dot_general3A = arith.constant dense<0.000000e+00> : vector<1264x32xf32>
    %dot_general3A_74 = tpu.matmul %max3A_49, %get3A_73, %dot_general3A {dimension_numbers = #tpu.dot_dimension_numbers<[1], [0], [0], [1], [0, 0, 1, 1], [], []>, transpose_lhs_hint = false} : vector<1264x32xf32>, vector<32x32xf32>, vector<1264x32xf32> -> vector<1264x32xf32>
    %get3A_75 = arith.constant 32 : index
    %get3A_76 = arith.constant 0 : index
    %get3A_77 = vector.load %arg5[%get3A_75, %get3A_76] : memref<64x32xf32, #tpu.memory_space<vmem>>, vector<32x32xf32>
    %dot_general3A_78 = arith.constant dense<0.000000e+00> : vector<1264x32xf32>
    %dot_general3A_79 = tpu.matmul %max3A_70, %get3A_77, %dot_general3A_78 {dimension_numbers = #tpu.dot_dimension_numbers<[1], [0], [0], [1], [0, 0, 1, 1], [], []>, transpose_lhs_hint = false} : vector<1264x32xf32>, vector<32x32xf32>, vector<1264x32xf32> -> vector<1264x32xf32>
    %add3A_80 = arith.addf %dot_general3A_74, %dot_general3A_79 : vector<1264x32xf32>
    %mul3A_81 = vector.broadcast %slice3A_29 : vector<1264x1xf32> to vector<1264x32xf32>
    %mul3A_82 = arith.mulf %add3A_80, %mul3A_81 : vector<1264x32xf32>
    %swap3A = arith.constant 0 : index
    %swap3A_83 = arith.constant 0 : index
    %swap3A_84 = vector.load %arg6[%swap3A, %swap3A_83] : memref<1264x32xf32, #tpu.memory_space<vmem>>, vector<1264x32xf32>
    tpu.vector_store %arg6[%swap3A, %swap3A_83], %mul3A_82 {strides = array<i32>} : memref<1264x32xf32, #tpu.memory_space<vmem>>, vector<1264x32xf32>,
    return
  }
  func.func @transform_0(%arg0: i32) -> (i32, i32, i32) {
    %c0_i32 = arith.constant 0 : i32
    %c0_i32_0 = arith.constant 0 : i32
    %c0_i32_1 = arith.constant 0 : i32
    return %c0_i32, %arg0, %c0_i32_0 : i32, i32, i32
  }
  func.func @transform_1(%arg0: i32) -> (i32, i32, i32) {
    %c0_i32 = arith.constant 0 : i32
    %c0_i32_0 = arith.constant 0 : i32
    %c0_i32_1 = arith.constant 0 : i32
    return %c0_i32, %arg0, %c0_i32_0 : i32, i32, i32
  }
  func.func @transform_2(%arg0: i32) -> (i32, i32, i32) {
    %c0_i32 = arith.constant 0 : i32
    %c0_i32_0 = arith.constant 0 : i32
    %c0_i32_1 = arith.constant 0 : i32
    return %c0_i32, %arg0, %c0_i32_0 : i32, i32, i32
  }
  func.func @transform_3(%arg0: i32) -> (i32, i32) {
    %c0_i32 = arith.constant 0 : i32
    %c0_i32_0 = arith.constant 0 : i32
    %c0_i32_1 = arith.constant 0 : i32
    return %c0_i32, %c0_i32_0 : i32, i32
  }
  func.func @transform_4(%arg0: i32) -> (i32, i32) {
    %c0_i32 = arith.constant 0 : i32
    %c0_i32_0 = arith.constant 0 : i32
    %c0_i32_1 = arith.constant 0 : i32
    return %c0_i32, %c0_i32_0 : i32, i32
  }
  func.func @transform_5(%arg0: i32) -> (i32, i32) {
    %c0_i32 = arith.constant 0 : i32
    %c0_i32_0 = arith.constant 0 : i32
    return %arg0, %c0_i32 : i32, i32
  }
}

module attributes {stable_mosaic.version = 14 : i64} {
  func.func @_tc_mid_body(%arg0: i32, %arg1: memref<2x1264x32xf32, #tpu.memory_space<vmem>>, %arg2: memref<2x1264x8xf32, #tpu.memory_space<vmem>>, %arg3: memref<1x32xf32, #tpu.memory_space<vmem>>, %arg4: memref<32x16xf32, #tpu.memory_space<vmem>>, %arg5: memref<1264x16xf32, #tpu.memory_space<vmem>>) attributes {dimension_semantics = [#tpu.dimension_semantics<arbitrary>], iteration_bounds = array<i64: 8>, scalar_prefetch = 0 : i64, scratch_operands = 0 : i64, tpu.core_type = #tpu.core_type<tc>, window_params = [{transform_indices = @transform_0, window_bounds = array<i64: 2, 1264, 32>}, {transform_indices = @transform_1, window_bounds = array<i64: 2, 1264, 8>}, {pipeline_mode = #tpu.pipeline_mode<synchronous>, transform_indices = @transform_2, window_bounds = array<i64: 1, 32>}, {pipeline_mode = #tpu.pipeline_mode<synchronous>, transform_indices = @transform_3, window_bounds = array<i64: 32, 16>}, {transform_indices = @transform_4, window_bounds = array<i64: 1264, 16>}]} {
    %get3A = arith.constant 0 : index
    %get3A_0 = arith.constant 0 : index
    %get3A_1 = arith.constant 0 : index
    %get3A_2 = vector.load %arg2[%get3A, %get3A_0, %get3A_1] : memref<2x1264x8xf32, #tpu.memory_space<vmem>>, vector<2x1264x8xf32>
    %slice3A = vector.extract_strided_slice %get3A_2 {offsets = [0, 0, 0], sizes = [1, 1264, 8], strides = [1, 1, 1]} : vector<2x1264x8xf32> to vector<1x1264x8xf32>
    %squeeze3A = vector.shape_cast %slice3A : vector<1x1264x8xf32> to vector<1264x8xf32>
    %slice3A_3 = vector.extract_strided_slice %get3A_2 {offsets = [1, 0, 0], sizes = [1, 1264, 8], strides = [1, 1, 1]} : vector<2x1264x8xf32> to vector<1x1264x8xf32>
    %squeeze3A_4 = vector.shape_cast %slice3A_3 : vector<1x1264x8xf32> to vector<1264x8xf32>
    %add3A = arith.addf %squeeze3A, %squeeze3A_4 : vector<1264x8xf32>
    %gt3A = arith.constant 0.000000e+00 : f32
    %gt3A_5 = vector.broadcast %gt3A : f32 to vector<1264x8xf32>
    %gt3A_6 = arith.cmpf ogt, %add3A, %gt3A_5 : vector<1264x8xf32>
    %max3A = arith.constant 1.000000e+00 : f32
    %max3A_7 = vector.broadcast %max3A : f32 to vector<1264x8xf32>
    %max3A_8 = arith.maximumf %add3A, %max3A_7 : vector<1264x8xf32>
    %rsqrt3A = math.rsqrt %max3A_8 : vector<1264x8xf32>
    %jit3A = arith.constant 0.000000e+00 : f32
    %broadcast_in_dim3A = vector.broadcast %jit3A : f32 to vector<1264x8xf32>
    %select_n3A = arith.select %gt3A_6, %rsqrt3A, %broadcast_in_dim3A : vector<1264x8xi1>, vector<1264x8xf32>
    %slice3A_9 = vector.extract_strided_slice %select_n3A {offsets = [0, 4], sizes = [1264, 1], strides = [1, 1]} : vector<1264x8xf32> to vector<1264x1xf32>
    %get3A_10 = arith.constant 0 : index
    %get3A_11 = arith.constant 0 : index
    %get3A_12 = arith.constant 0 : index
    %get3A_13 = vector.load %arg2[%get3A_10, %get3A_11, %get3A_12] : memref<2x1264x8xf32, #tpu.memory_space<vmem>>, vector<2x1264x8xf32>
    %slice3A_14 = vector.extract_strided_slice %get3A_13 {offsets = [0, 0, 0], sizes = [1, 1264, 8], strides = [1, 1, 1]} : vector<2x1264x8xf32> to vector<1x1264x8xf32>
    %squeeze3A_15 = vector.shape_cast %slice3A_14 : vector<1x1264x8xf32> to vector<1264x8xf32>
    %slice3A_16 = vector.extract_strided_slice %get3A_13 {offsets = [1, 0, 0], sizes = [1, 1264, 8], strides = [1, 1, 1]} : vector<2x1264x8xf32> to vector<1x1264x8xf32>
    %squeeze3A_17 = vector.shape_cast %slice3A_16 : vector<1x1264x8xf32> to vector<1264x8xf32>
    %add3A_18 = arith.addf %squeeze3A_15, %squeeze3A_17 : vector<1264x8xf32>
    %gt3A_19 = arith.constant 0.000000e+00 : f32
    %gt3A_20 = vector.broadcast %gt3A_19 : f32 to vector<1264x8xf32>
    %gt3A_21 = arith.cmpf ogt, %add3A_18, %gt3A_20 : vector<1264x8xf32>
    %max3A_22 = arith.constant 1.000000e+00 : f32
    %max3A_23 = vector.broadcast %max3A_22 : f32 to vector<1264x8xf32>
    %max3A_24 = arith.maximumf %add3A_18, %max3A_23 : vector<1264x8xf32>
    %rsqrt3A_25 = math.rsqrt %max3A_24 : vector<1264x8xf32>
    %jit3A_26 = arith.constant 0.000000e+00 : f32
    %broadcast_in_dim3A_27 = vector.broadcast %jit3A_26 : f32 to vector<1264x8xf32>
    %select_n3A_28 = arith.select %gt3A_21, %rsqrt3A_25, %broadcast_in_dim3A_27 : vector<1264x8xi1>, vector<1264x8xf32>
    %slice3A_29 = vector.extract_strided_slice %select_n3A_28 {offsets = [0, 0], sizes = [1264, 1], strides = [1, 1]} : vector<1264x8xf32> to vector<1264x1xf32>
    %get3A_30 = arith.constant 0 : index
    %get3A_31 = arith.constant 0 : index
    %get3A_32 = arith.constant 0 : index
    %get3A_33 = vector.load %arg1[%get3A_30, %get3A_31, %get3A_32] : memref<2x1264x32xf32, #tpu.memory_space<vmem>>, vector<1x1264x32xf32>
    %get3A_34 = vector.shape_cast %get3A_33 : vector<1x1264x32xf32> to vector<1264x32xf32>
    %get3A_35 = arith.constant 1 : index
    %get3A_36 = arith.constant 0 : index
    %get3A_37 = arith.constant 0 : index
    %get3A_38 = vector.load %arg1[%get3A_35, %get3A_36, %get3A_37] : memref<2x1264x32xf32, #tpu.memory_space<vmem>>, vector<1x1264x32xf32>
    %get3A_39 = vector.shape_cast %get3A_38 : vector<1x1264x32xf32> to vector<1264x32xf32>
    %add3A_40 = arith.addf %get3A_34, %get3A_39 : vector<1264x32xf32>
    %mul3A = vector.broadcast %slice3A_9 : vector<1264x1xf32> to vector<1264x32xf32>
    %mul3A_41 = arith.mulf %add3A_40, %mul3A : vector<1264x32xf32>
    %get3A_42 = arith.constant 0 : index
    %get3A_43 = arith.constant 0 : index
    %get3A_44 = vector.load %arg3[%get3A_42, %get3A_43] : memref<1x32xf32, #tpu.memory_space<vmem>>, vector<1x32xf32>
    %add3A_45 = vector.broadcast %get3A_44 : vector<1x32xf32> to vector<1264x32xf32>
    %add3A_46 = arith.addf %mul3A_41, %add3A_45 : vector<1264x32xf32>
    %max3A_47 = arith.constant 0.000000e+00 : f32
    %max3A_48 = vector.broadcast %max3A_47 : f32 to vector<1264x32xf32>
    %max3A_49 = arith.maximumf %add3A_46, %max3A_48 : vector<1264x32xf32>
    %get3A_50 = arith.constant 0 : index
    %get3A_51 = arith.constant 0 : index
    %get3A_52 = vector.load %arg4[%get3A_50, %get3A_51] : memref<32x16xf32, #tpu.memory_space<vmem>>, vector<32x16xf32>
    %dot_general3A = arith.constant dense<0.000000e+00> : vector<1264x16xf32>
    %dot_general3A_53 = tpu.matmul %max3A_49, %get3A_52, %dot_general3A {dimension_numbers = #tpu.dot_dimension_numbers<[1], [0], [0], [1], [0, 0, 1, 1], [], []>, transpose_lhs_hint = false} : vector<1264x32xf32>, vector<32x16xf32>, vector<1264x16xf32> -> vector<1264x16xf32>
    %mul3A_54 = vector.broadcast %slice3A_29 : vector<1264x1xf32> to vector<1264x16xf32>
    %mul3A_55 = arith.mulf %dot_general3A_53, %mul3A_54 : vector<1264x16xf32>
    %swap3A = arith.constant 0 : index
    %swap3A_56 = arith.constant 0 : index
    %swap3A_57 = vector.load %arg5[%swap3A, %swap3A_56] : memref<1264x16xf32, #tpu.memory_space<vmem>>, vector<1264x16xf32>
    tpu.vector_store %arg5[%swap3A, %swap3A_56], %mul3A_55 {strides = array<i32>} : memref<1264x16xf32, #tpu.memory_space<vmem>>, vector<1264x16xf32>,
    return
  }
  func.func @transform_0(%arg0: i32) -> (i32, i32, i32) {
    %c0_i32 = arith.constant 0 : i32
    %c0_i32_0 = arith.constant 0 : i32
    %c0_i32_1 = arith.constant 0 : i32
    return %c0_i32, %arg0, %c0_i32_0 : i32, i32, i32
  }
  func.func @transform_1(%arg0: i32) -> (i32, i32, i32) {
    %c0_i32 = arith.constant 0 : i32
    %c0_i32_0 = arith.constant 0 : i32
    %c0_i32_1 = arith.constant 0 : i32
    return %c0_i32, %arg0, %c0_i32_0 : i32, i32, i32
  }
  func.func @transform_2(%arg0: i32) -> (i32, i32) {
    %c0_i32 = arith.constant 0 : i32
    %c0_i32_0 = arith.constant 0 : i32
    %c0_i32_1 = arith.constant 0 : i32
    return %c0_i32, %c0_i32_0 : i32, i32
  }
  func.func @transform_3(%arg0: i32) -> (i32, i32) {
    %c0_i32 = arith.constant 0 : i32
    %c0_i32_0 = arith.constant 0 : i32
    %c0_i32_1 = arith.constant 0 : i32
    return %c0_i32, %c0_i32_0 : i32, i32
  }
  func.func @transform_4(%arg0: i32) -> (i32, i32) {
    %c0_i32 = arith.constant 0 : i32
    %c0_i32_0 = arith.constant 0 : i32
    return %arg0, %c0_i32 : i32, i32
  }
}

module attributes {stable_mosaic.version = 14 : i64} {
  func.func @_tc_out_body(%arg0: memref<2x10112x16xf32, #tpu.memory_space<vmem>>, %arg1: memref<2x10112x8xf32, #tpu.memory_space<vmem>>, %arg2: memref<1x16xf32, #tpu.memory_space<vmem>>, %arg3: memref<10000x16xf32, #tpu.memory_space<vmem>>) attributes {dimension_semantics = [], scalar_prefetch = 0 : i64, scratch_operands = 0 : i64, tpu.core_type = #tpu.core_type<tc>} {
    %get3A = arith.constant 0 : index
    %get3A_0 = arith.constant 0 : index
    %get3A_1 = arith.constant 0 : index
    %get3A_2 = vector.load %arg1[%get3A, %get3A_0, %get3A_1] : memref<2x10112x8xf32, #tpu.memory_space<vmem>>, vector<2x10112x8xf32>
    %slice3A = vector.extract_strided_slice %get3A_2 {offsets = [0, 0, 0], sizes = [1, 10112, 8], strides = [1, 1, 1]} : vector<2x10112x8xf32> to vector<1x10112x8xf32>
    %squeeze3A = vector.shape_cast %slice3A : vector<1x10112x8xf32> to vector<10112x8xf32>
    %slice3A_3 = vector.extract_strided_slice %get3A_2 {offsets = [1, 0, 0], sizes = [1, 10112, 8], strides = [1, 1, 1]} : vector<2x10112x8xf32> to vector<1x10112x8xf32>
    %squeeze3A_4 = vector.shape_cast %slice3A_3 : vector<1x10112x8xf32> to vector<10112x8xf32>
    %add3A = arith.addf %squeeze3A, %squeeze3A_4 : vector<10112x8xf32>
    %gt3A = arith.constant 0.000000e+00 : f32
    %gt3A_5 = vector.broadcast %gt3A : f32 to vector<10112x8xf32>
    %gt3A_6 = arith.cmpf ogt, %add3A, %gt3A_5 : vector<10112x8xf32>
    %max3A = arith.constant 1.000000e+00 : f32
    %max3A_7 = vector.broadcast %max3A : f32 to vector<10112x8xf32>
    %max3A_8 = arith.maximumf %add3A, %max3A_7 : vector<10112x8xf32>
    %rsqrt3A = math.rsqrt %max3A_8 : vector<10112x8xf32>
    %jit3A = arith.constant 0.000000e+00 : f32
    %broadcast_in_dim3A = vector.broadcast %jit3A : f32 to vector<10112x8xf32>
    %select_n3A = arith.select %gt3A_6, %rsqrt3A, %broadcast_in_dim3A : vector<10112x8xi1>, vector<10112x8xf32>
    %slice3A_9 = vector.extract_strided_slice %select_n3A {offsets = [0, 4], sizes = [10112, 1], strides = [1, 1]} : vector<10112x8xf32> to vector<10112x1xf32>
    %slice3A_10 = vector.extract_strided_slice %slice3A_9 {offsets = [0, 0], sizes = [10000, 1], strides = [1, 1]} : vector<10112x1xf32> to vector<10000x1xf32>
    %get3A_11 = arith.constant 0 : index
    %get3A_12 = arith.constant 0 : index
    %get3A_13 = arith.constant 0 : index
    %get3A_14 = vector.load %arg0[%get3A_11, %get3A_12, %get3A_13] : memref<2x10112x16xf32, #tpu.memory_space<vmem>>, vector<1x10112x16xf32>
    %get3A_15 = vector.shape_cast %get3A_14 : vector<1x10112x16xf32> to vector<10112x16xf32>
    %get3A_16 = arith.constant 1 : index
    %get3A_17 = arith.constant 0 : index
    %get3A_18 = arith.constant 0 : index
    %get3A_19 = vector.load %arg0[%get3A_16, %get3A_17, %get3A_18] : memref<2x10112x16xf32, #tpu.memory_space<vmem>>, vector<1x10112x16xf32>
    %get3A_20 = vector.shape_cast %get3A_19 : vector<1x10112x16xf32> to vector<10112x16xf32>
    %add3A_21 = arith.addf %get3A_15, %get3A_20 : vector<10112x16xf32>
    %slice3A_22 = vector.extract_strided_slice %add3A_21 {offsets = [0, 0], sizes = [10000, 16], strides = [1, 1]} : vector<10112x16xf32> to vector<10000x16xf32>
    %mul3A = vector.broadcast %slice3A_10 : vector<10000x1xf32> to vector<10000x16xf32>
    %mul3A_23 = arith.mulf %slice3A_22, %mul3A : vector<10000x16xf32>
    %get3A_24 = arith.constant 0 : index
    %get3A_25 = arith.constant 0 : index
    %get3A_26 = vector.load %arg2[%get3A_24, %get3A_25] : memref<1x16xf32, #tpu.memory_space<vmem>>, vector<1x16xf32>
    %add3A_27 = vector.broadcast %get3A_26 : vector<1x16xf32> to vector<10000x16xf32>
    %add3A_28 = arith.addf %mul3A_23, %add3A_27 : vector<10000x16xf32>
    %max3A_29 = arith.constant 0.000000e+00 : f32
    %max3A_30 = vector.broadcast %max3A_29 : f32 to vector<10000x16xf32>
    %max3A_31 = arith.maximumf %add3A_28, %max3A_30 : vector<10000x16xf32>
    %reduce_max3A = arith.constant dense<0xFF800000> : vector<10000xf32>
    %reduce_max3A_32 = vector.multi_reduction <maximumf>, %max3A_31, %reduce_max3A [1] : vector<10000x16xf32> to vector<10000xf32>
    %broadcast_in_dim3A_33 = vector.shape_cast %reduce_max3A_32 : vector<10000xf32> to vector<10000x1xf32>
    %sub3A = vector.broadcast %broadcast_in_dim3A_33 : vector<10000x1xf32> to vector<10000x16xf32>
    %sub3A_34 = arith.subf %max3A_31, %sub3A : vector<10000x16xf32>
    %exp3A = math.exp %sub3A_34 : vector<10000x16xf32>
    %reduce_sum3A = arith.constant dense<0.000000e+00> : vector<10000xf32>
    %reduce_sum3A_35 = vector.multi_reduction <add>, %exp3A, %reduce_sum3A [1] : vector<10000x16xf32> to vector<10000xf32>
    %broadcast_in_dim3A_36 = vector.shape_cast %reduce_sum3A_35 : vector<10000xf32> to vector<10000x1xf32>
    %div3A = vector.broadcast %broadcast_in_dim3A_36 : vector<10000x1xf32> to vector<10000x16xf32>
    %div3A_37 = arith.divf %exp3A, %div3A : vector<10000x16xf32>
    %swap3A = arith.constant 0 : index
    %swap3A_38 = arith.constant 0 : index
    %swap3A_39 = vector.load %arg3[%swap3A, %swap3A_38] : memref<10000x16xf32, #tpu.memory_space<vmem>>, vector<10000x16xf32>
    tpu.vector_store %arg3[%swap3A, %swap3A_38], %div3A_37 {strides = array<i32>} : memref<10000x16xf32, #tpu.memory_space<vmem>>, vector<10000x16xf32>,
    return
  }
}

</mosaic_0001>

<sc_bundles>
// kernel: kernel.10.cloned.1.call-start
scs
__scs_entry_jumppad:
0x0: {  	(pc) =	sbr.rel $0x88, $3  }
0x1: {  	(tag) =	ssettag $0x0;
	lr =	simm.s32 $0x1  }
0x2: {  	[smem:$0x3F96] =	sst lr;
	_ =	strace $0xD0000000  }
0x3: {  	_ = 	snop  }
0x4: {  	_ = 	snop  }
0x5: {  	_ = 	snop  }
0x6: {  	_ = 	snop  }
0x7: {  	_ = 	snop  }
__scs_overlays_trampoline_lowered:
0x8: {  	[smem:$0x3FA5] =	sst s0  }
0x9: {  	[smem:$0x3FA6] =	sst s1  }
0xa: {  	[smem:$0x3FA7] =	sst s2  }
0xb: {  	[smem:$0x3FA8] =	sst s3  }
0xc: {  	[smem:$0x3FA9] =	sst s4  }
0xd: {  	[smem:$0x3FAA] =	sst s5  }
0xe: {  	[smem:$0x3FAB] =	sst s6  }
0xf: {  	[smem:$0x3FAC] =	sst s7  }
0x10: {  	[smem:$0x3FAD] =	sst s8  }
0x11: {  	[smem:$0x3FAE] =	sst s9;
	s0 =	simm.s32 @!p0 $0x0  }
0x12: {  	s1 =	sld [smem:$0x3F94];
	s0 =	simm.s32 @p0 $0x1  }
0x13: {  	[smem:$0x3FAF] =	sst s0;
	s0 =	simm.s32 @!p1 $0x0  }
0x14: {  	s2 =	sld [smem:$0x3F93];
	s0 =	simm.s32 @p1 $0x1  }
0x15: {  	[smem:$0x3FB0] =	sst s0;
	s0 =	simm.s32 @!p2 $0x0  }
0x16: {  	s3 =	sld [smem:$0x3FDB];
	s0 =	simm.s32 @p2 $0x1  }
0x17: {  	s4 =	simm.s32 $0x1BF5;
	[smem:$0x3FB2] =	sst s0  }
0x18: {  	s0 =	sld [smem:$0x3F95];
	_ =	swait.ge [sflag:s4], $0x0  }
0x19: {  	s7 =	sld [smem:$0x3F96]  }
0x1a: {  	s8 =	sadd.s32 $0xFFFFE003, lr  }
0x1b: {  	s9 =	sadd.s32 $0xFFFFFEF7, lr;
	s5 =	simm.s32 $0xFFFFFFFF;
	p2 =	slt.u32 s8, $0xFFFFF086  }
0x1c: {  	p1 =	slt.u32 s9, $0xF7A;
	s5 =	simm.s32 @!p2 $0x0  }
0x1d: {  	s5 =	simm.s32 @p1 $0x1;
	p0 =	seq.s32 s7, s2  }
0x1e: {  	s7 =	smul.u32 @!p0 $0xF7A, s2;
	p2 =	seq.s32 @!p0 s5, $0x0  }
0x1f: {  	s9 =	smul.u32 $0xF7A, s1;
	s8 =	simm.s32 @!p0 $0x1BF5;
	p2 =	por !p2, p0  }
0x20: {  	[sflag:s8] =	ssyncset.s32 @!p0 $0xFFFFF086;
	s6 =	sadd.s32 @!p0 s3, s7;
	s7 =	simm.s32 @!p0 $0x108  }
0x21: {  	s3 =	sadd.s32 s3, s9;
	s6 =	sadd.s32 @!p0 $0x88, s6;
	s7 =	simm.s32 @p2 $0x1082  }
0x22: {  	[simem:s7], [sflag:s8] =	dma.local @!p0 [hbm:s6], $0xF7A  }
0x23: {  	s9 =	sor.u32 $0xD0000000, s2;
	s6 =	simm.s32 $0x108;
	_ =	swait.ge @!p0 [sflag:s8], $0x0  }
0x24: {  	s3 =	sadd.s32 $0x88, s3;
	s6 =	simm.s32 @!p1 $0x1082;
	[sflag:s4] =	ssyncset.s32 $0xFFFFF086  }
0x25: {  	[simem:s6], [sflag:s4] =	dma.local [hbm:s3], $0xF7A  }
0x26: {  	[smem:$0x3F96] =	sst s1;
	(tag) =	ssettag s2;
	_ =	strace s9  }
0x27: {  	s1 =	sld [smem:$0x3FA6]  }
0x28: {  	s2 =	sld [smem:$0x3FA7]  }
0x29: {  	s4 =	sld [smem:$0x3FA9]  }
0x2a: {  	p0 =	seq.s32 s5, $0x0;
	s5 =	sld [smem:$0x3FAA]  }
0x2b: {  	s6 =	sld [smem:$0x3FAB]  }
0x2c: {  	s7 =	sld [smem:$0x3FAC]  }
0x2d: {  	s3 =	simm.s32 $0x108;
	s8 =	sld [smem:$0x3FAD]  }
0x2e: {  	s3 =	simm.s32 @!p0 $0x1082;
	s9 =	sld [smem:$0x3FAE]  }
0x2f: {  	lr =	sadd.s32 s0, s3;
	s0 =	sld [smem:$0x3FA5]  }
0x30: {  	s3 =	sld [smem:$0x3FA8]  }
0x31: {  	[smem:$0x3FB1] =	sst s10  }
0x32: {  	s10 =	sld [smem:$0x3FAF];
	_ =	sdelay $0x3  }
0x33: {  	p0 =	seq.s32 s10, $0x1;
	s10 =	sld [smem:$0x3FB1];
	_ =	sdelay $0x3  }
0x34: {  	[smem:$0x3FB1] =	sst s10  }
0x35: {  	s10 =	sld [smem:$0x3FB0];
	_ =	sdelay $0x3  }
0x36: {  	p1 =	seq.s32 s10, $0x1;
	s10 =	sld [smem:$0x3FB1];
	_ =	sdelay $0x3  }
0x37: {  	[smem:$0x3FB1] =	sst s10  }
0x38: {  	s10 =	sld [smem:$0x3FB2]  }
0x39: {  	_ = 	snop;
	(pc) =	sbr.ind lr, $3  }
0x3a: {  	_ = 	snop  }
0x3b: {  	_ = 	snop  }
0x3c: {  	p2 =	seq.s32 s10, $0x1;
	s10 =	sld [smem:$0x3FB1]  }
0x3d: {  	_ =	shalt  }
0x3e: {  	_ =	shalt  }
0x3f: {  	_ =	shalt  }
0x40: {  	_ =	shalt  }
0x41: {  	_ =	shalt  }
0x42: {  	_ =	shalt  }
0x43: {  	_ =	shalt  }
0x44: {  	_ =	shalt  }
0x45: {  	_ =	shalt  }
0x46: {  	_ =	shalt  }
0x47: {  	_ =	shalt  }
0x48: {  	_ =	shalt  }
0x49: {  	_ =	shalt  }
0x4a: {  	_ =	shalt  }
0x4b: {  	_ =	shalt  }
0x4c: {  	_ =	shalt  }
0x4d: {  	_ =	shalt  }
0x4e: {  	_ =	shalt  }
0x4f: {  	_ =	shalt  }
0x50: {  	_ =	shalt  }
0x51: {  	_ =	shalt  }
0x52: {  	_ =	shalt  }
0x53: {  	_ =	shalt  }
0x54: {  	_ =	shalt  }
0x55: {  	_ =	shalt  }
0x56: {  	_ =	shalt  }
0x57: {  	_ =	shalt  }
0x58: {  	_ =	shalt  }
0x59: {  	_ =	shalt  }
0x5a: {  	_ =	shalt  }
0x5b: {  	_ =	shalt  }
0x5c: {  	_ =	shalt  }
0x5d: {  	_ =	shalt  }
0x5e: {  	_ =	shalt  }
0x5f: {  	_ =	shalt  }
0x60: {  	_ =	shalt  }
0x61: {  	_ =	shalt  }
0x62: {  	_ =	shalt  }
0x63: {  	_ =	shalt  }
0x64: {  	_ =	shalt  }
0x65: {  	_ =	shalt  }
0x66: {  	_ =	shalt  }
0x67: {  	_ =	shalt  }
0x68: {  	_ =	shalt  }
0x69: {  	_ =	shalt  }
0x6a: {  	_ =	shalt  }
0x6b: {  	_ =	shalt  }
0x6c: {  	_ =	shalt  }
0x6d: {  	_ =	shalt  }
0x6e: {  	_ =	shalt  }
0x6f: {  	_ =	shalt  }
0x70: {  	_ =	shalt  }
0x71: {  	_ =	shalt  }
0x72: {  	_ =	shalt  }
0x73: {  	_ =	shalt  }
0x74: {  	_ =	shalt  }
0x75: {  	_ =	shalt  }
0x76: {  	_ =	shalt  }
0x77: {  	_ =	shalt  }
0x78: {  	_ =	shalt  }
0x79: {  	_ =	shalt  }
0x7a: {  	_ =	shalt  }
0x7b: {  	_ =	shalt  }
0x7c: {  	_ =	shalt  }
0x7d: {  	_ =	shalt  }
0x7e: {  	_ =	shalt  }
0x7f: {  	_ =	shalt  }
0x80: {  	_ =	shalt  }
0x81: {  	_ =	shalt  }
0x82: {  	_ =	shalt  }
0x83: {  	_ =	shalt  }
0x84: {  	_ =	shalt  }
0x85: {  	_ =	shalt  }
0x86: {  	_ =	shalt  }
0x87: {  	_ =	shalt  }
.Lfunc_end0:
.L_simem_size_0:
called_computation_lowered:
.L_overlay_start_0:
0x88: {  	s2 =	sld [smem:$0x3FD9]  }
0x89: {  	s3 =	sld [smem:$0x3FFE];
	_ =	sdelay $0x1  }
0x8a: {  	s1 =	srdreg.scid  }
0x8b: {  	s0 =	sand.u32 $0x1, s1  }
0x8c: {  	s17 =	sshll.u32 s0, $0xA;
	s2 =	sadd.s32 s3, s2  }
0x8d: {  	s2 =	sadd.s32 s2, s17  }
0x8e: {  	[smem:$0x3FBD] =	sst s2  }
0x8f: {  	_ = 	snop  }
0x90: {  	s2 =	sld [smem:$0x3FC8]  }
0x91: {  	s18 =	sld [smem:$0x3FD0];
	(tm) =	ssettm $0x1  }
0x92: {  	s4 =	sld [smem:$0x3FFB];
	_ =	sdelay $0x3  }
0x93: {  	_ =	strace s4  }
0x94: {  	s4 =	sld [smem:$0x3FFC];
	_ =	sdelay $0x3  }
0x95: {  	_ =	strace s4  }
0x96: {  	s4 =	sld [smem:$0x3FFD];
	_ =	sdelay $0x3  }
0x97: {  	_ =	strace s4  }
0x98: {  	_ =	strace $0x8FFFFFFF  }
0x99: {  	s19 =	sld [smem:$0x3FDB];
	_ =	sdelay $0x1  }
0x9a: {  	s5 =	simm.s32 $_scs_section_size  }
0x9b: {  	s6 =	simm.s32 $_size__tile_overlayer_lowered;
	s7 =	simm.s32 $_tile_overlayer_lowered  }
0x9c: {  	s22 =	simm.s32 $0x1BFF;
	s21 =	sshll.u32 s7, $0x1;
	s4 =	sadd.s32 s5, s19  }
0x9d: {  	s8 =	simm.s32 $0x0;
	s20 =	sshll.u32 s6, $0x1;
	s6 =	sadd.s32 s21, s4  }
0x9e: {  	[timem:s8], [sflag:s22] =	dma.local [hbm:s6], s20  }
0x9f: {  	_ =	swait.ge [sflag:s22], s20  }
0xa0: {  	s5 =	ssub.s32 $0x0, s20;
	[sflag:s22] =	ssyncset.done $0x0  }
0xa1: {  	[sflag:s22] =	ssyncadd.s32 s5;
	_ =	sdelay $0x1  }
0xa2: {  	s23 =	simm.s32 $0x1B8B  }
0xa3: {  	_ =	swait.ge [sflag:s23], $0x1  }
0xa4: {  	[sflag:s23] =	ssyncset.done $0x0  }
0xa5: {  	s25 =	simm.s32 $0x1B8E;
	s24 =	sld [smem:$0x3FFE];
	[sflag:s23] =	ssyncadd.s32 $0xFFFFFFFF  }
0xa6: {  	s26 =	simm.s32 $execute0_lowered;
	[smem:$0x3FD2] =	sst s25  }
0xa7: {  	s6 =	sshll.u32 s26, $0x1;
	_ =	strace $0x80000046;
	[dreg:$0x1] =	wrdreg $0xFFFFFFFF  }
0xa8: {  	s28 =	simm.s32 $_size_execute0_lowered;
	s4 =	sadd.s32 s4, s6;
	[dreg:$0x0] =	wrdreg $0x0  }
0xa9: {  	s6 =	sshll.u32 s28, $0x1;
	[dreg:$0x2] =	wrdreg s4  }
0xaa: {  	[dreg:$0x3] =	wrdreg s6  }
0xab: {  	[dreg:$0x4] =	wrdreg $0xC0  }
0xac: {  	_ =	task [dreg:s8], $0x5FFFF  }
0xad: {  	[dreg:$0x1] =	wrdreg $0xFFFFFFFF  }
0xae: {  	[dreg:$0x0] =	wrdreg $0x60  }
0xaf: {  	[dreg:$0x2] =	wrdreg s2  }
0xb0: {  	[dreg:$0x3] =	wrdreg s24  }
0xb1: {  	[dreg:$0x4] =	wrdreg s18  }
0xb2: {  	[dreg:$0x5] =	wrdreg $0x57000  }
0xb3: {  	[dreg:$0x6] =	wrdreg $0x9  }
0xb4: {  	_ =	task.clear_ibuf [dreg:s8], $0x7FFFF;
	_ =	strace $0x90000046  }
0xb5: {  	s29 =	simm.s32 $0x9;
	_ =	strace $0x80000048  }
0xb6: {  	_ =	swait.ge [sflag:s29], $0x1  }
0xb7: {  	[sflag:s29] =	ssyncadd.s32 $0xFFFFFFFF  }
0xb8: {  	_ =	strace $0x90000048  }
0xb9: {  	_ =	sfence  }
0xba: {  	s30 =	sld [smem:$0x0];
	_ =	sdelay $0x2  }
0xbb: {  	s31 =	sshll.u32 s1, $0xD;
	s1 =	sshrl.u32 s1, $0x2  }
0xbc: {  	s3 =	sand.u32 $0x4000, s31;
	s1 =	sadd.s32 s1, s30  }
0xbd: {  	s0 =	sor.u32 s3, s0;
	s1 =	sshll.u32 s1, $0x11  }
0xbe: {  	s0 =	sor.u32 s1, s0  }
0xbf: {  	s0 =	sadd.s32 $0x8F2B, s0  }
0xc0: {  	[sflag:s0] =	ssyncadd.remote.s32 $0x1  }
0xc1: {  	_ =	sfence.sel $0xFFFF  }
0xc2: {  	[dreg:$0x0] =	wrdreg $0xFFFFFFFF;
	(pc) =	sbr.abs _section_cstart, $3  }
0xc3: {  	[dreg:$0x1] =	wrdreg $0xFFFFFFFF  }
0xc4: {  	_ =	task.clear_ibuf [dreg:s8], $0x2FFFF;
	_ =	strace $0x9FFFFFFF  }
0xc5: {  	(tm) =	ssettm $0x7FFFFFFF  }
tec
execute0_lowered:
.L_overlay_start_1:
0x0: {  	(tag) =	ssettag $0x1  }
0x1: {  	s0 =	rddreg [dreg:$0x0]  }
0x2: {  	s1 =	rddreg [dreg:$0x1]  }
0x3: {  	s4 =	rddreg [dreg:$0x2]  }
0x4: {  	s2 =	rddreg [dreg:$0x3];
	s3 =	simm.s32 $0x0;
	s11 =	stileid.u32  }
0x5: {  	s5 =	srdreg.scid;
	s15 =	simm.s32 $0x80;
	s16 =	simm.s32 $0x100  }
0x6: {  	s17 =	simm.s32 $0x2780;
	s18 =	simm.s32 $0x4F00;
	s19 =	simm.s32 $0x5300  }
0x7: {  	s28 =	simm.s32 $0x8;
	s29 =	simm.s32 $0x1;
	s30 =	simm.s32 $0x2  }
0x8: {  	s31 =	simm.s32 $0x3;
	[smem:$0x7FF] =	sst s3;
	s8 =	smul.u32 $0x13C0, s11  }
0x9: {  	s5 =	sand.u32 $0x1, s5;
	s6 =	sadd.s32 $0x2C00, s1;
	s22 =	sshll.u32 s11, $0x6  }
0xa: {  	s23 =	sshll.u32 s11, $0x5;
	_ =	strace $0x80000047;
	[dreg:$0x5] =	wrdreg s6  }
0xb: {  	s20 =	ssub.s32 $0x2, s5;
	s7 =	sshll.u32 s5, $0x4;
	s5 =	smul.u32 $0x13C00, s5  }
0xc: {  	s6 =	sor.u32 $0x1C09, s22;
	s9 =	sshrl.u32 s8, $0x3;
	s10 =	sshrl.u32 s20, $0x1  }
0xd: {  	s13 =	sor.u32 s11, s7;
	s14 =	sadd.s32 s8, s2;
	s1 =	sadd.s32 s9, s1  }
0xe: {  	s21 =	ssub.s32 s20, s10;
	s7 =	smul.u32 $0x9C0, s13;
	s24 =	sadd.s32 s8, s5  }
0xf: {  	p0 =	sgt.u32 s13, $0x3;
	s13 =	sshrl.u32 s14, $0x3;
	s1 =	sadd.s32 $0x2E00, s1  }
0x10: {  	s14 =	simm.s32 $0x9;
	s12 =	smax.u32 s21, $0x1;
	[dreg:$0x6] =	wrdreg s1  }
0x11: {  	s7 =	sadd.s32 s0, s7;
	s0 =	sadd.s32 s23, s0;
	s1 =	sshrl.u32 s24, $0x3  }
0x12: {  	s24 =	simm.s32 $0x5;
	[dreg:$0x7] =	wrdreg s7;
	s25 =	sadd.s32 $0x10, s7  }
0x13: {  	s26 =	sadd.s32 $0x13800, s0;
	s10 =	sadd.s32 $0x13810, s0;
	s11 =	sadd.s32 s4, s1  }
0x14: {  	s0 =	simm.s32 $0x4;
	s1 =	simm.s32 $0x0;
	[dreg:$0x8] =	wrdreg s25  }
0x15: {  	[dreg:$0x9] =	wrdreg s26;
	s25 =	simm.s32 $0x6;
	s26 =	simm.s32 $0x7  }
.LBB2_1:
0x16: {  	s4 =	rddreg [dreg:$0x6]  }
0x17: {  	[spmem:s13], [sflag:s6] =	dma.local [hbm:s4], $0x278  }
0x18: {  	_ =	swait.ge [sflag:s14], $0x278  }
0x19: {  	[sflag:s14] =	ssyncset.done $0x0  }
0x1a: {  	s5 =	rddreg [dreg:$0x7];
	[sflag:s14] =	ssyncadd.s32 $0xFFFFFD88  }
0x1b: {  	[tilespmem:s3], [sflag:$0x9] =	stream.strided.gather [hbm4b:s5+s15], $0x2700, s16, s15, $0x38;
	[tilespmem:$0x6AC0] =	vst v63  }
0x1c: {  	_ =	swait.ge [sflag:s14], $0x2700  }
0x1d: {  	[sflag:s14] =	ssyncset.done $0x0  }
0x1e: {  	s7 =	rddreg [dreg:$0x8];
	[sflag:s14] =	ssyncadd.s32 $0xFFFFD900  }
0x1f: {  	[tilespmem:s17], [sflag:$0x9] =	stream.strided.gather [hbm4b:s7+s15], $0x2700, s16, s15, $0x38;
	[tilespmem:$0x6AC0] =	vst v63  }
0x20: {  	_ =	swait.ge [sflag:s14], $0x2700  }
0x21: {  	s4 =	simm.s32 @!p0 $0x0;
	[sflag:s14] =	ssyncset.done $0x0  }
0x22: {  	s5 =	simm.s32 @!p0 $0x2700;
	s7 =	rddreg [dreg:$0x9];
	[sflag:s14] =	ssyncadd.s32 $0xFFFFD900  }
0x23: {  	[tilespmem:s5], [sflag:$0x9] =	stream.linear.gather @!p0 [hbm4b:s7+s4], $0x80, $0x38;
	[tilespmem:$0x6AC0] =	vst v63  }
0x24: {  	s5 =	simm.s32 @!p0 $0x9  }
0x25: {  	_ =	swait.ge @!p0 [sflag:s5], $0x80  }
0x26: {  	[sflag:s5] =	ssyncset.done @!p0 $0x0  }
0x27: {  	s8 =	simm.s32 @!p0 $0x4E80;
	[sflag:s5] =	ssyncadd.s32 @!p0 $0xFFFFFF80  }
0x28: {  	[tilespmem:s8], [sflag:$0x9] =	stream.linear.gather @!p0 [hbm4b:s10+s4], $0x80, $0x38;
	[tilespmem:$0x6AC0] =	vst v63  }
0x29: {  	_ =	swait.ge @!p0 [sflag:s5], $0x80  }
0x2a: {  	[sflag:s5] =	ssyncset.done @!p0 $0x0  }
0x2b: {  	s8 =	rddreg [dreg:$0x5];
	[sflag:s5] =	ssyncadd.s32 @!p0 $0xFFFFFF80  }
0x2c: {  	[tilespmem:s18], [sflag:$0x9] =	stream.linear.gather [hbm4b:s8+s3], $0x800, $0x38;
	[tilespmem:$0x6AC0] =	vst v63  }
0x2d: {  	_ =	swait.ge [sflag:s14], $0x800  }
0x2e: {  	[sflag:s14] =	ssyncset.done $0x0  }
0x2f: {  	[sflag:s14] =	ssyncadd.s32 $0xFFFFF800  }
0x30: {  	[bflag:$0x0] =	sbarrier.arrive $0xFFFF  }
0x31: {  	[spmem:s2] =	stream.indirect.scatter.add.f32 [tilespmem:s18], [sflag:$0x1], $0x8, s3, s15, $0xb8;
	[tilespmem:$0x6AC0] =	vst v63  }
0x32: {  	_ = 	snop  }
0x33: {  	[spmem:s2] =	stream.indirect.scatter.add.f32 [tilespmem:s19], [sflag:$0x2], $0x8, s17, s15, $0xb8;
	[tilespmem:$0x6AC0] =	vst v63  }
0x34: {  	_ = 	snop  }
0x35: {  	[spmem:s2] =	stream.indirect.scatter.add.f32 [tilespmem:s18], [sflag:$0x3], $0x8, s15, s15, $0xb8;
	[tilespmem:$0x6AC0] =	vst v63  }
0x36: {  	s9 =	simm.s32 $0x2800  }
0x37: {  	[spmem:s2] =	stream.indirect.scatter.add.f32 [tilespmem:s19], [sflag:$0x4], $0x8, s9, s15, $0xb8;
	[tilespmem:$0x6AC0] =	vst v63  }
0x38: {  	_ = 	snop  }
0x39: {  	[spmem:s2] =	stream.indirect.scatter.add.f32 [tilespmem:s18], [sflag:$0x5], $0x8, s16, s15, $0xb8;
	[tilespmem:$0x6AC0] =	vst v63  }
0x3a: {  	s20 =	simm.s32 $0x2880;
	s23 =	simm.s32 $0x8  }
0x3b: {  	[spmem:s2] =	stream.indirect.scatter.add.f32 [tilespmem:s19], [sflag:$0x6], $0x8, s20, s15, $0xb8;
	[tilespmem:$0x6AC0] =	vst v63  }
0x3c: {  	s21 =	simm.s32 $0x180;
	s4 =	sand.u32 $0x6, s23  }
0x3d: {  	[spmem:s2] =	stream.indirect.scatter.add.f32 [tilespmem:s18], [sflag:$0x7], $0x8, s21, s15, $0xb8;
	[tilespmem:$0x6AC0] =	vst v63  }
0x3e: {  	s22 =	simm.s32 $0x2900;
	s23 =	sor.u32 $0x1, s4  }
0x3f: {  	[spmem:s2] =	stream.indirect.scatter.add.f32 [tilespmem:s19], [sflag:$0x8], $0x8, s22, s15, $0xb8;
	[tilespmem:$0x6AC0] =	vst v63  }
0x40: {  	_ =	swait.ge [sflag:s23], $0x400  }
0x41: {  	[sflag:s23] =	ssyncset.done $0x0  }
0x42: {  	s5 =	simm.s32 $0x30;
	s8 =	sadd.s32 $0x2, s4;
	[sflag:s23] =	ssyncadd.s32 $0xFFFFFC00  }
0x43: {  	s4 =	simm.s32 $0x2980;
	s9 =	simm.s32 $0xA;
	_ =	swait.ge [sflag:s8], $0x400  }
0x44: {  	s9 =	sand.u32 $0x6, s9;
	s20 =	simm.s32 $0x2A00;
	[sflag:s8] =	ssyncset.done $0x0  }
0x45: {  	s21 =	simm.s32 $0x280;
	s22 =	simm.s32 $0x200;
	[sflag:s8] =	ssyncadd.s32 $0xFFFFFC00  }
.LBB2_2:
0x46: {  	[spmem:s2] =	stream.indirect.scatter.add.f32 [tilespmem:s18], [sflag:s23], $0x8, s22, s15, $0xb8;
	[tilespmem:$0x6AC0] =	vst v63  }
0x47: {  	s7 =	smov.u32 s5;
	s22 =	smov.u32 s21  }
0x48: {  	p1 =	sne.s32 s5, $0x268;
	s5 =	sadd.s32 $0x8, s5;
	s23 =	sor.u32 $0x1, s9  }
0x49: {  	[spmem:s2] =	stream.indirect.scatter.add.f32 [tilespmem:s19], [sflag:s8], $0x8, s4, s15, $0xb8;
	[tilespmem:$0x6AC0] =	vst v63  }
0x4a: {  	s4 =	smov.u32 s20;
	_ =	swait.ge [sflag:s23], $0x400  }
.Ltmp0:
0x4b: {  	[sflag:s23] =	ssyncset.done $0x0;
	(pc) =	sbr.rel @p1 .LBB2_2-.Ltmp0, $4  }
0x4c: {  	s8 =	sadd.s32 $0x2, s9;
	[sflag:s23] =	ssyncadd.s32 $0xFFFFFC00  }
0x4d: {  	_ =	swait.ge [sflag:s8], $0x400  }
0x4e: {  	s7 =	sshrl.u32 s7, $0x2;
	s20 =	sadd.s32 $0x80, s20;
	[sflag:s8] =	ssyncset.done $0x0  }
0x4f: {  	s21 =	sadd.s32 $0x80, s21;
	s9 =	sand.u32 $0x6, s7;
	[sflag:s8] =	ssyncadd.s32 $0xFFFFFC00  }
0x50: {  	[spmem:s2] =	stream.indirect.scatter.add.f32 [tilespmem:s18], [sflag:s23], $0x8, s22, s15, $0xb8;
	[tilespmem:$0x6AC0] =	vst v63  }
0x51: {  	s5 =	sor.u32 $0x1, s9  }
0x52: {  	[spmem:s2] =	stream.indirect.scatter.add.f32 [tilespmem:s19], [sflag:s8], $0x8, s4, s15, $0xb8;
	[tilespmem:$0x6AC0] =	vst v63  }
0x53: {  	_ =	swait.ge [sflag:s5], $0x400  }
0x54: {  	[sflag:s5] =	ssyncset.done $0x0  }
0x55: {  	s23 =	sadd.s32 $0x2, s9;
	[sflag:s5] =	ssyncadd.s32 $0xFFFFFC00  }
0x56: {  	_ =	swait.ge [sflag:s23], $0x400  }
0x57: {  	[sflag:s23] =	ssyncset.done $0x0  }
0x58: {  	[sflag:s23] =	ssyncadd.s32 $0xFFFFFC00  }
0x59: {  	[spmem:s2] =	stream.indirect.scatter.add.f32 [tilespmem:s18], [sflag:s5], $0x8, s21, s15, $0xb8;
	[tilespmem:$0x6AC0] =	vst v63  }
0x5a: {  	_ = 	snop  }
0x5b: {  	[spmem:s2] =	stream.indirect.scatter.add.f32 [tilespmem:s19], [sflag:s23], $0x8, s20, s15, $0xb8;
	[tilespmem:$0x6AC0] =	vst v63  }
0x5c: {  	_ =	swait.ge [sflag:s24], $0x400  }
0x5d: {  	[sflag:s24] =	ssyncset.done $0x0  }
0x5e: {  	[sflag:s24] =	ssyncadd.s32 $0xFFFFFC00  }
0x5f: {  	_ =	swait.ge [sflag:s25], $0x400  }
0x60: {  	[sflag:s25] =	ssyncset.done $0x0  }
0x61: {  	[sflag:s25] =	ssyncadd.s32 $0xFFFFFC00  }
0x62: {  	_ =	swait.ge [sflag:s26], $0x400  }
0x63: {  	[sflag:s26] =	ssyncset.done $0x0  }
0x64: {  	[sflag:s26] =	ssyncadd.s32 $0xFFFFFC00  }
0x65: {  	_ =	swait.ge [sflag:s28], $0x400  }
0x66: {  	[sflag:s28] =	ssyncset.done $0x0  }
0x67: {  	[sflag:s28] =	ssyncadd.s32 $0xFFFFFC00  }
0x68: {  	_ =	swait.ge [sflag:s29], $0x400  }
0x69: {  	[sflag:s29] =	ssyncset.done $0x0  }
0x6a: {  	[sflag:s29] =	ssyncadd.s32 $0xFFFFFC00  }
0x6b: {  	_ =	swait.ge [sflag:s30], $0x400  }
0x6c: {  	[sflag:s30] =	ssyncset.done $0x0  }
0x6d: {  	[sflag:s30] =	ssyncadd.s32 $0xFFFFFC00  }
0x6e: {  	_ =	swait.ge [sflag:s31], $0x400  }
0x6f: {  	[sflag:s31] =	ssyncset.done $0x0  }
0x70: {  	[sflag:s31] =	ssyncadd.s32 $0xFFFFFC00  }
0x71: {  	_ =	swait.ge [sflag:s0], $0x400  }
0x72: {  	s7 =	simm.s32 @!p0 $0x4F00;
	[sflag:s0] =	ssyncset.done $0x0  }
0x73: {  	s4 =	simm.s32 @!p0 $0x80;
	s5 =	simm.s32 @!p0 $0x2700;
	[sflag:s0] =	ssyncadd.s32 $0xFFFFFC00  }
0x74: {  	[spmem:s2] =	stream.indirect.scatter.add.f32 @!p0 [tilespmem:s7], [sflag:$0x9], $0x8, s5, s4, $0xb8;
	[tilespmem:$0x6AC0] =	vst v63  }
0x75: {  	s5 =	simm.s32 @!p0 $0x9  }
0x76: {  	_ =	swait.ge @!p0 [sflag:s5], $0x400  }
0x77: {  	[sflag:s5] =	ssyncset.done @!p0 $0x0  }
0x78: {  	s8 =	simm.s32 @!p0 $0x5300;
	s7 =	simm.s32 @!p0 $0x4E80;
	[sflag:s5] =	ssyncadd.s32 @!p0 $0xFFFFFC00  }
0x79: {  	[spmem:s2] =	stream.indirect.scatter.add.f32 @!p0 [tilespmem:s8], [sflag:$0x9], $0x8, s7, s4, $0xb8;
	[tilespmem:$0x6AC0] =	vst v63  }
0x7a: {  	_ =	swait.ge @!p0 [sflag:s5], $0x400  }
0x7b: {  	s1 =	sadd.s32 $0x1, s1;
	[sflag:s5] =	ssyncset.done @!p0 $0x0  }
0x7c: {  	p1 =	sne.s32 s1, s12;
	[sflag:s5] =	ssyncadd.s32 @!p0 $0xFFFFFC00  }
.Ltmp1:
0x7d: {  	[bflag:$0x0] =	sbarrier.arrive $0xFFFF;
	(pc) =	sbr.rel @p1 .LBB2_1-.Ltmp1, $4  }
0x7e: {  	[hbm:s11], [sflag:s6] =	dma.local [spmem:s13], $0x278  }
0x7f: {  	_ =	swait.ge [sflag:s14], $0x278  }
0x80: {  	[sflag:s14] =	ssyncset.done $0x0  }
0x81: {  	[sflag:s14] =	ssyncadd.s32 $0xFFFFFD88  }
0x82: {  	_ =	sfence.sel $0x180000  }
0x83: {  	[bflag:$0x0] =	sbarrier.arrive $0xFFFF  }
0x84: {  	_ =	strace $0x90000047  }
0x85: {  	s0 =	stileid.u32;
	[bflag:$0x2] =	sbarrier.arrive $0xFFFF  }
0x86: {  	p0 =	sne.s32 s0, $0x0;
	s0 =	rddreg [dreg:$0x4]  }
0x87: {  	s0 =	sadd.s32 @!p0 $0x100000, s0  }
0x88: {  	[sflag:s0] =	ssyncadd.tile.s32 @!p0 $0x1;
	_ =	shalt  }
.Lfunc_end2:
_tile_overlayer_lowered:
.L_overlay_start_2:
0x89: {  	(tag) =	ssettag $0x2  }
0x8a: {  	s0 =	rddreg [dreg:$0x0];
	s2 =	stileid.u32  }
0x8b: {  	s1 =	rddreg [dreg:$0x1];
	p0 =	sne.s32 s2, $0x0  }
0x8c: {  	s3 =	rddreg [dreg:$0x2];
	[bflag:$0x3] =	sbarrier.arrive $0xFFFF;
	s2 =	simm.s32 @!p0 $0x1C09  }
0x8d: {  	[timem:s3], [sflag:s2] =	dma.local @!p0 [hbm:s0], s1  }
0x8e: {  	s0 =	simm.s32 @!p0 $0x9  }
0x8f: {  	_ =	swait.ge @!p0 [sflag:s0], s1  }
0x90: {  	s1 =	ssub.s32 @!p0 $0x0, s1;
	[sflag:s0] =	ssyncset.done @!p0 $0x0  }
0x91: {  	[sflag:s0] =	ssyncadd.s32 @!p0 s1  }
0x92: {  	[bflag:$0x3] =	sbarrier.arrive $0xFFFF  }
0x93: {  	_ =	shalt  }

// kernel: kernel.13.cloned.1.call-start
scs
__scs_entry_jumppad:
0x0: {  	(pc) =	sbr.rel $0x88, $3  }
0x1: {  	(tag) =	ssettag $0x0;
	lr =	simm.s32 $0x1  }
0x2: {  	[smem:$0x3F96] =	sst lr;
	_ =	strace $0xD0000000  }
0x3: {  	_ = 	snop  }
0x4: {  	_ = 	snop  }
0x5: {  	_ = 	snop  }
0x6: {  	_ = 	snop  }
0x7: {  	_ = 	snop  }
__scs_overlays_trampoline_lowered:
0x8: {  	[smem:$0x3FA5] =	sst s0  }
0x9: {  	[smem:$0x3FA6] =	sst s1  }
0xa: {  	[smem:$0x3FA7] =	sst s2  }
0xb: {  	[smem:$0x3FA8] =	sst s3  }
0xc: {  	[smem:$0x3FA9] =	sst s4  }
0xd: {  	[smem:$0x3FAA] =	sst s5  }
0xe: {  	[smem:$0x3FAB] =	sst s6  }
0xf: {  	[smem:$0x3FAC] =	sst s7  }
0x10: {  	[smem:$0x3FAD] =	sst s8  }
0x11: {  	[smem:$0x3FAE] =	sst s9;
	s0 =	simm.s32 @!p0 $0x0  }
0x12: {  	s1 =	sld [smem:$0x3F94];
	s0 =	simm.s32 @p0 $0x1  }
0x13: {  	[smem:$0x3FAF] =	sst s0;
	s0 =	simm.s32 @!p1 $0x0  }
0x14: {  	s2 =	sld [smem:$0x3F93];
	s0 =	simm.s32 @p1 $0x1  }
0x15: {  	[smem:$0x3FB0] =	sst s0;
	s0 =	simm.s32 @!p2 $0x0  }
0x16: {  	s3 =	sld [smem:$0x3FDB];
	s0 =	simm.s32 @p2 $0x1  }
0x17: {  	s4 =	simm.s32 $0x1BF5;
	[smem:$0x3FB2] =	sst s0  }
0x18: {  	s0 =	sld [smem:$0x3F95];
	_ =	swait.ge [sflag:s4], $0x0  }
0x19: {  	s7 =	sld [smem:$0x3F96]  }
0x1a: {  	s8 =	sadd.s32 $0xFFFFE003, lr  }
0x1b: {  	s9 =	sadd.s32 $0xFFFFFEF7, lr;
	s5 =	simm.s32 $0xFFFFFFFF;
	p2 =	slt.u32 s8, $0xFFFFF086  }
0x1c: {  	p1 =	slt.u32 s9, $0xF7A;
	s5 =	simm.s32 @!p2 $0x0  }
0x1d: {  	s5 =	simm.s32 @p1 $0x1;
	p0 =	seq.s32 s7, s2  }
0x1e: {  	s7 =	smul.u32 @!p0 $0xF7A, s2;
	p2 =	seq.s32 @!p0 s5, $0x0  }
0x1f: {  	s9 =	smul.u32 $0xF7A, s1;
	s8 =	simm.s32 @!p0 $0x1BF5;
	p2 =	por !p2, p0  }
0x20: {  	[sflag:s8] =	ssyncset.s32 @!p0 $0xFFFFF086;
	s6 =	sadd.s32 @!p0 s3, s7;
	s7 =	simm.s32 @!p0 $0x108  }
0x21: {  	s3 =	sadd.s32 s3, s9;
	s6 =	sadd.s32 @!p0 $0x88, s6;
	s7 =	simm.s32 @p2 $0x1082  }
0x22: {  	[simem:s7], [sflag:s8] =	dma.local @!p0 [hbm:s6], $0xF7A  }
0x23: {  	s9 =	sor.u32 $0xD0000000, s2;
	s6 =	simm.s32 $0x108;
	_ =	swait.ge @!p0 [sflag:s8], $0x0  }
0x24: {  	s3 =	sadd.s32 $0x88, s3;
	s6 =	simm.s32 @!p1 $0x1082;
	[sflag:s4] =	ssyncset.s32 $0xFFFFF086  }
0x25: {  	[simem:s6], [sflag:s4] =	dma.local [hbm:s3], $0xF7A  }
0x26: {  	[smem:$0x3F96] =	sst s1;
	(tag) =	ssettag s2;
	_ =	strace s9  }
0x27: {  	s1 =	sld [smem:$0x3FA6]  }
0x28: {  	s2 =	sld [smem:$0x3FA7]  }
0x29: {  	s4 =	sld [smem:$0x3FA9]  }
0x2a: {  	p0 =	seq.s32 s5, $0x0;
	s5 =	sld [smem:$0x3FAA]  }
0x2b: {  	s6 =	sld [smem:$0x3FAB]  }
0x2c: {  	s7 =	sld [smem:$0x3FAC]  }
0x2d: {  	s3 =	simm.s32 $0x108;
	s8 =	sld [smem:$0x3FAD]  }
0x2e: {  	s3 =	simm.s32 @!p0 $0x1082;
	s9 =	sld [smem:$0x3FAE]  }
0x2f: {  	lr =	sadd.s32 s0, s3;
	s0 =	sld [smem:$0x3FA5]  }
0x30: {  	s3 =	sld [smem:$0x3FA8]  }
0x31: {  	[smem:$0x3FB1] =	sst s10  }
0x32: {  	s10 =	sld [smem:$0x3FAF];
	_ =	sdelay $0x3  }
0x33: {  	p0 =	seq.s32 s10, $0x1;
	s10 =	sld [smem:$0x3FB1];
	_ =	sdelay $0x3  }
0x34: {  	[smem:$0x3FB1] =	sst s10  }
0x35: {  	s10 =	sld [smem:$0x3FB0];
	_ =	sdelay $0x3  }
0x36: {  	p1 =	seq.s32 s10, $0x1;
	s10 =	sld [smem:$0x3FB1];
	_ =	sdelay $0x3  }
0x37: {  	[smem:$0x3FB1] =	sst s10  }
0x38: {  	s10 =	sld [smem:$0x3FB2]  }
0x39: {  	_ = 	snop;
	(pc) =	sbr.ind lr, $3  }
0x3a: {  	_ = 	snop  }
0x3b: {  	_ = 	snop  }
0x3c: {  	p2 =	seq.s32 s10, $0x1;
	s10 =	sld [smem:$0x3FB1]  }
0x3d: {  	_ =	shalt  }
0x3e: {  	_ =	shalt  }
0x3f: {  	_ =	shalt  }
0x40: {  	_ =	shalt  }
0x41: {  	_ =	shalt  }
0x42: {  	_ =	shalt  }
0x43: {  	_ =	shalt  }
0x44: {  	_ =	shalt  }
0x45: {  	_ =	shalt  }
0x46: {  	_ =	shalt  }
0x47: {  	_ =	shalt  }
0x48: {  	_ =	shalt  }
0x49: {  	_ =	shalt  }
0x4a: {  	_ =	shalt  }
0x4b: {  	_ =	shalt  }
0x4c: {  	_ =	shalt  }
0x4d: {  	_ =	shalt  }
0x4e: {  	_ =	shalt  }
0x4f: {  	_ =	shalt  }
0x50: {  	_ =	shalt  }
0x51: {  	_ =	shalt  }
0x52: {  	_ =	shalt  }
0x53: {  	_ =	shalt  }
0x54: {  	_ =	shalt  }
0x55: {  	_ =	shalt  }
0x56: {  	_ =	shalt  }
0x57: {  	_ =	shalt  }
0x58: {  	_ =	shalt  }
0x59: {  	_ =	shalt  }
0x5a: {  	_ =	shalt  }
0x5b: {  	_ =	shalt  }
0x5c: {  	_ =	shalt  }
0x5d: {  	_ =	shalt  }
0x5e: {  	_ =	shalt  }
0x5f: {  	_ =	shalt  }
0x60: {  	_ =	shalt  }
0x61: {  	_ =	shalt  }
0x62: {  	_ =	shalt  }
0x63: {  	_ =	shalt  }
0x64: {  	_ =	shalt  }
0x65: {  	_ =	shalt  }
0x66: {  	_ =	shalt  }
0x67: {  	_ =	shalt  }
0x68: {  	_ =	shalt  }
0x69: {  	_ =	shalt  }
0x6a: {  	_ =	shalt  }
0x6b: {  	_ =	shalt  }
0x6c: {  	_ =	shalt  }
0x6d: {  	_ =	shalt  }
0x6e: {  	_ =	shalt  }
0x6f: {  	_ =	shalt  }
0x70: {  	_ =	shalt  }
0x71: {  	_ =	shalt  }
0x72: {  	_ =	shalt  }
0x73: {  	_ =	shalt  }
0x74: {  	_ =	shalt  }
0x75: {  	_ =	shalt  }
0x76: {  	_ =	shalt  }
0x77: {  	_ =	shalt  }
0x78: {  	_ =	shalt  }
0x79: {  	_ =	shalt  }
0x7a: {  	_ =	shalt  }
0x7b: {  	_ =	shalt  }
0x7c: {  	_ =	shalt  }
0x7d: {  	_ =	shalt  }
0x7e: {  	_ =	shalt  }
0x7f: {  	_ =	shalt  }
0x80: {  	_ =	shalt  }
0x81: {  	_ =	shalt  }
0x82: {  	_ =	shalt  }
0x83: {  	_ =	shalt  }
0x84: {  	_ =	shalt  }
0x85: {  	_ =	shalt  }
0x86: {  	_ =	shalt  }
0x87: {  	_ =	shalt  }
.Lfunc_end0:
.L_simem_size_0:
called_computation.1_lowered:
.L_overlay_start_0:
0x88: {  	s2 =	sld [smem:$0x3FD9]  }
0x89: {  	s3 =	sld [smem:$0x3FFE];
	_ =	sdelay $0x1  }
0x8a: {  	s1 =	srdreg.scid  }
0x8b: {  	s0 =	sand.u32 $0x1, s1  }
0x8c: {  	s17 =	sshll.u32 s0, $0xA;
	s2 =	sadd.s32 s3, s2  }
0x8d: {  	s2 =	sadd.s32 s2, s17  }
0x8e: {  	[smem:$0x3FBD] =	sst s2  }
0x8f: {  	_ = 	snop  }
0x90: {  	s2 =	sld [smem:$0x3FC8];
	(tm) =	ssettm $0x1  }
0x91: {  	s18 =	sld [smem:$0x3FFB];
	_ =	sdelay $0x3  }
0x92: {  	_ =	strace s18  }
0x93: {  	s3 =	sld [smem:$0x3FFC];
	_ =	sdelay $0x3  }
0x94: {  	_ =	strace s3  }
0x95: {  	s3 =	sld [smem:$0x3FFD];
	_ =	sdelay $0x3  }
0x96: {  	_ =	strace s3  }
0x97: {  	_ =	strace $0x8FFFFFFF  }
0x98: {  	s19 =	sld [smem:$0x3FDB];
	_ =	sdelay $0x1  }
0x99: {  	s4 =	simm.s32 $_scs_section_size  }
0x9a: {  	s5 =	simm.s32 $_size__tile_overlayer_lowered;
	s6 =	simm.s32 $_tile_overlayer_lowered  }
0x9b: {  	s22 =	simm.s32 $0x1BFF;
	s21 =	sshll.u32 s6, $0x1;
	s3 =	sadd.s32 s4, s19  }
0x9c: {  	s7 =	simm.s32 $0x0;
	s20 =	sshll.u32 s5, $0x1;
	s5 =	sadd.s32 s21, s3  }
0x9d: {  	[timem:s7], [sflag:s22] =	dma.local [hbm:s5], s20  }
0x9e: {  	_ =	swait.ge [sflag:s22], s20  }
0x9f: {  	s4 =	ssub.s32 $0x0, s20;
	[sflag:s22] =	ssyncset.done $0x0  }
0xa0: {  	[sflag:s22] =	ssyncadd.s32 s4;
	_ =	sdelay $0x1  }
0xa1: {  	s23 =	simm.s32 $0x1B8B  }
0xa2: {  	_ =	swait.ge [sflag:s23], $0x1  }
0xa3: {  	[sflag:s23] =	ssyncset.done $0x0  }
0xa4: {  	s25 =	simm.s32 $0x1B8E;
	s24 =	sld [smem:$0x3FFE];
	[sflag:s23] =	ssyncadd.s32 $0xFFFFFFFF  }
0xa5: {  	s26 =	simm.s32 $execute0_lowered;
	[smem:$0x3FD2] =	sst s25  }
0xa6: {  	s5 =	sshll.u32 s26, $0x1;
	_ =	strace $0x80000049;
	[dreg:$0x1] =	wrdreg $0xFFFFFFFF  }
0xa7: {  	s28 =	simm.s32 $_size_execute0_lowered;
	s3 =	sadd.s32 s3, s5;
	[dreg:$0x0] =	wrdreg $0x0  }
0xa8: {  	s5 =	sshll.u32 s28, $0x1;
	[dreg:$0x2] =	wrdreg s3  }
0xa9: {  	[dreg:$0x3] =	wrdreg s5  }
0xaa: {  	[dreg:$0x4] =	wrdreg $0xC0  }
0xab: {  	_ =	task [dreg:s7], $0x5FFFF  }
0xac: {  	[dreg:$0x1] =	wrdreg $0xFFFFFFFF  }
0xad: {  	[dreg:$0x0] =	wrdreg $0x60  }
0xae: {  	[dreg:$0x2] =	wrdreg s24  }
0xaf: {  	[dreg:$0x3] =	wrdreg s2  }
0xb0: {  	[dreg:$0x4] =	wrdreg $0xDF000  }
0xb1: {  	[dreg:$0x5] =	wrdreg $0x12E000  }
0xb2: {  	[dreg:$0x6] =	wrdreg $0x17D000  }
0xb3: {  	[dreg:$0x7] =	wrdreg $0x9  }
0xb4: {  	_ =	task.clear_ibuf [dreg:s7], $0x8FFFF;
	_ =	strace $0x90000049  }
0xb5: {  	s29 =	simm.s32 $0x9;
	_ =	strace $0x8000004B  }
0xb6: {  	_ =	swait.ge [sflag:s29], $0x1  }
0xb7: {  	[sflag:s29] =	ssyncadd.s32 $0xFFFFFFFF  }
0xb8: {  	_ =	strace $0x9000004B  }
0xb9: {  	_ =	sfence  }
0xba: {  	s30 =	sld [smem:$0x0];
	_ =	sdelay $0x2  }
0xbb: {  	s31 =	sshll.u32 s1, $0xD;
	s1 =	sshrl.u32 s1, $0x2  }
0xbc: {  	s3 =	sand.u32 $0x4000, s31;
	s1 =	sadd.s32 s1, s30  }
0xbd: {  	s0 =	sor.u32 s3, s0;
	s1 =	sshll.u32 s1, $0x11  }
0xbe: {  	s0 =	sor.u32 s1, s0  }
0xbf: {  	s0 =	sadd.s32 $0x8F2B, s0  }
0xc0: {  	[sflag:s0] =	ssyncadd.remote.s32 $0x1  }
0xc1: {  	_ =	sfence.sel $0xFFFF  }
0xc2: {  	[dreg:$0x0] =	wrdreg $0xFFFFFFFF;
	(pc) =	sbr.abs _section_cstart, $3  }
0xc3: {  	[dreg:$0x1] =	wrdreg $0xFFFFFFFF  }
0xc4: {  	_ =	task.clear_ibuf [dreg:s7], $0x2FFFF;
	_ =	strace $0x9FFFFFFF  }
0xc5: {  	(tm) =	ssettm $0x7FFFFFFF  }
tec
execute0_lowered:
.L_overlay_start_1:
0x0: {  	(tag) =	ssettag $0x1  }
0x1: {  	s0 =	rddreg [dreg:$0x0]  }
0x2: {  	s1 =	rddreg [dreg:$0x1]  }
0x3: {  	s2 =	rddreg [dreg:$0x2]  }
0x4: {  	s3 =	rddreg [dreg:$0x3]  }
0x5: {  	s4 =	rddreg [dreg:$0x4];
	s5 =	stileid.u32  }
0x6: {  	s6 =	srdreg.scid;
	s7 =	simm.s32 $0x0;
	s28 =	simm.s32 $0xA  }
0x7: {  	s29 =	simm.s32 $0xB;
	s30 =	simm.s32 $0xC;
	s31 =	simm.s32 $0xD  }
0x8: {  	s8 =	smul.u32 $0x4F00, s5;
	s6 =	sand.u32 $0x1, s6;
	[smem:$0x7FF] =	sst s7  }
0x9: {  	s17 =	sshll.u32 s5, $0x6;
	s19 =	sshll.u32 s5, $0x5;
	s15 =	smul.u32 $0x4F000, s6  }
0xa: {  	_ =	strace $0x8000004A;
	s10 =	ssub.s32 $0x2, s6;
	s6 =	sshll.u32 s6, $0x4  }
0xb: {  	s9 =	sshrl.u32 s8, $0x3;
	s11 =	sshrl.u32 s10, $0x1;
	s12 =	sadd.s32 s8, s2  }
0xc: {  	s6 =	sor.u32 s5, s6;
	s13 =	sadd.s32 s8, s3;
	s25 =	sshrl.u32 s12, $0x3  }
0xd: {  	s9 =	sadd.s32 s9, s0;
	s26 =	sshrl.u32 s13, $0x3;
	[dreg:$0x10] =	wrdreg s25  }
0xe: {  	s7 =	sadd.s32 s8, s15;
	s16 =	sadd.s32 $0x5BA00, s9;
	[dreg:$0x11] =	wrdreg s26  }
0xf: {  	s11 =	ssub.s32 s10, s11;
	s14 =	sadd.s32 $0x51C00, s9;
	[dreg:$0x6] =	wrdreg s16  }
0x10: {  	s18 =	smul.u32 $0x9C0, s6;
	s20 =	sadd.s32 $0x65800, s9;
	[dreg:$0x7] =	wrdreg s14  }
0x11: {  	s8 =	sadd.s32 s8, s4;
	s24 =	smax.u32 s11, $0x1;
	[dreg:$0x8] =	wrdreg s20  }
0x12: {  	p0 =	sgt.u32 s6, $0x3;
	s21 =	sadd.s32 s1, s18;
	[dreg:$0xf] =	wrdreg s24  }
0x13: {  	s1 =	sadd.s32 s19, s1;
	[dreg:$0x9] =	wrdreg s21;
	s5 =	sadd.s32 $0x10, s21  }
0x14: {  	s7 =	sshrl.u32 s7, $0x3;
	s22 =	sadd.s32 $0x13800, s1;
	[dreg:$0xa] =	wrdreg s5  }
0x15: {  	s0 =	sadd.s32 s7, s0;
	s1 =	sadd.s32 $0x13810, s1;
	[dreg:$0xb] =	wrdreg s22  }
0x16: {  	s7 =	sor.u32 $0x1C13, s17;
	s23 =	sadd.s32 $0x83200, s0;
	[dreg:$0xc] =	wrdreg s1  }
0x17: {  	s18 =	simm.s32 $0x13;
	s0 =	sadd.s32 $0x6F600, s0;
	[dreg:$0xd] =	wrdreg s23  }
0x18: {  	s20 =	sshrl.u32 s8, $0x3;
	s21 =	simm.s32 $0x80;
	[dreg:$0xe] =	wrdreg s0  }
0x19: {  	s0 =	simm.s32 $0xE;
	s1 =	simm.s32 $0xF;
	s23 =	simm.s32 $0x0  }
.LBB2_1:
0x1a: {  	s5 =	rddreg [dreg:$0x6]  }
0x1b: {  	s6 =	rddreg [dreg:$0x10]  }
0x1c: {  	[spmem:s6], [sflag:s7] =	dma.local [hbm:s5], $0x9E0  }
0x1d: {  	_ =	swait.ge [sflag:s18], $0x9E0  }
0x1e: {  	[sflag:s18] =	ssyncset.done $0x0;
	s22 =	rddreg [dreg:$0x7]  }
0x1f: {  	s24 =	rddreg [dreg:$0x11];
	[sflag:s18] =	ssyncadd.s32 $0xFFFFF620  }
0x20: {  	[spmem:s24], [sflag:s7] =	dma.local [hbm:s22], $0x9E0  }
0x21: {  	_ =	swait.ge [sflag:s18], $0x9E0  }
0x22: {  	[sflag:s18] =	ssyncset.done $0x0  }
0x23: {  	s25 =	rddreg [dreg:$0x8];
	[sflag:s18] =	ssyncadd.s32 $0xFFFFF620  }
0x24: {  	[spmem:s20], [sflag:s7] =	dma.local [hbm:s25], $0x9E0  }
0x25: {  	_ =	swait.ge [sflag:s18], $0x9E0  }
0x26: {  	s26 =	simm.s32 $0x0;
	[sflag:s18] =	ssyncset.done $0x0  }
0x27: {  	s10 =	simm.s32 $0x100;
	s12 =	rddreg [dreg:$0x9];
	[sflag:s18] =	ssyncadd.s32 $0xFFFFF620  }
0x28: {  	[tilespmem:s26], [sflag:$0x13] =	stream.strided.gather [hbm4b:s12+s21], $0x2700, s10, s21, $0x38;
	[tilespmem:$0x1CC00] =	vst v63  }
0x29: {  	_ =	swait.ge [sflag:s18], $0x2700  }
0x2a: {  	[sflag:s18] =	ssyncset.done $0x0  }
0x2b: {  	s8 =	simm.s32 $0x2780;
	s13 =	rddreg [dreg:$0xa];
	[sflag:s18] =	ssyncadd.s32 $0xFFFFD900  }
0x2c: {  	[tilespmem:s8], [sflag:$0x13] =	stream.strided.gather [hbm4b:s13+s21], $0x2700, s10, s21, $0x38;
	[tilespmem:$0x1CC00] =	vst v63  }
0x2d: {  	_ =	swait.ge [sflag:s18], $0x2700  }
0x2e: {  	s6 =	simm.s32 @!p0 $0x0;
	[sflag:s18] =	ssyncset.done $0x0  }
0x2f: {  	s8 =	simm.s32 @!p0 $0x2700;
	s9 =	rddreg [dreg:$0xb];
	[sflag:s18] =	ssyncadd.s32 $0xFFFFD900  }
0x30: {  	[tilespmem:s8], [sflag:$0x13] =	stream.linear.gather @!p0 [hbm4b:s9+s6], $0x80, $0x38;
	[tilespmem:$0x1CC00] =	vst v63  }
0x31: {  	s8 =	simm.s32 @!p0 $0x13  }
0x32: {  	_ =	swait.ge @!p0 [sflag:s8], $0x80  }
0x33: {  	s11 =	simm.s32 @!p0 $0x4E80;
	[sflag:s8] =	ssyncset.done @!p0 $0x0  }
0x34: {  	s15 =	smul.u32 $0xAB, s26;
	s9 =	rddreg [dreg:$0xc];
	[sflag:s8] =	ssyncadd.s32 @!p0 $0xFFFFFF80  }
0x35: {  	[tilespmem:s11], [sflag:$0x13] =	stream.linear.gather @!p0 [hbm4b:s9+s6], $0x80, $0x38;
	[tilespmem:$0x1CC00] =	vst v63  }
0x36: {  	_ =	swait.ge @!p0 [sflag:s8], $0x80  }
0x37: {  	s17 =	sadd.s32 $0xAB, s15;
	[sflag:s8] =	ssyncset.done @!p0 $0x0  }
0x38: {  	[sflag:s8] =	ssyncadd.s32 @!p0 $0xFFFFFF80;
	s8 =	sshrl.u32 s17, $0x9  }
0x39: {  	s14 =	simm.s32 $0x4F00;
	[bflag:$0x0] =	sbarrier.arrive $0xFFFF;
	s8 =	sand.u32 $0x7F, s8  }
0x3a: {  	[tilespmem:s14], [sflag:$0x1] =	stream.indirect.gather [spmem:s2], $0x20, s26, s21, $0xb8;
	[tilespmem:$0x1CC00] =	vst v63  }
0x3b: {  	s16 =	simm.s32 $0x5F00;
	s8 =	smul.u32 $0x3, s8  }
0x3c: {  	[tilespmem:s16], [sflag:$0x2] =	stream.indirect.gather [spmem:s2], $0x20, s21, s21, $0xb8;
	[tilespmem:$0x1CC00] =	vst v63  }
0x3d: {  	s8 =	ssub.s32 $0x0, s8  }
0x3e: {  	p1 =	por $0x0, $0x0;
	s8 =	sadd.s32 $0x1, s8  }
0x3f: {  	p2 =	por @!p1 $0x1, $0x1;
	s8 =	sand.u32 $0xFF, s8  }
0x40: {  	s19 =	simm.s32 $0x6F00;
	p2 =	por p2, p1;
	s11 =	smul.u32 @!p1 $0xC, s8  }
0x41: {  	[tilespmem:s19], [sflag:$0x3] =	stream.indirect.gather [spmem:s2], $0x20, s10, s21, $0xb8;
	[tilespmem:$0x1CC00] =	vst v63  }
0x42: {  	s12 =	sshrl.u32 @!p2 s11, $0x2  }
0x43: {  	s6 =	sshrl.u32 s15, $0x9;
	s13 =	sadd.s32 @!p2 $0xA, s12  }
0x44: {  	s6 =	sand.u32 $0x7F, s6;
	_ =	swait.ge @!p2 [sflag:s13], $0x1000  }
0x45: {  	s6 =	smul.u32 $0x3, s6;
	[sflag:s13] =	ssyncset.done @!p2 $0x0  }
0x46: {  	s5 =	simm.s32 $0x2780;
	s14 =	sadd.s32 @!p2 $0xB, s12;
	[sflag:s13] =	ssyncadd.s32 @!p2 $0xFFFFF000  }
0x47: {  	s15 =	simm.s32 @!p1 $0x80;
	s6 =	ssub.s32 $0x0, s6;
	_ =	swait.ge @!p2 [sflag:s14], $0x1000  }
0x48: {  	s6 =	sand.u32 $0xFF, s6;
	s8 =	smul.u32 @!p1 $0xC000, s8;
	[sflag:s14] =	ssyncset.done @!p2 $0x0  }
0x49: {  	s22 =	smul.u32 $0xC000, s6;
	s12 =	sadd.s32 @!p2 $0xC, s12;
	[sflag:s14] =	ssyncadd.s32 @!p2 $0xFFFFF000  }
0x4a: {  	s19 =	simm.s32 $0x2800;
	s8 =	sshrl.u32 @!p1 s8, $0x2;
	_ =	swait.ge @!p2 [sflag:s12], $0x1000  }
0x4b: {  	s11 =	sshrl.u32 @!p1 s11, $0x2;
	s24 =	sadd.s32 @!p1 $0x4F00, s8;
	[sflag:s12] =	ssyncset.done @!p2 $0x0  }
0x4c: {  	s25 =	sadd.s32 @!p1 $0x1, s11;
	s13 =	simm.s32 @!p1 $0x180;
	[sflag:s12] =	ssyncadd.s32 @!p2 $0xFFFFF000  }
0x4d: {  	[tilespmem:s24], [sflag:s25] =	stream.indirect.gather @!p1 [spmem:s2], $0x20, s13, s15, $0xb8;
	[tilespmem:$0x1CC00] =	vst v63  }
0x4e: {  	s14 =	sadd.s32 @!p1 $0x5F00, s8;
	s12 =	sshrl.u32 s22, $0x2;
	s13 =	simm.s32 @!p1 $0x200  }
0x4f: {  	s24 =	simm.s32 @!p1 $0x280;
	s25 =	smul.u32 $0x3, s6;
	s6 =	sadd.s32 @!p1 $0x2, s11  }
0x50: {  	[tilespmem:s14], [sflag:s6] =	stream.indirect.gather @!p1 [spmem:s2], $0x20, s13, s15, $0xb8;
	[tilespmem:$0x1CC00] =	vst v63  }
0x51: {  	s16 =	sadd.s32 $0x4F00, s12;
	s22 =	sadd.s32 $0x5F00, s12;
	s6 =	sadd.s32 @!p1 $0x6F00, s8  }
0x52: {  	s8 =	sadd.s32 @!p1 $0x3, s11;
	s26 =	sadd.s32 $0x1, s25;
	s10 =	sadd.s32 $0x2, s25  }
0x53: {  	[tilespmem:s6], [sflag:s8] =	stream.indirect.gather @!p1 [spmem:s2], $0x20, s24, s15, $0xb8;
	[tilespmem:$0x1CC00] =	vst v63  }
0x54: {  	s17 =	sadd.s32 $0xA, s25;
	s6 =	simm.s32 $0x1;
	_ =	swait.ge [sflag:s26], $0x1000  }
0x55: {  	s11 =	simm.s32 $0xC00;
	s9 =	smul.u32 $0xAB, s6;
	[sflag:s26] =	ssyncset.done $0x0  }
0x56: {  	s13 =	simm.s32 $0x2880;
	s8 =	simm.s32 $0x600;
	[sflag:s26] =	ssyncadd.s32 $0xFFFFF000  }
0x57: {  	s24 =	sadd.s32 $0xAB, s9;
	s26 =	sadd.s32 $0xB, s25;
	s14 =	sshrl.u32 s9, $0x9  }
0x58: {  	[spmem:s4] =	stream.indirect.scatter.add.f32 [tilespmem:s16], [sflag:s17], $0x20, s5, s21, $0xb8;
	[tilespmem:$0x1CC00] =	vst v63  }
0x59: {  	s15 =	sshrl.u32 s24, $0x9;
	s14 =	sand.u32 $0x7F, s14;
	_ =	swait.ge [sflag:s10], $0x1000  }
0x5a: {  	s15 =	sand.u32 $0x7F, s15;
	s14 =	smul.u32 $0x3, s14;
	[sflag:s10] =	ssyncset.done $0x0  }
0x5b: {  	s24 =	sadd.s32 $0x3, s25;
	s16 =	smul.u32 $0x3, s15;
	[sflag:s10] =	ssyncadd.s32 $0xFFFFF000  }
0x5c: {  	[spmem:s4] =	stream.indirect.scatter.add.f32 [tilespmem:s22], [sflag:s26], $0x20, s19, s21, $0xb8;
	[tilespmem:$0x1CC00] =	vst v63  }
0x5d: {  	s15 =	sadd.s32 $0xC, s25;
	s25 =	ssub.s32 $0x1, s16;
	_ =	swait.ge [sflag:s24], $0x1000  }
.LBB2_2:
0x5e: {  	s16 =	sadd.s32 $0x1, s25;
	s12 =	sadd.s32 $0x6F00, s12  }
0x5f: {  	[sflag:s24] =	ssyncset.done $0x0;
	s25 =	smov.u32 s8;
	s8 =	smov.u32 s11  }
0x60: {  	s16 =	sand.u32 $0xFF, s16;
	p2 =	seq.s32 s25, $0x9600;
	[sflag:s24] =	ssyncadd.s32 $0xFFFFF000  }
0x61: {  	p1 =	slt.u32 @!p2 s6, $0x2;
	s24 =	smul.u32 @!p2 $0xC, s16;
	s26 =	sshra.s32 @!p2 s25, $0x2  }
0x62: {  	s16 =	smul.u32 @!p2 $0xC000, s16;
	p3 =	por p1, p2;
	s17 =	sadd.s32 @!p2 $0x180, s26  }
0x63: {  	s10 =	sadd.s32 @!p2 $0x200, s26;
	s26 =	sadd.s32 @!p2 $0x280, s26;
	s19 =	sshrl.u32 @!p3 s24, $0x2  }
0x64: {  	s11 =	sadd.s32 $0x600, s11;
	s14 =	ssub.s32 s6, s14;
	s5 =	sadd.s32 @!p3 $0xA, s19  }
0x65: {  	[spmem:s4] =	stream.indirect.scatter.add.f32 [tilespmem:s12], [sflag:s15], $0x20, s13, s21, $0xb8;
	[tilespmem:$0x1CC00] =	vst v63  }
0x66: {  	p1 =	sne.s32 s11, $0x9C00;
	s12 =	sand.u32 $0xFF, s14;
	_ =	swait.ge @!p3 [sflag:s5], $0x1000  }
0x67: {  	s13 =	sadd.s32 @!p3 $0xB, s19;
	s14 =	smul.u32 $0x3, s12;
	[sflag:s5] =	ssyncset.done @!p3 $0x0  }
0x68: {  	[sflag:s5] =	ssyncadd.s32 @!p3 $0xFFFFF000;
	s5 =	smul.u32 $0xC000, s12  }
0x69: {  	s15 =	sshrl.u32 @!p2 s24, $0x2;
	_ =	swait.ge @!p3 [sflag:s13], $0x1000  }
0x6a: {  	s19 =	sadd.s32 @!p3 $0xC, s19;
	[sflag:s13] =	ssyncset.done @!p3 $0x0;
	s12 =	sshrl.u32 s5, $0x2  }
0x6b: {  	s24 =	sshra.s32 s25, $0x2;
	s5 =	simm.s32 @!p2 $0x80;
	[sflag:s13] =	ssyncadd.s32 @!p3 $0xFFFFF000  }
0x6c: {  	s16 =	sshrl.u32 @!p2 s16, $0x2;
	s13 =	sadd.s32 $0x2880, s24;
	_ =	swait.ge @!p3 [sflag:s19], $0x1000  }
0x6d: {  	s25 =	sadd.s32 @!p2 $0x4F00, s16;
	s9 =	sadd.s32 @!p2 $0x1, s15;
	[sflag:s19] =	ssyncset.done @!p3 $0x0  }
0x6e: {  	s6 =	sadd.s32 $0x1, s6;
	[sflag:s19] =	ssyncadd.s32 @!p3 $0xFFFFF000;
	s19 =	sadd.s32 @!p2 $0x2, s15  }
0x6f: {  	[tilespmem:s25], [sflag:s9] =	stream.indirect.gather @!p2 [spmem:s2], $0x20, s17, s5, $0xb8;
	[tilespmem:$0x1CC00] =	vst v63  }
0x70: {  	s9 =	sadd.s32 @!p2 $0x5F00, s16;
	s17 =	sadd.s32 $0x2780, s24;
	s25 =	sadd.s32 $0x2800, s24  }
0x71: {  	s15 =	sadd.s32 @!p2 $0x3, s15;
	s16 =	sadd.s32 @!p2 $0x6F00, s16;
	s24 =	sadd.s32 $0x3, s14  }
0x72: {  	[tilespmem:s9], [sflag:s19] =	stream.indirect.gather @!p2 [spmem:s2], $0x20, s10, s5, $0xb8;
	[tilespmem:$0x1CC00] =	vst v63  }
0x73: {  	s9 =	sadd.s32 $0x1, s14;
	s10 =	sadd.s32 $0x5F00, s12;
	s19 =	sadd.s32 $0xB, s14  }
0x74: {  	[tilespmem:s16], [sflag:s15] =	stream.indirect.gather @!p2 [spmem:s2], $0x20, s26, s5, $0xb8;
	[tilespmem:$0x1CC00] =	vst v63  }
0x75: {  	s5 =	smul.u32 $0xAB, s6;
	s15 =	sadd.s32 $0x2, s14;
	_ =	swait.ge [sflag:s9], $0x1000  }
0x76: {  	s16 =	sadd.s32 $0x4F00, s12;
	s26 =	sadd.s32 $0xA, s14;
	[sflag:s9] =	ssyncset.done $0x0  }
0x77: {  	s22 =	sshrl.u32 s5, $0x9;
	s5 =	sadd.s32 $0xAB, s5;
	[sflag:s9] =	ssyncadd.s32 $0xFFFFF000  }
0x78: {  	[spmem:s4] =	stream.indirect.scatter.add.f32 [tilespmem:s16], [sflag:s26], $0x20, s17, s21, $0xb8;
	[tilespmem:$0x1CC00] =	vst v63  }
.Ltmp0:
0x79: {  	s5 =	sshrl.u32 s5, $0x9;
	_ =	swait.ge [sflag:s15], $0x1000;
	(pc) =	sbr.rel @p1 .LBB2_2-.Ltmp0, $4  }
0x7a: {  	s9 =	sand.u32 $0x7F, s22;
	s5 =	sand.u32 $0x7F, s5;
	[sflag:s15] =	ssyncset.done $0x0  }
0x7b: {  	s5 =	smul.u32 $0x3, s5;
	[sflag:s15] =	ssyncadd.s32 $0xFFFFF000;
	s15 =	sadd.s32 $0xC, s14  }
0x7c: {  	[spmem:s4] =	stream.indirect.scatter.add.f32 [tilespmem:s10], [sflag:s19], $0x20, s25, s21, $0xb8;
	[tilespmem:$0x1CC00] =	vst v63  }
0x7d: {  	s14 =	smul.u32 $0x3, s9;
	s25 =	ssub.s32 s6, s5;
	_ =	swait.ge [sflag:s24], $0x1000  }
0x7e: {  	s5 =	sadd.s32 $0x1, s25;
	p1 =	seq.s32 s8, $0x9600;
	[sflag:s24] =	ssyncset.done $0x0  }
0x7f: {  	s11 =	sadd.s32 $0x6F00, s12;
	s5 =	sand.u32 $0xFF, s5;
	p2 =	slt.u32 @!p1 s6, $0x2  }
0x80: {  	[sflag:s24] =	ssyncadd.s32 $0xFFFFF000;
	s9 =	smul.u32 @!p1 $0xC, s5;
	p2 =	por p2, p1  }
0x81: {  	[spmem:s4] =	stream.indirect.scatter.add.f32 [tilespmem:s11], [sflag:s15], $0x20, s13, s21, $0xb8;
	[tilespmem:$0x1CC00] =	vst v63  }
0x82: {  	s10 =	sshrl.u32 @!p2 s9, $0x2  }
0x83: {  	s12 =	sadd.s32 @!p2 $0xA, s10  }
0x84: {  	_ =	swait.ge @!p2 [sflag:s12], $0x1000  }
0x85: {  	[sflag:s12] =	ssyncset.done @!p2 $0x0  }
0x86: {  	s11 =	sadd.s32 @!p2 $0xB, s10;
	[sflag:s12] =	ssyncadd.s32 @!p2 $0xFFFFF000  }
0x87: {  	s25 =	ssub.s32 s6, s14;
	_ =	swait.ge @!p2 [sflag:s11], $0x1000  }
0x88: {  	s5 =	smul.u32 @!p1 $0xC000, s5;
	s13 =	simm.s32 @!p1 $0x80;
	[sflag:s11] =	ssyncset.done @!p2 $0x0  }
0x89: {  	s6 =	sand.u32 $0xFF, s25;
	s10 =	sadd.s32 @!p2 $0xC, s10;
	[sflag:s11] =	ssyncadd.s32 @!p2 $0xFFFFF000  }
0x8a: {  	s9 =	sshrl.u32 @!p1 s9, $0x2;
	s5 =	sshrl.u32 @!p1 s5, $0x2;
	_ =	swait.ge @!p2 [sflag:s10], $0x1000  }
0x8b: {  	s15 =	sadd.s32 @!p1 $0x4F00, s5;
	s12 =	sshra.s32 @!p1 s8, $0x2;
	[sflag:s10] =	ssyncset.done @!p2 $0x0  }
0x8c: {  	s11 =	sadd.s32 @!p1 $0x180, s12;
	[sflag:s10] =	ssyncadd.s32 @!p2 $0xFFFFF000;
	s10 =	sadd.s32 @!p1 $0x1, s9  }
0x8d: {  	[tilespmem:s15], [sflag:s10] =	stream.indirect.gather @!p1 [spmem:s2], $0x20, s11, s13, $0xb8;
	[tilespmem:$0x1CC00] =	vst v63  }
0x8e: {  	s14 =	sadd.s32 @!p1 $0x5F00, s5;
	s10 =	sadd.s32 @!p1 $0x200, s12;
	s11 =	sadd.s32 @!p1 $0x2, s9  }
0x8f: {  	[tilespmem:s14], [sflag:s11] =	stream.indirect.gather @!p1 [spmem:s2], $0x20, s10, s13, $0xb8;
	[tilespmem:$0x1CC00] =	vst v63  }
0x90: {  	s10 =	smul.u32 $0x3, s6  }
0x91: {  	s5 =	sadd.s32 @!p1 $0x6F00, s5;
	s9 =	sadd.s32 @!p1 $0x3, s9;
	s15 =	sshra.s32 s8, $0x2  }
0x92: {  	s11 =	sadd.s32 @!p1 $0x280, s12;
	s6 =	smul.u32 $0xC000, s6;
	s26 =	sadd.s32 $0x1, s10  }
0x93: {  	[tilespmem:s5], [sflag:s9] =	stream.indirect.gather @!p1 [spmem:s2], $0x20, s11, s13, $0xb8;
	[tilespmem:$0x1CC00] =	vst v63  }
0x94: {  	s8 =	sadd.s32 $0x2780, s15;
	_ =	swait.ge [sflag:s26], $0x1000  }
0x95: {  	s14 =	sshrl.u32 s6, $0x2;
	s16 =	sadd.s32 $0x2, s10;
	[sflag:s26] =	ssyncset.done $0x0  }
0x96: {  	s19 =	sadd.s32 $0xA, s10;
	s17 =	sadd.s32 $0x4F00, s14;
	[sflag:s26] =	ssyncadd.s32 $0xFFFFF000  }
0x97: {  	[spmem:s4] =	stream.indirect.scatter.add.f32 [tilespmem:s17], [sflag:s19], $0x20, s8, s21, $0xb8;
	[tilespmem:$0x1CC00] =	vst v63  }
0x98: {  	_ =	swait.ge [sflag:s16], $0x1000  }
0x99: {  	s22 =	sadd.s32 $0x2800, s15;
	s24 =	sadd.s32 $0x3, s10;
	[sflag:s16] =	ssyncset.done $0x0  }
0x9a: {  	s25 =	sadd.s32 $0x5F00, s14;
	s26 =	sadd.s32 $0xB, s10;
	[sflag:s16] =	ssyncadd.s32 $0xFFFFF000  }
0x9b: {  	[spmem:s4] =	stream.indirect.scatter.add.f32 [tilespmem:s25], [sflag:s26], $0x20, s22, s21, $0xb8;
	[tilespmem:$0x1CC00] =	vst v63  }
0x9c: {  	_ =	swait.ge [sflag:s24], $0x1000  }
0x9d: {  	s6 =	sadd.s32 $0x2880, s15;
	[sflag:s24] =	ssyncset.done $0x0  }
0x9e: {  	s13 =	sadd.s32 $0xC, s10;
	s5 =	sadd.s32 $0x6F00, s14;
	[sflag:s24] =	ssyncadd.s32 $0xFFFFF000  }
0x9f: {  	[spmem:s4] =	stream.indirect.scatter.add.f32 [tilespmem:s5], [sflag:s13], $0x20, s6, s21, $0xb8;
	[tilespmem:$0x1CC00] =	vst v63  }
0xa0: {  	_ =	swait.ge [sflag:s28], $0x1000  }
0xa1: {  	[sflag:s28] =	ssyncset.done $0x0  }
0xa2: {  	[sflag:s28] =	ssyncadd.s32 $0xFFFFF000  }
0xa3: {  	_ =	swait.ge [sflag:s29], $0x1000  }
0xa4: {  	[sflag:s29] =	ssyncset.done $0x0  }
0xa5: {  	[sflag:s29] =	ssyncadd.s32 $0xFFFFF000  }
0xa6: {  	_ =	swait.ge [sflag:s30], $0x1000  }
0xa7: {  	[sflag:s30] =	ssyncset.done $0x0  }
0xa8: {  	[sflag:s30] =	ssyncadd.s32 $0xFFFFF000  }
0xa9: {  	_ =	swait.ge [sflag:s31], $0x1000  }
0xaa: {  	[sflag:s31] =	ssyncset.done $0x0  }
0xab: {  	[sflag:s31] =	ssyncadd.s32 $0xFFFFF000  }
0xac: {  	_ =	swait.ge [sflag:s0], $0x1000  }
0xad: {  	[sflag:s0] =	ssyncset.done $0x0  }
0xae: {  	[sflag:s0] =	ssyncadd.s32 $0xFFFFF000  }
0xaf: {  	_ =	swait.ge [sflag:s1], $0x1000  }
0xb0: {  	s8 =	simm.s32 @!p0 $0x4F00;
	[sflag:s1] =	ssyncset.done $0x0  }
0xb1: {  	s5 =	simm.s32 @!p0 $0x80;
	s6 =	simm.s32 @!p0 $0x2700;
	[sflag:s1] =	ssyncadd.s32 $0xFFFFF000  }
0xb2: {  	[tilespmem:s8], [sflag:$0x13] =	stream.indirect.gather @!p0 [spmem:s2], $0x20, s6, s5, $0xb8;
	[tilespmem:$0x1CC00] =	vst v63  }
0xb3: {  	s6 =	simm.s32 @!p0 $0x13  }
0xb4: {  	_ =	swait.ge @!p0 [sflag:s6], $0x1000  }
0xb5: {  	[sflag:s6] =	ssyncset.done @!p0 $0x0  }
0xb6: {  	s9 =	simm.s32 @!p0 $0x4E80;
	[sflag:s6] =	ssyncadd.s32 @!p0 $0xFFFFF000  }
0xb7: {  	[spmem:s4] =	stream.indirect.scatter.add.f32 @!p0 [tilespmem:s8], [sflag:$0x13], $0x20, s9, s5, $0xb8;
	[tilespmem:$0x1CC00] =	vst v63  }
0xb8: {  	_ =	swait.ge @!p0 [sflag:s6], $0x1000  }
0xb9: {  	s16 =	simm.s32 $0x0;
	[sflag:s6] =	ssyncset.done @!p0 $0x0  }
0xba: {  	s5 =	smul.u32 $0xAB, s16;
	[sflag:s6] =	ssyncadd.s32 @!p0 $0xFFFFF000  }
0xbb: {  	[bflag:$0x0] =	sbarrier.arrive $0xFFFF  }
0xbc: {  	p1 =	por $0x0, $0x0;
	s22 =	sadd.s32 $0xAB, s5;
	s14 =	rddreg [dreg:$0xd]  }
0xbd: {  	[hbm:s14], [sflag:s7] =	dma.local [spmem:s20], $0x9E0  }
0xbe: {  	p2 =	por @!p1 $0x1, $0x1;
	s6 =	sshrl.u32 s22, $0x9;
	_ =	swait.ge [sflag:s18], $0x9E0  }
0xbf: {  	p2 =	por p2, p1;
	s6 =	sand.u32 $0x7F, s6;
	[sflag:s18] =	ssyncset.done $0x0  }
0xc0: {  	s6 =	smul.u32 $0x3, s6;
	s15 =	rddreg [dreg:$0x8];
	[sflag:s18] =	ssyncadd.s32 $0xFFFFF620  }
0xc1: {  	[spmem:s20], [sflag:s7] =	dma.local [hbm:s15], $0x9E0  }
0xc2: {  	s17 =	simm.s32 $0x4F00;
	s6 =	ssub.s32 $0x0, s6;
	_ =	swait.ge [sflag:s18], $0x9E0  }
0xc3: {  	s19 =	simm.s32 $0x5F00;
	s6 =	sadd.s32 $0x1, s6;
	[sflag:s18] =	ssyncset.done $0x0  }
0xc4: {  	s5 =	sshrl.u32 s5, $0x9;
	s6 =	sand.u32 $0xFF, s6;
	[sflag:s18] =	ssyncadd.s32 $0xFFFFF620  }
0xc5: {  	s5 =	sand.u32 $0x7F, s5;
	s8 =	smul.u32 @!p1 $0xC, s6;
	[bflag:$0x0] =	sbarrier.arrive $0xFFFF  }
0xc6: {  	[tilespmem:s17], [sflag:$0x1] =	stream.indirect.gather [spmem:s3], $0x20, s16, s21, $0xb8;
	[tilespmem:$0x1CC00] =	vst v63  }
0xc7: {  	s25 =	simm.s32 $0x6F00;
	s5 =	smul.u32 $0x3, s5;
	s9 =	sshrl.u32 @!p2 s8, $0x2  }
0xc8: {  	[tilespmem:s19], [sflag:$0x2] =	stream.indirect.gather [spmem:s3], $0x20, s21, s21, $0xb8;
	[tilespmem:$0x1CC00] =	vst v63  }
0xc9: {  	s24 =	simm.s32 $0x100;
	s5 =	ssub.s32 $0x0, s5;
	s10 =	sadd.s32 @!p2 $0xA, s9  }
0xca: {  	[tilespmem:s25], [sflag:$0x3] =	stream.indirect.gather [spmem:s3], $0x20, s24, s21, $0xb8;
	[tilespmem:$0x1CC00] =	vst v63  }
0xcb: {  	s5 =	sand.u32 $0xFF, s5;
	_ =	swait.ge @!p2 [sflag:s10], $0x1000  }
0xcc: {  	s26 =	smul.u32 $0xC000, s5;
	[sflag:s10] =	ssyncset.done @!p2 $0x0  }
0xcd: {  	s5 =	smul.u32 $0x3, s5;
	s11 =	sadd.s32 @!p2 $0xB, s9;
	[sflag:s10] =	ssyncadd.s32 @!p2 $0xFFFFF000  }
0xce: {  	s13 =	simm.s32 @!p1 $0x80;
	s6 =	smul.u32 @!p1 $0xC000, s6;
	_ =	swait.ge @!p2 [sflag:s11], $0x1000  }
0xcf: {  	s15 =	sadd.s32 $0x2, s5;
	s8 =	sshrl.u32 @!p1 s8, $0x2;
	[sflag:s11] =	ssyncset.done @!p2 $0x0  }
0xd0: {  	s6 =	sshrl.u32 @!p1 s6, $0x2;
	s9 =	sadd.s32 @!p2 $0xC, s9;
	[sflag:s11] =	ssyncadd.s32 @!p2 $0xFFFFF000  }
0xd1: {  	s12 =	sadd.s32 @!p1 $0x4F00, s6;
	s14 =	sadd.s32 @!p1 $0x1, s8;
	_ =	swait.ge @!p2 [sflag:s9], $0x1000  }
0xd2: {  	s17 =	sadd.s32 $0xA, s5;
	s19 =	simm.s32 $0x2800;
	[sflag:s9] =	ssyncset.done @!p2 $0x0  }
0xd3: {  	s25 =	sadd.s32 $0xB, s5;
	s10 =	simm.s32 @!p1 $0x180;
	[sflag:s9] =	ssyncadd.s32 @!p2 $0xFFFFF000  }
0xd4: {  	[tilespmem:s12], [sflag:s14] =	stream.indirect.gather @!p1 [spmem:s3], $0x20, s10, s13, $0xb8;
	[tilespmem:$0x1CC00] =	vst v63  }
0xd5: {  	s11 =	sadd.s32 @!p1 $0x2, s8;
	s9 =	simm.s32 @!p1 $0x200;
	s14 =	sadd.s32 @!p1 $0x5F00, s6  }
0xd6: {  	[tilespmem:s14], [sflag:s11] =	stream.indirect.gather @!p1 [spmem:s3], $0x20, s9, s13, $0xb8;
	[tilespmem:$0x1CC00] =	vst v63  }
0xd7: {  	s8 =	sadd.s32 @!p1 $0x3, s8;
	s10 =	simm.s32 @!p1 $0x280;
	s6 =	sadd.s32 @!p1 $0x6F00, s6  }
0xd8: {  	[tilespmem:s6], [sflag:s8] =	stream.indirect.gather @!p1 [spmem:s3], $0x20, s10, s13, $0xb8;
	[tilespmem:$0x1CC00] =	vst v63  }
0xd9: {  	s12 =	sshrl.u32 s26, $0x2;
	s11 =	sadd.s32 $0x1, s5;
	s6 =	simm.s32 $0x1  }
0xda: {  	s16 =	sadd.s32 $0x4F00, s12;
	_ =	swait.ge [sflag:s11], $0x1000;
	s10 =	smul.u32 $0xAB, s6  }
0xdb: {  	s22 =	sadd.s32 $0x5F00, s12;
	s14 =	simm.s32 $0x2780;
	[sflag:s11] =	ssyncset.done $0x0  }
0xdc: {  	s8 =	simm.s32 $0x600;
	[sflag:s11] =	ssyncadd.s32 $0xFFFFF000;
	s24 =	sadd.s32 $0xAB, s10  }
0xdd: {  	[spmem:s4] =	stream.indirect.scatter.add.f32 [tilespmem:s16], [sflag:s17], $0x20, s14, s21, $0xb8;
	[tilespmem:$0x1CC00] =	vst v63  }
0xde: {  	s11 =	simm.s32 $0xC00;
	s10 =	sshrl.u32 s10, $0x9;
	s13 =	sshrl.u32 s24, $0x9  }
0xdf: {  	s24 =	sadd.s32 $0x3, s5;
	s10 =	sand.u32 $0x7F, s10;
	_ =	swait.ge [sflag:s15], $0x1000  }
0xe0: {  	s26 =	sand.u32 $0x7F, s13;
	s14 =	smul.u32 $0x3, s10;
	[sflag:s15] =	ssyncset.done $0x0  }
0xe1: {  	s13 =	simm.s32 $0x2880;
	s9 =	smul.u32 $0x3, s26;
	[sflag:s15] =	ssyncadd.s32 $0xFFFFF000  }
0xe2: {  	[spmem:s4] =	stream.indirect.scatter.add.f32 [tilespmem:s22], [sflag:s25], $0x20, s19, s21, $0xb8;
	[tilespmem:$0x1CC00] =	vst v63  }
0xe3: {  	s15 =	sadd.s32 $0xC, s5;
	s25 =	ssub.s32 $0x1, s9;
	_ =	swait.ge [sflag:s24], $0x1000  }
.LBB2_4:
0xe4: {  	s5 =	sadd.s32 $0x1, s25;
	s9 =	sadd.s32 $0x6F00, s12  }
0xe5: {  	[sflag:s24] =	ssyncset.done $0x0;
	s10 =	smov.u32 s8;
	s8 =	smov.u32 s11  }
0xe6: {  	s5 =	sand.u32 $0xFF, s5;
	p2 =	seq.s32 s10, $0x9600;
	[sflag:s24] =	ssyncadd.s32 $0xFFFFF000  }
0xe7: {  	p1 =	slt.u32 @!p2 s6, $0x2;
	s12 =	smul.u32 @!p2 $0xC, s5;
	s16 =	sshra.s32 @!p2 s10, $0x2  }
0xe8: {  	s5 =	smul.u32 @!p2 $0xC000, s5;
	p3 =	por p1, p2;
	s17 =	sadd.s32 @!p2 $0x180, s16  }
0xe9: {  	s22 =	sadd.s32 @!p2 $0x200, s16;
	s16 =	sadd.s32 @!p2 $0x280, s16;
	s19 =	sshrl.u32 @!p3 s12, $0x2  }
0xea: {  	s11 =	sadd.s32 $0x600, s11;
	s14 =	ssub.s32 s6, s14;
	s24 =	sadd.s32 @!p3 $0xA, s19  }
0xeb: {  	[spmem:s4] =	stream.indirect.scatter.add.f32 [tilespmem:s9], [sflag:s15], $0x20, s13, s21, $0xb8;
	[tilespmem:$0x1CC00] =	vst v63  }
0xec: {  	p1 =	sne.s32 s11, $0x9C00;
	s9 =	sand.u32 $0xFF, s14;
	_ =	swait.ge @!p3 [sflag:s24], $0x1000  }
0xed: {  	s13 =	sadd.s32 @!p3 $0xB, s19;
	s14 =	smul.u32 $0x3, s9;
	[sflag:s24] =	ssyncset.done @!p3 $0x0  }
0xee: {  	s9 =	smul.u32 $0xC000, s9;
	[sflag:s24] =	ssyncadd.s32 @!p3 $0xFFFFF000  }
0xef: {  	s15 =	sshrl.u32 @!p2 s12, $0x2;
	_ =	swait.ge @!p3 [sflag:s13], $0x1000  }
0xf0: {  	s19 =	sadd.s32 @!p3 $0xC, s19;
	s12 =	sshrl.u32 s9, $0x2;
	[sflag:s13] =	ssyncset.done @!p3 $0x0  }
0xf1: {  	s10 =	sshra.s32 s10, $0x2;
	s9 =	simm.s32 @!p2 $0x80;
	[sflag:s13] =	ssyncadd.s32 @!p3 $0xFFFFF000  }
0xf2: {  	s5 =	sshrl.u32 @!p2 s5, $0x2;
	s13 =	sadd.s32 $0x2880, s10;
	_ =	swait.ge @!p3 [sflag:s19], $0x1000  }
0xf3: {  	s25 =	sadd.s32 @!p2 $0x1, s15;
	s24 =	sadd.s32 @!p2 $0x4F00, s5;
	[sflag:s19] =	ssyncset.done @!p3 $0x0  }
0xf4: {  	s6 =	sadd.s32 $0x1, s6;
	[sflag:s19] =	ssyncadd.s32 @!p3 $0xFFFFF000;
	s19 =	sadd.s32 @!p2 $0x2, s15  }
0xf5: {  	[tilespmem:s24], [sflag:s25] =	stream.indirect.gather @!p2 [spmem:s3], $0x20, s17, s9, $0xb8;
	[tilespmem:$0x1CC00] =	vst v63  }
0xf6: {  	s17 =	sadd.s32 @!p2 $0x5F00, s5;
	s25 =	sadd.s32 $0x2780, s10;
	s10 =	sadd.s32 $0x2800, s10  }
0xf7: {  	s15 =	sadd.s32 @!p2 $0x3, s15;
	s5 =	sadd.s32 @!p2 $0x6F00, s5;
	s24 =	sadd.s32 $0x3, s14  }
0xf8: {  	[tilespmem:s17], [sflag:s19] =	stream.indirect.gather @!p2 [spmem:s3], $0x20, s22, s9, $0xb8;
	[tilespmem:$0x1CC00] =	vst v63  }
0xf9: {  	s17 =	sadd.s32 $0x1, s14;
	s19 =	sadd.s32 $0x5F00, s12;
	s22 =	sadd.s32 $0xB, s14  }
0xfa: {  	[tilespmem:s5], [sflag:s15] =	stream.indirect.gather @!p2 [spmem:s3], $0x20, s16, s9, $0xb8;
	[tilespmem:$0x1CC00] =	vst v63  }
0xfb: {  	s5 =	smul.u32 $0xAB, s6;
	s9 =	sadd.s32 $0x2, s14;
	_ =	swait.ge [sflag:s17], $0x1000  }
0xfc: {  	s15 =	sadd.s32 $0x4F00, s12;
	s16 =	sadd.s32 $0xA, s14;
	[sflag:s17] =	ssyncset.done $0x0  }
0xfd: {  	s26 =	sshrl.u32 s5, $0x9;
	s5 =	sadd.s32 $0xAB, s5;
	[sflag:s17] =	ssyncadd.s32 $0xFFFFF000  }
0xfe: {  	[spmem:s4] =	stream.indirect.scatter.add.f32 [tilespmem:s15], [sflag:s16], $0x20, s25, s21, $0xb8;
	[tilespmem:$0x1CC00] =	vst v63  }
.Ltmp1:
0xff: {  	s5 =	sshrl.u32 s5, $0x9;
	_ =	swait.ge [sflag:s9], $0x1000;
	(pc) =	sbr.rel @p1 .LBB2_4-.Ltmp1, $4  }
0x100: {  	s16 =	sand.u32 $0x7F, s26;
	s5 =	sand.u32 $0x7F, s5;
	[sflag:s9] =	ssyncset.done $0x0  }
0x101: {  	s15 =	sadd.s32 $0xC, s14;
	s5 =	smul.u32 $0x3, s5;
	[sflag:s9] =	ssyncadd.s32 $0xFFFFF000  }
0x102: {  	[spmem:s4] =	stream.indirect.scatter.add.f32 [tilespmem:s19], [sflag:s22], $0x20, s10, s21, $0xb8;
	[tilespmem:$0x1CC00] =	vst v63  }
0x103: {  	s14 =	smul.u32 $0x3, s16;
	s25 =	ssub.s32 s6, s5;
	_ =	swait.ge [sflag:s24], $0x1000  }
0x104: {  	s5 =	sadd.s32 $0x1, s25;
	p1 =	seq.s32 s8, $0x9600;
	[sflag:s24] =	ssyncset.done $0x0  }
0x105: {  	s11 =	sadd.s32 $0x6F00, s12;
	s5 =	sand.u32 $0xFF, s5;
	p2 =	slt.u32 @!p1 s6, $0x2  }
0x106: {  	[sflag:s24] =	ssyncadd.s32 $0xFFFFF000;
	s9 =	smul.u32 @!p1 $0xC, s5;
	p2 =	por p2, p1  }
0x107: {  	[spmem:s4] =	stream.indirect.scatter.add.f32 [tilespmem:s11], [sflag:s15], $0x20, s13, s21, $0xb8;
	[tilespmem:$0x1CC00] =	vst v63  }
0x108: {  	s10 =	sshrl.u32 @!p2 s9, $0x2  }
0x109: {  	s12 =	sadd.s32 @!p2 $0xA, s10  }
0x10a: {  	_ =	swait.ge @!p2 [sflag:s12], $0x1000  }
0x10b: {  	[sflag:s12] =	ssyncset.done @!p2 $0x0  }
0x10c: {  	s11 =	sadd.s32 @!p2 $0xB, s10;
	[sflag:s12] =	ssyncadd.s32 @!p2 $0xFFFFF000  }
0x10d: {  	_ =	swait.ge @!p2 [sflag:s11], $0x1000  }
0x10e: {  	s22 =	ssub.s32 s6, s14;
	s5 =	smul.u32 @!p1 $0xC000, s5;
	[sflag:s11] =	ssyncset.done @!p2 $0x0  }
0x10f: {  	s13 =	simm.s32 @!p1 $0x80;
	s10 =	sadd.s32 @!p2 $0xC, s10;
	[sflag:s11] =	ssyncadd.s32 @!p2 $0xFFFFF000  }
0x110: {  	s9 =	sshrl.u32 @!p1 s9, $0x2;
	s5 =	sshrl.u32 @!p1 s5, $0x2;
	_ =	swait.ge @!p2 [sflag:s10], $0x1000  }
0x111: {  	s15 =	sadd.s32 @!p1 $0x4F00, s5;
	s12 =	sshra.s32 @!p1 s8, $0x2;
	[sflag:s10] =	ssyncset.done @!p2 $0x0  }
0x112: {  	s11 =	sadd.s32 @!p1 $0x180, s12;
	[sflag:s10] =	ssyncadd.s32 @!p2 $0xFFFFF000;
	s10 =	sadd.s32 @!p1 $0x1, s9  }
0x113: {  	[tilespmem:s15], [sflag:s10] =	stream.indirect.gather @!p1 [spmem:s3], $0x20, s11, s13, $0xb8;
	[tilespmem:$0x1CC00] =	vst v63  }
0x114: {  	s6 =	sand.u32 $0xFF, s22;
	s10 =	sadd.s32 @!p1 $0x200, s12  }
0x115: {  	s11 =	sadd.s32 @!p1 $0x2, s9;
	s15 =	sadd.s32 @!p1 $0x5F00, s5;
	s5 =	sadd.s32 @!p1 $0x6F00, s5  }
0x116: {  	[tilespmem:s15], [sflag:s11] =	stream.indirect.gather @!p1 [spmem:s3], $0x20, s10, s13, $0xb8;
	[tilespmem:$0x1CC00] =	vst v63  }
0x117: {  	s9 =	sadd.s32 @!p1 $0x3, s9;
	s10 =	sadd.s32 @!p1 $0x280, s12;
	s11 =	smul.u32 $0x3, s6  }
0x118: {  	[tilespmem:s5], [sflag:s9] =	stream.indirect.gather @!p1 [spmem:s3], $0x20, s10, s13, $0xb8;
	[tilespmem:$0x1CC00] =	vst v63  }
0x119: {  	s26 =	sshra.s32 s8, $0x2;
	s24 =	smul.u32 $0xC000, s6;
	s25 =	sadd.s32 $0x1, s11  }
0x11a: {  	s12 =	sadd.s32 $0x2780, s26;
	_ =	swait.ge [sflag:s25], $0x1000  }
0x11b: {  	s5 =	sshrl.u32 s24, $0x2;
	s14 =	sadd.s32 $0xA, s11;
	[sflag:s25] =	ssyncset.done $0x0  }
0x11c: {  	s15 =	sadd.s32 $0x2, s11;
	s13 =	sadd.s32 $0x4F00, s5;
	[sflag:s25] =	ssyncadd.s32 $0xFFFFF000  }
0x11d: {  	[spmem:s4] =	stream.indirect.scatter.add.f32 [tilespmem:s13], [sflag:s14], $0x20, s12, s21, $0xb8;
	[tilespmem:$0x1CC00] =	vst v63  }
0x11e: {  	_ =	swait.ge [sflag:s15], $0x1000  }
0x11f: {  	s16 =	sadd.s32 $0x2800, s26;
	s19 =	sadd.s32 $0xB, s11;
	[sflag:s15] =	ssyncset.done $0x0  }
0x120: {  	s22 =	sadd.s32 $0x3, s11;
	s17 =	sadd.s32 $0x5F00, s5;
	[sflag:s15] =	ssyncadd.s32 $0xFFFFF000  }
0x121: {  	[spmem:s4] =	stream.indirect.scatter.add.f32 [tilespmem:s17], [sflag:s19], $0x20, s16, s21, $0xb8;
	[tilespmem:$0x1CC00] =	vst v63  }
0x122: {  	_ =	swait.ge [sflag:s22], $0x1000  }
0x123: {  	s8 =	sadd.s32 $0x2880, s26;
	[sflag:s22] =	ssyncset.done $0x0  }
0x124: {  	s24 =	sadd.s32 $0xC, s11;
	s5 =	sadd.s32 $0x6F00, s5;
	[sflag:s22] =	ssyncadd.s32 $0xFFFFF000  }
0x125: {  	[spmem:s4] =	stream.indirect.scatter.add.f32 [tilespmem:s5], [sflag:s24], $0x20, s8, s21, $0xb8;
	[tilespmem:$0x1CC00] =	vst v63  }
0x126: {  	_ =	swait.ge [sflag:s28], $0x1000  }
0x127: {  	[sflag:s28] =	ssyncset.done $0x0  }
0x128: {  	[sflag:s28] =	ssyncadd.s32 $0xFFFFF000  }
0x129: {  	_ =	swait.ge [sflag:s29], $0x1000  }
0x12a: {  	[sflag:s29] =	ssyncset.done $0x0  }
0x12b: {  	[sflag:s29] =	ssyncadd.s32 $0xFFFFF000  }
0x12c: {  	_ =	swait.ge [sflag:s30], $0x1000  }
0x12d: {  	[sflag:s30] =	ssyncset.done $0x0  }
0x12e: {  	[sflag:s30] =	ssyncadd.s32 $0xFFFFF000  }
0x12f: {  	_ =	swait.ge [sflag:s31], $0x1000  }
0x130: {  	[sflag:s31] =	ssyncset.done $0x0  }
0x131: {  	[sflag:s31] =	ssyncadd.s32 $0xFFFFF000  }
0x132: {  	_ =	swait.ge [sflag:s0], $0x1000  }
0x133: {  	[sflag:s0] =	ssyncset.done $0x0  }
0x134: {  	[sflag:s0] =	ssyncadd.s32 $0xFFFFF000  }
0x135: {  	_ =	swait.ge [sflag:s1], $0x1000  }
0x136: {  	s6 =	simm.s32 @!p0 $0x2700;
	[sflag:s1] =	ssyncset.done $0x0  }
0x137: {  	s5 =	simm.s32 @!p0 $0x80;
	s8 =	simm.s32 @!p0 $0x4F00;
	[sflag:s1] =	ssyncadd.s32 $0xFFFFF000  }
0x138: {  	[tilespmem:s8], [sflag:$0x13] =	stream.indirect.gather @!p0 [spmem:s3], $0x20, s6, s5, $0xb8;
	[tilespmem:$0x1CC00] =	vst v63  }
0x139: {  	s6 =	simm.s32 @!p0 $0x13  }
0x13a: {  	_ =	swait.ge @!p0 [sflag:s6], $0x1000  }
0x13b: {  	[sflag:s6] =	ssyncset.done @!p0 $0x0  }
0x13c: {  	s9 =	simm.s32 @!p0 $0x4E80;
	[sflag:s6] =	ssyncadd.s32 @!p0 $0xFFFFF000  }
0x13d: {  	[spmem:s4] =	stream.indirect.scatter.add.f32 @!p0 [tilespmem:s8], [sflag:$0x13], $0x20, s9, s5, $0xb8;
	[tilespmem:$0x1CC00] =	vst v63  }
0x13e: {  	_ =	swait.ge @!p0 [sflag:s6], $0x1000  }
0x13f: {  	[sflag:s6] =	ssyncset.done @!p0 $0x0  }
0x140: {  	[sflag:s6] =	ssyncadd.s32 @!p0 $0xFFFFF000  }
0x141: {  	[bflag:$0x0] =	sbarrier.arrive $0xFFFF  }
0x142: {  	s25 =	rddreg [dreg:$0xe]  }
0x143: {  	[hbm:s25], [sflag:s7] =	dma.local [spmem:s20], $0x9E0  }
0x144: {  	_ =	swait.ge [sflag:s18], $0x9E0  }
0x145: {  	s23 =	sadd.s32 $0x1, s23;
	s26 =	rddreg [dreg:$0xf]  }
0x146: {  	p1 =	sne.s32 s23, s26  }
.Ltmp2:
0x147: {  	_ = 	snop;
	(pc) =	sbr.rel @p1 .LBB2_1-.Ltmp2, $3  }
0x148: {  	_ =	sdelay $0x1  }
0x149: {  	[sflag:s18] =	ssyncset.done $0x0  }
0x14a: {  	[sflag:s18] =	ssyncadd.s32 $0xFFFFF620  }
0x14b: {  	_ =	sfence.sel $0x180000  }
0x14c: {  	[bflag:$0x0] =	sbarrier.arrive $0xFFFF  }
0x14d: {  	_ =	strace $0x9000004A  }
0x14e: {  	s0 =	stileid.u32;
	[bflag:$0x2] =	sbarrier.arrive $0xFFFF  }
0x14f: {  	p0 =	sne.s32 s0, $0x0;
	s0 =	rddreg [dreg:$0x5]  }
0x150: {  	s0 =	sadd.s32 @!p0 $0x100000, s0  }
0x151: {  	[sflag:s0] =	ssyncadd.tile.s32 @!p0 $0x1;
	_ =	shalt  }
.Lfunc_end2:
_tile_overlayer_lowered:
.L_overlay_start_2:
0x152: {  	(tag) =	ssettag $0x2  }
0x153: {  	s0 =	rddreg [dreg:$0x0];
	s2 =	stileid.u32  }
0x154: {  	s1 =	rddreg [dreg:$0x1];
	p0 =	sne.s32 s2, $0x0  }
0x155: {  	s3 =	rddreg [dreg:$0x2];
	[bflag:$0x3] =	sbarrier.arrive $0xFFFF;
	s2 =	simm.s32 @!p0 $0x1C13  }
0x156: {  	[timem:s3], [sflag:s2] =	dma.local @!p0 [hbm:s0], s1  }
0x157: {  	s0 =	simm.s32 @!p0 $0x13  }
0x158: {  	_ =	swait.ge @!p0 [sflag:s0], s1  }
0x159: {  	s1 =	ssub.s32 @!p0 $0x0, s1;
	[sflag:s0] =	ssyncset.done @!p0 $0x0  }
0x15a: {  	[sflag:s0] =	ssyncadd.s32 @!p0 s1  }
0x15b: {  	[bflag:$0x3] =	sbarrier.arrive $0xFFFF  }
0x15c: {  	_ =	shalt  }

// kernel: kernel.16.cloned.1.call-start
scs
__scs_entry_jumppad:
0x0: {  	(pc) =	sbr.rel $0x88, $3  }
0x1: {  	(tag) =	ssettag $0x0;
	lr =	simm.s32 $0x1  }
0x2: {  	[smem:$0x3F96] =	sst lr;
	_ =	strace $0xD0000000  }
0x3: {  	_ = 	snop  }
0x4: {  	_ = 	snop  }
0x5: {  	_ = 	snop  }
0x6: {  	_ = 	snop  }
0x7: {  	_ = 	snop  }
__scs_overlays_trampoline_lowered:
0x8: {  	[smem:$0x3FA5] =	sst s0  }
0x9: {  	[smem:$0x3FA6] =	sst s1  }
0xa: {  	[smem:$0x3FA7] =	sst s2  }
0xb: {  	[smem:$0x3FA8] =	sst s3  }
0xc: {  	[smem:$0x3FA9] =	sst s4  }
0xd: {  	[smem:$0x3FAA] =	sst s5  }
0xe: {  	[smem:$0x3FAB] =	sst s6  }
0xf: {  	[smem:$0x3FAC] =	sst s7  }
0x10: {  	[smem:$0x3FAD] =	sst s8  }
0x11: {  	[smem:$0x3FAE] =	sst s9;
	s0 =	simm.s32 @!p0 $0x0  }
0x12: {  	s1 =	sld [smem:$0x3F94];
	s0 =	simm.s32 @p0 $0x1  }
0x13: {  	[smem:$0x3FAF] =	sst s0;
	s0 =	simm.s32 @!p1 $0x0  }
0x14: {  	s2 =	sld [smem:$0x3F93];
	s0 =	simm.s32 @p1 $0x1  }
0x15: {  	[smem:$0x3FB0] =	sst s0;
	s0 =	simm.s32 @!p2 $0x0  }
0x16: {  	s3 =	sld [smem:$0x3FDB];
	s0 =	simm.s32 @p2 $0x1  }
0x17: {  	s4 =	simm.s32 $0x1BF5;
	[smem:$0x3FB2] =	sst s0  }
0x18: {  	s0 =	sld [smem:$0x3F95];
	_ =	swait.ge [sflag:s4], $0x0  }
0x19: {  	s7 =	sld [smem:$0x3F96]  }
0x1a: {  	s8 =	sadd.s32 $0xFFFFE003, lr  }
0x1b: {  	s9 =	sadd.s32 $0xFFFFFEF7, lr;
	s5 =	simm.s32 $0xFFFFFFFF;
	p2 =	slt.u32 s8, $0xFFFFF086  }
0x1c: {  	p1 =	slt.u32 s9, $0xF7A;
	s5 =	simm.s32 @!p2 $0x0  }
0x1d: {  	s5 =	simm.s32 @p1 $0x1;
	p0 =	seq.s32 s7, s2  }
0x1e: {  	s7 =	smul.u32 @!p0 $0xF7A, s2;
	p2 =	seq.s32 @!p0 s5, $0x0  }
0x1f: {  	s9 =	smul.u32 $0xF7A, s1;
	s8 =	simm.s32 @!p0 $0x1BF5;
	p2 =	por !p2, p0  }
0x20: {  	[sflag:s8] =	ssyncset.s32 @!p0 $0xFFFFF086;
	s6 =	sadd.s32 @!p0 s3, s7;
	s7 =	simm.s32 @!p0 $0x108  }
0x21: {  	s3 =	sadd.s32 s3, s9;
	s6 =	sadd.s32 @!p0 $0x88, s6;
	s7 =	simm.s32 @p2 $0x1082  }
0x22: {  	[simem:s7], [sflag:s8] =	dma.local @!p0 [hbm:s6], $0xF7A  }
0x23: {  	s9 =	sor.u32 $0xD0000000, s2;
	s6 =	simm.s32 $0x108;
	_ =	swait.ge @!p0 [sflag:s8], $0x0  }
0x24: {  	s3 =	sadd.s32 $0x88, s3;
	s6 =	simm.s32 @!p1 $0x1082;
	[sflag:s4] =	ssyncset.s32 $0xFFFFF086  }
0x25: {  	[simem:s6], [sflag:s4] =	dma.local [hbm:s3], $0xF7A  }
0x26: {  	[smem:$0x3F96] =	sst s1;
	(tag) =	ssettag s2;
	_ =	strace s9  }
0x27: {  	s1 =	sld [smem:$0x3FA6]  }
0x28: {  	s2 =	sld [smem:$0x3FA7]  }
0x29: {  	s4 =	sld [smem:$0x3FA9]  }
0x2a: {  	p0 =	seq.s32 s5, $0x0;
	s5 =	sld [smem:$0x3FAA]  }
0x2b: {  	s6 =	sld [smem:$0x3FAB]  }
0x2c: {  	s7 =	sld [smem:$0x3FAC]  }
0x2d: {  	s3 =	simm.s32 $0x108;
	s8 =	sld [smem:$0x3FAD]  }
0x2e: {  	s3 =	simm.s32 @!p0 $0x1082;
	s9 =	sld [smem:$0x3FAE]  }
0x2f: {  	lr =	sadd.s32 s0, s3;
	s0 =	sld [smem:$0x3FA5]  }
0x30: {  	s3 =	sld [smem:$0x3FA8]  }
0x31: {  	[smem:$0x3FB1] =	sst s10  }
0x32: {  	s10 =	sld [smem:$0x3FAF];
	_ =	sdelay $0x3  }
0x33: {  	p0 =	seq.s32 s10, $0x1;
	s10 =	sld [smem:$0x3FB1];
	_ =	sdelay $0x3  }
0x34: {  	[smem:$0x3FB1] =	sst s10  }
0x35: {  	s10 =	sld [smem:$0x3FB0];
	_ =	sdelay $0x3  }
0x36: {  	p1 =	seq.s32 s10, $0x1;
	s10 =	sld [smem:$0x3FB1];
	_ =	sdelay $0x3  }
0x37: {  	[smem:$0x3FB1] =	sst s10  }
0x38: {  	s10 =	sld [smem:$0x3FB2]  }
0x39: {  	_ = 	snop;
	(pc) =	sbr.ind lr, $3  }
0x3a: {  	_ = 	snop  }
0x3b: {  	_ = 	snop  }
0x3c: {  	p2 =	seq.s32 s10, $0x1;
	s10 =	sld [smem:$0x3FB1]  }
0x3d: {  	_ =	shalt  }
0x3e: {  	_ =	shalt  }
0x3f: {  	_ =	shalt  }
0x40: {  	_ =	shalt  }
0x41: {  	_ =	shalt  }
0x42: {  	_ =	shalt  }
0x43: {  	_ =	shalt  }
0x44: {  	_ =	shalt  }
0x45: {  	_ =	shalt  }
0x46: {  	_ =	shalt  }
0x47: {  	_ =	shalt  }
0x48: {  	_ =	shalt  }
0x49: {  	_ =	shalt  }
0x4a: {  	_ =	shalt  }
0x4b: {  	_ =	shalt  }
0x4c: {  	_ =	shalt  }
0x4d: {  	_ =	shalt  }
0x4e: {  	_ =	shalt  }
0x4f: {  	_ =	shalt  }
0x50: {  	_ =	shalt  }
0x51: {  	_ =	shalt  }
0x52: {  	_ =	shalt  }
0x53: {  	_ =	shalt  }
0x54: {  	_ =	shalt  }
0x55: {  	_ =	shalt  }
0x56: {  	_ =	shalt  }
0x57: {  	_ =	shalt  }
0x58: {  	_ =	shalt  }
0x59: {  	_ =	shalt  }
0x5a: {  	_ =	shalt  }
0x5b: {  	_ =	shalt  }
0x5c: {  	_ =	shalt  }
0x5d: {  	_ =	shalt  }
0x5e: {  	_ =	shalt  }
0x5f: {  	_ =	shalt  }
0x60: {  	_ =	shalt  }
0x61: {  	_ =	shalt  }
0x62: {  	_ =	shalt  }
0x63: {  	_ =	shalt  }
0x64: {  	_ =	shalt  }
0x65: {  	_ =	shalt  }
0x66: {  	_ =	shalt  }
0x67: {  	_ =	shalt  }
0x68: {  	_ =	shalt  }
0x69: {  	_ =	shalt  }
0x6a: {  	_ =	shalt  }
0x6b: {  	_ =	shalt  }
0x6c: {  	_ =	shalt  }
0x6d: {  	_ =	shalt  }
0x6e: {  	_ =	shalt  }
0x6f: {  	_ =	shalt  }
0x70: {  	_ =	shalt  }
0x71: {  	_ =	shalt  }
0x72: {  	_ =	shalt  }
0x73: {  	_ =	shalt  }
0x74: {  	_ =	shalt  }
0x75: {  	_ =	shalt  }
0x76: {  	_ =	shalt  }
0x77: {  	_ =	shalt  }
0x78: {  	_ =	shalt  }
0x79: {  	_ =	shalt  }
0x7a: {  	_ =	shalt  }
0x7b: {  	_ =	shalt  }
0x7c: {  	_ =	shalt  }
0x7d: {  	_ =	shalt  }
0x7e: {  	_ =	shalt  }
0x7f: {  	_ =	shalt  }
0x80: {  	_ =	shalt  }
0x81: {  	_ =	shalt  }
0x82: {  	_ =	shalt  }
0x83: {  	_ =	shalt  }
0x84: {  	_ =	shalt  }
0x85: {  	_ =	shalt  }
0x86: {  	_ =	shalt  }
0x87: {  	_ =	shalt  }
.Lfunc_end0:
.L_simem_size_0:
called_computation.2_lowered:
.L_overlay_start_0:
0x88: {  	s2 =	sld [smem:$0x3FD9]  }
0x89: {  	s3 =	sld [smem:$0x3FFE];
	_ =	sdelay $0x1  }
0x8a: {  	s1 =	srdreg.scid  }
0x8b: {  	s0 =	sand.u32 $0x1, s1  }
0x8c: {  	s17 =	sshll.u32 s0, $0xA;
	s2 =	sadd.s32 s3, s2  }
0x8d: {  	s2 =	sadd.s32 s2, s17  }
0x8e: {  	[smem:$0x3FBD] =	sst s2  }
0x8f: {  	_ = 	snop  }
0x90: {  	s2 =	sld [smem:$0x3FC8];
	(tm) =	ssettm $0x1  }
0x91: {  	s18 =	sld [smem:$0x3FFB];
	_ =	sdelay $0x3  }
0x92: {  	_ =	strace s18  }
0x93: {  	s3 =	sld [smem:$0x3FFC];
	_ =	sdelay $0x3  }
0x94: {  	_ =	strace s3  }
0x95: {  	s3 =	sld [smem:$0x3FFD];
	_ =	sdelay $0x3  }
0x96: {  	_ =	strace s3  }
0x97: {  	_ =	strace $0x8FFFFFFF  }
0x98: {  	s19 =	sld [smem:$0x3FDB];
	_ =	sdelay $0x1  }
0x99: {  	s4 =	simm.s32 $_scs_section_size  }
0x9a: {  	s5 =	simm.s32 $_size__tile_overlayer_lowered;
	s6 =	simm.s32 $_tile_overlayer_lowered  }
0x9b: {  	s22 =	simm.s32 $0x1BFF;
	s21 =	sshll.u32 s6, $0x1;
	s3 =	sadd.s32 s4, s19  }
0x9c: {  	s7 =	simm.s32 $0x0;
	s20 =	sshll.u32 s5, $0x1;
	s5 =	sadd.s32 s21, s3  }
0x9d: {  	[timem:s7], [sflag:s22] =	dma.local [hbm:s5], s20  }
0x9e: {  	_ =	swait.ge [sflag:s22], s20  }
0x9f: {  	s4 =	ssub.s32 $0x0, s20;
	[sflag:s22] =	ssyncset.done $0x0  }
0xa0: {  	[sflag:s22] =	ssyncadd.s32 s4;
	_ =	sdelay $0x1  }
0xa1: {  	s23 =	simm.s32 $0x1B8B  }
0xa2: {  	_ =	swait.ge [sflag:s23], $0x1  }
0xa3: {  	[sflag:s23] =	ssyncset.done $0x0  }
0xa4: {  	s25 =	simm.s32 $0x1B8E;
	s24 =	sld [smem:$0x3FFE];
	[sflag:s23] =	ssyncadd.s32 $0xFFFFFFFF  }
0xa5: {  	s26 =	simm.s32 $execute0_lowered;
	[smem:$0x3FD2] =	sst s25  }
0xa6: {  	s5 =	sshll.u32 s26, $0x1;
	_ =	strace $0x8000004C;
	[dreg:$0x1] =	wrdreg $0xFFFFFFFF  }
0xa7: {  	s28 =	simm.s32 $_size_execute0_lowered;
	s3 =	sadd.s32 s3, s5;
	[dreg:$0x0] =	wrdreg $0x0  }
0xa8: {  	s5 =	sshll.u32 s28, $0x1;
	[dreg:$0x2] =	wrdreg s3  }
0xa9: {  	[dreg:$0x3] =	wrdreg s5  }
0xaa: {  	[dreg:$0x4] =	wrdreg $0xC0  }
0xab: {  	_ =	task [dreg:s7], $0x5FFFF  }
0xac: {  	[dreg:$0x1] =	wrdreg $0xFFFFFFFF  }
0xad: {  	[dreg:$0x0] =	wrdreg $0x60  }
0xae: {  	[dreg:$0x2] =	wrdreg s24  }
0xaf: {  	[dreg:$0x3] =	wrdreg s2  }
0xb0: {  	[dreg:$0x4] =	wrdreg $0xDF000  }
0xb1: {  	[dreg:$0x5] =	wrdreg $0x12E000  }
0xb2: {  	[dreg:$0x6] =	wrdreg $0x9  }
0xb3: {  	_ =	task.clear_ibuf [dreg:s7], $0x7FFFF;
	_ =	strace $0x9000004C  }
0xb4: {  	s29 =	simm.s32 $0x9;
	_ =	strace $0x8000004E  }
0xb5: {  	_ =	swait.ge [sflag:s29], $0x1  }
0xb6: {  	[sflag:s29] =	ssyncadd.s32 $0xFFFFFFFF  }
0xb7: {  	_ =	strace $0x9000004E  }
0xb8: {  	_ =	sfence  }
0xb9: {  	s30 =	sld [smem:$0x0];
	_ =	sdelay $0x2  }
0xba: {  	s31 =	sshll.u32 s1, $0xD;
	s1 =	sshrl.u32 s1, $0x2  }
0xbb: {  	s3 =	sand.u32 $0x4000, s31;
	s1 =	sadd.s32 s1, s30  }
0xbc: {  	s0 =	sor.u32 s3, s0;
	s1 =	sshll.u32 s1, $0x11  }
0xbd: {  	s0 =	sor.u32 s1, s0  }
0xbe: {  	s0 =	sadd.s32 $0x8F2B, s0  }
0xbf: {  	[sflag:s0] =	ssyncadd.remote.s32 $0x1  }
0xc0: {  	_ =	sfence.sel $0xFFFF  }
0xc1: {  	[dreg:$0x0] =	wrdreg $0xFFFFFFFF;
	(pc) =	sbr.abs _section_cstart, $3  }
0xc2: {  	[dreg:$0x1] =	wrdreg $0xFFFFFFFF  }
0xc3: {  	_ =	task.clear_ibuf [dreg:s7], $0x2FFFF;
	_ =	strace $0x9FFFFFFF  }
0xc4: {  	(tm) =	ssettm $0x7FFFFFFF  }
0xc5: {  	_ =	shalt  }
tec
execute0_lowered:
.L_overlay_start_1:
0x0: {  	(tag) =	ssettag $0x1  }
0x1: {  	s0 =	rddreg [dreg:$0x0]  }
0x2: {  	s1 =	rddreg [dreg:$0x1]  }
0x3: {  	s2 =	rddreg [dreg:$0x2]  }
0x4: {  	s10 =	stileid.u32;
	s4 =	srdreg.scid  }
0x5: {  	s3 =	rddreg [dreg:$0x3];
	s18 =	simm.s32 $0x0;
	s17 =	simm.s32 $0x80  }
0x6: {  	s28 =	simm.s32 $0xE;
	s29 =	simm.s32 $0xF;
	s30 =	simm.s32 $0x0  }
0x7: {  	s5 =	smul.u32 $0x4F00, s10;
	s6 =	sand.u32 $0x1, s4;
	[smem:$0x7FF] =	sst s18  }
0x8: {  	s20 =	sshll.u32 s10, $0x6;
	s18 =	simm.s32 $0x100;
	s7 =	smul.u32 $0x4F000, s6  }
0x9: {  	_ =	strace $0x8000004D;
	s9 =	ssub.s32 $0x2, s6;
	s6 =	sshll.u32 s6, $0x4  }
0xa: {  	s8 =	sshrl.u32 s5, $0x3;
	s19 =	sshrl.u32 s9, $0x1;
	s14 =	sor.u32 s10, s6  }
0xb: {  	s15 =	sadd.s32 s5, s2;
	s6 =	sor.u32 $0x1C13, s20;
	s10 =	sshll.u32 s10, $0x5  }
0xc: {  	s8 =	sadd.s32 s8, s0;
	s7 =	sadd.s32 s5, s7;
	s13 =	ssub.s32 s9, s19  }
0xd: {  	s21 =	smul.u32 $0x9C0, s14;
	s5 =	sadd.s32 s5, s3;
	s31 =	sshrl.u32 s15, $0x3  }
0xe: {  	p0 =	sgt.u32 s14, $0x3;
	s22 =	sadd.s32 $0x51C00, s8;
	[dreg:$0xd] =	wrdreg s31  }
0xf: {  	s15 =	simm.s32 $0x13;
	s24 =	sadd.s32 $0x65800, s8;
	[dreg:$0x5] =	wrdreg s22  }
0x10: {  	s7 =	sshrl.u32 s7, $0x3;
	s26 =	smax.u32 s13, $0x1;
	[dreg:$0x7] =	wrdreg s24  }
0x11: {  	s16 =	sshrl.u32 s5, $0x3;
	s23 =	sadd.s32 s1, s21;
	[dreg:$0xc] =	wrdreg s26  }
0x12: {  	s1 =	sadd.s32 s10, s1;
	[dreg:$0x6] =	wrdreg s23;
	s4 =	sadd.s32 $0x10, s23  }
0x13: {  	s0 =	sadd.s32 s7, s0;
	s25 =	sadd.s32 $0x13800, s1;
	[dreg:$0x8] =	wrdreg s4  }
0x14: {  	s24 =	simm.s32 $0xB;
	s1 =	sadd.s32 $0x13810, s1;
	[dreg:$0x9] =	wrdreg s25  }
0x15: {  	s26 =	simm.s32 $0xD;
	s0 =	sadd.s32 $0x6F600, s0;
	[dreg:$0xa] =	wrdreg s1  }
0x16: {  	s23 =	simm.s32 $0xA;
	[dreg:$0xb] =	wrdreg s0;
	s25 =	simm.s32 $0xC  }
.LBB2_1:
0x17: {  	s0 =	rddreg [dreg:$0x5]  }
0x18: {  	s1 =	rddreg [dreg:$0xd]  }
0x19: {  	[spmem:s1], [sflag:s6] =	dma.local [hbm:s0], $0x9E0  }
0x1a: {  	_ =	swait.ge [sflag:s15], $0x9E0  }
0x1b: {  	[sflag:s15] =	ssyncset.done $0x0  }
0x1c: {  	s4 =	rddreg [dreg:$0x7];
	[sflag:s15] =	ssyncadd.s32 $0xFFFFF620  }
0x1d: {  	[spmem:s16], [sflag:s6] =	dma.local [hbm:s4], $0x9E0  }
0x1e: {  	_ =	swait.ge [sflag:s15], $0x9E0  }
0x1f: {  	[sflag:s15] =	ssyncset.done $0x0  }
0x20: {  	s4 =	simm.s32 $0x0;
	s5 =	rddreg [dreg:$0x6];
	[sflag:s15] =	ssyncadd.s32 $0xFFFFF620  }
0x21: {  	[tilespmem:s4], [sflag:$0x13] =	stream.strided.gather [hbm4b:s5+s17], $0x2700, s18, s17, $0x38;
	[tilespmem:$0x17D00] =	vst v63  }
0x22: {  	_ =	swait.ge [sflag:s15], $0x2700  }
0x23: {  	[sflag:s15] =	ssyncset.done $0x0  }
0x24: {  	s8 =	simm.s32 $0x2780;
	s7 =	rddreg [dreg:$0x8];
	[sflag:s15] =	ssyncadd.s32 $0xFFFFD900  }
0x25: {  	[tilespmem:s8], [sflag:$0x13] =	stream.strided.gather [hbm4b:s7+s17], $0x2700, s18, s17, $0x38;
	[tilespmem:$0x17D00] =	vst v63  }
0x26: {  	_ =	swait.ge [sflag:s15], $0x2700  }
0x27: {  	s0 =	simm.s32 @!p0 $0x0;
	[sflag:s15] =	ssyncset.done $0x0  }
0x28: {  	s1 =	simm.s32 @!p0 $0x2700;
	s5 =	rddreg [dreg:$0x9];
	[sflag:s15] =	ssyncadd.s32 $0xFFFFD900  }
0x29: {  	[tilespmem:s1], [sflag:$0x13] =	stream.linear.gather @!p0 [hbm4b:s5+s0], $0x80, $0x38;
	[tilespmem:$0x17D00] =	vst v63  }
0x2a: {  	s1 =	simm.s32 @!p0 $0x13  }
0x2b: {  	_ =	swait.ge @!p0 [sflag:s1], $0x80  }
0x2c: {  	s10 =	smul.u32 $0xAB, s4;
	[sflag:s1] =	ssyncset.done @!p0 $0x0  }
0x2d: {  	s5 =	simm.s32 @!p0 $0x4E80;
	s7 =	rddreg [dreg:$0xa];
	[sflag:s1] =	ssyncadd.s32 @!p0 $0xFFFFFF80  }
0x2e: {  	[tilespmem:s5], [sflag:$0x13] =	stream.linear.gather @!p0 [hbm4b:s7+s0], $0x80, $0x38;
	[tilespmem:$0x17D00] =	vst v63  }
0x2f: {  	_ =	swait.ge @!p0 [sflag:s1], $0x80  }
0x30: {  	s12 =	sadd.s32 $0xAB, s10;
	[sflag:s1] =	ssyncset.done @!p0 $0x0  }
0x31: {  	[sflag:s1] =	ssyncadd.s32 @!p0 $0xFFFFFF80;
	s1 =	sshrl.u32 s12, $0x9  }
0x32: {  	s9 =	simm.s32 $0x4F00;
	[bflag:$0x0] =	sbarrier.arrive $0xFFFF;
	s1 =	sand.u32 $0x7F, s1  }
0x33: {  	[tilespmem:s9], [sflag:$0x1] =	stream.indirect.gather [spmem:s2], $0x20, s4, s17, $0xb8;
	[tilespmem:$0x17D00] =	vst v63  }
0x34: {  	s11 =	simm.s32 $0x5F00;
	s1 =	smul.u32 $0x3, s1  }
0x35: {  	[tilespmem:s11], [sflag:$0x2] =	stream.indirect.gather [spmem:s2], $0x20, s17, s17, $0xb8;
	[tilespmem:$0x17D00] =	vst v63  }
0x36: {  	s1 =	ssub.s32 $0x0, s1  }
0x37: {  	s13 =	simm.s32 $0x6F00;
	p1 =	por $0x0, $0x0;
	s1 =	sadd.s32 $0x1, s1  }
0x38: {  	p2 =	por @!p1 $0x1, $0x1;
	s0 =	sshrl.u32 s10, $0x9;
	s1 =	sand.u32 $0xFF, s1  }
0x39: {  	p2 =	por p2, p1;
	s0 =	sand.u32 $0x7F, s0;
	s5 =	smul.u32 @!p1 $0xC, s1  }
0x3a: {  	[tilespmem:s13], [sflag:$0x3] =	stream.indirect.gather [spmem:s2], $0x20, s18, s17, $0xb8;
	[tilespmem:$0x17D00] =	vst v63  }
0x3b: {  	s0 =	smul.u32 $0x3, s0;
	s8 =	sshrl.u32 @!p2 s5, $0x2  }
0x3c: {  	s19 =	sadd.s32 @!p2 $0xA, s8  }
0x3d: {  	s0 =	ssub.s32 $0x0, s0;
	_ =	swait.ge @!p2 [sflag:s19], $0x1000  }
0x3e: {  	s21 =	simm.s32 @!p1 $0x80;
	s0 =	sand.u32 $0xFF, s0;
	[sflag:s19] =	ssyncset.done @!p2 $0x0  }
0x3f: {  	s9 =	smul.u32 $0x3, s0;
	s20 =	sadd.s32 @!p2 $0xB, s8;
	[sflag:s19] =	ssyncadd.s32 @!p2 $0xFFFFF000  }
0x40: {  	s14 =	smul.u32 $0xC000, s0;
	s11 =	simm.s32 $0x2800;
	_ =	swait.ge @!p2 [sflag:s20], $0x1000  }
0x41: {  	s4 =	sadd.s32 $0x2, s9;
	s1 =	smul.u32 @!p1 $0xC000, s1;
	[sflag:s20] =	ssyncset.done @!p2 $0x0  }
0x42: {  	s10 =	sadd.s32 $0xA, s9;
	s8 =	sadd.s32 @!p2 $0xC, s8;
	[sflag:s20] =	ssyncadd.s32 @!p2 $0xFFFFF000  }
0x43: {  	s5 =	sshrl.u32 @!p1 s5, $0x2;
	s1 =	sshrl.u32 @!p1 s1, $0x2;
	_ =	swait.ge @!p2 [sflag:s8], $0x1000  }
0x44: {  	s22 =	sadd.s32 @!p1 $0x4F00, s1;
	s31 =	sadd.s32 @!p1 $0x1, s5;
	[sflag:s8] =	ssyncset.done @!p2 $0x0  }
0x45: {  	s0 =	sadd.s32 @!p1 $0x2, s5;
	s19 =	simm.s32 @!p1 $0x180;
	[sflag:s8] =	ssyncadd.s32 @!p2 $0xFFFFF000  }
0x46: {  	[tilespmem:s22], [sflag:s31] =	stream.indirect.gather @!p1 [spmem:s2], $0x20, s19, s21, $0xb8;
	[tilespmem:$0x17D00] =	vst v63  }
0x47: {  	s20 =	sadd.s32 @!p1 $0x5F00, s1;
	s8 =	simm.s32 @!p1 $0x200;
	s22 =	simm.s32 @!p1 $0x280  }
0x48: {  	s19 =	sshrl.u32 s14, $0x2;
	s31 =	simm.s32 $0x1;
	s14 =	sadd.s32 $0xB, s9  }
0x49: {  	[tilespmem:s20], [sflag:s0] =	stream.indirect.gather @!p1 [spmem:s2], $0x20, s8, s21, $0xb8;
	[tilespmem:$0x17D00] =	vst v63  }
0x4a: {  	s7 =	sadd.s32 $0x4F00, s19;
	s12 =	sadd.s32 $0x5F00, s19;
	s0 =	sadd.s32 @!p1 $0x6F00, s1  }
0x4b: {  	s1 =	sadd.s32 @!p1 $0x3, s5;
	s20 =	sadd.s32 $0x1, s9;
	s8 =	smul.u32 $0xAB, s31  }
0x4c: {  	[tilespmem:s0], [sflag:s1] =	stream.indirect.gather @!p1 [spmem:s2], $0x20, s22, s21, $0xb8;
	[tilespmem:$0x17D00] =	vst v63  }
0x4d: {  	s5 =	sadd.s32 $0xC, s9;
	s1 =	simm.s32 $0x2780;
	_ =	swait.ge [sflag:s20], $0x1000  }
0x4e: {  	s13 =	sadd.s32 $0xAB, s8;
	s8 =	sshrl.u32 s8, $0x9;
	[sflag:s20] =	ssyncset.done $0x0  }
0x4f: {  	s0 =	simm.s32 $0xC00;
	s8 =	sand.u32 $0x7F, s8;
	[sflag:s20] =	ssyncadd.s32 $0xFFFFF000  }
0x50: {  	[spmem:s3] =	stream.indirect.scatter.add.f32 [tilespmem:s7], [sflag:s10], $0x20, s1, s17, $0xb8;
	[tilespmem:$0x17D00] =	vst v63  }
0x51: {  	s21 =	smul.u32 $0x3, s8;
	s20 =	sshrl.u32 s13, $0x9;
	_ =	swait.ge [sflag:s4], $0x1000  }
0x52: {  	s1 =	simm.s32 $0x600;
	s22 =	sand.u32 $0x7F, s20;
	[sflag:s4] =	ssyncset.done $0x0  }
0x53: {  	s10 =	smul.u32 $0x3, s22;
	s22 =	sadd.s32 $0x3, s9;
	[sflag:s4] =	ssyncadd.s32 $0xFFFFF000  }
0x54: {  	[spmem:s3] =	stream.indirect.scatter.add.f32 [tilespmem:s12], [sflag:s14], $0x20, s11, s17, $0xb8;
	[tilespmem:$0x17D00] =	vst v63  }
0x55: {  	s20 =	simm.s32 $0x2880;
	s8 =	ssub.s32 $0x1, s10;
	_ =	swait.ge [sflag:s22], $0x1000  }
.LBB2_2:
0x56: {  	s8 =	sadd.s32 $0x1, s8;
	s9 =	sadd.s32 $0x6F00, s19  }
0x57: {  	[sflag:s22] =	ssyncset.done $0x0;
	s10 =	smov.u32 s1;
	s1 =	smov.u32 s0  }
0x58: {  	s8 =	sand.u32 $0xFF, s8;
	p2 =	seq.s32 s10, $0x9600;
	[sflag:s22] =	ssyncadd.s32 $0xFFFFF000  }
0x59: {  	p1 =	slt.u32 @!p2 s31, $0x2;
	s19 =	smul.u32 @!p2 $0xC, s8;
	s22 =	sshra.s32 @!p2 s10, $0x2  }
0x5a: {  	s8 =	smul.u32 @!p2 $0xC000, s8;
	p3 =	por p1, p2;
	s11 =	sadd.s32 @!p2 $0x180, s22  }
0x5b: {  	s13 =	sadd.s32 @!p2 $0x200, s22;
	s14 =	sadd.s32 @!p2 $0x280, s22;
	s12 =	sshrl.u32 @!p3 s19, $0x2  }
0x5c: {  	s0 =	sadd.s32 $0x600, s0;
	s21 =	ssub.s32 s31, s21;
	s22 =	sadd.s32 @!p3 $0xA, s12  }
0x5d: {  	[spmem:s3] =	stream.indirect.scatter.add.f32 [tilespmem:s9], [sflag:s5], $0x20, s20, s17, $0xb8;
	[tilespmem:$0x17D00] =	vst v63  }
0x5e: {  	p1 =	sne.s32 s0, $0x9C00;
	s5 =	sand.u32 $0xFF, s21;
	_ =	swait.ge @!p3 [sflag:s22], $0x1000  }
0x5f: {  	s9 =	sadd.s32 @!p3 $0xB, s12;
	s21 =	smul.u32 $0x3, s5;
	[sflag:s22] =	ssyncset.done @!p3 $0x0  }
0x60: {  	s5 =	smul.u32 $0xC000, s5;
	[sflag:s22] =	ssyncadd.s32 @!p3 $0xFFFFF000  }
0x61: {  	s22 =	sshrl.u32 @!p2 s19, $0x2;
	_ =	swait.ge @!p3 [sflag:s9], $0x1000  }
0x62: {  	s12 =	sadd.s32 @!p3 $0xC, s12;
	s19 =	sshrl.u32 s5, $0x2;
	[sflag:s9] =	ssyncset.done @!p3 $0x0  }
0x63: {  	s5 =	simm.s32 @!p2 $0x80;
	[sflag:s9] =	ssyncadd.s32 @!p3 $0xFFFFF000;
	s9 =	sshra.s32 s10, $0x2  }
0x64: {  	s8 =	sshrl.u32 @!p2 s8, $0x2;
	_ =	swait.ge @!p3 [sflag:s12], $0x1000;
	s20 =	sadd.s32 $0x2880, s9  }
0x65: {  	s7 =	sadd.s32 @!p2 $0x1, s22;
	s10 =	sadd.s32 @!p2 $0x4F00, s8;
	[sflag:s12] =	ssyncset.done @!p3 $0x0  }
0x66: {  	s31 =	sadd.s32 $0x1, s31;
	[sflag:s12] =	ssyncadd.s32 @!p3 $0xFFFFF000;
	s12 =	sadd.s32 @!p2 $0x2, s22  }
0x67: {  	[tilespmem:s10], [sflag:s7] =	stream.indirect.gather @!p2 [spmem:s2], $0x20, s11, s5, $0xb8;
	[tilespmem:$0x17D00] =	vst v63  }
0x68: {  	s7 =	sadd.s32 @!p2 $0x5F00, s8;
	s10 =	sadd.s32 $0x2780, s9;
	s9 =	sadd.s32 $0x2800, s9  }
0x69: {  	s8 =	sadd.s32 @!p2 $0x6F00, s8;
	s11 =	sadd.s32 @!p2 $0x3, s22;
	s22 =	sadd.s32 $0x3, s21  }
0x6a: {  	[tilespmem:s7], [sflag:s12] =	stream.indirect.gather @!p2 [spmem:s2], $0x20, s13, s5, $0xb8;
	[tilespmem:$0x17D00] =	vst v63  }
0x6b: {  	s7 =	sadd.s32 $0x1, s21;
	s12 =	sadd.s32 $0x5F00, s19;
	s13 =	sadd.s32 $0xB, s21  }
0x6c: {  	[tilespmem:s8], [sflag:s11] =	stream.indirect.gather @!p2 [spmem:s2], $0x20, s14, s5, $0xb8;
	[tilespmem:$0x17D00] =	vst v63  }
0x6d: {  	s5 =	smul.u32 $0xAB, s31;
	s8 =	sadd.s32 $0x2, s21;
	_ =	swait.ge [sflag:s7], $0x1000  }
0x6e: {  	s11 =	sadd.s32 $0x4F00, s19;
	s14 =	sadd.s32 $0xA, s21;
	[sflag:s7] =	ssyncset.done $0x0  }
0x6f: {  	s4 =	sshrl.u32 s5, $0x9;
	s5 =	sadd.s32 $0xAB, s5;
	[sflag:s7] =	ssyncadd.s32 $0xFFFFF000  }
0x70: {  	[spmem:s3] =	stream.indirect.scatter.add.f32 [tilespmem:s11], [sflag:s14], $0x20, s10, s17, $0xb8;
	[tilespmem:$0x17D00] =	vst v63  }
.Ltmp0:
0x71: {  	s5 =	sshrl.u32 s5, $0x9;
	_ =	swait.ge [sflag:s8], $0x1000;
	(pc) =	sbr.rel @p1 .LBB2_2-.Ltmp0, $4  }
0x72: {  	s4 =	sand.u32 $0x7F, s4;
	s5 =	sand.u32 $0x7F, s5;
	[sflag:s8] =	ssyncset.done $0x0  }
0x73: {  	s7 =	smul.u32 $0x3, s5;
	s5 =	sadd.s32 $0xC, s21;
	[sflag:s8] =	ssyncadd.s32 $0xFFFFF000  }
0x74: {  	[spmem:s3] =	stream.indirect.scatter.add.f32 [tilespmem:s12], [sflag:s13], $0x20, s9, s17, $0xb8;
	[tilespmem:$0x17D00] =	vst v63  }
0x75: {  	s21 =	smul.u32 $0x3, s4;
	s8 =	ssub.s32 s31, s7;
	_ =	swait.ge [sflag:s22], $0x1000  }
0x76: {  	s0 =	sadd.s32 $0x1, s8;
	p1 =	seq.s32 s1, $0x9600;
	[sflag:s22] =	ssyncset.done $0x0  }
0x77: {  	s19 =	sadd.s32 $0x6F00, s19;
	s0 =	sand.u32 $0xFF, s0;
	p2 =	slt.u32 @!p1 s31, $0x2  }
0x78: {  	[sflag:s22] =	ssyncadd.s32 $0xFFFFF000;
	s4 =	smul.u32 @!p1 $0xC, s0;
	p2 =	por p2, p1  }
0x79: {  	[spmem:s3] =	stream.indirect.scatter.add.f32 [tilespmem:s19], [sflag:s5], $0x20, s20, s17, $0xb8;
	[tilespmem:$0x17D00] =	vst v63  }
0x7a: {  	s7 =	sshrl.u32 @!p2 s4, $0x2  }
0x7b: {  	s9 =	sadd.s32 @!p2 $0xA, s7  }
0x7c: {  	_ =	swait.ge @!p2 [sflag:s9], $0x1000  }
0x7d: {  	[sflag:s9] =	ssyncset.done @!p2 $0x0  }
0x7e: {  	s5 =	sadd.s32 @!p2 $0xB, s7;
	[sflag:s9] =	ssyncadd.s32 @!p2 $0xFFFFF000  }
0x7f: {  	_ =	swait.ge @!p2 [sflag:s5], $0x1000  }
0x80: {  	s8 =	sshra.s32 @!p1 s1, $0x2;
	s0 =	smul.u32 @!p1 $0xC000, s0;
	[sflag:s5] =	ssyncset.done @!p2 $0x0  }
0x81: {  	s20 =	ssub.s32 s31, s21;
	s7 =	sadd.s32 @!p2 $0xC, s7;
	[sflag:s5] =	ssyncadd.s32 @!p2 $0xFFFFF000  }
0x82: {  	s4 =	sshrl.u32 @!p1 s4, $0x2;
	s0 =	sshrl.u32 @!p1 s0, $0x2;
	_ =	swait.ge @!p2 [sflag:s7], $0x1000  }
0x83: {  	s10 =	sadd.s32 @!p1 $0x4F00, s0;
	s9 =	simm.s32 @!p1 $0x80;
	[sflag:s7] =	ssyncset.done @!p2 $0x0  }
0x84: {  	s5 =	sadd.s32 @!p1 $0x180, s8;
	[sflag:s7] =	ssyncadd.s32 @!p2 $0xFFFFF000;
	s7 =	sadd.s32 @!p1 $0x1, s4  }
0x85: {  	[tilespmem:s10], [sflag:s7] =	stream.indirect.gather @!p1 [spmem:s2], $0x20, s5, s9, $0xb8;
	[tilespmem:$0x17D00] =	vst v63  }
0x86: {  	s5 =	sadd.s32 @!p1 $0x200, s8;
	s7 =	sadd.s32 @!p1 $0x2, s4;
	s10 =	sadd.s32 @!p1 $0x5F00, s0  }
0x87: {  	[tilespmem:s10], [sflag:s7] =	stream.indirect.gather @!p1 [spmem:s2], $0x20, s5, s9, $0xb8;
	[tilespmem:$0x17D00] =	vst v63  }
0x88: {  	s0 =	sadd.s32 @!p1 $0x6F00, s0;
	s5 =	sand.u32 $0xFF, s20  }
0x89: {  	s4 =	sadd.s32 @!p1 $0x3, s4;
	s7 =	sadd.s32 @!p1 $0x280, s8;
	s8 =	smul.u32 $0x3, s5  }
0x8a: {  	[tilespmem:s0], [sflag:s4] =	stream.indirect.gather @!p1 [spmem:s2], $0x20, s7, s9, $0xb8;
	[tilespmem:$0x17D00] =	vst v63  }
0x8b: {  	s31 =	sshra.s32 s1, $0x2;
	s21 =	smul.u32 $0xC000, s5;
	s22 =	sadd.s32 $0x1, s8  }
0x8c: {  	s9 =	sadd.s32 $0x2780, s31;
	_ =	swait.ge [sflag:s22], $0x1000  }
0x8d: {  	s0 =	sshrl.u32 s21, $0x2;
	s11 =	sadd.s32 $0xA, s8;
	[sflag:s22] =	ssyncset.done $0x0  }
0x8e: {  	s12 =	sadd.s32 $0x2, s8;
	s10 =	sadd.s32 $0x4F00, s0;
	[sflag:s22] =	ssyncadd.s32 $0xFFFFF000  }
0x8f: {  	[spmem:s3] =	stream.indirect.scatter.add.f32 [tilespmem:s10], [sflag:s11], $0x20, s9, s17, $0xb8;
	[tilespmem:$0x17D00] =	vst v63  }
0x90: {  	_ =	swait.ge [sflag:s12], $0x1000  }
0x91: {  	s13 =	sadd.s32 $0x2800, s31;
	s19 =	sadd.s32 $0xB, s8;
	[sflag:s12] =	ssyncset.done $0x0  }
0x92: {  	s20 =	sadd.s32 $0x3, s8;
	s14 =	sadd.s32 $0x5F00, s0;
	[sflag:s12] =	ssyncadd.s32 $0xFFFFF000  }
0x93: {  	[spmem:s3] =	stream.indirect.scatter.add.f32 [tilespmem:s14], [sflag:s19], $0x20, s13, s17, $0xb8;
	[tilespmem:$0x17D00] =	vst v63  }
0x94: {  	_ =	swait.ge [sflag:s20], $0x1000  }
0x95: {  	s1 =	sadd.s32 $0x2880, s31;
	[sflag:s20] =	ssyncset.done $0x0  }
0x96: {  	s21 =	sadd.s32 $0xC, s8;
	s0 =	sadd.s32 $0x6F00, s0;
	[sflag:s20] =	ssyncadd.s32 $0xFFFFF000  }
0x97: {  	[spmem:s3] =	stream.indirect.scatter.add.f32 [tilespmem:s0], [sflag:s21], $0x20, s1, s17, $0xb8;
	[tilespmem:$0x17D00] =	vst v63  }
0x98: {  	_ =	swait.ge [sflag:s23], $0x1000  }
0x99: {  	[sflag:s23] =	ssyncset.done $0x0  }
0x9a: {  	[sflag:s23] =	ssyncadd.s32 $0xFFFFF000  }
0x9b: {  	_ =	swait.ge [sflag:s24], $0x1000  }
0x9c: {  	[sflag:s24] =	ssyncset.done $0x0  }
0x9d: {  	[sflag:s24] =	ssyncadd.s32 $0xFFFFF000  }
0x9e: {  	_ =	swait.ge [sflag:s25], $0x1000  }
0x9f: {  	[sflag:s25] =	ssyncset.done $0x0  }
0xa0: {  	[sflag:s25] =	ssyncadd.s32 $0xFFFFF000  }
0xa1: {  	_ =	swait.ge [sflag:s26], $0x1000  }
0xa2: {  	[sflag:s26] =	ssyncset.done $0x0  }
0xa3: {  	[sflag:s26] =	ssyncadd.s32 $0xFFFFF000  }
0xa4: {  	_ =	swait.ge [sflag:s28], $0x1000  }
0xa5: {  	[sflag:s28] =	ssyncset.done $0x0  }
0xa6: {  	[sflag:s28] =	ssyncadd.s32 $0xFFFFF000  }
0xa7: {  	_ =	swait.ge [sflag:s29], $0x1000  }
0xa8: {  	s4 =	simm.s32 @!p0 $0x4F00;
	[sflag:s29] =	ssyncset.done $0x0  }
0xa9: {  	s0 =	simm.s32 @!p0 $0x80;
	s1 =	simm.s32 @!p0 $0x2700;
	[sflag:s29] =	ssyncadd.s32 $0xFFFFF000  }
0xaa: {  	[tilespmem:s4], [sflag:$0x13] =	stream.indirect.gather @!p0 [spmem:s2], $0x20, s1, s0, $0xb8;
	[tilespmem:$0x17D00] =	vst v63  }
0xab: {  	s1 =	simm.s32 @!p0 $0x13  }
0xac: {  	_ =	swait.ge @!p0 [sflag:s1], $0x1000  }
0xad: {  	[sflag:s1] =	ssyncset.done @!p0 $0x0  }
0xae: {  	s5 =	simm.s32 @!p0 $0x4E80;
	[sflag:s1] =	ssyncadd.s32 @!p0 $0xFFFFF000  }
0xaf: {  	[spmem:s3] =	stream.indirect.scatter.add.f32 @!p0 [tilespmem:s4], [sflag:$0x13], $0x20, s5, s0, $0xb8;
	[tilespmem:$0x17D00] =	vst v63  }
0xb0: {  	_ =	swait.ge @!p0 [sflag:s1], $0x1000  }
0xb1: {  	[sflag:s1] =	ssyncset.done @!p0 $0x0  }
0xb2: {  	[sflag:s1] =	ssyncadd.s32 @!p0 $0xFFFFF000  }
0xb3: {  	[bflag:$0x0] =	sbarrier.arrive $0xFFFF  }
0xb4: {  	s22 =	rddreg [dreg:$0xb]  }
0xb5: {  	[hbm:s22], [sflag:s6] =	dma.local [spmem:s16], $0x9E0  }
0xb6: {  	_ =	swait.ge [sflag:s15], $0x9E0  }
0xb7: {  	s30 =	sadd.s32 $0x1, s30;
	s31 =	rddreg [dreg:$0xc]  }
0xb8: {  	p1 =	sne.s32 s30, s31  }
.Ltmp1:
0xb9: {  	_ = 	snop;
	(pc) =	sbr.rel @p1 .LBB2_1-.Ltmp1, $3  }
0xba: {  	_ =	sdelay $0x1  }
0xbb: {  	[sflag:s15] =	ssyncset.done $0x0  }
0xbc: {  	[sflag:s15] =	ssyncadd.s32 $0xFFFFF620  }
0xbd: {  	_ =	sfence.sel $0x180000  }
0xbe: {  	[bflag:$0x0] =	sbarrier.arrive $0xFFFF  }
0xbf: {  	_ =	strace $0x9000004D  }
0xc0: {  	s0 =	stileid.u32;
	[bflag:$0x2] =	sbarrier.arrive $0xFFFF  }
0xc1: {  	p0 =	sne.s32 s0, $0x0;
	s0 =	rddreg [dreg:$0x4]  }
0xc2: {  	s0 =	sadd.s32 @!p0 $0x100000, s0  }
0xc3: {  	[sflag:s0] =	ssyncadd.tile.s32 @!p0 $0x1;
	_ =	shalt  }
.Lfunc_end2:
_tile_overlayer_lowered:
.L_overlay_start_2:
0xc4: {  	(tag) =	ssettag $0x2  }
0xc5: {  	s0 =	rddreg [dreg:$0x0];
	s2 =	stileid.u32  }
0xc6: {  	s1 =	rddreg [dreg:$0x1];
	p0 =	sne.s32 s2, $0x0  }
0xc7: {  	s3 =	rddreg [dreg:$0x2];
	[bflag:$0x3] =	sbarrier.arrive $0xFFFF;
	s2 =	simm.s32 @!p0 $0x1C13  }
0xc8: {  	[timem:s3], [sflag:s2] =	dma.local @!p0 [hbm:s0], s1  }
0xc9: {  	s0 =	simm.s32 @!p0 $0x13  }
0xca: {  	_ =	swait.ge @!p0 [sflag:s0], s1  }
0xcb: {  	s1 =	ssub.s32 @!p0 $0x0, s1;
	[sflag:s0] =	ssyncset.done @!p0 $0x0  }
0xcc: {  	[sflag:s0] =	ssyncadd.s32 @!p0 s1  }
0xcd: {  	[bflag:$0x3] =	sbarrier.arrive $0xFFFF  }
0xce: {  	_ =	shalt  }

// kernel: kernel.19.cloned.1.call-start
scs
__scs_entry_jumppad:
0x0: {  	(pc) =	sbr.rel $0x88, $3  }
0x1: {  	(tag) =	ssettag $0x0;
	lr =	simm.s32 $0x1  }
0x2: {  	[smem:$0x3F96] =	sst lr;
	_ =	strace $0xD0000000  }
0x3: {  	_ = 	snop  }
0x4: {  	_ = 	snop  }
0x5: {  	_ = 	snop  }
0x6: {  	_ = 	snop  }
0x7: {  	_ = 	snop  }
__scs_overlays_trampoline_lowered:
0x8: {  	[smem:$0x3FA5] =	sst s0  }
0x9: {  	[smem:$0x3FA6] =	sst s1  }
0xa: {  	[smem:$0x3FA7] =	sst s2  }
0xb: {  	[smem:$0x3FA8] =	sst s3  }
0xc: {  	[smem:$0x3FA9] =	sst s4  }
0xd: {  	[smem:$0x3FAA] =	sst s5  }
0xe: {  	[smem:$0x3FAB] =	sst s6  }
0xf: {  	[smem:$0x3FAC] =	sst s7  }
0x10: {  	[smem:$0x3FAD] =	sst s8  }
0x11: {  	[smem:$0x3FAE] =	sst s9;
	s0 =	simm.s32 @!p0 $0x0  }
0x12: {  	s1 =	sld [smem:$0x3F94];
	s0 =	simm.s32 @p0 $0x1  }
0x13: {  	[smem:$0x3FAF] =	sst s0;
	s0 =	simm.s32 @!p1 $0x0  }
0x14: {  	s2 =	sld [smem:$0x3F93];
	s0 =	simm.s32 @p1 $0x1  }
0x15: {  	[smem:$0x3FB0] =	sst s0;
	s0 =	simm.s32 @!p2 $0x0  }
0x16: {  	s3 =	sld [smem:$0x3FDB];
	s0 =	simm.s32 @p2 $0x1  }
0x17: {  	s4 =	simm.s32 $0x1BF5;
	[smem:$0x3FB2] =	sst s0  }
0x18: {  	s0 =	sld [smem:$0x3F95];
	_ =	swait.ge [sflag:s4], $0x0  }
0x19: {  	s7 =	sld [smem:$0x3F96]  }
0x1a: {  	s8 =	sadd.s32 $0xFFFFE003, lr  }
0x1b: {  	s9 =	sadd.s32 $0xFFFFFEF7, lr;
	s5 =	simm.s32 $0xFFFFFFFF;
	p2 =	slt.u32 s8, $0xFFFFF086  }
0x1c: {  	p1 =	slt.u32 s9, $0xF7A;
	s5 =	simm.s32 @!p2 $0x0  }
0x1d: {  	s5 =	simm.s32 @p1 $0x1;
	p0 =	seq.s32 s7, s2  }
0x1e: {  	s7 =	smul.u32 @!p0 $0xF7A, s2;
	p2 =	seq.s32 @!p0 s5, $0x0  }
0x1f: {  	s9 =	smul.u32 $0xF7A, s1;
	s8 =	simm.s32 @!p0 $0x1BF5;
	p2 =	por !p2, p0  }
0x20: {  	[sflag:s8] =	ssyncset.s32 @!p0 $0xFFFFF086;
	s6 =	sadd.s32 @!p0 s3, s7;
	s7 =	simm.s32 @!p0 $0x108  }
0x21: {  	s3 =	sadd.s32 s3, s9;
	s6 =	sadd.s32 @!p0 $0x88, s6;
	s7 =	simm.s32 @p2 $0x1082  }
0x22: {  	[simem:s7], [sflag:s8] =	dma.local @!p0 [hbm:s6], $0xF7A  }
0x23: {  	s9 =	sor.u32 $0xD0000000, s2;
	s6 =	simm.s32 $0x108;
	_ =	swait.ge @!p0 [sflag:s8], $0x0  }
0x24: {  	s3 =	sadd.s32 $0x88, s3;
	s6 =	simm.s32 @!p1 $0x1082;
	[sflag:s4] =	ssyncset.s32 $0xFFFFF086  }
0x25: {  	[simem:s6], [sflag:s4] =	dma.local [hbm:s3], $0xF7A  }
0x26: {  	[smem:$0x3F96] =	sst s1;
	(tag) =	ssettag s2;
	_ =	strace s9  }
0x27: {  	s1 =	sld [smem:$0x3FA6]  }
0x28: {  	s2 =	sld [smem:$0x3FA7]  }
0x29: {  	s4 =	sld [smem:$0x3FA9]  }
0x2a: {  	p0 =	seq.s32 s5, $0x0;
	s5 =	sld [smem:$0x3FAA]  }
0x2b: {  	s6 =	sld [smem:$0x3FAB]  }
0x2c: {  	s7 =	sld [smem:$0x3FAC]  }
0x2d: {  	s3 =	simm.s32 $0x108;
	s8 =	sld [smem:$0x3FAD]  }
0x2e: {  	s3 =	simm.s32 @!p0 $0x1082;
	s9 =	sld [smem:$0x3FAE]  }
0x2f: {  	lr =	sadd.s32 s0, s3;
	s0 =	sld [smem:$0x3FA5]  }
0x30: {  	s3 =	sld [smem:$0x3FA8]  }
0x31: {  	[smem:$0x3FB1] =	sst s10  }
0x32: {  	s10 =	sld [smem:$0x3FAF];
	_ =	sdelay $0x3  }
0x33: {  	p0 =	seq.s32 s10, $0x1;
	s10 =	sld [smem:$0x3FB1];
	_ =	sdelay $0x3  }
0x34: {  	[smem:$0x3FB1] =	sst s10  }
0x35: {  	s10 =	sld [smem:$0x3FB0];
	_ =	sdelay $0x3  }
0x36: {  	p1 =	seq.s32 s10, $0x1;
	s10 =	sld [smem:$0x3FB1];
	_ =	sdelay $0x3  }
0x37: {  	[smem:$0x3FB1] =	sst s10  }
0x38: {  	s10 =	sld [smem:$0x3FB2]  }
0x39: {  	_ = 	snop;
	(pc) =	sbr.ind lr, $3  }
0x3a: {  	_ = 	snop  }
0x3b: {  	_ = 	snop  }
0x3c: {  	p2 =	seq.s32 s10, $0x1;
	s10 =	sld [smem:$0x3FB1]  }
0x3d: {  	_ =	shalt  }
0x3e: {  	_ =	shalt  }
0x3f: {  	_ =	shalt  }
0x40: {  	_ =	shalt  }
0x41: {  	_ =	shalt  }
0x42: {  	_ =	shalt  }
0x43: {  	_ =	shalt  }
0x44: {  	_ =	shalt  }
0x45: {  	_ =	shalt  }
0x46: {  	_ =	shalt  }
0x47: {  	_ =	shalt  }
0x48: {  	_ =	shalt  }
0x49: {  	_ =	shalt  }
0x4a: {  	_ =	shalt  }
0x4b: {  	_ =	shalt  }
0x4c: {  	_ =	shalt  }
0x4d: {  	_ =	shalt  }
0x4e: {  	_ =	shalt  }
0x4f: {  	_ =	shalt  }
0x50: {  	_ =	shalt  }
0x51: {  	_ =	shalt  }
0x52: {  	_ =	shalt  }
0x53: {  	_ =	shalt  }
0x54: {  	_ =	shalt  }
0x55: {  	_ =	shalt  }
0x56: {  	_ =	shalt  }
0x57: {  	_ =	shalt  }
0x58: {  	_ =	shalt  }
0x59: {  	_ =	shalt  }
0x5a: {  	_ =	shalt  }
0x5b: {  	_ =	shalt  }
0x5c: {  	_ =	shalt  }
0x5d: {  	_ =	shalt  }
0x5e: {  	_ =	shalt  }
0x5f: {  	_ =	shalt  }
0x60: {  	_ =	shalt  }
0x61: {  	_ =	shalt  }
0x62: {  	_ =	shalt  }
0x63: {  	_ =	shalt  }
0x64: {  	_ =	shalt  }
0x65: {  	_ =	shalt  }
0x66: {  	_ =	shalt  }
0x67: {  	_ =	shalt  }
0x68: {  	_ =	shalt  }
0x69: {  	_ =	shalt  }
0x6a: {  	_ =	shalt  }
0x6b: {  	_ =	shalt  }
0x6c: {  	_ =	shalt  }
0x6d: {  	_ =	shalt  }
0x6e: {  	_ =	shalt  }
0x6f: {  	_ =	shalt  }
0x70: {  	_ =	shalt  }
0x71: {  	_ =	shalt  }
0x72: {  	_ =	shalt  }
0x73: {  	_ =	shalt  }
0x74: {  	_ =	shalt  }
0x75: {  	_ =	shalt  }
0x76: {  	_ =	shalt  }
0x77: {  	_ =	shalt  }
0x78: {  	_ =	shalt  }
0x79: {  	_ =	shalt  }
0x7a: {  	_ =	shalt  }
0x7b: {  	_ =	shalt  }
0x7c: {  	_ =	shalt  }
0x7d: {  	_ =	shalt  }
0x7e: {  	_ =	shalt  }
0x7f: {  	_ =	shalt  }
0x80: {  	_ =	shalt  }
0x81: {  	_ =	shalt  }
0x82: {  	_ =	shalt  }
0x83: {  	_ =	shalt  }
0x84: {  	_ =	shalt  }
0x85: {  	_ =	shalt  }
0x86: {  	_ =	shalt  }
0x87: {  	_ =	shalt  }
.Lfunc_end0:
.L_simem_size_0:
called_computation.3_lowered:
.L_overlay_start_0:
0x88: {  	s2 =	sld [smem:$0x3FD9]  }
0x89: {  	s3 =	sld [smem:$0x3FFE];
	_ =	sdelay $0x1  }
0x8a: {  	s1 =	srdreg.scid  }
0x8b: {  	s0 =	sand.u32 $0x1, s1  }
0x8c: {  	s17 =	sshll.u32 s0, $0xA;
	s2 =	sadd.s32 s3, s2  }
0x8d: {  	s2 =	sadd.s32 s2, s17  }
0x8e: {  	[smem:$0x3FBD] =	sst s2  }
0x8f: {  	_ = 	snop  }
0x90: {  	s2 =	sld [smem:$0x3FC8]  }
0x91: {  	s18 =	sld [smem:$0x3FD0];
	(tm) =	ssettm $0x1  }
0x92: {  	s4 =	sld [smem:$0x3FFB];
	_ =	sdelay $0x3  }
0x93: {  	_ =	strace s4  }
0x94: {  	s4 =	sld [smem:$0x3FFC];
	_ =	sdelay $0x3  }
0x95: {  	_ =	strace s4  }
0x96: {  	s4 =	sld [smem:$0x3FFD];
	_ =	sdelay $0x3  }
0x97: {  	_ =	strace s4  }
0x98: {  	_ =	strace $0x8FFFFFFF  }
0x99: {  	s19 =	sld [smem:$0x3FDB];
	_ =	sdelay $0x1  }
0x9a: {  	s5 =	simm.s32 $_scs_section_size  }
0x9b: {  	s6 =	simm.s32 $_size__tile_overlayer_lowered;
	s7 =	simm.s32 $_tile_overlayer_lowered  }
0x9c: {  	s22 =	simm.s32 $0x1BFF;
	s21 =	sshll.u32 s7, $0x1;
	s4 =	sadd.s32 s5, s19  }
0x9d: {  	s8 =	simm.s32 $0x0;
	s20 =	sshll.u32 s6, $0x1;
	s6 =	sadd.s32 s21, s4  }
0x9e: {  	[timem:s8], [sflag:s22] =	dma.local [hbm:s6], s20  }
0x9f: {  	_ =	swait.ge [sflag:s22], s20  }
0xa0: {  	s5 =	ssub.s32 $0x0, s20;
	[sflag:s22] =	ssyncset.done $0x0  }
0xa1: {  	[sflag:s22] =	ssyncadd.s32 s5;
	_ =	sdelay $0x1  }
0xa2: {  	s23 =	simm.s32 $0x1B8B  }
0xa3: {  	_ =	swait.ge [sflag:s23], $0x1  }
0xa4: {  	[sflag:s23] =	ssyncset.done $0x0  }
0xa5: {  	s25 =	simm.s32 $0x1B8E;
	s24 =	sld [smem:$0x3FFE];
	[sflag:s23] =	ssyncadd.s32 $0xFFFFFFFF  }
0xa6: {  	s26 =	simm.s32 $execute0_lowered;
	[smem:$0x3FD2] =	sst s25  }
0xa7: {  	s6 =	sshll.u32 s26, $0x1;
	_ =	strace $0x8000004F;
	[dreg:$0x1] =	wrdreg $0xFFFFFFFF  }
0xa8: {  	s28 =	simm.s32 $_size_execute0_lowered;
	s4 =	sadd.s32 s4, s6;
	[dreg:$0x0] =	wrdreg $0x0  }
0xa9: {  	s6 =	sshll.u32 s28, $0x1;
	[dreg:$0x2] =	wrdreg s4  }
0xaa: {  	[dreg:$0x3] =	wrdreg s6  }
0xab: {  	[dreg:$0x4] =	wrdreg $0xC0  }
0xac: {  	_ =	task [dreg:s8], $0x5FFFF  }
0xad: {  	[dreg:$0x1] =	wrdreg $0xFFFFFFFF  }
0xae: {  	[dreg:$0x0] =	wrdreg $0x60  }
0xaf: {  	[dreg:$0x2] =	wrdreg s18  }
0xb0: {  	[dreg:$0x3] =	wrdreg s2  }
0xb1: {  	[dreg:$0x4] =	wrdreg s24  }
0xb2: {  	[dreg:$0x5] =	wrdreg $0x97000  }
0xb3: {  	[dreg:$0x6] =	wrdreg $0xBE800  }
0xb4: {  	[dreg:$0x7] =	wrdreg $0x9  }
0xb5: {  	_ =	task.clear_ibuf [dreg:s8], $0x8FFFF;
	_ =	strace $0x9000004F  }
0xb6: {  	s29 =	simm.s32 $0x9;
	_ =	strace $0x80000051  }
0xb7: {  	_ =	swait.ge [sflag:s29], $0x1  }
0xb8: {  	[sflag:s29] =	ssyncadd.s32 $0xFFFFFFFF  }
0xb9: {  	_ =	strace $0x90000051  }
0xba: {  	_ =	sfence  }
0xbb: {  	s30 =	sld [smem:$0x0];
	_ =	sdelay $0x2  }
0xbc: {  	s31 =	sshll.u32 s1, $0xD;
	s1 =	sshrl.u32 s1, $0x2  }
0xbd: {  	s3 =	sand.u32 $0x4000, s31;
	s1 =	sadd.s32 s1, s30  }
0xbe: {  	s0 =	sor.u32 s3, s0;
	s1 =	sshll.u32 s1, $0x11  }
0xbf: {  	s0 =	sor.u32 s1, s0  }
0xc0: {  	s0 =	sadd.s32 $0x8F2B, s0  }
0xc1: {  	[sflag:s0] =	ssyncadd.remote.s32 $0x1  }
0xc2: {  	_ =	sfence.sel $0xFFFF  }
0xc3: {  	[dreg:$0x0] =	wrdreg $0xFFFFFFFF;
	(pc) =	sbr.abs _section_cstart, $3  }
0xc4: {  	[dreg:$0x1] =	wrdreg $0xFFFFFFFF  }
0xc5: {  	_ =	task.clear_ibuf [dreg:s8], $0x2FFFF;
	_ =	strace $0x9FFFFFFF  }
0xc6: {  	(tm) =	ssettm $0x7FFFFFFF  }
0xc7: {  	_ =	shalt  }
tec
execute0_lowered:
.L_overlay_start_1:
0x0: {  	(tag) =	ssettag $0x1  }
0x1: {  	s0 =	rddreg [dreg:$0x0]  }
0x2: {  	s1 =	rddreg [dreg:$0x1]  }
0x3: {  	s5 =	rddreg [dreg:$0x2]  }
0x4: {  	s2 =	rddreg [dreg:$0x3]  }
0x5: {  	s12 =	stileid.u32;
	s4 =	srdreg.scid  }
0x6: {  	s3 =	rddreg [dreg:$0x4];
	s16 =	simm.s32 $0x0;
	s28 =	simm.s32 $0xE  }
0x7: {  	s29 =	simm.s32 $0xF;
	s30 =	simm.s32 $0x0;
	s7 =	smul.u32 $0x2780, s12  }
0x8: {  	s6 =	sand.u32 $0x1, s4;
	[smem:$0x7FF] =	sst s16;
	s18 =	sshll.u32 s12, $0x6  }
0x9: {  	s22 =	sshll.u32 s12, $0x5;
	s8 =	smul.u32 $0x27800, s6;
	_ =	strace $0x80000050  }
0xa: {  	s11 =	ssub.s32 $0x2, s6;
	s6 =	sshll.u32 s6, $0x4;
	s9 =	sshrl.u32 s7, $0x3  }
0xb: {  	s17 =	sshrl.u32 s11, $0x1;
	s14 =	sor.u32 s12, s6;
	s15 =	sadd.s32 s7, s2  }
0xc: {  	s6 =	sor.u32 $0x1C13, s18;
	s20 =	sadd.s32 s7, s3;
	s18 =	simm.s32 $0x100  }
0xd: {  	s10 =	sadd.s32 s9, s5;
	s8 =	sadd.s32 s7, s8;
	s0 =	sadd.s32 s0, s9  }
0xe: {  	s19 =	smul.u32 $0x9C0, s14;
	s31 =	sshrl.u32 s15, $0x3;
	[dreg:$0x6] =	wrdreg s0  }
0xf: {  	p0 =	sgt.u32 s14, $0x3;
	s23 =	sadd.s32 $0x51C00, s10;
	[dreg:$0xe] =	wrdreg s31  }
0x10: {  	s15 =	simm.s32 $0x13;
	s21 =	sadd.s32 s1, s19;
	[dreg:$0x8] =	wrdreg s23  }
0x11: {  	s1 =	sadd.s32 s22, s1;
	[dreg:$0x7] =	wrdreg s21;
	s4 =	sadd.s32 $0x10, s21  }
0x12: {  	s8 =	sshrl.u32 s8, $0x3;
	s24 =	sadd.s32 $0x13800, s1;
	[dreg:$0x9] =	wrdreg s4  }
0x13: {  	s5 =	sadd.s32 s8, s5;
	s1 =	sadd.s32 $0x13810, s1;
	[dreg:$0xa] =	wrdreg s24  }
0x14: {  	s8 =	ssub.s32 s11, s17;
	s25 =	sadd.s32 $0x56C00, s5;
	[dreg:$0xb] =	wrdreg s1  }
0x15: {  	s16 =	sshrl.u32 s20, $0x3;
	s26 =	smax.u32 s8, $0x1;
	[dreg:$0xc] =	wrdreg s25  }
0x16: {  	s17 =	simm.s32 $0x80;
	s23 =	simm.s32 $0xA;
	[dreg:$0xd] =	wrdreg s26  }
0x17: {  	s24 =	simm.s32 $0xB;
	s25 =	simm.s32 $0xC;
	s26 =	simm.s32 $0xD  }
.LBB2_1:
0x18: {  	s0 =	rddreg [dreg:$0x6]  }
0x19: {  	s1 =	rddreg [dreg:$0xe]  }
0x1a: {  	[spmem:s1], [sflag:s6] =	dma.local [hbm:s0], $0x4F0  }
0x1b: {  	_ =	swait.ge [sflag:s15], $0x4F0  }
0x1c: {  	[sflag:s15] =	ssyncset.done $0x0  }
0x1d: {  	s4 =	rddreg [dreg:$0x8];
	[sflag:s15] =	ssyncadd.s32 $0xFFFFFB10  }
0x1e: {  	[spmem:s16], [sflag:s6] =	dma.local [hbm:s4], $0x4F0  }
0x1f: {  	_ =	swait.ge [sflag:s15], $0x4F0  }
0x20: {  	[sflag:s15] =	ssyncset.done $0x0  }
0x21: {  	s4 =	simm.s32 $0x0;
	s5 =	rddreg [dreg:$0x7];
	[sflag:s15] =	ssyncadd.s32 $0xFFFFFB10  }
0x22: {  	[tilespmem:s4], [sflag:$0x13] =	stream.strided.gather [hbm4b:s5+s17], $0x2700, s18, s17, $0x38;
	[tilespmem:$0xE600] =	vst v63  }
0x23: {  	_ =	swait.ge [sflag:s15], $0x2700  }
0x24: {  	[sflag:s15] =	ssyncset.done $0x0  }
0x25: {  	s8 =	simm.s32 $0x2780;
	s7 =	rddreg [dreg:$0x9];
	[sflag:s15] =	ssyncadd.s32 $0xFFFFD900  }
0x26: {  	[tilespmem:s8], [sflag:$0x13] =	stream.strided.gather [hbm4b:s7+s17], $0x2700, s18, s17, $0x38;
	[tilespmem:$0xE600] =	vst v63  }
0x27: {  	_ =	swait.ge [sflag:s15], $0x2700  }
0x28: {  	s0 =	simm.s32 @!p0 $0x0;
	[sflag:s15] =	ssyncset.done $0x0  }
0x29: {  	s1 =	simm.s32 @!p0 $0x2700;
	s5 =	rddreg [dreg:$0xa];
	[sflag:s15] =	ssyncadd.s32 $0xFFFFD900  }
0x2a: {  	[tilespmem:s1], [sflag:$0x13] =	stream.linear.gather @!p0 [hbm4b:s5+s0], $0x80, $0x38;
	[tilespmem:$0xE600] =	vst v63  }
0x2b: {  	s1 =	simm.s32 @!p0 $0x13  }
0x2c: {  	_ =	swait.ge @!p0 [sflag:s1], $0x80  }
0x2d: {  	s10 =	smul.u32 $0xAB, s4;
	[sflag:s1] =	ssyncset.done @!p0 $0x0  }
0x2e: {  	s5 =	simm.s32 @!p0 $0x4E80;
	s7 =	rddreg [dreg:$0xb];
	[sflag:s1] =	ssyncadd.s32 @!p0 $0xFFFFFF80  }
0x2f: {  	[tilespmem:s5], [sflag:$0x13] =	stream.linear.gather @!p0 [hbm4b:s7+s0], $0x80, $0x38;
	[tilespmem:$0xE600] =	vst v63  }
0x30: {  	_ =	swait.ge @!p0 [sflag:s1], $0x80  }
0x31: {  	s12 =	sadd.s32 $0xAB, s10;
	[sflag:s1] =	ssyncset.done @!p0 $0x0  }
0x32: {  	[sflag:s1] =	ssyncadd.s32 @!p0 $0xFFFFFF80;
	s1 =	sshrl.u32 s12, $0x9  }
0x33: {  	s9 =	simm.s32 $0x4F00;
	[bflag:$0x0] =	sbarrier.arrive $0xFFFF;
	s1 =	sand.u32 $0x7F, s1  }
0x34: {  	[tilespmem:s9], [sflag:$0x1] =	stream.indirect.gather [spmem:s2], $0x10, s4, s17, $0xb8;
	[tilespmem:$0xE600] =	vst v63  }
0x35: {  	s11 =	simm.s32 $0x5700;
	s1 =	smul.u32 $0x3, s1  }
0x36: {  	[tilespmem:s11], [sflag:$0x2] =	stream.indirect.gather [spmem:s2], $0x10, s17, s17, $0xb8;
	[tilespmem:$0xE600] =	vst v63  }
0x37: {  	s1 =	ssub.s32 $0x0, s1  }
0x38: {  	s13 =	simm.s32 $0x5F00;
	p1 =	por $0x0, $0x0;
	s1 =	sadd.s32 $0x1, s1  }
0x39: {  	p2 =	por @!p1 $0x1, $0x1;
	s0 =	sshrl.u32 s10, $0x9;
	s1 =	sand.u32 $0xFF, s1  }
0x3a: {  	p2 =	por p2, p1;
	s0 =	sand.u32 $0x7F, s0;
	s5 =	smul.u32 @!p1 $0xC, s1  }
0x3b: {  	[tilespmem:s13], [sflag:$0x3] =	stream.indirect.gather [spmem:s2], $0x10, s18, s17, $0xb8;
	[tilespmem:$0xE600] =	vst v63  }
0x3c: {  	s0 =	smul.u32 $0x3, s0;
	s8 =	sshrl.u32 @!p2 s5, $0x2  }
0x3d: {  	s19 =	sadd.s32 @!p2 $0xA, s8  }
0x3e: {  	s0 =	ssub.s32 $0x0, s0;
	_ =	swait.ge @!p2 [sflag:s19], $0x800  }
0x3f: {  	s21 =	simm.s32 @!p1 $0x80;
	s0 =	sand.u32 $0xFF, s0;
	[sflag:s19] =	ssyncset.done @!p2 $0x0  }
0x40: {  	s9 =	smul.u32 $0x3, s0;
	s20 =	sadd.s32 @!p2 $0xB, s8;
	[sflag:s19] =	ssyncadd.s32 @!p2 $0xFFFFF800  }
0x41: {  	s14 =	smul.u32 $0x6000, s0;
	s11 =	simm.s32 $0x2800;
	_ =	swait.ge @!p2 [sflag:s20], $0x800  }
0x42: {  	s4 =	sadd.s32 $0x2, s9;
	s1 =	smul.u32 @!p1 $0x6000, s1;
	[sflag:s20] =	ssyncset.done @!p2 $0x0  }
0x43: {  	s10 =	sadd.s32 $0xA, s9;
	s8 =	sadd.s32 @!p2 $0xC, s8;
	[sflag:s20] =	ssyncadd.s32 @!p2 $0xFFFFF800  }
0x44: {  	s5 =	sshrl.u32 @!p1 s5, $0x2;
	s1 =	sshrl.u32 @!p1 s1, $0x2;
	_ =	swait.ge @!p2 [sflag:s8], $0x800  }
0x45: {  	s22 =	sadd.s32 @!p1 $0x4F00, s1;
	s31 =	sadd.s32 @!p1 $0x1, s5;
	[sflag:s8] =	ssyncset.done @!p2 $0x0  }
0x46: {  	s0 =	sadd.s32 @!p1 $0x2, s5;
	s19 =	simm.s32 @!p1 $0x180;
	[sflag:s8] =	ssyncadd.s32 @!p2 $0xFFFFF800  }
0x47: {  	[tilespmem:s22], [sflag:s31] =	stream.indirect.gather @!p1 [spmem:s2], $0x10, s19, s21, $0xb8;
	[tilespmem:$0xE600] =	vst v63  }
0x48: {  	s20 =	sadd.s32 @!p1 $0x5700, s1;
	s8 =	simm.s32 @!p1 $0x200;
	s22 =	simm.s32 @!p1 $0x280  }
0x49: {  	s19 =	sshrl.u32 s14, $0x2;
	s31 =	simm.s32 $0x1;
	s14 =	sadd.s32 $0xB, s9  }
0x4a: {  	[tilespmem:s20], [sflag:s0] =	stream.indirect.gather @!p1 [spmem:s2], $0x10, s8, s21, $0xb8;
	[tilespmem:$0xE600] =	vst v63  }
0x4b: {  	s7 =	sadd.s32 $0x4F00, s19;
	s12 =	sadd.s32 $0x5700, s19;
	s0 =	sadd.s32 @!p1 $0x5F00, s1  }
0x4c: {  	s1 =	sadd.s32 @!p1 $0x3, s5;
	s20 =	sadd.s32 $0x1, s9;
	s8 =	smul.u32 $0xAB, s31  }
0x4d: {  	[tilespmem:s0], [sflag:s1] =	stream.indirect.gather @!p1 [spmem:s2], $0x10, s22, s21, $0xb8;
	[tilespmem:$0xE600] =	vst v63  }
0x4e: {  	s5 =	sadd.s32 $0xC, s9;
	s1 =	simm.s32 $0x2780;
	_ =	swait.ge [sflag:s20], $0x800  }
0x4f: {  	s13 =	sadd.s32 $0xAB, s8;
	s8 =	sshrl.u32 s8, $0x9;
	[sflag:s20] =	ssyncset.done $0x0  }
0x50: {  	s0 =	simm.s32 $0xC00;
	s8 =	sand.u32 $0x7F, s8;
	[sflag:s20] =	ssyncadd.s32 $0xFFFFF800  }
0x51: {  	[spmem:s3] =	stream.indirect.scatter.add.f32 [tilespmem:s7], [sflag:s10], $0x10, s1, s17, $0xb8;
	[tilespmem:$0xE600] =	vst v63  }
0x52: {  	s21 =	smul.u32 $0x3, s8;
	s20 =	sshrl.u32 s13, $0x9;
	_ =	swait.ge [sflag:s4], $0x800  }
0x53: {  	s1 =	simm.s32 $0x600;
	s22 =	sand.u32 $0x7F, s20;
	[sflag:s4] =	ssyncset.done $0x0  }
0x54: {  	s10 =	smul.u32 $0x3, s22;
	s22 =	sadd.s32 $0x3, s9;
	[sflag:s4] =	ssyncadd.s32 $0xFFFFF800  }
0x55: {  	[spmem:s3] =	stream.indirect.scatter.add.f32 [tilespmem:s12], [sflag:s14], $0x10, s11, s17, $0xb8;
	[tilespmem:$0xE600] =	vst v63  }
0x56: {  	s20 =	simm.s32 $0x2880;
	s8 =	ssub.s32 $0x1, s10;
	_ =	swait.ge [sflag:s22], $0x800  }
.LBB2_2:
0x57: {  	s8 =	sadd.s32 $0x1, s8;
	s9 =	sadd.s32 $0x5F00, s19  }
0x58: {  	[sflag:s22] =	ssyncset.done $0x0;
	s10 =	smov.u32 s1;
	s1 =	smov.u32 s0  }
0x59: {  	s8 =	sand.u32 $0xFF, s8;
	p2 =	seq.s32 s10, $0x9600;
	[sflag:s22] =	ssyncadd.s32 $0xFFFFF800  }
0x5a: {  	p1 =	slt.u32 @!p2 s31, $0x2;
	s19 =	smul.u32 @!p2 $0xC, s8;
	s22 =	sshra.s32 @!p2 s10, $0x2  }
0x5b: {  	s8 =	smul.u32 @!p2 $0x6000, s8;
	p3 =	por p1, p2;
	s11 =	sadd.s32 @!p2 $0x180, s22  }
0x5c: {  	s13 =	sadd.s32 @!p2 $0x200, s22;
	s14 =	sadd.s32 @!p2 $0x280, s22;
	s12 =	sshrl.u32 @!p3 s19, $0x2  }
0x5d: {  	s0 =	sadd.s32 $0x600, s0;
	s21 =	ssub.s32 s31, s21;
	s22 =	sadd.s32 @!p3 $0xA, s12  }
0x5e: {  	[spmem:s3] =	stream.indirect.scatter.add.f32 [tilespmem:s9], [sflag:s5], $0x10, s20, s17, $0xb8;
	[tilespmem:$0xE600] =	vst v63  }
0x5f: {  	p1 =	sne.s32 s0, $0x9C00;
	s5 =	sand.u32 $0xFF, s21;
	_ =	swait.ge @!p3 [sflag:s22], $0x800  }
0x60: {  	s9 =	sadd.s32 @!p3 $0xB, s12;
	s21 =	smul.u32 $0x3, s5;
	[sflag:s22] =	ssyncset.done @!p3 $0x0  }
0x61: {  	s5 =	smul.u32 $0x6000, s5;
	[sflag:s22] =	ssyncadd.s32 @!p3 $0xFFFFF800  }
0x62: {  	s22 =	sshrl.u32 @!p2 s19, $0x2;
	_ =	swait.ge @!p3 [sflag:s9], $0x800  }
0x63: {  	s12 =	sadd.s32 @!p3 $0xC, s12;
	s19 =	sshrl.u32 s5, $0x2;
	[sflag:s9] =	ssyncset.done @!p3 $0x0  }
0x64: {  	s5 =	simm.s32 @!p2 $0x80;
	[sflag:s9] =	ssyncadd.s32 @!p3 $0xFFFFF800;
	s9 =	sshra.s32 s10, $0x2  }
0x65: {  	s8 =	sshrl.u32 @!p2 s8, $0x2;
	_ =	swait.ge @!p3 [sflag:s12], $0x800;
	s20 =	sadd.s32 $0x2880, s9  }
0x66: {  	s7 =	sadd.s32 @!p2 $0x1, s22;
	s10 =	sadd.s32 @!p2 $0x4F00, s8;
	[sflag:s12] =	ssyncset.done @!p3 $0x0  }
0x67: {  	s31 =	sadd.s32 $0x1, s31;
	[sflag:s12] =	ssyncadd.s32 @!p3 $0xFFFFF800;
	s12 =	sadd.s32 @!p2 $0x2, s22  }
0x68: {  	[tilespmem:s10], [sflag:s7] =	stream.indirect.gather @!p2 [spmem:s2], $0x10, s11, s5, $0xb8;
	[tilespmem:$0xE600] =	vst v63  }
0x69: {  	s7 =	sadd.s32 @!p2 $0x5700, s8;
	s10 =	sadd.s32 $0x2780, s9;
	s9 =	sadd.s32 $0x2800, s9  }
0x6a: {  	s8 =	sadd.s32 @!p2 $0x5F00, s8;
	s11 =	sadd.s32 @!p2 $0x3, s22;
	s22 =	sadd.s32 $0x3, s21  }
0x6b: {  	[tilespmem:s7], [sflag:s12] =	stream.indirect.gather @!p2 [spmem:s2], $0x10, s13, s5, $0xb8;
	[tilespmem:$0xE600] =	vst v63  }
0x6c: {  	s7 =	sadd.s32 $0x1, s21;
	s12 =	sadd.s32 $0x5700, s19;
	s13 =	sadd.s32 $0xB, s21  }
0x6d: {  	[tilespmem:s8], [sflag:s11] =	stream.indirect.gather @!p2 [spmem:s2], $0x10, s14, s5, $0xb8;
	[tilespmem:$0xE600] =	vst v63  }
0x6e: {  	s5 =	smul.u32 $0xAB, s31;
	s8 =	sadd.s32 $0x2, s21;
	_ =	swait.ge [sflag:s7], $0x800  }
0x6f: {  	s11 =	sadd.s32 $0x4F00, s19;
	s14 =	sadd.s32 $0xA, s21;
	[sflag:s7] =	ssyncset.done $0x0  }
0x70: {  	s4 =	sshrl.u32 s5, $0x9;
	s5 =	sadd.s32 $0xAB, s5;
	[sflag:s7] =	ssyncadd.s32 $0xFFFFF800  }
0x71: {  	[spmem:s3] =	stream.indirect.scatter.add.f32 [tilespmem:s11], [sflag:s14], $0x10, s10, s17, $0xb8;
	[tilespmem:$0xE600] =	vst v63  }
.Ltmp0:
0x72: {  	s5 =	sshrl.u32 s5, $0x9;
	_ =	swait.ge [sflag:s8], $0x800;
	(pc) =	sbr.rel @p1 .LBB2_2-.Ltmp0, $4  }
0x73: {  	s4 =	sand.u32 $0x7F, s4;
	s5 =	sand.u32 $0x7F, s5;
	[sflag:s8] =	ssyncset.done $0x0  }
0x74: {  	s7 =	smul.u32 $0x3, s5;
	s5 =	sadd.s32 $0xC, s21;
	[sflag:s8] =	ssyncadd.s32 $0xFFFFF800  }
0x75: {  	[spmem:s3] =	stream.indirect.scatter.add.f32 [tilespmem:s12], [sflag:s13], $0x10, s9, s17, $0xb8;
	[tilespmem:$0xE600] =	vst v63  }
0x76: {  	s21 =	smul.u32 $0x3, s4;
	s8 =	ssub.s32 s31, s7;
	_ =	swait.ge [sflag:s22], $0x800  }
0x77: {  	s0 =	sadd.s32 $0x1, s8;
	p1 =	seq.s32 s1, $0x9600;
	[sflag:s22] =	ssyncset.done $0x0  }
0x78: {  	s19 =	sadd.s32 $0x5F00, s19;
	s0 =	sand.u32 $0xFF, s0;
	p2 =	slt.u32 @!p1 s31, $0x2  }
0x79: {  	[sflag:s22] =	ssyncadd.s32 $0xFFFFF800;
	s4 =	smul.u32 @!p1 $0xC, s0;
	p2 =	por p2, p1  }
0x7a: {  	[spmem:s3] =	stream.indirect.scatter.add.f32 [tilespmem:s19], [sflag:s5], $0x10, s20, s17, $0xb8;
	[tilespmem:$0xE600] =	vst v63  }
0x7b: {  	s7 =	sshrl.u32 @!p2 s4, $0x2  }
0x7c: {  	s9 =	sadd.s32 @!p2 $0xA, s7  }
0x7d: {  	_ =	swait.ge @!p2 [sflag:s9], $0x800  }
0x7e: {  	[sflag:s9] =	ssyncset.done @!p2 $0x0  }
0x7f: {  	s5 =	sadd.s32 @!p2 $0xB, s7;
	[sflag:s9] =	ssyncadd.s32 @!p2 $0xFFFFF800  }
0x80: {  	_ =	swait.ge @!p2 [sflag:s5], $0x800  }
0x81: {  	s8 =	sshra.s32 @!p1 s1, $0x2;
	s0 =	smul.u32 @!p1 $0x6000, s0;
	[sflag:s5] =	ssyncset.done @!p2 $0x0  }
0x82: {  	s20 =	ssub.s32 s31, s21;
	s7 =	sadd.s32 @!p2 $0xC, s7;
	[sflag:s5] =	ssyncadd.s32 @!p2 $0xFFFFF800  }
0x83: {  	s4 =	sshrl.u32 @!p1 s4, $0x2;
	s0 =	sshrl.u32 @!p1 s0, $0x2;
	_ =	swait.ge @!p2 [sflag:s7], $0x800  }
0x84: {  	s10 =	sadd.s32 @!p1 $0x4F00, s0;
	s9 =	simm.s32 @!p1 $0x80;
	[sflag:s7] =	ssyncset.done @!p2 $0x0  }
0x85: {  	s5 =	sadd.s32 @!p1 $0x180, s8;
	[sflag:s7] =	ssyncadd.s32 @!p2 $0xFFFFF800;
	s7 =	sadd.s32 @!p1 $0x1, s4  }
0x86: {  	[tilespmem:s10], [sflag:s7] =	stream.indirect.gather @!p1 [spmem:s2], $0x10, s5, s9, $0xb8;
	[tilespmem:$0xE600] =	vst v63  }
0x87: {  	s5 =	sadd.s32 @!p1 $0x200, s8;
	s7 =	sadd.s32 @!p1 $0x2, s4;
	s10 =	sadd.s32 @!p1 $0x5700, s0  }
0x88: {  	[tilespmem:s10], [sflag:s7] =	stream.indirect.gather @!p1 [spmem:s2], $0x10, s5, s9, $0xb8;
	[tilespmem:$0xE600] =	vst v63  }
0x89: {  	s0 =	sadd.s32 @!p1 $0x5F00, s0;
	s5 =	sand.u32 $0xFF, s20  }
0x8a: {  	s4 =	sadd.s32 @!p1 $0x3, s4;
	s7 =	sadd.s32 @!p1 $0x280, s8;
	s8 =	smul.u32 $0x3, s5  }
0x8b: {  	[tilespmem:s0], [sflag:s4] =	stream.indirect.gather @!p1 [spmem:s2], $0x10, s7, s9, $0xb8;
	[tilespmem:$0xE600] =	vst v63  }
0x8c: {  	s31 =	sshra.s32 s1, $0x2;
	s21 =	smul.u32 $0x6000, s5;
	s22 =	sadd.s32 $0x1, s8  }
0x8d: {  	s9 =	sadd.s32 $0x2780, s31;
	_ =	swait.ge [sflag:s22], $0x800  }
0x8e: {  	s0 =	sshrl.u32 s21, $0x2;
	s11 =	sadd.s32 $0xA, s8;
	[sflag:s22] =	ssyncset.done $0x0  }
0x8f: {  	s12 =	sadd.s32 $0x2, s8;
	s10 =	sadd.s32 $0x4F00, s0;
	[sflag:s22] =	ssyncadd.s32 $0xFFFFF800  }
0x90: {  	[spmem:s3] =	stream.indirect.scatter.add.f32 [tilespmem:s10], [sflag:s11], $0x10, s9, s17, $0xb8;
	[tilespmem:$0xE600] =	vst v63  }
0x91: {  	_ =	swait.ge [sflag:s12], $0x800  }
0x92: {  	s13 =	sadd.s32 $0x2800, s31;
	s19 =	sadd.s32 $0xB, s8;
	[sflag:s12] =	ssyncset.done $0x0  }
0x93: {  	s20 =	sadd.s32 $0x3, s8;
	s14 =	sadd.s32 $0x5700, s0;
	[sflag:s12] =	ssyncadd.s32 $0xFFFFF800  }
0x94: {  	[spmem:s3] =	stream.indirect.scatter.add.f32 [tilespmem:s14], [sflag:s19], $0x10, s13, s17, $0xb8;
	[tilespmem:$0xE600] =	vst v63  }
0x95: {  	_ =	swait.ge [sflag:s20], $0x800  }
0x96: {  	s1 =	sadd.s32 $0x2880, s31;
	[sflag:s20] =	ssyncset.done $0x0  }
0x97: {  	s21 =	sadd.s32 $0xC, s8;
	s0 =	sadd.s32 $0x5F00, s0;
	[sflag:s20] =	ssyncadd.s32 $0xFFFFF800  }
0x98: {  	[spmem:s3] =	stream.indirect.scatter.add.f32 [tilespmem:s0], [sflag:s21], $0x10, s1, s17, $0xb8;
	[tilespmem:$0xE600] =	vst v63  }
0x99: {  	_ =	swait.ge [sflag:s23], $0x800  }
0x9a: {  	[sflag:s23] =	ssyncset.done $0x0  }
0x9b: {  	[sflag:s23] =	ssyncadd.s32 $0xFFFFF800  }
0x9c: {  	_ =	swait.ge [sflag:s24], $0x800  }
0x9d: {  	[sflag:s24] =	ssyncset.done $0x0  }
0x9e: {  	[sflag:s24] =	ssyncadd.s32 $0xFFFFF800  }
0x9f: {  	_ =	swait.ge [sflag:s25], $0x800  }
0xa0: {  	[sflag:s25] =	ssyncset.done $0x0  }
0xa1: {  	[sflag:s25] =	ssyncadd.s32 $0xFFFFF800  }
0xa2: {  	_ =	swait.ge [sflag:s26], $0x800  }
0xa3: {  	[sflag:s26] =	ssyncset.done $0x0  }
0xa4: {  	[sflag:s26] =	ssyncadd.s32 $0xFFFFF800  }
0xa5: {  	_ =	swait.ge [sflag:s28], $0x800  }
0xa6: {  	[sflag:s28] =	ssyncset.done $0x0  }
0xa7: {  	[sflag:s28] =	ssyncadd.s32 $0xFFFFF800  }
0xa8: {  	_ =	swait.ge [sflag:s29], $0x800  }
0xa9: {  	s4 =	simm.s32 @!p0 $0x4F00;
	[sflag:s29] =	ssyncset.done $0x0  }
0xaa: {  	s0 =	simm.s32 @!p0 $0x80;
	s1 =	simm.s32 @!p0 $0x2700;
	[sflag:s29] =	ssyncadd.s32 $0xFFFFF800  }
0xab: {  	[tilespmem:s4], [sflag:$0x13] =	stream.indirect.gather @!p0 [spmem:s2], $0x10, s1, s0, $0xb8;
	[tilespmem:$0xE600] =	vst v63  }
0xac: {  	s1 =	simm.s32 @!p0 $0x13  }
0xad: {  	_ =	swait.ge @!p0 [sflag:s1], $0x800  }
0xae: {  	[sflag:s1] =	ssyncset.done @!p0 $0x0  }
0xaf: {  	s5 =	simm.s32 @!p0 $0x4E80;
	[sflag:s1] =	ssyncadd.s32 @!p0 $0xFFFFF800  }
0xb0: {  	[spmem:s3] =	stream.indirect.scatter.add.f32 @!p0 [tilespmem:s4], [sflag:$0x13], $0x10, s5, s0, $0xb8;
	[tilespmem:$0xE600] =	vst v63  }
0xb1: {  	_ =	swait.ge @!p0 [sflag:s1], $0x800  }
0xb2: {  	[sflag:s1] =	ssyncset.done @!p0 $0x0  }
0xb3: {  	[sflag:s1] =	ssyncadd.s32 @!p0 $0xFFFFF800  }
0xb4: {  	[bflag:$0x0] =	sbarrier.arrive $0xFFFF  }
0xb5: {  	s22 =	rddreg [dreg:$0xc]  }
0xb6: {  	[hbm:s22], [sflag:s6] =	dma.local [spmem:s16], $0x4F0  }
0xb7: {  	_ =	swait.ge [sflag:s15], $0x4F0  }
0xb8: {  	s30 =	sadd.s32 $0x1, s30;
	s31 =	rddreg [dreg:$0xd]  }
0xb9: {  	p1 =	sne.s32 s30, s31  }
.Ltmp1:
0xba: {  	_ = 	snop;
	(pc) =	sbr.rel @p1 .LBB2_1-.Ltmp1, $3  }
0xbb: {  	_ =	sdelay $0x1  }
0xbc: {  	[sflag:s15] =	ssyncset.done $0x0  }
0xbd: {  	[sflag:s15] =	ssyncadd.s32 $0xFFFFFB10  }
0xbe: {  	_ =	sfence.sel $0x180000  }
0xbf: {  	[bflag:$0x0] =	sbarrier.arrive $0xFFFF  }
0xc0: {  	_ =	strace $0x90000050  }
0xc1: {  	s0 =	stileid.u32;
	[bflag:$0x2] =	sbarrier.arrive $0xFFFF  }
0xc2: {  	p0 =	sne.s32 s0, $0x0;
	s0 =	rddreg [dreg:$0x5]  }
0xc3: {  	s0 =	sadd.s32 @!p0 $0x100000, s0  }
0xc4: {  	[sflag:s0] =	ssyncadd.tile.s32 @!p0 $0x1;
	_ =	shalt  }
.Lfunc_end2:
_tile_overlayer_lowered:
.L_overlay_start_2:
0xc5: {  	(tag) =	ssettag $0x2  }
0xc6: {  	s0 =	rddreg [dreg:$0x0];
	s2 =	stileid.u32  }
0xc7: {  	s1 =	rddreg [dreg:$0x1];
	p0 =	sne.s32 s2, $0x0  }
0xc8: {  	s3 =	rddreg [dreg:$0x2];
	[bflag:$0x3] =	sbarrier.arrive $0xFFFF;
	s2 =	simm.s32 @!p0 $0x1C13  }
0xc9: {  	[timem:s3], [sflag:s2] =	dma.local @!p0 [hbm:s0], s1  }
0xca: {  	s0 =	simm.s32 @!p0 $0x13  }
0xcb: {  	_ =	swait.ge @!p0 [sflag:s0], s1  }
0xcc: {  	s1 =	ssub.s32 @!p0 $0x0, s1;
	[sflag:s0] =	ssyncset.done @!p0 $0x0  }
0xcd: {  	[sflag:s0] =	ssyncadd.s32 @!p0 s1  }
0xce: {  	[bflag:$0x3] =	sbarrier.arrive $0xFFFF  }
0xcf: {  	_ =	shalt  }

</sc_bundles>
